<compile_context>
chip_gen: v7x
topology: tpu7x:2x2x1
jax: 0.10.2.dev20260603
libtpu: 0.0.44.dev20260713+nightly
codegen_flags: <defaults>
</compile_context>

<pallas_src>
import jax
import jax.numpy as jnp
from jax import lax
from jax.experimental import pallas as pl
from jax.experimental.pallas import tpu as pltpu
from jax.experimental.pallas import tpu_sc as plsc

N = 1_600_000
B = 100_000
Np = 1_638_400
Bp = 102_400
ROWS2D = Np // 128
NW = 32
RPT = Np // NW
KCH = 6400
NCH = RPT // KCH
WIN = Bp // NW
Npp = Np + KCH

_SC_PARAMS = pltpu.CompilerParams(use_tc_tiling_on_sc=False,
                                  needs_layout_passes=False)


def _gather_body(tab_hbm, batch_hbm, out_hbm, idx_v, rows_v, pln_v, sem):
    cid = lax.axis_index("c")
    sid = lax.axis_index("s")
    wid = sid * 2 + cid
    lane = lax.iota(jnp.int32, 16)
    for k in range(NCH):
        base = wid * RPT + k * KCH
        pltpu.sync_copy(batch_hbm.at[pl.ds(base, KCH)], idx_v)
        pltpu.async_copy(tab_hbm.at[idx_v], rows_v, sem).wait()

        def grp(i, _):
            r16 = lane + i * 16
            for c in range(4):
                v = plsc.load_gather(rows_v, [r16, jnp.full((16,), c, jnp.int32)])
                pln_v[c, pl.ds(i * 16, 16)] = v
            return 0

        lax.fori_loop(0, KCH // 16, grp, 0)
        for j in range(4):
            pltpu.sync_copy(pln_v.at[j], out_hbm.at[j, pl.ds(base, KCH)])


_gather_call = pl.kernel(
    _gather_body,
    out_type=jax.ShapeDtypeStruct((4, Np), jnp.float32),
    mesh=plsc.VectorSubcoreMesh(core_axis_name="c", subcore_axis_name="s"),
    compiler_params=_SC_PARAMS,
    scratch_types=[
        pltpu.VMEM((KCH,), jnp.int32),
        pltpu.VMEM((KCH, 8), jnp.float32),
        pltpu.VMEM((4, KCH), jnp.float32),
        pltpu.SemaphoreType.DMA,
    ],
)


def _mlp_body(t_ref, g_ref, px_ref, py_ref, pz_ref,
              W0, b0, W1, b1, W2, b2, W3, b3, W4, b4,
              cx_ref, cy_ref, cz_ref):
    tb = t_ref[...]
    gt, gx, gy, gz = g_ref[0], g_ref[1], g_ref[2], g_ref[3]
    px, py, pz = px_ref[...], py_ref[...], pz_ref[...]
    s = jnp.sign(tb - gt)
    dx = px - gx
    dy = py - gy
    dz = pz - gz
    r2 = dx * dx + dy * dy + dz * dz

    h = [s, r2]
    for W, b, fin, fout, relu in (
        (W0, b0, 2, 10, True),
        (W1, b1, 10, 20, True),
        (W2, b2, 20, 10, True),
        (W3, b3, 10, 5, True),
        (W4, b4, 5, 1, False),
    ):
        nxt = []
        for j in range(fout):
            acc = h[0] * W[j, 0] + b[j]
            for k in range(1, fin):
                acc = acc + h[k] * W[j, k]
            nxt.append(jnp.maximum(acc, 0.0) if relu else acc)
        h = nxt

    f = h[0] * lax.rsqrt(jnp.maximum(r2, 1e-24))
    cx_ref[...] = f * dx
    cy_ref[...] = f * dy
    cz_ref[...] = f * dz


def _mlp_call(t2, g4, px, py, pz, *wb):
    BR = 512
    grid = (ROWS2D // BR,)
    smem = pl.BlockSpec(memory_space=pltpu.MemorySpace.SMEM)
    row_spec = pl.BlockSpec((BR, 128), lambda i: (i, 0))
    return pl.pallas_call(
        _mlp_body,
        grid=grid,
        in_specs=[
            row_spec,
            pl.BlockSpec((4, BR, 128), lambda i: (0, i, 0)),
            row_spec, row_spec, row_spec,
        ] + [smem] * 10,
        out_specs=[pl.BlockSpec((BR, 128), lambda i: (i, 0))] * 3,
        out_shape=[jax.ShapeDtypeStruct((ROWS2D + 50, 128), jnp.float32)] * 3,
    )(t2, g4, px, py, pz, *wb)


def _scatter_body(cx_hbm, cy_hbm, cz_hbm, b_hbm, bounds_hbm, out_hbm,
                  bounds_v, idx_v, c_v, acc):
    cid = lax.axis_index("c")
    sid = lax.axis_index("s")
    wid = sid * 2 + cid
    pltpu.sync_copy(bounds_hbm, bounds_v)
    bv = bounds_v[pl.ds(wid, 16)]
    r_lo = bv[0]
    r_hi = bv[1]
    start = (r_lo // 8) * 8
    nch = (r_hi - start + KCH - 1) // KCH
    wbase = wid * WIN

    def zero(i, _):
        acc[pl.ds(i * 16, 16)] = jnp.zeros((16,), jnp.float32)
        return 0

    lax.fori_loop(0, WIN * 4 // 16, zero, 0)

    lane = lax.iota(jnp.int32, 16)

    def chunk(k, _):
        off = start + k * KCH
        pltpu.sync_copy(b_hbm.at[pl.ds(off, KCH)], idx_v)
        pltpu.sync_copy(cx_hbm.at[pl.ds(off, KCH)], c_v.at[0])
        pltpu.sync_copy(cy_hbm.at[pl.ds(off, KCH)], c_v.at[1])
        pltpu.sync_copy(cz_hbm.at[pl.ds(off, KCH)], c_v.at[2])

        def grp(i, _):
            ids = idx_v[pl.ds(i * 16, 16)]
            rowpos = lane + (i * 16 + off)
            valid = (rowpos >= r_lo) & (rowpos < r_hi)
            local = jnp.where(valid, ids - wbase, 0)
            flat = local * 4
            for c in range(3):
                vals = c_v[c, pl.ds(i * 16, 16)]
                plsc.addupdate_scatter(acc, [flat + c], vals, mask=valid)
            return 0

        lax.fori_loop(0, KCH // 16, grp, 0)
        return 0

    lax.fori_loop(0, nch, chunk, 0)
    pltpu.sync_copy(acc, out_hbm.at[pl.ds(wid * WIN * 4, WIN * 4)])


_scatter_call = pl.kernel(
    _scatter_body,
    out_type=jax.ShapeDtypeStruct((Bp * 4,), jnp.float32),
    mesh=plsc.VectorSubcoreMesh(core_axis_name="c", subcore_axis_name="s"),
    compiler_params=_SC_PARAMS,
    scratch_types=[
        pltpu.VMEM((48,), jnp.int32),
        pltpu.VMEM((KCH,), jnp.int32),
        pltpu.VMEM((3, KCH), jnp.float32),
        pltpu.VMEM((WIN * 4,), jnp.float32),
    ],
)


def _norm_body(a_ref, o_ref):
    p = a_ref[...]
    sq = p * p
    r = lax.broadcasted_iota(jnp.int32, (128, 128), 0)
    c = lax.broadcasted_iota(jnp.int32, (128, 128), 1)
    M = ((r // 4) == (c // 4)).astype(jnp.float32)
    n2 = lax.dot_general(sq, M, (((1,), (0,)), ((), ())),
                         preferred_element_type=jnp.float32)
    n = jnp.sqrt(jnp.maximum(n2, 1e-24))
    o_ref[...] = p / n


def _norm_call(a):
    BRn = 400
    rows = (Bp * 4) // 128
    return pl.pallas_call(
        _norm_body,
        grid=(rows // BRn,),
        in_specs=[pl.BlockSpec((BRn, 128), lambda i: (i, 0))],
        out_specs=pl.BlockSpec((BRn, 128), lambda i: (i, 0)),
        out_shape=jax.ShapeDtypeStruct((rows, 128), jnp.float32),
    )(a)


def kernel(t, pos, poi_t, poi_pos, batch, W0, b0, W1, b1, W2, b2, W3, b3, W4, b4):
    f32 = jnp.float32
    tab = jnp.concatenate(
        [poi_t[:, None], poi_pos, jnp.zeros((B, 4), f32)], axis=1)
    tab = jnp.pad(tab, ((0, Bp - B), (0, 0)))

    batch_pp = jnp.concatenate(
        [batch, jnp.full((Npp - N,), Bp - 1, jnp.int32)])
    batch_p = batch_pp[:Np]

    g4 = _gather_call(tab, batch_p)

    t2 = jnp.pad(t, (0, Np - N)).reshape(ROWS2D, 128)
    px = jnp.pad(pos[:, 0], (0, Np - N)).reshape(ROWS2D, 128)
    py = jnp.pad(pos[:, 1], (0, Np - N)).reshape(ROWS2D, 128)
    pz = jnp.pad(pos[:, 2], (0, Np - N)).reshape(ROWS2D, 128)
    g4r = g4.reshape(4, ROWS2D, 128)

    cx, cy, cz = _mlp_call(t2, g4r, px, py, pz,
                           W0, b0, W1, b1, W2, b2, W3, b3, W4, b4)

    bounds = jnp.searchsorted(
        batch_p, jnp.arange(33, dtype=jnp.int32) * WIN).astype(jnp.int32)
    bounds = jnp.pad(bounds, (0, 15))

    acc = _scatter_call(cx.reshape(Npp), cy.reshape(Npp), cz.reshape(Npp),
                        batch_pp, bounds)

    o = _norm_call(acc.reshape((Bp * 4) // 128, 128))
    return o.reshape(Bp, 4)[:B, :3]

# --- scband reference (transcript-rebuilt; emitter-appended) ---
"""Pipeline reference for scband-first-52699248722071 (READ-ONLY COPY).

The authoritative reference and input builder live on the scoring server;
editing this copy changes nothing except your own understanding.
"""

import jax, jax.numpy as jnp
import numpy as np

N = 1_600_000
B = 100_000
D = 3
_DIMS = [(2, 10), (10, 20), (20, 10), (10, 5), (5, 1)]


def _normalize(x, axis=1, eps=1e-12):
    n2 = jnp.sum(x * x, axis=axis, keepdims=True)
    n = jnp.sqrt(jnp.maximum(n2, eps * eps))
    return x / n


def setup_inputs(seed: int = 0) -> dict:
    key = jax.random.key(seed)
    ks = jax.random.split(key, 16)
    inp = {
        "t": jax.random.normal(ks[0], (N,), jnp.float32),
        "pos": jax.random.normal(ks[1], (N, D), jnp.float32),
        "poi_t": jax.random.normal(ks[2], (B,), jnp.float32),
        "poi_pos": jax.random.normal(ks[3], (B, D), jnp.float32),
        "batch": jnp.sort(jax.random.randint(ks[4], (N,), 0, B, dtype=jnp.int32)),
    }
    for i, (fin, fout) in enumerate(_DIMS):
        inp[f"W{i}"] = jax.random.normal(ks[5 + 2 * i], (fout, fin), jnp.float32) * (1.0 / np.sqrt(fin))
        inp[f"b{i}"] = jax.random.normal(ks[6 + 2 * i], (fout,), jnp.float32) * 0.01
    return inp


def reference(t, pos, poi_t, poi_pos, batch, W0, b0, W1, b1, W2, b2, W3, b3, W4, b4):
    diff_t = jnp.sign(t - poi_t[batch])
    diff_pos = pos - poi_pos[batch]
    r2 = jnp.sum(diff_pos * diff_pos, axis=1)
    h = jnp.stack((diff_t, r2), axis=1)
    h = jax.nn.relu(h @ W0.T + b0)
    h = jax.nn.relu(h @ W1.T + b1)
    h = jax.nn.relu(h @ W2.T + b2)
    h = jax.nn.relu(h @ W3.T + b3)
    weights = h @ W4.T + b4
    pooled = jax.ops.segment_sum(weights * _normalize(diff_pos), batch, num_segments=B)
    return _normalize(pooled)

if __name__ == "__main__":
    import jax
    _d = setup_inputs()
    print(jax.jit(kernel)(*tuple(_d.values())))

</pallas_src>

<mosaic_0001>
#map = affine_map<(d0, d1) -> (0)>
module attributes {stable_mosaic.version = 14 : i64} {
  func.func @_scatter_body(%arg0: i32, %arg1: i32, %arg2: memref<1644800xf32, #tpu.memory_space<hbm>>, %arg3: memref<1644800xf32, #tpu.memory_space<hbm>>, %arg4: memref<1644800xf32, #tpu.memory_space<hbm>>, %arg5: memref<1644800xi32, #tpu.memory_space<hbm>>, %arg6: memref<48xi32, #tpu.memory_space<hbm>>, %arg7: memref<409600xf32, #tpu.memory_space<hbm>>, %arg8: memref<48xi32, #tpu.memory_space<vmem>>, %arg9: memref<6400xi32, #tpu.memory_space<vmem>>, %arg10: memref<3x6400xf32, #tpu.memory_space<vmem>>, %arg11: memref<12800xf32, #tpu.memory_space<vmem>>) attributes {dimension_semantics = [#tpu.dimension_semantics<core_parallel>, #tpu.dimension_semantics<subcore_parallel>], iteration_bounds = array<i64: 2, 16>, scalar_prefetch = 0 : i64, scratch_operands = 4 : i64, tpu.core_type = #tpu.core_type<sc_vector_subcore>, window_params = [{transform_indices = #map}, {transform_indices = #map}, {transform_indices = #map}, {transform_indices = #map}, {transform_indices = #map}, {transform_indices = #map}]} {
    %mul3A = arith.constant 2 : i32
    %mul3A_0 = arith.muli %arg1, %mul3A : i32
    %add3A = arith.addi %mul3A_0, %arg0 : i32
    "tpu.region"() ({
      %run_scoped3A = tpu.sem_alloc : memref<!tpu.dma_semaphore, #tpu.memory_space<semaphore_mem>>
      tpu.enqueue_dma source(%arg6 : memref<48xi32, #tpu.memory_space<hbm>>) target(%arg8 : memref<48xi32, #tpu.memory_space<vmem>>) target_semaphore(%run_scoped3A : memref<!tpu.dma_semaphore, #tpu.memory_space<semaphore_mem>>)
      tpu.wait_dma2 semaphore(%run_scoped3A : memref<!tpu.dma_semaphore, #tpu.memory_space<semaphore_mem>>) src(%arg6 : memref<48xi32, #tpu.memory_space<hbm>>) dst(%arg8 : memref<48xi32, #tpu.memory_space<vmem>>)
      tpu.yield
    }) : () -> ()
    %get3A = arith.index_cast %add3A : i32 to index
    %get3A_1 = tpu.vector_load %arg8[%get3A] {strides = array<i32>} : memref<48xi32, #tpu.memory_space<vmem>>, vector<16xi32>,
    %slice3A = vector.extract_strided_slice %get3A_1 {offsets = [0], sizes = [1], strides = [1]} : vector<16xi32> to vector<1xi32>
    %squeeze3A = vector.extract %slice3A[0] : i32 from vector<1xi32>
    %slice3A_2 = vector.extract_strided_slice %get3A_1 {offsets = [1], sizes = [1], strides = [1]} : vector<16xi32> to vector<1xi32>
    %squeeze3A_3 = vector.extract %slice3A_2[0] : i32 from vector<1xi32>
    %jit3A = arith.constant 8 : i32
    %div3A = arith.divsi %squeeze3A, %jit3A : i32
    %sign3A = arith.constant 0 : i32
    %sign3A_4 = arith.cmpi sgt, %squeeze3A, %sign3A : i32
    %sign3A_5 = arith.extui %sign3A_4 : i1 to i32
    %sign3A_6 = arith.constant 0 : i32
    %sign3A_7 = arith.cmpi slt, %squeeze3A, %sign3A_6 : i32
    %sign3A_8 = arith.extui %sign3A_7 : i1 to i32
    %sign3A_9 = arith.subi %sign3A_5, %sign3A_8 : i32
    %sign3A_10 = arith.constant 0 : i32
    %sign3A_11 = arith.cmpi sgt, %jit3A, %sign3A_10 : i32
    %sign3A_12 = arith.extui %sign3A_11 : i1 to i32
    %sign3A_13 = arith.constant 0 : i32
    %sign3A_14 = arith.cmpi slt, %jit3A, %sign3A_13 : i32
    %sign3A_15 = arith.extui %sign3A_14 : i1 to i32
    %sign3A_16 = arith.subi %sign3A_12, %sign3A_15 : i32
    %ne3A = arith.cmpi ne, %sign3A_9, %sign3A_16 : i32
    %rem3A = arith.remsi %squeeze3A, %jit3A : i32
    %ne3A_17 = arith.constant 0 : i32
    %ne3A_18 = arith.cmpi ne, %rem3A, %ne3A_17 : i32
    %and3A = arith.andi %ne3A, %ne3A_18 : i1
    %sub3A = arith.constant 1 : i32
    %sub3A_19 = arith.subi %div3A, %sub3A : i32
    %select_n3A = arith.select %and3A, %sub3A_19, %div3A : i32
    %mul3A_20 = arith.constant 8 : i32
    %mul3A_21 = arith.muli %select_n3A, %mul3A_20 : i32
    %sub3A_22 = arith.subi %squeeze3A_3, %mul3A_21 : i32
    %add3A_23 = arith.constant 6400 : i32
    %add3A_24 = arith.addi %sub3A_22, %add3A_23 : i32
    %sub3A_25 = arith.constant 1 : i32
    %sub3A_26 = arith.subi %add3A_24, %sub3A_25 : i32
    %jit3A_27 = arith.constant 6400 : i32
    %div3A_28 = arith.divsi %sub3A_26, %jit3A_27 : i32
    %sign3A_29 = arith.constant 0 : i32
    %sign3A_30 = arith.cmpi sgt, %sub3A_26, %sign3A_29 : i32
    %sign3A_31 = arith.extui %sign3A_30 : i1 to i32
    %sign3A_32 = arith.constant 0 : i32
    %sign3A_33 = arith.cmpi slt, %sub3A_26, %sign3A_32 : i32
    %sign3A_34 = arith.extui %sign3A_33 : i1 to i32
    %sign3A_35 = arith.subi %sign3A_31, %sign3A_34 : i32
    %sign3A_36 = arith.constant 0 : i32
    %sign3A_37 = arith.cmpi sgt, %jit3A_27, %sign3A_36 : i32
    %sign3A_38 = arith.extui %sign3A_37 : i1 to i32
    %sign3A_39 = arith.constant 0 : i32
    %sign3A_40 = arith.cmpi slt, %jit3A_27, %sign3A_39 : i32
    %sign3A_41 = arith.extui %sign3A_40 : i1 to i32
    %sign3A_42 = arith.subi %sign3A_38, %sign3A_41 : i32
    %ne3A_43 = arith.cmpi ne, %sign3A_35, %sign3A_42 : i32
    %rem3A_44 = arith.remsi %sub3A_26, %jit3A_27 : i32
    %ne3A_45 = arith.constant 0 : i32
    %ne3A_46 = arith.cmpi ne, %rem3A_44, %ne3A_45 : i32
    %and3A_47 = arith.andi %ne3A_43, %ne3A_46 : i1
    %sub3A_48 = arith.constant 1 : i32
    %sub3A_49 = arith.subi %div3A_28, %sub3A_48 : i32
    %select_n3A_50 = arith.select %and3A_47, %sub3A_49, %div3A_28 : i32
    %mul3A_51 = arith.constant 3200 : i32
    %mul3A_52 = arith.muli %add3A, %mul3A_51 : i32
    %scan3A = arith.constant 0 : i32
    %scan3A_53 = arith.constant 0 : i32
    %scan3A_54 = arith.constant 800 : i32
    %scan3A_55 = arith.addi %scan3A_53, %scan3A_54 : i32
    %scan3A_56 = arith.constant 1 : i32
    %scan3A_57 = scf.for %scan3A_74 = %scan3A_53 to %scan3A_55 step %scan3A_56 iter_args(%scan3A_75 = %scan3A) -> (i32)  : i32 {
      %broadcast_in_dim3A = arith.constant 0.000000e+00 : f32
      %broadcast_in_dim3A_76 = vector.broadcast %broadcast_in_dim3A : f32 to vector<16xf32>
      %mul3A_77 = arith.constant 16 : i32
      %mul3A_78 = arith.muli %scan3A_74, %mul3A_77 : i32
      %swap3A = arith.index_cast %mul3A_78 : i32 to index
      %swap3A_79 = tpu.vector_load %arg11[%swap3A] {strides = array<i32>} : memref<12800xf32, #tpu.memory_space<vmem>>, vector<16xf32>,
      tpu.vector_store %arg11[%swap3A], %broadcast_in_dim3A_76 {strides = array<i32>} : memref<12800xf32, #tpu.memory_space<vmem>>, vector<16xf32>,
      %scan3A_80 = arith.constant 0 : i32
      scf.yield %scan3A_80 : i32
    }
    %scan3A_58 = arith.constant 800 : i32
    %iota3A = tpu.iota {dimensions = array<i32: 0>} : vector<16xi32>
    %while3A = arith.constant 0 : i32
    %while3A_59 = arith.constant 0 : i32
    %while3A_60 = arith.subi %select_n3A_50, %while3A : i32
    %while3A_61 = arith.addi %while3A, %while3A_60 : i32
    %while3A_62 = arith.constant 1 : i32
    %while3A_63 = arith.divsi %while3A_60, %while3A_62 : i32
    %while3A_64 = arith.muli %while3A_63, %while3A_62 : i32
    %while3A_65 = arith.addi %while3A, %while3A_64 : i32
    %while3A_66 = arith.constant 1 : i32
    %while3A_67 = scf.for %while3A_74 = %while3A to %while3A_65 step %while3A_66 iter_args(%while3A_75 = %while3A_59) -> (i32)  : i32 {
      %mul3A_76 = arith.constant 6400 : i32
      %mul3A_77 = arith.muli %while3A_74, %mul3A_76 : i32
      %add3A_78 = arith.addi %mul3A_21, %mul3A_77 : i32
      "tpu.region"() ({
        %run_scoped3A_89 = tpu.sem_alloc : memref<!tpu.dma_semaphore, #tpu.memory_space<semaphore_mem>>
        %dma_start3A = tpu.memref_slice %arg5[%add3A_78] : memref<1644800xi32, #tpu.memory_space<hbm>> -> memref<6400xi32, #tpu.memory_space<hbm>>
        %dma_start3A_90 = tpu.memref_slice %arg5[%add3A_78] : memref<1644800xi32, #tpu.memory_space<hbm>> -> memref<6400xi32, #tpu.memory_space<hbm>>
        tpu.enqueue_dma source(%dma_start3A_90 : memref<6400xi32, #tpu.memory_space<hbm>>) target(%arg9 : memref<6400xi32, #tpu.memory_space<vmem>>) target_semaphore(%run_scoped3A_89 : memref<!tpu.dma_semaphore, #tpu.memory_space<semaphore_mem>>)
        %dma_wait3A = tpu.memref_slice %arg5[%add3A_78] : memref<1644800xi32, #tpu.memory_space<hbm>> -> memref<6400xi32, #tpu.memory_space<hbm>>
        %dma_wait3A_91 = tpu.memref_slice %arg5[%add3A_78] : memref<1644800xi32, #tpu.memory_space<hbm>> -> memref<6400xi32, #tpu.memory_space<hbm>>
        tpu.wait_dma2 semaphore(%run_scoped3A_89 : memref<!tpu.dma_semaphore, #tpu.memory_space<semaphore_mem>>) src(%dma_wait3A_91 : memref<6400xi32, #tpu.memory_space<hbm>>) dst(%arg9 : memref<6400xi32, #tpu.memory_space<vmem>>)
        tpu.yield
      }) : () -> ()
      %run_scoped3A = arith.constant 0 : i32
      "tpu.region"() ({
        %run_scoped3A_89 = tpu.sem_alloc : memref<!tpu.dma_semaphore, #tpu.memory_space<semaphore_mem>>
        %dma_start3A = arith.constant 0 : i32
        %dma_start3A_90 = tpu.memref_slice %arg10[%run_scoped3A, %dma_start3A] : memref<3x6400xf32, #tpu.memory_space<vmem>> -> memref<1x6400xf32, #tpu.memory_space<vmem>>
        %dma_start3A_91 = tpu.memref_squeeze %dma_start3A_90 : memref<1x6400xf32, #tpu.memory_space<vmem>> -> memref<6400xf32, #tpu.memory_space<vmem>>
        %dma_start3A_92 = tpu.memref_slice %arg2[%add3A_78] : memref<1644800xf32, #tpu.memory_space<hbm>> -> memref<6400xf32, #tpu.memory_space<hbm>>
        %dma_start3A_93 = arith.constant 0 : i32
        %dma_start3A_94 = tpu.memref_slice %arg10[%run_scoped3A, %dma_start3A_93] : memref<3x6400xf32, #tpu.memory_space<vmem>> -> memref<1x6400xf32, #tpu.memory_space<vmem>>
        %dma_start3A_95 = tpu.memref_squeeze %dma_start3A_94 : memref<1x6400xf32, #tpu.memory_space<vmem>> -> memref<6400xf32, #tpu.memory_space<vmem>>
        %dma_start3A_96 = tpu.memref_slice %arg2[%add3A_78] : memref<1644800xf32, #tpu.memory_space<hbm>> -> memref<6400xf32, #tpu.memory_space<hbm>>
        tpu.enqueue_dma source(%dma_start3A_96 : memref<6400xf32, #tpu.memory_space<hbm>>) target(%dma_start3A_95 : memref<6400xf32, #tpu.memory_space<vmem>>) target_semaphore(%run_scoped3A_89 : memref<!tpu.dma_semaphore, #tpu.memory_space<semaphore_mem>>)
        %dma_wait3A = arith.constant 0 : i32
        %dma_wait3A_97 = tpu.memref_slice %arg10[%run_scoped3A, %dma_wait3A] : memref<3x6400xf32, #tpu.memory_space<vmem>> -> memref<1x6400xf32, #tpu.memory_space<vmem>>
        %dma_wait3A_98 = tpu.memref_squeeze %dma_wait3A_97 : memref<1x6400xf32, #tpu.memory_space<vmem>> -> memref<6400xf32, #tpu.memory_space<vmem>>
        %dma_wait3A_99 = tpu.memref_slice %arg2[%add3A_78] : memref<1644800xf32, #tpu.memory_space<hbm>> -> memref<6400xf32, #tpu.memory_space<hbm>>
        %dma_wait3A_100 = arith.constant 0 : i32
        %dma_wait3A_101 = tpu.memref_slice %arg10[%run_scoped3A, %dma_wait3A_100] : memref<3x6400xf32, #tpu.memory_space<vmem>> -> memref<1x6400xf32, #tpu.memory_space<vmem>>
        %dma_wait3A_102 = tpu.memref_squeeze %dma_wait3A_101 : memref<1x6400xf32, #tpu.memory_space<vmem>> -> memref<6400xf32, #tpu.memory_space<vmem>>
        %dma_wait3A_103 = tpu.memref_slice %arg2[%add3A_78] : memref<1644800xf32, #tpu.memory_space<hbm>> -> memref<6400xf32, #tpu.memory_space<hbm>>
        tpu.wait_dma2 semaphore(%run_scoped3A_89 : memref<!tpu.dma_semaphore, #tpu.memory_space<semaphore_mem>>) src(%dma_wait3A_103 : memref<6400xf32, #tpu.memory_space<hbm>>) dst(%dma_wait3A_102 : memref<6400xf32, #tpu.memory_space<vmem>>)
        tpu.yield
      }) : () -> ()
      %run_scoped3A_79 = arith.constant 1 : i32
      "tpu.region"() ({
        %run_scoped3A_89 = tpu.sem_alloc : memref<!tpu.dma_semaphore, #tpu.memory_space<semaphore_mem>>
        %dma_start3A = arith.constant 0 : i32
        %dma_start3A_90 = tpu.memref_slice %arg10[%run_scoped3A_79, %dma_start3A] : memref<3x6400xf32, #tpu.memory_space<vmem>> -> memref<1x6400xf32, #tpu.memory_space<vmem>>
        %dma_start3A_91 = tpu.memref_squeeze %dma_start3A_90 : memref<1x6400xf32, #tpu.memory_space<vmem>> -> memref<6400xf32, #tpu.memory_space<vmem>>
        %dma_start3A_92 = tpu.memref_slice %arg3[%add3A_78] : memref<1644800xf32, #tpu.memory_space<hbm>> -> memref<6400xf32, #tpu.memory_space<hbm>>
        %dma_start3A_93 = arith.constant 0 : i32
        %dma_start3A_94 = tpu.memref_slice %arg10[%run_scoped3A_79, %dma_start3A_93] : memref<3x6400xf32, #tpu.memory_space<vmem>> -> memref<1x6400xf32, #tpu.memory_space<vmem>>
        %dma_start3A_95 = tpu.memref_squeeze %dma_start3A_94 : memref<1x6400xf32, #tpu.memory_space<vmem>> -> memref<6400xf32, #tpu.memory_space<vmem>>
        %dma_start3A_96 = tpu.memref_slice %arg3[%add3A_78] : memref<1644800xf32, #tpu.memory_space<hbm>> -> memref<6400xf32, #tpu.memory_space<hbm>>
        tpu.enqueue_dma source(%dma_start3A_96 : memref<6400xf32, #tpu.memory_space<hbm>>) target(%dma_start3A_95 : memref<6400xf32, #tpu.memory_space<vmem>>) target_semaphore(%run_scoped3A_89 : memref<!tpu.dma_semaphore, #tpu.memory_space<semaphore_mem>>)
        %dma_wait3A = arith.constant 0 : i32
        %dma_wait3A_97 = tpu.memref_slice %arg10[%run_scoped3A_79, %dma_wait3A] : memref<3x6400xf32, #tpu.memory_space<vmem>> -> memref<1x6400xf32, #tpu.memory_space<vmem>>
        %dma_wait3A_98 = tpu.memref_squeeze %dma_wait3A_97 : memref<1x6400xf32, #tpu.memory_space<vmem>> -> memref<6400xf32, #tpu.memory_space<vmem>>
        %dma_wait3A_99 = tpu.memref_slice %arg3[%add3A_78] : memref<1644800xf32, #tpu.memory_space<hbm>> -> memref<6400xf32, #tpu.memory_space<hbm>>
        %dma_wait3A_100 = arith.constant 0 : i32
        %dma_wait3A_101 = tpu.memref_slice %arg10[%run_scoped3A_79, %dma_wait3A_100] : memref<3x6400xf32, #tpu.memory_space<vmem>> -> memref<1x6400xf32, #tpu.memory_space<vmem>>
        %dma_wait3A_102 = tpu.memref_squeeze %dma_wait3A_101 : memref<1x6400xf32, #tpu.memory_space<vmem>> -> memref<6400xf32, #tpu.memory_space<vmem>>
        %dma_wait3A_103 = tpu.memref_slice %arg3[%add3A_78] : memref<1644800xf32, #tpu.memory_space<hbm>> -> memref<6400xf32, #tpu.memory_space<hbm>>
        tpu.wait_dma2 semaphore(%run_scoped3A_89 : memref<!tpu.dma_semaphore, #tpu.memory_space<semaphore_mem>>) src(%dma_wait3A_103 : memref<6400xf32, #tpu.memory_space<hbm>>) dst(%dma_wait3A_102 : memref<6400xf32, #tpu.memory_space<vmem>>)
        tpu.yield
      }) : () -> ()
      %run_scoped3A_80 = arith.constant 2 : i32
      "tpu.region"() ({
        %run_scoped3A_89 = tpu.sem_alloc : memref<!tpu.dma_semaphore, #tpu.memory_space<semaphore_mem>>
        %dma_start3A = arith.constant 0 : i32
        %dma_start3A_90 = tpu.memref_slice %arg10[%run_scoped3A_80, %dma_start3A] : memref<3x6400xf32, #tpu.memory_space<vmem>> -> memref<1x6400xf32, #tpu.memory_space<vmem>>
        %dma_start3A_91 = tpu.memref_squeeze %dma_start3A_90 : memref<1x6400xf32, #tpu.memory_space<vmem>> -> memref<6400xf32, #tpu.memory_space<vmem>>
        %dma_start3A_92 = tpu.memref_slice %arg4[%add3A_78] : memref<1644800xf32, #tpu.memory_space<hbm>> -> memref<6400xf32, #tpu.memory_space<hbm>>
        %dma_start3A_93 = arith.constant 0 : i32
        %dma_start3A_94 = tpu.memref_slice %arg10[%run_scoped3A_80, %dma_start3A_93] : memref<3x6400xf32, #tpu.memory_space<vmem>> -> memref<1x6400xf32, #tpu.memory_space<vmem>>
        %dma_start3A_95 = tpu.memref_squeeze %dma_start3A_94 : memref<1x6400xf32, #tpu.memory_space<vmem>> -> memref<6400xf32, #tpu.memory_space<vmem>>
        %dma_start3A_96 = tpu.memref_slice %arg4[%add3A_78] : memref<1644800xf32, #tpu.memory_space<hbm>> -> memref<6400xf32, #tpu.memory_space<hbm>>
        tpu.enqueue_dma source(%dma_start3A_96 : memref<6400xf32, #tpu.memory_space<hbm>>) target(%dma_start3A_95 : memref<6400xf32, #tpu.memory_space<vmem>>) target_semaphore(%run_scoped3A_89 : memref<!tpu.dma_semaphore, #tpu.memory_space<semaphore_mem>>)
        %dma_wait3A = arith.constant 0 : i32
        %dma_wait3A_97 = tpu.memref_slice %arg10[%run_scoped3A_80, %dma_wait3A] : memref<3x6400xf32, #tpu.memory_space<vmem>> -> memref<1x6400xf32, #tpu.memory_space<vmem>>
        %dma_wait3A_98 = tpu.memref_squeeze %dma_wait3A_97 : memref<1x6400xf32, #tpu.memory_space<vmem>> -> memref<6400xf32, #tpu.memory_space<vmem>>
        %dma_wait3A_99 = tpu.memref_slice %arg4[%add3A_78] : memref<1644800xf32, #tpu.memory_space<hbm>> -> memref<6400xf32, #tpu.memory_space<hbm>>
        %dma_wait3A_100 = arith.constant 0 : i32
        %dma_wait3A_101 = tpu.memref_slice %arg10[%run_scoped3A_80, %dma_wait3A_100] : memref<3x6400xf32, #tpu.memory_space<vmem>> -> memref<1x6400xf32, #tpu.memory_space<vmem>>
        %dma_wait3A_102 = tpu.memref_squeeze %dma_wait3A_101 : memref<1x6400xf32, #tpu.memory_space<vmem>> -> memref<6400xf32, #tpu.memory_space<vmem>>
        %dma_wait3A_103 = tpu.memref_slice %arg4[%add3A_78] : memref<1644800xf32, #tpu.memory_space<hbm>> -> memref<6400xf32, #tpu.memory_space<hbm>>
        tpu.wait_dma2 semaphore(%run_scoped3A_89 : memref<!tpu.dma_semaphore, #tpu.memory_space<semaphore_mem>>) src(%dma_wait3A_103 : memref<6400xf32, #tpu.memory_space<hbm>>) dst(%dma_wait3A_102 : memref<6400xf32, #tpu.memory_space<vmem>>)
        tpu.yield
      }) : () -> ()
      %scan3A_81 = arith.constant 0 : i32
      %scan3A_82 = arith.constant 0 : i32
      %scan3A_83 = arith.constant 400 : i32
      %scan3A_84 = arith.addi %scan3A_82, %scan3A_83 : i32
      %scan3A_85 = arith.constant 1 : i32
      %scan3A_86 = scf.for %scan3A_89 = %scan3A_82 to %scan3A_84 step %scan3A_85 iter_args(%scan3A_90 = %scan3A_81) -> (i32)  : i32 {
        %mul3A_91 = arith.constant 16 : i32
        %mul3A_92 = arith.muli %scan3A_89, %mul3A_91 : i32
        %get3A_93 = arith.index_cast %mul3A_92 : i32 to index
        %get3A_94 = tpu.vector_load %arg9[%get3A_93] {strides = array<i32>} : memref<6400xi32, #tpu.memory_space<vmem>>, vector<16xi32>,
        %mul3A_95 = arith.constant 16 : i32
        %mul3A_96 = arith.muli %scan3A_89, %mul3A_95 : i32
        %add3A_97 = arith.addi %mul3A_96, %add3A_78 : i32
        %add3A_98 = vector.broadcast %add3A_97 : i32 to vector<16xi32>
        %add3A_99 = arith.addi %iota3A, %add3A_98 : vector<16xi32>
        %ge3A = vector.broadcast %squeeze3A : i32 to vector<16xi32>
        %ge3A_100 = arith.cmpi sge, %add3A_99, %ge3A : vector<16xi32>
        %lt3A = vector.broadcast %squeeze3A_3 : i32 to vector<16xi32>
        %lt3A_101 = arith.cmpi slt, %add3A_99, %lt3A : vector<16xi32>
        %and3A_102 = arith.andi %ge3A_100, %lt3A_101 : vector<16xi1>
        %sub3A_103 = vector.broadcast %mul3A_52 : i32 to vector<16xi32>
        %sub3A_104 = arith.subi %get3A_94, %sub3A_103 : vector<16xi32>
        %jit3A_105 = arith.constant 0 : i32
        %broadcast_in_dim3A = vector.broadcast %jit3A_105 : i32 to vector<16xi32>
        %select_n3A_106 = arith.select %and3A_102, %sub3A_104, %broadcast_in_dim3A : vector<16xi1>, vector<16xi32>
        %mul3A_107 = arith.constant 4 : i32
        %mul3A_108 = vector.broadcast %mul3A_107 : i32 to vector<16xi32>
        %mul3A_109 = arith.muli %select_n3A_106, %mul3A_108 : vector<16xi32>
        %mul3A_110 = arith.constant 16 : i32
        %mul3A_111 = arith.muli %scan3A_89, %mul3A_110 : i32
        %get3A_112 = arith.constant 0 : i32
        %get3A_113 = arith.index_cast %get3A_112 : i32 to index
        %get3A_114 = arith.index_cast %mul3A_111 : i32 to index
        %get3A_115 = tpu.vector_load %arg10[%get3A_113, %get3A_114] {strides = array<i32>} : memref<3x6400xf32, #tpu.memory_space<vmem>>, vector<16xf32>,
        %add3A_116 = arith.constant 0 : i32
        %add3A_117 = vector.broadcast %add3A_116 : i32 to vector<16xi32>
        %add3A_118 = arith.addi %mul3A_109, %add3A_117 : vector<16xi32>
        tpu.vector_store_idx %arg11[%add3A_118], %get3A_115 masked %and3A_102 {add = true} : memref<12800xf32, #tpu.memory_space<vmem>>[vector<16xi32>], vector<16xf32>, vector<16xi1>
        %mul3A_119 = arith.constant 16 : i32
        %mul3A_120 = arith.muli %scan3A_89, %mul3A_119 : i32
        %get3A_121 = arith.constant 1 : i32
        %get3A_122 = arith.index_cast %get3A_121 : i32 to index
        %get3A_123 = arith.index_cast %mul3A_120 : i32 to index
        %get3A_124 = tpu.vector_load %arg10[%get3A_122, %get3A_123] {strides = array<i32>} : memref<3x6400xf32, #tpu.memory_space<vmem>>, vector<16xf32>,
        %add3A_125 = arith.constant 1 : i32
        %add3A_126 = vector.broadcast %add3A_125 : i32 to vector<16xi32>
        %add3A_127 = arith.addi %mul3A_109, %add3A_126 : vector<16xi32>
        tpu.vector_store_idx %arg11[%add3A_127], %get3A_124 masked %and3A_102 {add = true} : memref<12800xf32, #tpu.memory_space<vmem>>[vector<16xi32>], vector<16xf32>, vector<16xi1>
        %mul3A_128 = arith.constant 16 : i32
        %mul3A_129 = arith.muli %scan3A_89, %mul3A_128 : i32
        %get3A_130 = arith.constant 2 : i32
        %get3A_131 = arith.index_cast %get3A_130 : i32 to index
        %get3A_132 = arith.index_cast %mul3A_129 : i32 to index
        %get3A_133 = tpu.vector_load %arg10[%get3A_131, %get3A_132] {strides = array<i32>} : memref<3x6400xf32, #tpu.memory_space<vmem>>, vector<16xf32>,
        %add3A_134 = arith.constant 2 : i32
        %add3A_135 = vector.broadcast %add3A_134 : i32 to vector<16xi32>
        %add3A_136 = arith.addi %mul3A_109, %add3A_135 : vector<16xi32>
        tpu.vector_store_idx %arg11[%add3A_136], %get3A_133 masked %and3A_102 {add = true} : memref<12800xf32, #tpu.memory_space<vmem>>[vector<16xi32>], vector<16xf32>, vector<16xi1>
        %scan3A_137 = arith.constant 0 : i32
        scf.yield %scan3A_137 : i32
      }
      %scan3A_87 = arith.constant 400 : i32
      %while3A_88 = arith.constant 0 : i32
      scf.yield %while3A_88 : i32
    }
    %while3A_68 = arith.constant 1 : i32
    %while3A_69 = scf.for %while3A_74 = %while3A_65 to %while3A_61 step %while3A_68 iter_args(%while3A_75 = %while3A_67) -> (i32)  : i32 {
      %mul3A_76 = arith.constant 6400 : i32
      %mul3A_77 = arith.muli %while3A_74, %mul3A_76 : i32
      %add3A_78 = arith.addi %mul3A_21, %mul3A_77 : i32
      "tpu.region"() ({
        %run_scoped3A_89 = tpu.sem_alloc : memref<!tpu.dma_semaphore, #tpu.memory_space<semaphore_mem>>
        %dma_start3A = tpu.memref_slice %arg5[%add3A_78] : memref<1644800xi32, #tpu.memory_space<hbm>> -> memref<6400xi32, #tpu.memory_space<hbm>>
        %dma_start3A_90 = tpu.memref_slice %arg5[%add3A_78] : memref<1644800xi32, #tpu.memory_space<hbm>> -> memref<6400xi32, #tpu.memory_space<hbm>>
        tpu.enqueue_dma source(%dma_start3A_90 : memref<6400xi32, #tpu.memory_space<hbm>>) target(%arg9 : memref<6400xi32, #tpu.memory_space<vmem>>) target_semaphore(%run_scoped3A_89 : memref<!tpu.dma_semaphore, #tpu.memory_space<semaphore_mem>>)
        %dma_wait3A = tpu.memref_slice %arg5[%add3A_78] : memref<1644800xi32, #tpu.memory_space<hbm>> -> memref<6400xi32, #tpu.memory_space<hbm>>
        %dma_wait3A_91 = tpu.memref_slice %arg5[%add3A_78] : memref<1644800xi32, #tpu.memory_space<hbm>> -> memref<6400xi32, #tpu.memory_space<hbm>>
        tpu.wait_dma2 semaphore(%run_scoped3A_89 : memref<!tpu.dma_semaphore, #tpu.memory_space<semaphore_mem>>) src(%dma_wait3A_91 : memref<6400xi32, #tpu.memory_space<hbm>>) dst(%arg9 : memref<6400xi32, #tpu.memory_space<vmem>>)
        tpu.yield
      }) : () -> ()
      %run_scoped3A = arith.constant 0 : i32
      "tpu.region"() ({
        %run_scoped3A_89 = tpu.sem_alloc : memref<!tpu.dma_semaphore, #tpu.memory_space<semaphore_mem>>
        %dma_start3A = arith.constant 0 : i32
        %dma_start3A_90 = tpu.memref_slice %arg10[%run_scoped3A, %dma_start3A] : memref<3x6400xf32, #tpu.memory_space<vmem>> -> memref<1x6400xf32, #tpu.memory_space<vmem>>
        %dma_start3A_91 = tpu.memref_squeeze %dma_start3A_90 : memref<1x6400xf32, #tpu.memory_space<vmem>> -> memref<6400xf32, #tpu.memory_space<vmem>>
        %dma_start3A_92 = tpu.memref_slice %arg2[%add3A_78] : memref<1644800xf32, #tpu.memory_space<hbm>> -> memref<6400xf32, #tpu.memory_space<hbm>>
        %dma_start3A_93 = arith.constant 0 : i32
        %dma_start3A_94 = tpu.memref_slice %arg10[%run_scoped3A, %dma_start3A_93] : memref<3x6400xf32, #tpu.memory_space<vmem>> -> memref<1x6400xf32, #tpu.memory_space<vmem>>
        %dma_start3A_95 = tpu.memref_squeeze %dma_start3A_94 : memref<1x6400xf32, #tpu.memory_space<vmem>> -> memref<6400xf32, #tpu.memory_space<vmem>>
        %dma_start3A_96 = tpu.memref_slice %arg2[%add3A_78] : memref<1644800xf32, #tpu.memory_space<hbm>> -> memref<6400xf32, #tpu.memory_space<hbm>>
        tpu.enqueue_dma source(%dma_start3A_96 : memref<6400xf32, #tpu.memory_space<hbm>>) target(%dma_start3A_95 : memref<6400xf32, #tpu.memory_space<vmem>>) target_semaphore(%run_scoped3A_89 : memref<!tpu.dma_semaphore, #tpu.memory_space<semaphore_mem>>)
        %dma_wait3A = arith.constant 0 : i32
        %dma_wait3A_97 = tpu.memref_slice %arg10[%run_scoped3A, %dma_wait3A] : memref<3x6400xf32, #tpu.memory_space<vmem>> -> memref<1x6400xf32, #tpu.memory_space<vmem>>
        %dma_wait3A_98 = tpu.memref_squeeze %dma_wait3A_97 : memref<1x6400xf32, #tpu.memory_space<vmem>> -> memref<6400xf32, #tpu.memory_space<vmem>>
        %dma_wait3A_99 = tpu.memref_slice %arg2[%add3A_78] : memref<1644800xf32, #tpu.memory_space<hbm>> -> memref<6400xf32, #tpu.memory_space<hbm>>
        %dma_wait3A_100 = arith.constant 0 : i32
        %dma_wait3A_101 = tpu.memref_slice %arg10[%run_scoped3A, %dma_wait3A_100] : memref<3x6400xf32, #tpu.memory_space<vmem>> -> memref<1x6400xf32, #tpu.memory_space<vmem>>
        %dma_wait3A_102 = tpu.memref_squeeze %dma_wait3A_101 : memref<1x6400xf32, #tpu.memory_space<vmem>> -> memref<6400xf32, #tpu.memory_space<vmem>>
        %dma_wait3A_103 = tpu.memref_slice %arg2[%add3A_78] : memref<1644800xf32, #tpu.memory_space<hbm>> -> memref<6400xf32, #tpu.memory_space<hbm>>
        tpu.wait_dma2 semaphore(%run_scoped3A_89 : memref<!tpu.dma_semaphore, #tpu.memory_space<semaphore_mem>>) src(%dma_wait3A_103 : memref<6400xf32, #tpu.memory_space<hbm>>) dst(%dma_wait3A_102 : memref<6400xf32, #tpu.memory_space<vmem>>)
        tpu.yield
      }) : () -> ()
      %run_scoped3A_79 = arith.constant 1 : i32
      "tpu.region"() ({
        %run_scoped3A_89 = tpu.sem_alloc : memref<!tpu.dma_semaphore, #tpu.memory_space<semaphore_mem>>
        %dma_start3A = arith.constant 0 : i32
        %dma_start3A_90 = tpu.memref_slice %arg10[%run_scoped3A_79, %dma_start3A] : memref<3x6400xf32, #tpu.memory_space<vmem>> -> memref<1x6400xf32, #tpu.memory_space<vmem>>
        %dma_start3A_91 = tpu.memref_squeeze %dma_start3A_90 : memref<1x6400xf32, #tpu.memory_space<vmem>> -> memref<6400xf32, #tpu.memory_space<vmem>>
        %dma_start3A_92 = tpu.memref_slice %arg3[%add3A_78] : memref<1644800xf32, #tpu.memory_space<hbm>> -> memref<6400xf32, #tpu.memory_space<hbm>>
        %dma_start3A_93 = arith.constant 0 : i32
        %dma_start3A_94 = tpu.memref_slice %arg10[%run_scoped3A_79, %dma_start3A_93] : memref<3x6400xf32, #tpu.memory_space<vmem>> -> memref<1x6400xf32, #tpu.memory_space<vmem>>
        %dma_start3A_95 = tpu.memref_squeeze %dma_start3A_94 : memref<1x6400xf32, #tpu.memory_space<vmem>> -> memref<6400xf32, #tpu.memory_space<vmem>>
        %dma_start3A_96 = tpu.memref_slice %arg3[%add3A_78] : memref<1644800xf32, #tpu.memory_space<hbm>> -> memref<6400xf32, #tpu.memory_space<hbm>>
        tpu.enqueue_dma source(%dma_start3A_96 : memref<6400xf32, #tpu.memory_space<hbm>>) target(%dma_start3A_95 : memref<6400xf32, #tpu.memory_space<vmem>>) target_semaphore(%run_scoped3A_89 : memref<!tpu.dma_semaphore, #tpu.memory_space<semaphore_mem>>)
        %dma_wait3A = arith.constant 0 : i32
        %dma_wait3A_97 = tpu.memref_slice %arg10[%run_scoped3A_79, %dma_wait3A] : memref<3x6400xf32, #tpu.memory_space<vmem>> -> memref<1x6400xf32, #tpu.memory_space<vmem>>
        %dma_wait3A_98 = tpu.memref_squeeze %dma_wait3A_97 : memref<1x6400xf32, #tpu.memory_space<vmem>> -> memref<6400xf32, #tpu.memory_space<vmem>>
        %dma_wait3A_99 = tpu.memref_slice %arg3[%add3A_78] : memref<1644800xf32, #tpu.memory_space<hbm>> -> memref<6400xf32, #tpu.memory_space<hbm>>
        %dma_wait3A_100 = arith.constant 0 : i32
        %dma_wait3A_101 = tpu.memref_slice %arg10[%run_scoped3A_79, %dma_wait3A_100] : memref<3x6400xf32, #tpu.memory_space<vmem>> -> memref<1x6400xf32, #tpu.memory_space<vmem>>
        %dma_wait3A_102 = tpu.memref_squeeze %dma_wait3A_101 : memref<1x6400xf32, #tpu.memory_space<vmem>> -> memref<6400xf32, #tpu.memory_space<vmem>>
        %dma_wait3A_103 = tpu.memref_slice %arg3[%add3A_78] : memref<1644800xf32, #tpu.memory_space<hbm>> -> memref<6400xf32, #tpu.memory_space<hbm>>
        tpu.wait_dma2 semaphore(%run_scoped3A_89 : memref<!tpu.dma_semaphore, #tpu.memory_space<semaphore_mem>>) src(%dma_wait3A_103 : memref<6400xf32, #tpu.memory_space<hbm>>) dst(%dma_wait3A_102 : memref<6400xf32, #tpu.memory_space<vmem>>)
        tpu.yield
      }) : () -> ()
      %run_scoped3A_80 = arith.constant 2 : i32
      "tpu.region"() ({
        %run_scoped3A_89 = tpu.sem_alloc : memref<!tpu.dma_semaphore, #tpu.memory_space<semaphore_mem>>
        %dma_start3A = arith.constant 0 : i32
        %dma_start3A_90 = tpu.memref_slice %arg10[%run_scoped3A_80, %dma_start3A] : memref<3x6400xf32, #tpu.memory_space<vmem>> -> memref<1x6400xf32, #tpu.memory_space<vmem>>
        %dma_start3A_91 = tpu.memref_squeeze %dma_start3A_90 : memref<1x6400xf32, #tpu.memory_space<vmem>> -> memref<6400xf32, #tpu.memory_space<vmem>>
        %dma_start3A_92 = tpu.memref_slice %arg4[%add3A_78] : memref<1644800xf32, #tpu.memory_space<hbm>> -> memref<6400xf32, #tpu.memory_space<hbm>>
        %dma_start3A_93 = arith.constant 0 : i32
        %dma_start3A_94 = tpu.memref_slice %arg10[%run_scoped3A_80, %dma_start3A_93] : memref<3x6400xf32, #tpu.memory_space<vmem>> -> memref<1x6400xf32, #tpu.memory_space<vmem>>
        %dma_start3A_95 = tpu.memref_squeeze %dma_start3A_94 : memref<1x6400xf32, #tpu.memory_space<vmem>> -> memref<6400xf32, #tpu.memory_space<vmem>>
        %dma_start3A_96 = tpu.memref_slice %arg4[%add3A_78] : memref<1644800xf32, #tpu.memory_space<hbm>> -> memref<6400xf32, #tpu.memory_space<hbm>>
        tpu.enqueue_dma source(%dma_start3A_96 : memref<6400xf32, #tpu.memory_space<hbm>>) target(%dma_start3A_95 : memref<6400xf32, #tpu.memory_space<vmem>>) target_semaphore(%run_scoped3A_89 : memref<!tpu.dma_semaphore, #tpu.memory_space<semaphore_mem>>)
        %dma_wait3A = arith.constant 0 : i32
        %dma_wait3A_97 = tpu.memref_slice %arg10[%run_scoped3A_80, %dma_wait3A] : memref<3x6400xf32, #tpu.memory_space<vmem>> -> memref<1x6400xf32, #tpu.memory_space<vmem>>
        %dma_wait3A_98 = tpu.memref_squeeze %dma_wait3A_97 : memref<1x6400xf32, #tpu.memory_space<vmem>> -> memref<6400xf32, #tpu.memory_space<vmem>>
        %dma_wait3A_99 = tpu.memref_slice %arg4[%add3A_78] : memref<1644800xf32, #tpu.memory_space<hbm>> -> memref<6400xf32, #tpu.memory_space<hbm>>
        %dma_wait3A_100 = arith.constant 0 : i32
        %dma_wait3A_101 = tpu.memref_slice %arg10[%run_scoped3A_80, %dma_wait3A_100] : memref<3x6400xf32, #tpu.memory_space<vmem>> -> memref<1x6400xf32, #tpu.memory_space<vmem>>
        %dma_wait3A_102 = tpu.memref_squeeze %dma_wait3A_101 : memref<1x6400xf32, #tpu.memory_space<vmem>> -> memref<6400xf32, #tpu.memory_space<vmem>>
        %dma_wait3A_103 = tpu.memref_slice %arg4[%add3A_78] : memref<1644800xf32, #tpu.memory_space<hbm>> -> memref<6400xf32, #tpu.memory_space<hbm>>
        tpu.wait_dma2 semaphore(%run_scoped3A_89 : memref<!tpu.dma_semaphore, #tpu.memory_space<semaphore_mem>>) src(%dma_wait3A_103 : memref<6400xf32, #tpu.memory_space<hbm>>) dst(%dma_wait3A_102 : memref<6400xf32, #tpu.memory_space<vmem>>)
        tpu.yield
      }) : () -> ()
      %scan3A_81 = arith.constant 0 : i32
      %scan3A_82 = arith.constant 0 : i32
      %scan3A_83 = arith.constant 400 : i32
      %scan3A_84 = arith.addi %scan3A_82, %scan3A_83 : i32
      %scan3A_85 = arith.constant 1 : i32
      %scan3A_86 = scf.for %scan3A_89 = %scan3A_82 to %scan3A_84 step %scan3A_85 iter_args(%scan3A_90 = %scan3A_81) -> (i32)  : i32 {
        %mul3A_91 = arith.constant 16 : i32
        %mul3A_92 = arith.muli %scan3A_89, %mul3A_91 : i32
        %get3A_93 = arith.index_cast %mul3A_92 : i32 to index
        %get3A_94 = tpu.vector_load %arg9[%get3A_93] {strides = array<i32>} : memref<6400xi32, #tpu.memory_space<vmem>>, vector<16xi32>,
        %mul3A_95 = arith.constant 16 : i32
        %mul3A_96 = arith.muli %scan3A_89, %mul3A_95 : i32
        %add3A_97 = arith.addi %mul3A_96, %add3A_78 : i32
        %add3A_98 = vector.broadcast %add3A_97 : i32 to vector<16xi32>
        %add3A_99 = arith.addi %iota3A, %add3A_98 : vector<16xi32>
        %ge3A = vector.broadcast %squeeze3A : i32 to vector<16xi32>
        %ge3A_100 = arith.cmpi sge, %add3A_99, %ge3A : vector<16xi32>
        %lt3A = vector.broadcast %squeeze3A_3 : i32 to vector<16xi32>
        %lt3A_101 = arith.cmpi slt, %add3A_99, %lt3A : vector<16xi32>
        %and3A_102 = arith.andi %ge3A_100, %lt3A_101 : vector<16xi1>
        %sub3A_103 = vector.broadcast %mul3A_52 : i32 to vector<16xi32>
        %sub3A_104 = arith.subi %get3A_94, %sub3A_103 : vector<16xi32>
        %jit3A_105 = arith.constant 0 : i32
        %broadcast_in_dim3A = vector.broadcast %jit3A_105 : i32 to vector<16xi32>
        %select_n3A_106 = arith.select %and3A_102, %sub3A_104, %broadcast_in_dim3A : vector<16xi1>, vector<16xi32>
        %mul3A_107 = arith.constant 4 : i32
        %mul3A_108 = vector.broadcast %mul3A_107 : i32 to vector<16xi32>
        %mul3A_109 = arith.muli %select_n3A_106, %mul3A_108 : vector<16xi32>
        %mul3A_110 = arith.constant 16 : i32
        %mul3A_111 = arith.muli %scan3A_89, %mul3A_110 : i32
        %get3A_112 = arith.constant 0 : i32
        %get3A_113 = arith.index_cast %get3A_112 : i32 to index
        %get3A_114 = arith.index_cast %mul3A_111 : i32 to index
        %get3A_115 = tpu.vector_load %arg10[%get3A_113, %get3A_114] {strides = array<i32>} : memref<3x6400xf32, #tpu.memory_space<vmem>>, vector<16xf32>,
        %add3A_116 = arith.constant 0 : i32
        %add3A_117 = vector.broadcast %add3A_116 : i32 to vector<16xi32>
        %add3A_118 = arith.addi %mul3A_109, %add3A_117 : vector<16xi32>
        tpu.vector_store_idx %arg11[%add3A_118], %get3A_115 masked %and3A_102 {add = true} : memref<12800xf32, #tpu.memory_space<vmem>>[vector<16xi32>], vector<16xf32>, vector<16xi1>
        %mul3A_119 = arith.constant 16 : i32
        %mul3A_120 = arith.muli %scan3A_89, %mul3A_119 : i32
        %get3A_121 = arith.constant 1 : i32
        %get3A_122 = arith.index_cast %get3A_121 : i32 to index
        %get3A_123 = arith.index_cast %mul3A_120 : i32 to index
        %get3A_124 = tpu.vector_load %arg10[%get3A_122, %get3A_123] {strides = array<i32>} : memref<3x6400xf32, #tpu.memory_space<vmem>>, vector<16xf32>,
        %add3A_125 = arith.constant 1 : i32
        %add3A_126 = vector.broadcast %add3A_125 : i32 to vector<16xi32>
        %add3A_127 = arith.addi %mul3A_109, %add3A_126 : vector<16xi32>
        tpu.vector_store_idx %arg11[%add3A_127], %get3A_124 masked %and3A_102 {add = true} : memref<12800xf32, #tpu.memory_space<vmem>>[vector<16xi32>], vector<16xf32>, vector<16xi1>
        %mul3A_128 = arith.constant 16 : i32
        %mul3A_129 = arith.muli %scan3A_89, %mul3A_128 : i32
        %get3A_130 = arith.constant 2 : i32
        %get3A_131 = arith.index_cast %get3A_130 : i32 to index
        %get3A_132 = arith.index_cast %mul3A_129 : i32 to index
        %get3A_133 = tpu.vector_load %arg10[%get3A_131, %get3A_132] {strides = array<i32>} : memref<3x6400xf32, #tpu.memory_space<vmem>>, vector<16xf32>,
        %add3A_134 = arith.constant 2 : i32
        %add3A_135 = vector.broadcast %add3A_134 : i32 to vector<16xi32>
        %add3A_136 = arith.addi %mul3A_109, %add3A_135 : vector<16xi32>
        tpu.vector_store_idx %arg11[%add3A_136], %get3A_133 masked %and3A_102 {add = true} : memref<12800xf32, #tpu.memory_space<vmem>>[vector<16xi32>], vector<16xf32>, vector<16xi1>
        %scan3A_137 = arith.constant 0 : i32
        scf.yield %scan3A_137 : i32
      }
      %scan3A_87 = arith.constant 400 : i32
      %while3A_88 = arith.constant 0 : i32
      scf.yield %while3A_88 : i32
    }
    %mul3A_70 = arith.constant 3200 : i32
    %mul3A_71 = arith.muli %add3A, %mul3A_70 : i32
    %mul3A_72 = arith.constant 4 : i32
    %mul3A_73 = arith.muli %mul3A_71, %mul3A_72 : i32
    "tpu.region"() ({
      %run_scoped3A = tpu.sem_alloc : memref<!tpu.dma_semaphore, #tpu.memory_space<semaphore_mem>>
      %dma_start3A = tpu.memref_slice %arg7[%mul3A_73] : memref<409600xf32, #tpu.memory_space<hbm>> -> memref<12800xf32, #tpu.memory_space<hbm>>
      %dma_start3A_74 = tpu.memref_slice %arg7[%mul3A_73] : memref<409600xf32, #tpu.memory_space<hbm>> -> memref<12800xf32, #tpu.memory_space<hbm>>
      tpu.enqueue_dma source(%arg11 : memref<12800xf32, #tpu.memory_space<vmem>>) target(%dma_start3A_74 : memref<12800xf32, #tpu.memory_space<hbm>>) target_semaphore(%run_scoped3A : memref<!tpu.dma_semaphore, #tpu.memory_space<semaphore_mem>>)
      %dma_wait3A = tpu.memref_slice %arg7[%mul3A_73] : memref<409600xf32, #tpu.memory_space<hbm>> -> memref<12800xf32, #tpu.memory_space<hbm>>
      %dma_wait3A_75 = tpu.memref_slice %arg7[%mul3A_73] : memref<409600xf32, #tpu.memory_space<hbm>> -> memref<12800xf32, #tpu.memory_space<hbm>>
      tpu.wait_dma2 semaphore(%run_scoped3A : memref<!tpu.dma_semaphore, #tpu.memory_space<semaphore_mem>>) src(%arg11 : memref<12800xf32, #tpu.memory_space<vmem>>) dst(%dma_wait3A_75 : memref<12800xf32, #tpu.memory_space<hbm>>)
      tpu.yield
    }) : () -> ()
    return
  }
}

#map = affine_map<(d0, d1) -> (0, 0)>
#map1 = affine_map<(d0, d1) -> (0)>
module attributes {stable_mosaic.version = 14 : i64} {
  func.func @_gather_body(%arg0: i32, %arg1: i32, %arg2: memref<102400x8xf32, #tpu.memory_space<hbm>>, %arg3: memref<1638400xi32, #tpu.memory_space<hbm>>, %arg4: memref<4x1638400xf32, #tpu.memory_space<hbm>>, %arg5: memref<6400xi32, #tpu.memory_space<vmem>>, %arg6: memref<6400x8xf32, #tpu.memory_space<vmem>>, %arg7: memref<4x6400xf32, #tpu.memory_space<vmem>>, %arg8: memref<!tpu.dma_semaphore, #tpu.memory_space<semaphore_mem>>) attributes {dimension_semantics = [#tpu.dimension_semantics<core_parallel>, #tpu.dimension_semantics<subcore_parallel>], iteration_bounds = array<i64: 2, 16>, scalar_prefetch = 0 : i64, scratch_operands = 4 : i64, tpu.core_type = #tpu.core_type<sc_vector_subcore>, window_params = [{transform_indices = #map}, {transform_indices = #map1}, {transform_indices = #map}]} {
    %mul3A = arith.constant 2 : i32
    %mul3A_0 = arith.muli %arg1, %mul3A : i32
    %add3A = arith.addi %mul3A_0, %arg0 : i32
    %iota3A = tpu.iota {dimensions = array<i32: 0>} : vector<16xi32>
    %mul3A_1 = arith.constant 51200 : i32
    %mul3A_2 = arith.muli %add3A, %mul3A_1 : i32
    %add3A_3 = arith.constant 0 : i32
    %add3A_4 = arith.addi %mul3A_2, %add3A_3 : i32
    "tpu.region"() ({
      %run_scoped3A_197 = tpu.sem_alloc : memref<!tpu.dma_semaphore, #tpu.memory_space<semaphore_mem>>
      %dma_start3A_198 = tpu.memref_slice %arg3[%add3A_4] : memref<1638400xi32, #tpu.memory_space<hbm>> -> memref<6400xi32, #tpu.memory_space<hbm>>
      %dma_start3A_199 = tpu.memref_slice %arg3[%add3A_4] : memref<1638400xi32, #tpu.memory_space<hbm>> -> memref<6400xi32, #tpu.memory_space<hbm>>
      tpu.enqueue_dma source(%dma_start3A_199 : memref<6400xi32, #tpu.memory_space<hbm>>) target(%arg5 : memref<6400xi32, #tpu.memory_space<vmem>>) target_semaphore(%run_scoped3A_197 : memref<!tpu.dma_semaphore, #tpu.memory_space<semaphore_mem>>)
      %dma_wait3A_200 = tpu.memref_slice %arg3[%add3A_4] : memref<1638400xi32, #tpu.memory_space<hbm>> -> memref<6400xi32, #tpu.memory_space<hbm>>
      %dma_wait3A_201 = tpu.memref_slice %arg3[%add3A_4] : memref<1638400xi32, #tpu.memory_space<hbm>> -> memref<6400xi32, #tpu.memory_space<hbm>>
      tpu.wait_dma2 semaphore(%run_scoped3A_197 : memref<!tpu.dma_semaphore, #tpu.memory_space<semaphore_mem>>) src(%dma_wait3A_201 : memref<6400xi32, #tpu.memory_space<hbm>>) dst(%arg5 : memref<6400xi32, #tpu.memory_space<vmem>>)
      tpu.yield
    }) : () -> ()
    %dma_start3A = arith.constant 0 : i32
    %dma_start3A_5 = arith.constant 0 : i32
    %dma_start3A_6 = tpu.memref_slice %arg2[%dma_start3A, %dma_start3A_5] : memref<102400x8xf32, #tpu.memory_space<hbm>> -> memref<102400x8xf32, #tpu.memory_space<hbm>>
    tpu.enqueue_indirect_dma source(%dma_start3A_6 : memref<102400x8xf32, #tpu.memory_space<hbm>>) target(%arg6 : memref<6400x8xf32, #tpu.memory_space<vmem>>) offsets(%arg5 : memref<6400xi32, #tpu.memory_space<vmem>>) semaphore(%arg8 : memref<!tpu.dma_semaphore, #tpu.memory_space<semaphore_mem>>)
    %dma_wait3A = arith.constant 0 : i32
    %dma_wait3A_7 = arith.constant 0 : i32
    %dma_wait3A_8 = tpu.memref_slice %arg2[%dma_wait3A, %dma_wait3A_7] : memref<102400x8xf32, #tpu.memory_space<hbm>> -> memref<102400x8xf32, #tpu.memory_space<hbm>>
    tpu.wait_indirect_dma semaphore(%arg8 : memref<!tpu.dma_semaphore, #tpu.memory_space<semaphore_mem>>) src(%dma_wait3A_8 : memref<102400x8xf32, #tpu.memory_space<hbm>>) dst(%arg6 : memref<6400x8xf32, #tpu.memory_space<vmem>>)
    %scan3A = arith.constant 0 : i32
    %scan3A_9 = arith.constant 0 : i32
    %scan3A_10 = arith.constant 400 : i32
    %scan3A_11 = arith.addi %scan3A_9, %scan3A_10 : i32
    %scan3A_12 = arith.constant 1 : i32
    %scan3A_13 = scf.for %scan3A_197 = %scan3A_9 to %scan3A_11 step %scan3A_12 iter_args(%scan3A_198 = %scan3A) -> (i32)  : i32 {
      %mul3A_199 = arith.constant 16 : i32
      %mul3A_200 = arith.muli %scan3A_197, %mul3A_199 : i32
      %add3A_201 = vector.broadcast %mul3A_200 : i32 to vector<16xi32>
      %add3A_202 = arith.addi %iota3A, %add3A_201 : vector<16xi32>
      %broadcast_in_dim3A = arith.constant 0 : i32
      %broadcast_in_dim3A_203 = vector.broadcast %broadcast_in_dim3A : i32 to vector<16xi32>
      %gather3A = tpu.vector_load_idx %arg6[%add3A_202, %broadcast_in_dim3A_203] : memref<6400x8xf32, #tpu.memory_space<vmem>>[vector<16xi32>, vector<16xi32>], vector<16xf32>,
      %mul3A_204 = arith.constant 16 : i32
      %mul3A_205 = arith.muli %scan3A_197, %mul3A_204 : i32
      %swap3A = arith.constant 0 : i32
      %swap3A_206 = arith.index_cast %swap3A : i32 to index
      %swap3A_207 = arith.index_cast %mul3A_205 : i32 to index
      %swap3A_208 = tpu.vector_load %arg7[%swap3A_206, %swap3A_207] {strides = array<i32>} : memref<4x6400xf32, #tpu.memory_space<vmem>>, vector<16xf32>,
      tpu.vector_store %arg7[%swap3A_206, %swap3A_207], %gather3A {strides = array<i32>} : memref<4x6400xf32, #tpu.memory_space<vmem>>, vector<16xf32>,
      %broadcast_in_dim3A_209 = arith.constant 1 : i32
      %broadcast_in_dim3A_210 = vector.broadcast %broadcast_in_dim3A_209 : i32 to vector<16xi32>
      %gather3A_211 = tpu.vector_load_idx %arg6[%add3A_202, %broadcast_in_dim3A_210] : memref<6400x8xf32, #tpu.memory_space<vmem>>[vector<16xi32>, vector<16xi32>], vector<16xf32>,
      %mul3A_212 = arith.constant 16 : i32
      %mul3A_213 = arith.muli %scan3A_197, %mul3A_212 : i32
      %swap3A_214 = arith.constant 1 : i32
      %swap3A_215 = arith.index_cast %swap3A_214 : i32 to index
      %swap3A_216 = arith.index_cast %mul3A_213 : i32 to index
      %swap3A_217 = tpu.vector_load %arg7[%swap3A_215, %swap3A_216] {strides = array<i32>} : memref<4x6400xf32, #tpu.memory_space<vmem>>, vector<16xf32>,
      tpu.vector_store %arg7[%swap3A_215, %swap3A_216], %gather3A_211 {strides = array<i32>} : memref<4x6400xf32, #tpu.memory_space<vmem>>, vector<16xf32>,
      %broadcast_in_dim3A_218 = arith.constant 2 : i32
      %broadcast_in_dim3A_219 = vector.broadcast %broadcast_in_dim3A_218 : i32 to vector<16xi32>
      %gather3A_220 = tpu.vector_load_idx %arg6[%add3A_202, %broadcast_in_dim3A_219] : memref<6400x8xf32, #tpu.memory_space<vmem>>[vector<16xi32>, vector<16xi32>], vector<16xf32>,
      %mul3A_221 = arith.constant 16 : i32
      %mul3A_222 = arith.muli %scan3A_197, %mul3A_221 : i32
      %swap3A_223 = arith.constant 2 : i32
      %swap3A_224 = arith.index_cast %swap3A_223 : i32 to index
      %swap3A_225 = arith.index_cast %mul3A_222 : i32 to index
      %swap3A_226 = tpu.vector_load %arg7[%swap3A_224, %swap3A_225] {strides = array<i32>} : memref<4x6400xf32, #tpu.memory_space<vmem>>, vector<16xf32>,
      tpu.vector_store %arg7[%swap3A_224, %swap3A_225], %gather3A_220 {strides = array<i32>} : memref<4x6400xf32, #tpu.memory_space<vmem>>, vector<16xf32>,
      %broadcast_in_dim3A_227 = arith.constant 3 : i32
      %broadcast_in_dim3A_228 = vector.broadcast %broadcast_in_dim3A_227 : i32 to vector<16xi32>
      %gather3A_229 = tpu.vector_load_idx %arg6[%add3A_202, %broadcast_in_dim3A_228] : memref<6400x8xf32, #tpu.memory_space<vmem>>[vector<16xi32>, vector<16xi32>], vector<16xf32>,
      %mul3A_230 = arith.constant 16 : i32
      %mul3A_231 = arith.muli %scan3A_197, %mul3A_230 : i32
      %swap3A_232 = arith.constant 3 : i32
      %swap3A_233 = arith.index_cast %swap3A_232 : i32 to index
      %swap3A_234 = arith.index_cast %mul3A_231 : i32 to index
      %swap3A_235 = tpu.vector_load %arg7[%swap3A_233, %swap3A_234] {strides = array<i32>} : memref<4x6400xf32, #tpu.memory_space<vmem>>, vector<16xf32>,
      tpu.vector_store %arg7[%swap3A_233, %swap3A_234], %gather3A_229 {strides = array<i32>} : memref<4x6400xf32, #tpu.memory_space<vmem>>, vector<16xf32>,
      %scan3A_236 = arith.constant 0 : i32
      scf.yield %scan3A_236 : i32
    }
    %scan3A_14 = arith.constant 400 : i32
    %run_scoped3A = arith.constant 0 : i32
    %run_scoped3A_15 = arith.constant 0 : i32
    "tpu.region"() ({
      %run_scoped3A_197 = tpu.sem_alloc : memref<!tpu.dma_semaphore, #tpu.memory_space<semaphore_mem>>
      %dma_start3A_198 = arith.constant 0 : i32
      %dma_start3A_199 = tpu.memref_slice %arg7[%run_scoped3A, %dma_start3A_198] : memref<4x6400xf32, #tpu.memory_space<vmem>> -> memref<1x6400xf32, #tpu.memory_space<vmem>>
      %dma_start3A_200 = tpu.memref_squeeze %dma_start3A_199 : memref<1x6400xf32, #tpu.memory_space<vmem>> -> memref<6400xf32, #tpu.memory_space<vmem>>
      %dma_start3A_201 = tpu.memref_slice %arg4[%run_scoped3A_15, %add3A_4] : memref<4x1638400xf32, #tpu.memory_space<hbm>> -> memref<1x6400xf32, #tpu.memory_space<hbm>>
      %dma_start3A_202 = tpu.memref_squeeze %dma_start3A_201 : memref<1x6400xf32, #tpu.memory_space<hbm>> -> memref<6400xf32, #tpu.memory_space<hbm>>
      %dma_start3A_203 = tpu.memref_slice %arg4[%run_scoped3A_15, %add3A_4] : memref<4x1638400xf32, #tpu.memory_space<hbm>> -> memref<1x6400xf32, #tpu.memory_space<hbm>>
      %dma_start3A_204 = tpu.memref_squeeze %dma_start3A_203 : memref<1x6400xf32, #tpu.memory_space<hbm>> -> memref<6400xf32, #tpu.memory_space<hbm>>
      %dma_start3A_205 = arith.constant 0 : i32
      %dma_start3A_206 = tpu.memref_slice %arg7[%run_scoped3A, %dma_start3A_205] : memref<4x6400xf32, #tpu.memory_space<vmem>> -> memref<1x6400xf32, #tpu.memory_space<vmem>>
      %dma_start3A_207 = tpu.memref_squeeze %dma_start3A_206 : memref<1x6400xf32, #tpu.memory_space<vmem>> -> memref<6400xf32, #tpu.memory_space<vmem>>
      tpu.enqueue_dma source(%dma_start3A_207 : memref<6400xf32, #tpu.memory_space<vmem>>) target(%dma_start3A_204 : memref<6400xf32, #tpu.memory_space<hbm>>) target_semaphore(%run_scoped3A_197 : memref<!tpu.dma_semaphore, #tpu.memory_space<semaphore_mem>>)
      %dma_wait3A_208 = arith.constant 0 : i32
      %dma_wait3A_209 = tpu.memref_slice %arg7[%run_scoped3A, %dma_wait3A_208] : memref<4x6400xf32, #tpu.memory_space<vmem>> -> memref<1x6400xf32, #tpu.memory_space<vmem>>
      %dma_wait3A_210 = tpu.memref_squeeze %dma_wait3A_209 : memref<1x6400xf32, #tpu.memory_space<vmem>> -> memref<6400xf32, #tpu.memory_space<vmem>>
      %dma_wait3A_211 = tpu.memref_slice %arg4[%run_scoped3A_15, %add3A_4] : memref<4x1638400xf32, #tpu.memory_space<hbm>> -> memref<1x6400xf32, #tpu.memory_space<hbm>>
      %dma_wait3A_212 = tpu.memref_squeeze %dma_wait3A_211 : memref<1x6400xf32, #tpu.memory_space<hbm>> -> memref<6400xf32, #tpu.memory_space<hbm>>
      %dma_wait3A_213 = tpu.memref_slice %arg4[%run_scoped3A_15, %add3A_4] : memref<4x1638400xf32, #tpu.memory_space<hbm>> -> memref<1x6400xf32, #tpu.memory_space<hbm>>
      %dma_wait3A_214 = tpu.memref_squeeze %dma_wait3A_213 : memref<1x6400xf32, #tpu.memory_space<hbm>> -> memref<6400xf32, #tpu.memory_space<hbm>>
      %dma_wait3A_215 = arith.constant 0 : i32
      %dma_wait3A_216 = tpu.memref_slice %arg7[%run_scoped3A, %dma_wait3A_215] : memref<4x6400xf32, #tpu.memory_space<vmem>> -> memref<1x6400xf32, #tpu.memory_space<vmem>>
      %dma_wait3A_217 = tpu.memref_squeeze %dma_wait3A_216 : memref<1x6400xf32, #tpu.memory_space<vmem>> -> memref<6400xf32, #tpu.memory_space<vmem>>
      tpu.wait_dma2 semaphore(%run_scoped3A_197 : memref<!tpu.dma_semaphore, #tpu.memory_space<semaphore_mem>>) src(%dma_wait3A_217 : memref<6400xf32, #tpu.memory_space<vmem>>) dst(%dma_wait3A_214 : memref<6400xf32, #tpu.memory_space<hbm>>)
      tpu.yield
    }) : () -> ()
    %run_scoped3A_16 = arith.constant 1 : i32
    %run_scoped3A_17 = arith.constant 1 : i32
    "tpu.region"() ({
      %run_scoped3A_197 = tpu.sem_alloc : memref<!tpu.dma_semaphore, #tpu.memory_space<semaphore_mem>>
      %dma_start3A_198 = arith.constant 0 : i32
      %dma_start3A_199 = tpu.memref_slice %arg7[%run_scoped3A_16, %dma_start3A_198] : memref<4x6400xf32, #tpu.memory_space<vmem>> -> memref<1x6400xf32, #tpu.memory_space<vmem>>
      %dma_start3A_200 = tpu.memref_squeeze %dma_start3A_199 : memref<1x6400xf32, #tpu.memory_space<vmem>> -> memref<6400xf32, #tpu.memory_space<vmem>>
      %dma_start3A_201 = tpu.memref_slice %arg4[%run_scoped3A_17, %add3A_4] : memref<4x1638400xf32, #tpu.memory_space<hbm>> -> memref<1x6400xf32, #tpu.memory_space<hbm>>
      %dma_start3A_202 = tpu.memref_squeeze %dma_start3A_201 : memref<1x6400xf32, #tpu.memory_space<hbm>> -> memref<6400xf32, #tpu.memory_space<hbm>>
      %dma_start3A_203 = tpu.memref_slice %arg4[%run_scoped3A_17, %add3A_4] : memref<4x1638400xf32, #tpu.memory_space<hbm>> -> memref<1x6400xf32, #tpu.memory_space<hbm>>
      %dma_start3A_204 = tpu.memref_squeeze %dma_start3A_203 : memref<1x6400xf32, #tpu.memory_space<hbm>> -> memref<6400xf32, #tpu.memory_space<hbm>>
      %dma_start3A_205 = arith.constant 0 : i32
      %dma_start3A_206 = tpu.memref_slice %arg7[%run_scoped3A_16, %dma_start3A_205] : memref<4x6400xf32, #tpu.memory_space<vmem>> -> memref<1x6400xf32, #tpu.memory_space<vmem>>
      %dma_start3A_207 = tpu.memref_squeeze %dma_start3A_206 : memref<1x6400xf32, #tpu.memory_space<vmem>> -> memref<6400xf32, #tpu.memory_space<vmem>>
      tpu.enqueue_dma source(%dma_start3A_207 : memref<6400xf32, #tpu.memory_space<vmem>>) target(%dma_start3A_204 : memref<6400xf32, #tpu.memory_space<hbm>>) target_semaphore(%run_scoped3A_197 : memref<!tpu.dma_semaphore, #tpu.memory_space<semaphore_mem>>)
      %dma_wait3A_208 = arith.constant 0 : i32
      %dma_wait3A_209 = tpu.memref_slice %arg7[%run_scoped3A_16, %dma_wait3A_208] : memref<4x6400xf32, #tpu.memory_space<vmem>> -> memref<1x6400xf32, #tpu.memory_space<vmem>>
      %dma_wait3A_210 = tpu.memref_squeeze %dma_wait3A_209 : memref<1x6400xf32, #tpu.memory_space<vmem>> -> memref<6400xf32, #tpu.memory_space<vmem>>
      %dma_wait3A_211 = tpu.memref_slice %arg4[%run_scoped3A_17, %add3A_4] : memref<4x1638400xf32, #tpu.memory_space<hbm>> -> memref<1x6400xf32, #tpu.memory_space<hbm>>
      %dma_wait3A_212 = tpu.memref_squeeze %dma_wait3A_211 : memref<1x6400xf32, #tpu.memory_space<hbm>> -> memref<6400xf32, #tpu.memory_space<hbm>>
      %dma_wait3A_213 = tpu.memref_slice %arg4[%run_scoped3A_17, %add3A_4] : memref<4x1638400xf32, #tpu.memory_space<hbm>> -> memref<1x6400xf32, #tpu.memory_space<hbm>>
      %dma_wait3A_214 = tpu.memref_squeeze %dma_wait3A_213 : memref<1x6400xf32, #tpu.memory_space<hbm>> -> memref<6400xf32, #tpu.memory_space<hbm>>
      %dma_wait3A_215 = arith.constant 0 : i32
      %dma_wait3A_216 = tpu.memref_slice %arg7[%run_scoped3A_16, %dma_wait3A_215] : memref<4x6400xf32, #tpu.memory_space<vmem>> -> memref<1x6400xf32, #tpu.memory_space<vmem>>
      %dma_wait3A_217 = tpu.memref_squeeze %dma_wait3A_216 : memref<1x6400xf32, #tpu.memory_space<vmem>> -> memref<6400xf32, #tpu.memory_space<vmem>>
      tpu.wait_dma2 semaphore(%run_scoped3A_197 : memref<!tpu.dma_semaphore, #tpu.memory_space<semaphore_mem>>) src(%dma_wait3A_217 : memref<6400xf32, #tpu.memory_space<vmem>>) dst(%dma_wait3A_214 : memref<6400xf32, #tpu.memory_space<hbm>>)
      tpu.yield
    }) : () -> ()
    %run_scoped3A_18 = arith.constant 2 : i32
    %run_scoped3A_19 = arith.constant 2 : i32
    "tpu.region"() ({
      %run_scoped3A_197 = tpu.sem_alloc : memref<!tpu.dma_semaphore, #tpu.memory_space<semaphore_mem>>
      %dma_start3A_198 = arith.constant 0 : i32
      %dma_start3A_199 = tpu.memref_slice %arg7[%run_scoped3A_18, %dma_start3A_198] : memref<4x6400xf32, #tpu.memory_space<vmem>> -> memref<1x6400xf32, #tpu.memory_space<vmem>>
      %dma_start3A_200 = tpu.memref_squeeze %dma_start3A_199 : memref<1x6400xf32, #tpu.memory_space<vmem>> -> memref<6400xf32, #tpu.memory_space<vmem>>
      %dma_start3A_201 = tpu.memref_slice %arg4[%run_scoped3A_19, %add3A_4] : memref<4x1638400xf32, #tpu.memory_space<hbm>> -> memref<1x6400xf32, #tpu.memory_space<hbm>>
      %dma_start3A_202 = tpu.memref_squeeze %dma_start3A_201 : memref<1x6400xf32, #tpu.memory_space<hbm>> -> memref<6400xf32, #tpu.memory_space<hbm>>
      %dma_start3A_203 = tpu.memref_slice %arg4[%run_scoped3A_19, %add3A_4] : memref<4x1638400xf32, #tpu.memory_space<hbm>> -> memref<1x6400xf32, #tpu.memory_space<hbm>>
      %dma_start3A_204 = tpu.memref_squeeze %dma_start3A_203 : memref<1x6400xf32, #tpu.memory_space<hbm>> -> memref<6400xf32, #tpu.memory_space<hbm>>
      %dma_start3A_205 = arith.constant 0 : i32
      %dma_start3A_206 = tpu.memref_slice %arg7[%run_scoped3A_18, %dma_start3A_205] : memref<4x6400xf32, #tpu.memory_space<vmem>> -> memref<1x6400xf32, #tpu.memory_space<vmem>>
      %dma_start3A_207 = tpu.memref_squeeze %dma_start3A_206 : memref<1x6400xf32, #tpu.memory_space<vmem>> -> memref<6400xf32, #tpu.memory_space<vmem>>
      tpu.enqueue_dma source(%dma_start3A_207 : memref<6400xf32, #tpu.memory_space<vmem>>) target(%dma_start3A_204 : memref<6400xf32, #tpu.memory_space<hbm>>) target_semaphore(%run_scoped3A_197 : memref<!tpu.dma_semaphore, #tpu.memory_space<semaphore_mem>>)
      %dma_wait3A_208 = arith.constant 0 : i32
      %dma_wait3A_209 = tpu.memref_slice %arg7[%run_scoped3A_18, %dma_wait3A_208] : memref<4x6400xf32, #tpu.memory_space<vmem>> -> memref<1x6400xf32, #tpu.memory_space<vmem>>
      %dma_wait3A_210 = tpu.memref_squeeze %dma_wait3A_209 : memref<1x6400xf32, #tpu.memory_space<vmem>> -> memref<6400xf32, #tpu.memory_space<vmem>>
      %dma_wait3A_211 = tpu.memref_slice %arg4[%run_scoped3A_19, %add3A_4] : memref<4x1638400xf32, #tpu.memory_space<hbm>> -> memref<1x6400xf32, #tpu.memory_space<hbm>>
      %dma_wait3A_212 = tpu.memref_squeeze %dma_wait3A_211 : memref<1x6400xf32, #tpu.memory_space<hbm>> -> memref<6400xf32, #tpu.memory_space<hbm>>
      %dma_wait3A_213 = tpu.memref_slice %arg4[%run_scoped3A_19, %add3A_4] : memref<4x1638400xf32, #tpu.memory_space<hbm>> -> memref<1x6400xf32, #tpu.memory_space<hbm>>
      %dma_wait3A_214 = tpu.memref_squeeze %dma_wait3A_213 : memref<1x6400xf32, #tpu.memory_space<hbm>> -> memref<6400xf32, #tpu.memory_space<hbm>>
      %dma_wait3A_215 = arith.constant 0 : i32
      %dma_wait3A_216 = tpu.memref_slice %arg7[%run_scoped3A_18, %dma_wait3A_215] : memref<4x6400xf32, #tpu.memory_space<vmem>> -> memref<1x6400xf32, #tpu.memory_space<vmem>>
      %dma_wait3A_217 = tpu.memref_squeeze %dma_wait3A_216 : memref<1x6400xf32, #tpu.memory_space<vmem>> -> memref<6400xf32, #tpu.memory_space<vmem>>
      tpu.wait_dma2 semaphore(%run_scoped3A_197 : memref<!tpu.dma_semaphore, #tpu.memory_space<semaphore_mem>>) src(%dma_wait3A_217 : memref<6400xf32, #tpu.memory_space<vmem>>) dst(%dma_wait3A_214 : memref<6400xf32, #tpu.memory_space<hbm>>)
      tpu.yield
    }) : () -> ()
    %run_scoped3A_20 = arith.constant 3 : i32
    %run_scoped3A_21 = arith.constant 3 : i32
    "tpu.region"() ({
      %run_scoped3A_197 = tpu.sem_alloc : memref<!tpu.dma_semaphore, #tpu.memory_space<semaphore_mem>>
      %dma_start3A_198 = arith.constant 0 : i32
      %dma_start3A_199 = tpu.memref_slice %arg7[%run_scoped3A_20, %dma_start3A_198] : memref<4x6400xf32, #tpu.memory_space<vmem>> -> memref<1x6400xf32, #tpu.memory_space<vmem>>
      %dma_start3A_200 = tpu.memref_squeeze %dma_start3A_199 : memref<1x6400xf32, #tpu.memory_space<vmem>> -> memref<6400xf32, #tpu.memory_space<vmem>>
      %dma_start3A_201 = tpu.memref_slice %arg4[%run_scoped3A_21, %add3A_4] : memref<4x1638400xf32, #tpu.memory_space<hbm>> -> memref<1x6400xf32, #tpu.memory_space<hbm>>
      %dma_start3A_202 = tpu.memref_squeeze %dma_start3A_201 : memref<1x6400xf32, #tpu.memory_space<hbm>> -> memref<6400xf32, #tpu.memory_space<hbm>>
      %dma_start3A_203 = tpu.memref_slice %arg4[%run_scoped3A_21, %add3A_4] : memref<4x1638400xf32, #tpu.memory_space<hbm>> -> memref<1x6400xf32, #tpu.memory_space<hbm>>
      %dma_start3A_204 = tpu.memref_squeeze %dma_start3A_203 : memref<1x6400xf32, #tpu.memory_space<hbm>> -> memref<6400xf32, #tpu.memory_space<hbm>>
      %dma_start3A_205 = arith.constant 0 : i32
      %dma_start3A_206 = tpu.memref_slice %arg7[%run_scoped3A_20, %dma_start3A_205] : memref<4x6400xf32, #tpu.memory_space<vmem>> -> memref<1x6400xf32, #tpu.memory_space<vmem>>
      %dma_start3A_207 = tpu.memref_squeeze %dma_start3A_206 : memref<1x6400xf32, #tpu.memory_space<vmem>> -> memref<6400xf32, #tpu.memory_space<vmem>>
      tpu.enqueue_dma source(%dma_start3A_207 : memref<6400xf32, #tpu.memory_space<vmem>>) target(%dma_start3A_204 : memref<6400xf32, #tpu.memory_space<hbm>>) target_semaphore(%run_scoped3A_197 : memref<!tpu.dma_semaphore, #tpu.memory_space<semaphore_mem>>)
      %dma_wait3A_208 = arith.constant 0 : i32
      %dma_wait3A_209 = tpu.memref_slice %arg7[%run_scoped3A_20, %dma_wait3A_208] : memref<4x6400xf32, #tpu.memory_space<vmem>> -> memref<1x6400xf32, #tpu.memory_space<vmem>>
      %dma_wait3A_210 = tpu.memref_squeeze %dma_wait3A_209 : memref<1x6400xf32, #tpu.memory_space<vmem>> -> memref<6400xf32, #tpu.memory_space<vmem>>
      %dma_wait3A_211 = tpu.memref_slice %arg4[%run_scoped3A_21, %add3A_4] : memref<4x1638400xf32, #tpu.memory_space<hbm>> -> memref<1x6400xf32, #tpu.memory_space<hbm>>
      %dma_wait3A_212 = tpu.memref_squeeze %dma_wait3A_211 : memref<1x6400xf32, #tpu.memory_space<hbm>> -> memref<6400xf32, #tpu.memory_space<hbm>>
      %dma_wait3A_213 = tpu.memref_slice %arg4[%run_scoped3A_21, %add3A_4] : memref<4x1638400xf32, #tpu.memory_space<hbm>> -> memref<1x6400xf32, #tpu.memory_space<hbm>>
      %dma_wait3A_214 = tpu.memref_squeeze %dma_wait3A_213 : memref<1x6400xf32, #tpu.memory_space<hbm>> -> memref<6400xf32, #tpu.memory_space<hbm>>
      %dma_wait3A_215 = arith.constant 0 : i32
      %dma_wait3A_216 = tpu.memref_slice %arg7[%run_scoped3A_20, %dma_wait3A_215] : memref<4x6400xf32, #tpu.memory_space<vmem>> -> memref<1x6400xf32, #tpu.memory_space<vmem>>
      %dma_wait3A_217 = tpu.memref_squeeze %dma_wait3A_216 : memref<1x6400xf32, #tpu.memory_space<vmem>> -> memref<6400xf32, #tpu.memory_space<vmem>>
      tpu.wait_dma2 semaphore(%run_scoped3A_197 : memref<!tpu.dma_semaphore, #tpu.memory_space<semaphore_mem>>) src(%dma_wait3A_217 : memref<6400xf32, #tpu.memory_space<vmem>>) dst(%dma_wait3A_214 : memref<6400xf32, #tpu.memory_space<hbm>>)
      tpu.yield
    }) : () -> ()
    %mul3A_22 = arith.constant 51200 : i32
    %mul3A_23 = arith.muli %add3A, %mul3A_22 : i32
    %add3A_24 = arith.constant 6400 : i32
    %add3A_25 = arith.addi %mul3A_23, %add3A_24 : i32
    "tpu.region"() ({
      %run_scoped3A_197 = tpu.sem_alloc : memref<!tpu.dma_semaphore, #tpu.memory_space<semaphore_mem>>
      %dma_start3A_198 = tpu.memref_slice %arg3[%add3A_25] : memref<1638400xi32, #tpu.memory_space<hbm>> -> memref<6400xi32, #tpu.memory_space<hbm>>
      %dma_start3A_199 = tpu.memref_slice %arg3[%add3A_25] : memref<1638400xi32, #tpu.memory_space<hbm>> -> memref<6400xi32, #tpu.memory_space<hbm>>
      tpu.enqueue_dma source(%dma_start3A_199 : memref<6400xi32, #tpu.memory_space<hbm>>) target(%arg5 : memref<6400xi32, #tpu.memory_space<vmem>>) target_semaphore(%run_scoped3A_197 : memref<!tpu.dma_semaphore, #tpu.memory_space<semaphore_mem>>)
      %dma_wait3A_200 = tpu.memref_slice %arg3[%add3A_25] : memref<1638400xi32, #tpu.memory_space<hbm>> -> memref<6400xi32, #tpu.memory_space<hbm>>
      %dma_wait3A_201 = tpu.memref_slice %arg3[%add3A_25] : memref<1638400xi32, #tpu.memory_space<hbm>> -> memref<6400xi32, #tpu.memory_space<hbm>>
      tpu.wait_dma2 semaphore(%run_scoped3A_197 : memref<!tpu.dma_semaphore, #tpu.memory_space<semaphore_mem>>) src(%dma_wait3A_201 : memref<6400xi32, #tpu.memory_space<hbm>>) dst(%arg5 : memref<6400xi32, #tpu.memory_space<vmem>>)
      tpu.yield
    }) : () -> ()
    %dma_start3A_26 = arith.constant 0 : i32
    %dma_start3A_27 = arith.constant 0 : i32
    %dma_start3A_28 = tpu.memref_slice %arg2[%dma_start3A_26, %dma_start3A_27] : memref<102400x8xf32, #tpu.memory_space<hbm>> -> memref<102400x8xf32, #tpu.memory_space<hbm>>
    tpu.enqueue_indirect_dma source(%dma_start3A_28 : memref<102400x8xf32, #tpu.memory_space<hbm>>) target(%arg6 : memref<6400x8xf32, #tpu.memory_space<vmem>>) offsets(%arg5 : memref<6400xi32, #tpu.memory_space<vmem>>) semaphore(%arg8 : memref<!tpu.dma_semaphore, #tpu.memory_space<semaphore_mem>>)
    %dma_wait3A_29 = arith.constant 0 : i32
    %dma_wait3A_30 = arith.constant 0 : i32
    %dma_wait3A_31 = tpu.memref_slice %arg2[%dma_wait3A_29, %dma_wait3A_30] : memref<102400x8xf32, #tpu.memory_space<hbm>> -> memref<102400x8xf32, #tpu.memory_space<hbm>>
    tpu.wait_indirect_dma semaphore(%arg8 : memref<!tpu.dma_semaphore, #tpu.memory_space<semaphore_mem>>) src(%dma_wait3A_31 : memref<102400x8xf32, #tpu.memory_space<hbm>>) dst(%arg6 : memref<6400x8xf32, #tpu.memory_space<vmem>>)
    %scan3A_32 = arith.constant 0 : i32
    %scan3A_33 = arith.constant 0 : i32
    %scan3A_34 = arith.constant 400 : i32
    %scan3A_35 = arith.addi %scan3A_33, %scan3A_34 : i32
    %scan3A_36 = arith.constant 1 : i32
    %scan3A_37 = scf.for %scan3A_197 = %scan3A_33 to %scan3A_35 step %scan3A_36 iter_args(%scan3A_198 = %scan3A_32) -> (i32)  : i32 {
      %mul3A_199 = arith.constant 16 : i32
      %mul3A_200 = arith.muli %scan3A_197, %mul3A_199 : i32
      %add3A_201 = vector.broadcast %mul3A_200 : i32 to vector<16xi32>
      %add3A_202 = arith.addi %iota3A, %add3A_201 : vector<16xi32>
      %broadcast_in_dim3A = arith.constant 0 : i32
      %broadcast_in_dim3A_203 = vector.broadcast %broadcast_in_dim3A : i32 to vector<16xi32>
      %gather3A = tpu.vector_load_idx %arg6[%add3A_202, %broadcast_in_dim3A_203] : memref<6400x8xf32, #tpu.memory_space<vmem>>[vector<16xi32>, vector<16xi32>], vector<16xf32>,
      %mul3A_204 = arith.constant 16 : i32
      %mul3A_205 = arith.muli %scan3A_197, %mul3A_204 : i32
      %swap3A = arith.constant 0 : i32
      %swap3A_206 = arith.index_cast %swap3A : i32 to index
      %swap3A_207 = arith.index_cast %mul3A_205 : i32 to index
      %swap3A_208 = tpu.vector_load %arg7[%swap3A_206, %swap3A_207] {strides = array<i32>} : memref<4x6400xf32, #tpu.memory_space<vmem>>, vector<16xf32>,
      tpu.vector_store %arg7[%swap3A_206, %swap3A_207], %gather3A {strides = array<i32>} : memref<4x6400xf32, #tpu.memory_space<vmem>>, vector<16xf32>,
      %broadcast_in_dim3A_209 = arith.constant 1 : i32
      %broadcast_in_dim3A_210 = vector.broadcast %broadcast_in_dim3A_209 : i32 to vector<16xi32>
      %gather3A_211 = tpu.vector_load_idx %arg6[%add3A_202, %broadcast_in_dim3A_210] : memref<6400x8xf32, #tpu.memory_space<vmem>>[vector<16xi32>, vector<16xi32>], vector<16xf32>,
      %mul3A_212 = arith.constant 16 : i32
      %mul3A_213 = arith.muli %scan3A_197, %mul3A_212 : i32
      %swap3A_214 = arith.constant 1 : i32
      %swap3A_215 = arith.index_cast %swap3A_214 : i32 to index
      %swap3A_216 = arith.index_cast %mul3A_213 : i32 to index
      %swap3A_217 = tpu.vector_load %arg7[%swap3A_215, %swap3A_216] {strides = array<i32>} : memref<4x6400xf32, #tpu.memory_space<vmem>>, vector<16xf32>,
      tpu.vector_store %arg7[%swap3A_215, %swap3A_216], %gather3A_211 {strides = array<i32>} : memref<4x6400xf32, #tpu.memory_space<vmem>>, vector<16xf32>,
      %broadcast_in_dim3A_218 = arith.constant 2 : i32
      %broadcast_in_dim3A_219 = vector.broadcast %broadcast_in_dim3A_218 : i32 to vector<16xi32>
      %gather3A_220 = tpu.vector_load_idx %arg6[%add3A_202, %broadcast_in_dim3A_219] : memref<6400x8xf32, #tpu.memory_space<vmem>>[vector<16xi32>, vector<16xi32>], vector<16xf32>,
      %mul3A_221 = arith.constant 16 : i32
      %mul3A_222 = arith.muli %scan3A_197, %mul3A_221 : i32
      %swap3A_223 = arith.constant 2 : i32
      %swap3A_224 = arith.index_cast %swap3A_223 : i32 to index
      %swap3A_225 = arith.index_cast %mul3A_222 : i32 to index
      %swap3A_226 = tpu.vector_load %arg7[%swap3A_224, %swap3A_225] {strides = array<i32>} : memref<4x6400xf32, #tpu.memory_space<vmem>>, vector<16xf32>,
      tpu.vector_store %arg7[%swap3A_224, %swap3A_225], %gather3A_220 {strides = array<i32>} : memref<4x6400xf32, #tpu.memory_space<vmem>>, vector<16xf32>,
      %broadcast_in_dim3A_227 = arith.constant 3 : i32
      %broadcast_in_dim3A_228 = vector.broadcast %broadcast_in_dim3A_227 : i32 to vector<16xi32>
      %gather3A_229 = tpu.vector_load_idx %arg6[%add3A_202, %broadcast_in_dim3A_228] : memref<6400x8xf32, #tpu.memory_space<vmem>>[vector<16xi32>, vector<16xi32>], vector<16xf32>,
      %mul3A_230 = arith.constant 16 : i32
      %mul3A_231 = arith.muli %scan3A_197, %mul3A_230 : i32
      %swap3A_232 = arith.constant 3 : i32
      %swap3A_233 = arith.index_cast %swap3A_232 : i32 to index
      %swap3A_234 = arith.index_cast %mul3A_231 : i32 to index
      %swap3A_235 = tpu.vector_load %arg7[%swap3A_233, %swap3A_234] {strides = array<i32>} : memref<4x6400xf32, #tpu.memory_space<vmem>>, vector<16xf32>,
      tpu.vector_store %arg7[%swap3A_233, %swap3A_234], %gather3A_229 {strides = array<i32>} : memref<4x6400xf32, #tpu.memory_space<vmem>>, vector<16xf32>,
      %scan3A_236 = arith.constant 0 : i32
      scf.yield %scan3A_236 : i32
    }
    %scan3A_38 = arith.constant 400 : i32
    %run_scoped3A_39 = arith.constant 0 : i32
    %run_scoped3A_40 = arith.constant 0 : i32
    "tpu.region"() ({
      %run_scoped3A_197 = tpu.sem_alloc : memref<!tpu.dma_semaphore, #tpu.memory_space<semaphore_mem>>
      %dma_start3A_198 = arith.constant 0 : i32
      %dma_start3A_199 = tpu.memref_slice %arg7[%run_scoped3A_39, %dma_start3A_198] : memref<4x6400xf32, #tpu.memory_space<vmem>> -> memref<1x6400xf32, #tpu.memory_space<vmem>>
      %dma_start3A_200 = tpu.memref_squeeze %dma_start3A_199 : memref<1x6400xf32, #tpu.memory_space<vmem>> -> memref<6400xf32, #tpu.memory_space<vmem>>
      %dma_start3A_201 = tpu.memref_slice %arg4[%run_scoped3A_40, %add3A_25] : memref<4x1638400xf32, #tpu.memory_space<hbm>> -> memref<1x6400xf32, #tpu.memory_space<hbm>>
      %dma_start3A_202 = tpu.memref_squeeze %dma_start3A_201 : memref<1x6400xf32, #tpu.memory_space<hbm>> -> memref<6400xf32, #tpu.memory_space<hbm>>
      %dma_start3A_203 = tpu.memref_slice %arg4[%run_scoped3A_40, %add3A_25] : memref<4x1638400xf32, #tpu.memory_space<hbm>> -> memref<1x6400xf32, #tpu.memory_space<hbm>>
      %dma_start3A_204 = tpu.memref_squeeze %dma_start3A_203 : memref<1x6400xf32, #tpu.memory_space<hbm>> -> memref<6400xf32, #tpu.memory_space<hbm>>
      %dma_start3A_205 = arith.constant 0 : i32
      %dma_start3A_206 = tpu.memref_slice %arg7[%run_scoped3A_39, %dma_start3A_205] : memref<4x6400xf32, #tpu.memory_space<vmem>> -> memref<1x6400xf32, #tpu.memory_space<vmem>>
      %dma_start3A_207 = tpu.memref_squeeze %dma_start3A_206 : memref<1x6400xf32, #tpu.memory_space<vmem>> -> memref<6400xf32, #tpu.memory_space<vmem>>
      tpu.enqueue_dma source(%dma_start3A_207 : memref<6400xf32, #tpu.memory_space<vmem>>) target(%dma_start3A_204 : memref<6400xf32, #tpu.memory_space<hbm>>) target_semaphore(%run_scoped3A_197 : memref<!tpu.dma_semaphore, #tpu.memory_space<semaphore_mem>>)
      %dma_wait3A_208 = arith.constant 0 : i32
      %dma_wait3A_209 = tpu.memref_slice %arg7[%run_scoped3A_39, %dma_wait3A_208] : memref<4x6400xf32, #tpu.memory_space<vmem>> -> memref<1x6400xf32, #tpu.memory_space<vmem>>
      %dma_wait3A_210 = tpu.memref_squeeze %dma_wait3A_209 : memref<1x6400xf32, #tpu.memory_space<vmem>> -> memref<6400xf32, #tpu.memory_space<vmem>>
      %dma_wait3A_211 = tpu.memref_slice %arg4[%run_scoped3A_40, %add3A_25] : memref<4x1638400xf32, #tpu.memory_space<hbm>> -> memref<1x6400xf32, #tpu.memory_space<hbm>>
      %dma_wait3A_212 = tpu.memref_squeeze %dma_wait3A_211 : memref<1x6400xf32, #tpu.memory_space<hbm>> -> memref<6400xf32, #tpu.memory_space<hbm>>
      %dma_wait3A_213 = tpu.memref_slice %arg4[%run_scoped3A_40, %add3A_25] : memref<4x1638400xf32, #tpu.memory_space<hbm>> -> memref<1x6400xf32, #tpu.memory_space<hbm>>
      %dma_wait3A_214 = tpu.memref_squeeze %dma_wait3A_213 : memref<1x6400xf32, #tpu.memory_space<hbm>> -> memref<6400xf32, #tpu.memory_space<hbm>>
      %dma_wait3A_215 = arith.constant 0 : i32
      %dma_wait3A_216 = tpu.memref_slice %arg7[%run_scoped3A_39, %dma_wait3A_215] : memref<4x6400xf32, #tpu.memory_space<vmem>> -> memref<1x6400xf32, #tpu.memory_space<vmem>>
      %dma_wait3A_217 = tpu.memref_squeeze %dma_wait3A_216 : memref<1x6400xf32, #tpu.memory_space<vmem>> -> memref<6400xf32, #tpu.memory_space<vmem>>
      tpu.wait_dma2 semaphore(%run_scoped3A_197 : memref<!tpu.dma_semaphore, #tpu.memory_space<semaphore_mem>>) src(%dma_wait3A_217 : memref<6400xf32, #tpu.memory_space<vmem>>) dst(%dma_wait3A_214 : memref<6400xf32, #tpu.memory_space<hbm>>)
      tpu.yield
    }) : () -> ()
    %run_scoped3A_41 = arith.constant 1 : i32
    %run_scoped3A_42 = arith.constant 1 : i32
    "tpu.region"() ({
      %run_scoped3A_197 = tpu.sem_alloc : memref<!tpu.dma_semaphore, #tpu.memory_space<semaphore_mem>>
      %dma_start3A_198 = arith.constant 0 : i32
      %dma_start3A_199 = tpu.memref_slice %arg7[%run_scoped3A_41, %dma_start3A_198] : memref<4x6400xf32, #tpu.memory_space<vmem>> -> memref<1x6400xf32, #tpu.memory_space<vmem>>
      %dma_start3A_200 = tpu.memref_squeeze %dma_start3A_199 : memref<1x6400xf32, #tpu.memory_space<vmem>> -> memref<6400xf32, #tpu.memory_space<vmem>>
      %dma_start3A_201 = tpu.memref_slice %arg4[%run_scoped3A_42, %add3A_25] : memref<4x1638400xf32, #tpu.memory_space<hbm>> -> memref<1x6400xf32, #tpu.memory_space<hbm>>
      %dma_start3A_202 = tpu.memref_squeeze %dma_start3A_201 : memref<1x6400xf32, #tpu.memory_space<hbm>> -> memref<6400xf32, #tpu.memory_space<hbm>>
      %dma_start3A_203 = tpu.memref_slice %arg4[%run_scoped3A_42, %add3A_25] : memref<4x1638400xf32, #tpu.memory_space<hbm>> -> memref<1x6400xf32, #tpu.memory_space<hbm>>
      %dma_start3A_204 = tpu.memref_squeeze %dma_start3A_203 : memref<1x6400xf32, #tpu.memory_space<hbm>> -> memref<6400xf32, #tpu.memory_space<hbm>>
      %dma_start3A_205 = arith.constant 0 : i32
      %dma_start3A_206 = tpu.memref_slice %arg7[%run_scoped3A_41, %dma_start3A_205] : memref<4x6400xf32, #tpu.memory_space<vmem>> -> memref<1x6400xf32, #tpu.memory_space<vmem>>
      %dma_start3A_207 = tpu.memref_squeeze %dma_start3A_206 : memref<1x6400xf32, #tpu.memory_space<vmem>> -> memref<6400xf32, #tpu.memory_space<vmem>>
      tpu.enqueue_dma source(%dma_start3A_207 : memref<6400xf32, #tpu.memory_space<vmem>>) target(%dma_start3A_204 : memref<6400xf32, #tpu.memory_space<hbm>>) target_semaphore(%run_scoped3A_197 : memref<!tpu.dma_semaphore, #tpu.memory_space<semaphore_mem>>)
      %dma_wait3A_208 = arith.constant 0 : i32
      %dma_wait3A_209 = tpu.memref_slice %arg7[%run_scoped3A_41, %dma_wait3A_208] : memref<4x6400xf32, #tpu.memory_space<vmem>> -> memref<1x6400xf32, #tpu.memory_space<vmem>>
      %dma_wait3A_210 = tpu.memref_squeeze %dma_wait3A_209 : memref<1x6400xf32, #tpu.memory_space<vmem>> -> memref<6400xf32, #tpu.memory_space<vmem>>
      %dma_wait3A_211 = tpu.memref_slice %arg4[%run_scoped3A_42, %add3A_25] : memref<4x1638400xf32, #tpu.memory_space<hbm>> -> memref<1x6400xf32, #tpu.memory_space<hbm>>
      %dma_wait3A_212 = tpu.memref_squeeze %dma_wait3A_211 : memref<1x6400xf32, #tpu.memory_space<hbm>> -> memref<6400xf32, #tpu.memory_space<hbm>>
      %dma_wait3A_213 = tpu.memref_slice %arg4[%run_scoped3A_42, %add3A_25] : memref<4x1638400xf32, #tpu.memory_space<hbm>> -> memref<1x6400xf32, #tpu.memory_space<hbm>>
      %dma_wait3A_214 = tpu.memref_squeeze %dma_wait3A_213 : memref<1x6400xf32, #tpu.memory_space<hbm>> -> memref<6400xf32, #tpu.memory_space<hbm>>
      %dma_wait3A_215 = arith.constant 0 : i32
      %dma_wait3A_216 = tpu.memref_slice %arg7[%run_scoped3A_41, %dma_wait3A_215] : memref<4x6400xf32, #tpu.memory_space<vmem>> -> memref<1x6400xf32, #tpu.memory_space<vmem>>
      %dma_wait3A_217 = tpu.memref_squeeze %dma_wait3A_216 : memref<1x6400xf32, #tpu.memory_space<vmem>> -> memref<6400xf32, #tpu.memory_space<vmem>>
      tpu.wait_dma2 semaphore(%run_scoped3A_197 : memref<!tpu.dma_semaphore, #tpu.memory_space<semaphore_mem>>) src(%dma_wait3A_217 : memref<6400xf32, #tpu.memory_space<vmem>>) dst(%dma_wait3A_214 : memref<6400xf32, #tpu.memory_space<hbm>>)
      tpu.yield
    }) : () -> ()
    %run_scoped3A_43 = arith.constant 2 : i32
    %run_scoped3A_44 = arith.constant 2 : i32
    "tpu.region"() ({
      %run_scoped3A_197 = tpu.sem_alloc : memref<!tpu.dma_semaphore, #tpu.memory_space<semaphore_mem>>
      %dma_start3A_198 = arith.constant 0 : i32
      %dma_start3A_199 = tpu.memref_slice %arg7[%run_scoped3A_43, %dma_start3A_198] : memref<4x6400xf32, #tpu.memory_space<vmem>> -> memref<1x6400xf32, #tpu.memory_space<vmem>>
      %dma_start3A_200 = tpu.memref_squeeze %dma_start3A_199 : memref<1x6400xf32, #tpu.memory_space<vmem>> -> memref<6400xf32, #tpu.memory_space<vmem>>
      %dma_start3A_201 = tpu.memref_slice %arg4[%run_scoped3A_44, %add3A_25] : memref<4x1638400xf32, #tpu.memory_space<hbm>> -> memref<1x6400xf32, #tpu.memory_space<hbm>>
      %dma_start3A_202 = tpu.memref_squeeze %dma_start3A_201 : memref<1x6400xf32, #tpu.memory_space<hbm>> -> memref<6400xf32, #tpu.memory_space<hbm>>
      %dma_start3A_203 = tpu.memref_slice %arg4[%run_scoped3A_44, %add3A_25] : memref<4x1638400xf32, #tpu.memory_space<hbm>> -> memref<1x6400xf32, #tpu.memory_space<hbm>>
      %dma_start3A_204 = tpu.memref_squeeze %dma_start3A_203 : memref<1x6400xf32, #tpu.memory_space<hbm>> -> memref<6400xf32, #tpu.memory_space<hbm>>
      %dma_start3A_205 = arith.constant 0 : i32
      %dma_start3A_206 = tpu.memref_slice %arg7[%run_scoped3A_43, %dma_start3A_205] : memref<4x6400xf32, #tpu.memory_space<vmem>> -> memref<1x6400xf32, #tpu.memory_space<vmem>>
      %dma_start3A_207 = tpu.memref_squeeze %dma_start3A_206 : memref<1x6400xf32, #tpu.memory_space<vmem>> -> memref<6400xf32, #tpu.memory_space<vmem>>
      tpu.enqueue_dma source(%dma_start3A_207 : memref<6400xf32, #tpu.memory_space<vmem>>) target(%dma_start3A_204 : memref<6400xf32, #tpu.memory_space<hbm>>) target_semaphore(%run_scoped3A_197 : memref<!tpu.dma_semaphore, #tpu.memory_space<semaphore_mem>>)
      %dma_wait3A_208 = arith.constant 0 : i32
      %dma_wait3A_209 = tpu.memref_slice %arg7[%run_scoped3A_43, %dma_wait3A_208] : memref<4x6400xf32, #tpu.memory_space<vmem>> -> memref<1x6400xf32, #tpu.memory_space<vmem>>
      %dma_wait3A_210 = tpu.memref_squeeze %dma_wait3A_209 : memref<1x6400xf32, #tpu.memory_space<vmem>> -> memref<6400xf32, #tpu.memory_space<vmem>>
      %dma_wait3A_211 = tpu.memref_slice %arg4[%run_scoped3A_44, %add3A_25] : memref<4x1638400xf32, #tpu.memory_space<hbm>> -> memref<1x6400xf32, #tpu.memory_space<hbm>>
      %dma_wait3A_212 = tpu.memref_squeeze %dma_wait3A_211 : memref<1x6400xf32, #tpu.memory_space<hbm>> -> memref<6400xf32, #tpu.memory_space<hbm>>
      %dma_wait3A_213 = tpu.memref_slice %arg4[%run_scoped3A_44, %add3A_25] : memref<4x1638400xf32, #tpu.memory_space<hbm>> -> memref<1x6400xf32, #tpu.memory_space<hbm>>
      %dma_wait3A_214 = tpu.memref_squeeze %dma_wait3A_213 : memref<1x6400xf32, #tpu.memory_space<hbm>> -> memref<6400xf32, #tpu.memory_space<hbm>>
      %dma_wait3A_215 = arith.constant 0 : i32
      %dma_wait3A_216 = tpu.memref_slice %arg7[%run_scoped3A_43, %dma_wait3A_215] : memref<4x6400xf32, #tpu.memory_space<vmem>> -> memref<1x6400xf32, #tpu.memory_space<vmem>>
      %dma_wait3A_217 = tpu.memref_squeeze %dma_wait3A_216 : memref<1x6400xf32, #tpu.memory_space<vmem>> -> memref<6400xf32, #tpu.memory_space<vmem>>
      tpu.wait_dma2 semaphore(%run_scoped3A_197 : memref<!tpu.dma_semaphore, #tpu.memory_space<semaphore_mem>>) src(%dma_wait3A_217 : memref<6400xf32, #tpu.memory_space<vmem>>) dst(%dma_wait3A_214 : memref<6400xf32, #tpu.memory_space<hbm>>)
      tpu.yield
    }) : () -> ()
    %run_scoped3A_45 = arith.constant 3 : i32
    %run_scoped3A_46 = arith.constant 3 : i32
    "tpu.region"() ({
      %run_scoped3A_197 = tpu.sem_alloc : memref<!tpu.dma_semaphore, #tpu.memory_space<semaphore_mem>>
      %dma_start3A_198 = arith.constant 0 : i32
      %dma_start3A_199 = tpu.memref_slice %arg7[%run_scoped3A_45, %dma_start3A_198] : memref<4x6400xf32, #tpu.memory_space<vmem>> -> memref<1x6400xf32, #tpu.memory_space<vmem>>
      %dma_start3A_200 = tpu.memref_squeeze %dma_start3A_199 : memref<1x6400xf32, #tpu.memory_space<vmem>> -> memref<6400xf32, #tpu.memory_space<vmem>>
      %dma_start3A_201 = tpu.memref_slice %arg4[%run_scoped3A_46, %add3A_25] : memref<4x1638400xf32, #tpu.memory_space<hbm>> -> memref<1x6400xf32, #tpu.memory_space<hbm>>
      %dma_start3A_202 = tpu.memref_squeeze %dma_start3A_201 : memref<1x6400xf32, #tpu.memory_space<hbm>> -> memref<6400xf32, #tpu.memory_space<hbm>>
      %dma_start3A_203 = tpu.memref_slice %arg4[%run_scoped3A_46, %add3A_25] : memref<4x1638400xf32, #tpu.memory_space<hbm>> -> memref<1x6400xf32, #tpu.memory_space<hbm>>
      %dma_start3A_204 = tpu.memref_squeeze %dma_start3A_203 : memref<1x6400xf32, #tpu.memory_space<hbm>> -> memref<6400xf32, #tpu.memory_space<hbm>>
      %dma_start3A_205 = arith.constant 0 : i32
      %dma_start3A_206 = tpu.memref_slice %arg7[%run_scoped3A_45, %dma_start3A_205] : memref<4x6400xf32, #tpu.memory_space<vmem>> -> memref<1x6400xf32, #tpu.memory_space<vmem>>
      %dma_start3A_207 = tpu.memref_squeeze %dma_start3A_206 : memref<1x6400xf32, #tpu.memory_space<vmem>> -> memref<6400xf32, #tpu.memory_space<vmem>>
      tpu.enqueue_dma source(%dma_start3A_207 : memref<6400xf32, #tpu.memory_space<vmem>>) target(%dma_start3A_204 : memref<6400xf32, #tpu.memory_space<hbm>>) target_semaphore(%run_scoped3A_197 : memref<!tpu.dma_semaphore, #tpu.memory_space<semaphore_mem>>)
      %dma_wait3A_208 = arith.constant 0 : i32
      %dma_wait3A_209 = tpu.memref_slice %arg7[%run_scoped3A_45, %dma_wait3A_208] : memref<4x6400xf32, #tpu.memory_space<vmem>> -> memref<1x6400xf32, #tpu.memory_space<vmem>>
      %dma_wait3A_210 = tpu.memref_squeeze %dma_wait3A_209 : memref<1x6400xf32, #tpu.memory_space<vmem>> -> memref<6400xf32, #tpu.memory_space<vmem>>
      %dma_wait3A_211 = tpu.memref_slice %arg4[%run_scoped3A_46, %add3A_25] : memref<4x1638400xf32, #tpu.memory_space<hbm>> -> memref<1x6400xf32, #tpu.memory_space<hbm>>
      %dma_wait3A_212 = tpu.memref_squeeze %dma_wait3A_211 : memref<1x6400xf32, #tpu.memory_space<hbm>> -> memref<6400xf32, #tpu.memory_space<hbm>>
      %dma_wait3A_213 = tpu.memref_slice %arg4[%run_scoped3A_46, %add3A_25] : memref<4x1638400xf32, #tpu.memory_space<hbm>> -> memref<1x6400xf32, #tpu.memory_space<hbm>>
      %dma_wait3A_214 = tpu.memref_squeeze %dma_wait3A_213 : memref<1x6400xf32, #tpu.memory_space<hbm>> -> memref<6400xf32, #tpu.memory_space<hbm>>
      %dma_wait3A_215 = arith.constant 0 : i32
      %dma_wait3A_216 = tpu.memref_slice %arg7[%run_scoped3A_45, %dma_wait3A_215] : memref<4x6400xf32, #tpu.memory_space<vmem>> -> memref<1x6400xf32, #tpu.memory_space<vmem>>
      %dma_wait3A_217 = tpu.memref_squeeze %dma_wait3A_216 : memref<1x6400xf32, #tpu.memory_space<vmem>> -> memref<6400xf32, #tpu.memory_space<vmem>>
      tpu.wait_dma2 semaphore(%run_scoped3A_197 : memref<!tpu.dma_semaphore, #tpu.memory_space<semaphore_mem>>) src(%dma_wait3A_217 : memref<6400xf32, #tpu.memory_space<vmem>>) dst(%dma_wait3A_214 : memref<6400xf32, #tpu.memory_space<hbm>>)
      tpu.yield
    }) : () -> ()
    %mul3A_47 = arith.constant 51200 : i32
    %mul3A_48 = arith.muli %add3A, %mul3A_47 : i32
    %add3A_49 = arith.constant 12800 : i32
    %add3A_50 = arith.addi %mul3A_48, %add3A_49 : i32
    "tpu.region"() ({
      %run_scoped3A_197 = tpu.sem_alloc : memref<!tpu.dma_semaphore, #tpu.memory_space<semaphore_mem>>
      %dma_start3A_198 = tpu.memref_slice %arg3[%add3A_50] : memref<1638400xi32, #tpu.memory_space<hbm>> -> memref<6400xi32, #tpu.memory_space<hbm>>
      %dma_start3A_199 = tpu.memref_slice %arg3[%add3A_50] : memref<1638400xi32, #tpu.memory_space<hbm>> -> memref<6400xi32, #tpu.memory_space<hbm>>
      tpu.enqueue_dma source(%dma_start3A_199 : memref<6400xi32, #tpu.memory_space<hbm>>) target(%arg5 : memref<6400xi32, #tpu.memory_space<vmem>>) target_semaphore(%run_scoped3A_197 : memref<!tpu.dma_semaphore, #tpu.memory_space<semaphore_mem>>)
      %dma_wait3A_200 = tpu.memref_slice %arg3[%add3A_50] : memref<1638400xi32, #tpu.memory_space<hbm>> -> memref<6400xi32, #tpu.memory_space<hbm>>
      %dma_wait3A_201 = tpu.memref_slice %arg3[%add3A_50] : memref<1638400xi32, #tpu.memory_space<hbm>> -> memref<6400xi32, #tpu.memory_space<hbm>>
      tpu.wait_dma2 semaphore(%run_scoped3A_197 : memref<!tpu.dma_semaphore, #tpu.memory_space<semaphore_mem>>) src(%dma_wait3A_201 : memref<6400xi32, #tpu.memory_space<hbm>>) dst(%arg5 : memref<6400xi32, #tpu.memory_space<vmem>>)
      tpu.yield
    }) : () -> ()
    %dma_start3A_51 = arith.constant 0 : i32
    %dma_start3A_52 = arith.constant 0 : i32
    %dma_start3A_53 = tpu.memref_slice %arg2[%dma_start3A_51, %dma_start3A_52] : memref<102400x8xf32, #tpu.memory_space<hbm>> -> memref<102400x8xf32, #tpu.memory_space<hbm>>
    tpu.enqueue_indirect_dma source(%dma_start3A_53 : memref<102400x8xf32, #tpu.memory_space<hbm>>) target(%arg6 : memref<6400x8xf32, #tpu.memory_space<vmem>>) offsets(%arg5 : memref<6400xi32, #tpu.memory_space<vmem>>) semaphore(%arg8 : memref<!tpu.dma_semaphore, #tpu.memory_space<semaphore_mem>>)
    %dma_wait3A_54 = arith.constant 0 : i32
    %dma_wait3A_55 = arith.constant 0 : i32
    %dma_wait3A_56 = tpu.memref_slice %arg2[%dma_wait3A_54, %dma_wait3A_55] : memref<102400x8xf32, #tpu.memory_space<hbm>> -> memref<102400x8xf32, #tpu.memory_space<hbm>>
    tpu.wait_indirect_dma semaphore(%arg8 : memref<!tpu.dma_semaphore, #tpu.memory_space<semaphore_mem>>) src(%dma_wait3A_56 : memref<102400x8xf32, #tpu.memory_space<hbm>>) dst(%arg6 : memref<6400x8xf32, #tpu.memory_space<vmem>>)
    %scan3A_57 = arith.constant 0 : i32
    %scan3A_58 = arith.constant 0 : i32
    %scan3A_59 = arith.constant 400 : i32
    %scan3A_60 = arith.addi %scan3A_58, %scan3A_59 : i32
    %scan3A_61 = arith.constant 1 : i32
    %scan3A_62 = scf.for %scan3A_197 = %scan3A_58 to %scan3A_60 step %scan3A_61 iter_args(%scan3A_198 = %scan3A_57) -> (i32)  : i32 {
      %mul3A_199 = arith.constant 16 : i32
      %mul3A_200 = arith.muli %scan3A_197, %mul3A_199 : i32
      %add3A_201 = vector.broadcast %mul3A_200 : i32 to vector<16xi32>
      %add3A_202 = arith.addi %iota3A, %add3A_201 : vector<16xi32>
      %broadcast_in_dim3A = arith.constant 0 : i32
      %broadcast_in_dim3A_203 = vector.broadcast %broadcast_in_dim3A : i32 to vector<16xi32>
      %gather3A = tpu.vector_load_idx %arg6[%add3A_202, %broadcast_in_dim3A_203] : memref<6400x8xf32, #tpu.memory_space<vmem>>[vector<16xi32>, vector<16xi32>], vector<16xf32>,
      %mul3A_204 = arith.constant 16 : i32
      %mul3A_205 = arith.muli %scan3A_197, %mul3A_204 : i32
      %swap3A = arith.constant 0 : i32
      %swap3A_206 = arith.index_cast %swap3A : i32 to index
      %swap3A_207 = arith.index_cast %mul3A_205 : i32 to index
      %swap3A_208 = tpu.vector_load %arg7[%swap3A_206, %swap3A_207] {strides = array<i32>} : memref<4x6400xf32, #tpu.memory_space<vmem>>, vector<16xf32>,
      tpu.vector_store %arg7[%swap3A_206, %swap3A_207], %gather3A {strides = array<i32>} : memref<4x6400xf32, #tpu.memory_space<vmem>>, vector<16xf32>,
      %broadcast_in_dim3A_209 = arith.constant 1 : i32
      %broadcast_in_dim3A_210 = vector.broadcast %broadcast_in_dim3A_209 : i32 to vector<16xi32>
      %gather3A_211 = tpu.vector_load_idx %arg6[%add3A_202, %broadcast_in_dim3A_210] : memref<6400x8xf32, #tpu.memory_space<vmem>>[vector<16xi32>, vector<16xi32>], vector<16xf32>,
      %mul3A_212 = arith.constant 16 : i32
      %mul3A_213 = arith.muli %scan3A_197, %mul3A_212 : i32
      %swap3A_214 = arith.constant 1 : i32
      %swap3A_215 = arith.index_cast %swap3A_214 : i32 to index
      %swap3A_216 = arith.index_cast %mul3A_213 : i32 to index
      %swap3A_217 = tpu.vector_load %arg7[%swap3A_215, %swap3A_216] {strides = array<i32>} : memref<4x6400xf32, #tpu.memory_space<vmem>>, vector<16xf32>,
      tpu.vector_store %arg7[%swap3A_215, %swap3A_216], %gather3A_211 {strides = array<i32>} : memref<4x6400xf32, #tpu.memory_space<vmem>>, vector<16xf32>,
      %broadcast_in_dim3A_218 = arith.constant 2 : i32
      %broadcast_in_dim3A_219 = vector.broadcast %broadcast_in_dim3A_218 : i32 to vector<16xi32>
      %gather3A_220 = tpu.vector_load_idx %arg6[%add3A_202, %broadcast_in_dim3A_219] : memref<6400x8xf32, #tpu.memory_space<vmem>>[vector<16xi32>, vector<16xi32>], vector<16xf32>,
      %mul3A_221 = arith.constant 16 : i32
      %mul3A_222 = arith.muli %scan3A_197, %mul3A_221 : i32
      %swap3A_223 = arith.constant 2 : i32
      %swap3A_224 = arith.index_cast %swap3A_223 : i32 to index
      %swap3A_225 = arith.index_cast %mul3A_222 : i32 to index
      %swap3A_226 = tpu.vector_load %arg7[%swap3A_224, %swap3A_225] {strides = array<i32>} : memref<4x6400xf32, #tpu.memory_space<vmem>>, vector<16xf32>,
      tpu.vector_store %arg7[%swap3A_224, %swap3A_225], %gather3A_220 {strides = array<i32>} : memref<4x6400xf32, #tpu.memory_space<vmem>>, vector<16xf32>,
      %broadcast_in_dim3A_227 = arith.constant 3 : i32
      %broadcast_in_dim3A_228 = vector.broadcast %broadcast_in_dim3A_227 : i32 to vector<16xi32>
      %gather3A_229 = tpu.vector_load_idx %arg6[%add3A_202, %broadcast_in_dim3A_228] : memref<6400x8xf32, #tpu.memory_space<vmem>>[vector<16xi32>, vector<16xi32>], vector<16xf32>,
      %mul3A_230 = arith.constant 16 : i32
      %mul3A_231 = arith.muli %scan3A_197, %mul3A_230 : i32
      %swap3A_232 = arith.constant 3 : i32
      %swap3A_233 = arith.index_cast %swap3A_232 : i32 to index
      %swap3A_234 = arith.index_cast %mul3A_231 : i32 to index
      %swap3A_235 = tpu.vector_load %arg7[%swap3A_233, %swap3A_234] {strides = array<i32>} : memref<4x6400xf32, #tpu.memory_space<vmem>>, vector<16xf32>,
      tpu.vector_store %arg7[%swap3A_233, %swap3A_234], %gather3A_229 {strides = array<i32>} : memref<4x6400xf32, #tpu.memory_space<vmem>>, vector<16xf32>,
      %scan3A_236 = arith.constant 0 : i32
      scf.yield %scan3A_236 : i32
    }
    %scan3A_63 = arith.constant 400 : i32
    %run_scoped3A_64 = arith.constant 0 : i32
    %run_scoped3A_65 = arith.constant 0 : i32
    "tpu.region"() ({
      %run_scoped3A_197 = tpu.sem_alloc : memref<!tpu.dma_semaphore, #tpu.memory_space<semaphore_mem>>
      %dma_start3A_198 = arith.constant 0 : i32
      %dma_start3A_199 = tpu.memref_slice %arg7[%run_scoped3A_64, %dma_start3A_198] : memref<4x6400xf32, #tpu.memory_space<vmem>> -> memref<1x6400xf32, #tpu.memory_space<vmem>>
      %dma_start3A_200 = tpu.memref_squeeze %dma_start3A_199 : memref<1x6400xf32, #tpu.memory_space<vmem>> -> memref<6400xf32, #tpu.memory_space<vmem>>
      %dma_start3A_201 = tpu.memref_slice %arg4[%run_scoped3A_65, %add3A_50] : memref<4x1638400xf32, #tpu.memory_space<hbm>> -> memref<1x6400xf32, #tpu.memory_space<hbm>>
      %dma_start3A_202 = tpu.memref_squeeze %dma_start3A_201 : memref<1x6400xf32, #tpu.memory_space<hbm>> -> memref<6400xf32, #tpu.memory_space<hbm>>
      %dma_start3A_203 = tpu.memref_slice %arg4[%run_scoped3A_65, %add3A_50] : memref<4x1638400xf32, #tpu.memory_space<hbm>> -> memref<1x6400xf32, #tpu.memory_space<hbm>>
      %dma_start3A_204 = tpu.memref_squeeze %dma_start3A_203 : memref<1x6400xf32, #tpu.memory_space<hbm>> -> memref<6400xf32, #tpu.memory_space<hbm>>
      %dma_start3A_205 = arith.constant 0 : i32
      %dma_start3A_206 = tpu.memref_slice %arg7[%run_scoped3A_64, %dma_start3A_205] : memref<4x6400xf32, #tpu.memory_space<vmem>> -> memref<1x6400xf32, #tpu.memory_space<vmem>>
      %dma_start3A_207 = tpu.memref_squeeze %dma_start3A_206 : memref<1x6400xf32, #tpu.memory_space<vmem>> -> memref<6400xf32, #tpu.memory_space<vmem>>
      tpu.enqueue_dma source(%dma_start3A_207 : memref<6400xf32, #tpu.memory_space<vmem>>) target(%dma_start3A_204 : memref<6400xf32, #tpu.memory_space<hbm>>) target_semaphore(%run_scoped3A_197 : memref<!tpu.dma_semaphore, #tpu.memory_space<semaphore_mem>>)
      %dma_wait3A_208 = arith.constant 0 : i32
      %dma_wait3A_209 = tpu.memref_slice %arg7[%run_scoped3A_64, %dma_wait3A_208] : memref<4x6400xf32, #tpu.memory_space<vmem>> -> memref<1x6400xf32, #tpu.memory_space<vmem>>
      %dma_wait3A_210 = tpu.memref_squeeze %dma_wait3A_209 : memref<1x6400xf32, #tpu.memory_space<vmem>> -> memref<6400xf32, #tpu.memory_space<vmem>>
      %dma_wait3A_211 = tpu.memref_slice %arg4[%run_scoped3A_65, %add3A_50] : memref<4x1638400xf32, #tpu.memory_space<hbm>> -> memref<1x6400xf32, #tpu.memory_space<hbm>>
      %dma_wait3A_212 = tpu.memref_squeeze %dma_wait3A_211 : memref<1x6400xf32, #tpu.memory_space<hbm>> -> memref<6400xf32, #tpu.memory_space<hbm>>
      %dma_wait3A_213 = tpu.memref_slice %arg4[%run_scoped3A_65, %add3A_50] : memref<4x1638400xf32, #tpu.memory_space<hbm>> -> memref<1x6400xf32, #tpu.memory_space<hbm>>
      %dma_wait3A_214 = tpu.memref_squeeze %dma_wait3A_213 : memref<1x6400xf32, #tpu.memory_space<hbm>> -> memref<6400xf32, #tpu.memory_space<hbm>>
      %dma_wait3A_215 = arith.constant 0 : i32
      %dma_wait3A_216 = tpu.memref_slice %arg7[%run_scoped3A_64, %dma_wait3A_215] : memref<4x6400xf32, #tpu.memory_space<vmem>> -> memref<1x6400xf32, #tpu.memory_space<vmem>>
      %dma_wait3A_217 = tpu.memref_squeeze %dma_wait3A_216 : memref<1x6400xf32, #tpu.memory_space<vmem>> -> memref<6400xf32, #tpu.memory_space<vmem>>
      tpu.wait_dma2 semaphore(%run_scoped3A_197 : memref<!tpu.dma_semaphore, #tpu.memory_space<semaphore_mem>>) src(%dma_wait3A_217 : memref<6400xf32, #tpu.memory_space<vmem>>) dst(%dma_wait3A_214 : memref<6400xf32, #tpu.memory_space<hbm>>)
      tpu.yield
    }) : () -> ()
    %run_scoped3A_66 = arith.constant 1 : i32
    %run_scoped3A_67 = arith.constant 1 : i32
    "tpu.region"() ({
      %run_scoped3A_197 = tpu.sem_alloc : memref<!tpu.dma_semaphore, #tpu.memory_space<semaphore_mem>>
      %dma_start3A_198 = arith.constant 0 : i32
      %dma_start3A_199 = tpu.memref_slice %arg7[%run_scoped3A_66, %dma_start3A_198] : memref<4x6400xf32, #tpu.memory_space<vmem>> -> memref<1x6400xf32, #tpu.memory_space<vmem>>
      %dma_start3A_200 = tpu.memref_squeeze %dma_start3A_199 : memref<1x6400xf32, #tpu.memory_space<vmem>> -> memref<6400xf32, #tpu.memory_space<vmem>>
      %dma_start3A_201 = tpu.memref_slice %arg4[%run_scoped3A_67, %add3A_50] : memref<4x1638400xf32, #tpu.memory_space<hbm>> -> memref<1x6400xf32, #tpu.memory_space<hbm>>
      %dma_start3A_202 = tpu.memref_squeeze %dma_start3A_201 : memref<1x6400xf32, #tpu.memory_space<hbm>> -> memref<6400xf32, #tpu.memory_space<hbm>>
      %dma_start3A_203 = tpu.memref_slice %arg4[%run_scoped3A_67, %add3A_50] : memref<4x1638400xf32, #tpu.memory_space<hbm>> -> memref<1x6400xf32, #tpu.memory_space<hbm>>
      %dma_start3A_204 = tpu.memref_squeeze %dma_start3A_203 : memref<1x6400xf32, #tpu.memory_space<hbm>> -> memref<6400xf32, #tpu.memory_space<hbm>>
      %dma_start3A_205 = arith.constant 0 : i32
      %dma_start3A_206 = tpu.memref_slice %arg7[%run_scoped3A_66, %dma_start3A_205] : memref<4x6400xf32, #tpu.memory_space<vmem>> -> memref<1x6400xf32, #tpu.memory_space<vmem>>
      %dma_start3A_207 = tpu.memref_squeeze %dma_start3A_206 : memref<1x6400xf32, #tpu.memory_space<vmem>> -> memref<6400xf32, #tpu.memory_space<vmem>>
      tpu.enqueue_dma source(%dma_start3A_207 : memref<6400xf32, #tpu.memory_space<vmem>>) target(%dma_start3A_204 : memref<6400xf32, #tpu.memory_space<hbm>>) target_semaphore(%run_scoped3A_197 : memref<!tpu.dma_semaphore, #tpu.memory_space<semaphore_mem>>)
      %dma_wait3A_208 = arith.constant 0 : i32
      %dma_wait3A_209 = tpu.memref_slice %arg7[%run_scoped3A_66, %dma_wait3A_208] : memref<4x6400xf32, #tpu.memory_space<vmem>> -> memref<1x6400xf32, #tpu.memory_space<vmem>>
      %dma_wait3A_210 = tpu.memref_squeeze %dma_wait3A_209 : memref<1x6400xf32, #tpu.memory_space<vmem>> -> memref<6400xf32, #tpu.memory_space<vmem>>
      %dma_wait3A_211 = tpu.memref_slice %arg4[%run_scoped3A_67, %add3A_50] : memref<4x1638400xf32, #tpu.memory_space<hbm>> -> memref<1x6400xf32, #tpu.memory_space<hbm>>
      %dma_wait3A_212 = tpu.memref_squeeze %dma_wait3A_211 : memref<1x6400xf32, #tpu.memory_space<hbm>> -> memref<6400xf32, #tpu.memory_space<hbm>>
      %dma_wait3A_213 = tpu.memref_slice %arg4[%run_scoped3A_67, %add3A_50] : memref<4x1638400xf32, #tpu.memory_space<hbm>> -> memref<1x6400xf32, #tpu.memory_space<hbm>>
      %dma_wait3A_214 = tpu.memref_squeeze %dma_wait3A_213 : memref<1x6400xf32, #tpu.memory_space<hbm>> -> memref<6400xf32, #tpu.memory_space<hbm>>
      %dma_wait3A_215 = arith.constant 0 : i32
      %dma_wait3A_216 = tpu.memref_slice %arg7[%run_scoped3A_66, %dma_wait3A_215] : memref<4x6400xf32, #tpu.memory_space<vmem>> -> memref<1x6400xf32, #tpu.memory_space<vmem>>
      %dma_wait3A_217 = tpu.memref_squeeze %dma_wait3A_216 : memref<1x6400xf32, #tpu.memory_space<vmem>> -> memref<6400xf32, #tpu.memory_space<vmem>>
      tpu.wait_dma2 semaphore(%run_scoped3A_197 : memref<!tpu.dma_semaphore, #tpu.memory_space<semaphore_mem>>) src(%dma_wait3A_217 : memref<6400xf32, #tpu.memory_space<vmem>>) dst(%dma_wait3A_214 : memref<6400xf32, #tpu.memory_space<hbm>>)
      tpu.yield
    }) : () -> ()
    %run_scoped3A_68 = arith.constant 2 : i32
    %run_scoped3A_69 = arith.constant 2 : i32
    "tpu.region"() ({
      %run_scoped3A_197 = tpu.sem_alloc : memref<!tpu.dma_semaphore, #tpu.memory_space<semaphore_mem>>
      %dma_start3A_198 = arith.constant 0 : i32
      %dma_start3A_199 = tpu.memref_slice %arg7[%run_scoped3A_68, %dma_start3A_198] : memref<4x6400xf32, #tpu.memory_space<vmem>> -> memref<1x6400xf32, #tpu.memory_space<vmem>>
      %dma_start3A_200 = tpu.memref_squeeze %dma_start3A_199 : memref<1x6400xf32, #tpu.memory_space<vmem>> -> memref<6400xf32, #tpu.memory_space<vmem>>
      %dma_start3A_201 = tpu.memref_slice %arg4[%run_scoped3A_69, %add3A_50] : memref<4x1638400xf32, #tpu.memory_space<hbm>> -> memref<1x6400xf32, #tpu.memory_space<hbm>>
      %dma_start3A_202 = tpu.memref_squeeze %dma_start3A_201 : memref<1x6400xf32, #tpu.memory_space<hbm>> -> memref<6400xf32, #tpu.memory_space<hbm>>
      %dma_start3A_203 = tpu.memref_slice %arg4[%run_scoped3A_69, %add3A_50] : memref<4x1638400xf32, #tpu.memory_space<hbm>> -> memref<1x6400xf32, #tpu.memory_space<hbm>>
      %dma_start3A_204 = tpu.memref_squeeze %dma_start3A_203 : memref<1x6400xf32, #tpu.memory_space<hbm>> -> memref<6400xf32, #tpu.memory_space<hbm>>
      %dma_start3A_205 = arith.constant 0 : i32
      %dma_start3A_206 = tpu.memref_slice %arg7[%run_scoped3A_68, %dma_start3A_205] : memref<4x6400xf32, #tpu.memory_space<vmem>> -> memref<1x6400xf32, #tpu.memory_space<vmem>>
      %dma_start3A_207 = tpu.memref_squeeze %dma_start3A_206 : memref<1x6400xf32, #tpu.memory_space<vmem>> -> memref<6400xf32, #tpu.memory_space<vmem>>
      tpu.enqueue_dma source(%dma_start3A_207 : memref<6400xf32, #tpu.memory_space<vmem>>) target(%dma_start3A_204 : memref<6400xf32, #tpu.memory_space<hbm>>) target_semaphore(%run_scoped3A_197 : memref<!tpu.dma_semaphore, #tpu.memory_space<semaphore_mem>>)
      %dma_wait3A_208 = arith.constant 0 : i32
      %dma_wait3A_209 = tpu.memref_slice %arg7[%run_scoped3A_68, %dma_wait3A_208] : memref<4x6400xf32, #tpu.memory_space<vmem>> -> memref<1x6400xf32, #tpu.memory_space<vmem>>
      %dma_wait3A_210 = tpu.memref_squeeze %dma_wait3A_209 : memref<1x6400xf32, #tpu.memory_space<vmem>> -> memref<6400xf32, #tpu.memory_space<vmem>>
      %dma_wait3A_211 = tpu.memref_slice %arg4[%run_scoped3A_69, %add3A_50] : memref<4x1638400xf32, #tpu.memory_space<hbm>> -> memref<1x6400xf32, #tpu.memory_space<hbm>>
      %dma_wait3A_212 = tpu.memref_squeeze %dma_wait3A_211 : memref<1x6400xf32, #tpu.memory_space<hbm>> -> memref<6400xf32, #tpu.memory_space<hbm>>
      %dma_wait3A_213 = tpu.memref_slice %arg4[%run_scoped3A_69, %add3A_50] : memref<4x1638400xf32, #tpu.memory_space<hbm>> -> memref<1x6400xf32, #tpu.memory_space<hbm>>
      %dma_wait3A_214 = tpu.memref_squeeze %dma_wait3A_213 : memref<1x6400xf32, #tpu.memory_space<hbm>> -> memref<6400xf32, #tpu.memory_space<hbm>>
      %dma_wait3A_215 = arith.constant 0 : i32
      %dma_wait3A_216 = tpu.memref_slice %arg7[%run_scoped3A_68, %dma_wait3A_215] : memref<4x6400xf32, #tpu.memory_space<vmem>> -> memref<1x6400xf32, #tpu.memory_space<vmem>>
      %dma_wait3A_217 = tpu.memref_squeeze %dma_wait3A_216 : memref<1x6400xf32, #tpu.memory_space<vmem>> -> memref<6400xf32, #tpu.memory_space<vmem>>
      tpu.wait_dma2 semaphore(%run_scoped3A_197 : memref<!tpu.dma_semaphore, #tpu.memory_space<semaphore_mem>>) src(%dma_wait3A_217 : memref<6400xf32, #tpu.memory_space<vmem>>) dst(%dma_wait3A_214 : memref<6400xf32, #tpu.memory_space<hbm>>)
      tpu.yield
    }) : () -> ()
    %run_scoped3A_70 = arith.constant 3 : i32
    %run_scoped3A_71 = arith.constant 3 : i32
    "tpu.region"() ({
      %run_scoped3A_197 = tpu.sem_alloc : memref<!tpu.dma_semaphore, #tpu.memory_space<semaphore_mem>>
      %dma_start3A_198 = arith.constant 0 : i32
      %dma_start3A_199 = tpu.memref_slice %arg7[%run_scoped3A_70, %dma_start3A_198] : memref<4x6400xf32, #tpu.memory_space<vmem>> -> memref<1x6400xf32, #tpu.memory_space<vmem>>
      %dma_start3A_200 = tpu.memref_squeeze %dma_start3A_199 : memref<1x6400xf32, #tpu.memory_space<vmem>> -> memref<6400xf32, #tpu.memory_space<vmem>>
      %dma_start3A_201 = tpu.memref_slice %arg4[%run_scoped3A_71, %add3A_50] : memref<4x1638400xf32, #tpu.memory_space<hbm>> -> memref<1x6400xf32, #tpu.memory_space<hbm>>
      %dma_start3A_202 = tpu.memref_squeeze %dma_start3A_201 : memref<1x6400xf32, #tpu.memory_space<hbm>> -> memref<6400xf32, #tpu.memory_space<hbm>>
      %dma_start3A_203 = tpu.memref_slice %arg4[%run_scoped3A_71, %add3A_50] : memref<4x1638400xf32, #tpu.memory_space<hbm>> -> memref<1x6400xf32, #tpu.memory_space<hbm>>
      %dma_start3A_204 = tpu.memref_squeeze %dma_start3A_203 : memref<1x6400xf32, #tpu.memory_space<hbm>> -> memref<6400xf32, #tpu.memory_space<hbm>>
      %dma_start3A_205 = arith.constant 0 : i32
      %dma_start3A_206 = tpu.memref_slice %arg7[%run_scoped3A_70, %dma_start3A_205] : memref<4x6400xf32, #tpu.memory_space<vmem>> -> memref<1x6400xf32, #tpu.memory_space<vmem>>
      %dma_start3A_207 = tpu.memref_squeeze %dma_start3A_206 : memref<1x6400xf32, #tpu.memory_space<vmem>> -> memref<6400xf32, #tpu.memory_space<vmem>>
      tpu.enqueue_dma source(%dma_start3A_207 : memref<6400xf32, #tpu.memory_space<vmem>>) target(%dma_start3A_204 : memref<6400xf32, #tpu.memory_space<hbm>>) target_semaphore(%run_scoped3A_197 : memref<!tpu.dma_semaphore, #tpu.memory_space<semaphore_mem>>)
      %dma_wait3A_208 = arith.constant 0 : i32
      %dma_wait3A_209 = tpu.memref_slice %arg7[%run_scoped3A_70, %dma_wait3A_208] : memref<4x6400xf32, #tpu.memory_space<vmem>> -> memref<1x6400xf32, #tpu.memory_space<vmem>>
      %dma_wait3A_210 = tpu.memref_squeeze %dma_wait3A_209 : memref<1x6400xf32, #tpu.memory_space<vmem>> -> memref<6400xf32, #tpu.memory_space<vmem>>
      %dma_wait3A_211 = tpu.memref_slice %arg4[%run_scoped3A_71, %add3A_50] : memref<4x1638400xf32, #tpu.memory_space<hbm>> -> memref<1x6400xf32, #tpu.memory_space<hbm>>
      %dma_wait3A_212 = tpu.memref_squeeze %dma_wait3A_211 : memref<1x6400xf32, #tpu.memory_space<hbm>> -> memref<6400xf32, #tpu.memory_space<hbm>>
      %dma_wait3A_213 = tpu.memref_slice %arg4[%run_scoped3A_71, %add3A_50] : memref<4x1638400xf32, #tpu.memory_space<hbm>> -> memref<1x6400xf32, #tpu.memory_space<hbm>>
      %dma_wait3A_214 = tpu.memref_squeeze %dma_wait3A_213 : memref<1x6400xf32, #tpu.memory_space<hbm>> -> memref<6400xf32, #tpu.memory_space<hbm>>
      %dma_wait3A_215 = arith.constant 0 : i32
      %dma_wait3A_216 = tpu.memref_slice %arg7[%run_scoped3A_70, %dma_wait3A_215] : memref<4x6400xf32, #tpu.memory_space<vmem>> -> memref<1x6400xf32, #tpu.memory_space<vmem>>
      %dma_wait3A_217 = tpu.memref_squeeze %dma_wait3A_216 : memref<1x6400xf32, #tpu.memory_space<vmem>> -> memref<6400xf32, #tpu.memory_space<vmem>>
      tpu.wait_dma2 semaphore(%run_scoped3A_197 : memref<!tpu.dma_semaphore, #tpu.memory_space<semaphore_mem>>) src(%dma_wait3A_217 : memref<6400xf32, #tpu.memory_space<vmem>>) dst(%dma_wait3A_214 : memref<6400xf32, #tpu.memory_space<hbm>>)
      tpu.yield
    }) : () -> ()
    %mul3A_72 = arith.constant 51200 : i32
    %mul3A_73 = arith.muli %add3A, %mul3A_72 : i32
    %add3A_74 = arith.constant 19200 : i32
    %add3A_75 = arith.addi %mul3A_73, %add3A_74 : i32
    "tpu.region"() ({
      %run_scoped3A_197 = tpu.sem_alloc : memref<!tpu.dma_semaphore, #tpu.memory_space<semaphore_mem>>
      %dma_start3A_198 = tpu.memref_slice %arg3[%add3A_75] : memref<1638400xi32, #tpu.memory_space<hbm>> -> memref<6400xi32, #tpu.memory_space<hbm>>
      %dma_start3A_199 = tpu.memref_slice %arg3[%add3A_75] : memref<1638400xi32, #tpu.memory_space<hbm>> -> memref<6400xi32, #tpu.memory_space<hbm>>
      tpu.enqueue_dma source(%dma_start3A_199 : memref<6400xi32, #tpu.memory_space<hbm>>) target(%arg5 : memref<6400xi32, #tpu.memory_space<vmem>>) target_semaphore(%run_scoped3A_197 : memref<!tpu.dma_semaphore, #tpu.memory_space<semaphore_mem>>)
      %dma_wait3A_200 = tpu.memref_slice %arg3[%add3A_75] : memref<1638400xi32, #tpu.memory_space<hbm>> -> memref<6400xi32, #tpu.memory_space<hbm>>
      %dma_wait3A_201 = tpu.memref_slice %arg3[%add3A_75] : memref<1638400xi32, #tpu.memory_space<hbm>> -> memref<6400xi32, #tpu.memory_space<hbm>>
      tpu.wait_dma2 semaphore(%run_scoped3A_197 : memref<!tpu.dma_semaphore, #tpu.memory_space<semaphore_mem>>) src(%dma_wait3A_201 : memref<6400xi32, #tpu.memory_space<hbm>>) dst(%arg5 : memref<6400xi32, #tpu.memory_space<vmem>>)
      tpu.yield
    }) : () -> ()
    %dma_start3A_76 = arith.constant 0 : i32
    %dma_start3A_77 = arith.constant 0 : i32
    %dma_start3A_78 = tpu.memref_slice %arg2[%dma_start3A_76, %dma_start3A_77] : memref<102400x8xf32, #tpu.memory_space<hbm>> -> memref<102400x8xf32, #tpu.memory_space<hbm>>
    tpu.enqueue_indirect_dma source(%dma_start3A_78 : memref<102400x8xf32, #tpu.memory_space<hbm>>) target(%arg6 : memref<6400x8xf32, #tpu.memory_space<vmem>>) offsets(%arg5 : memref<6400xi32, #tpu.memory_space<vmem>>) semaphore(%arg8 : memref<!tpu.dma_semaphore, #tpu.memory_space<semaphore_mem>>)
    %dma_wait3A_79 = arith.constant 0 : i32
    %dma_wait3A_80 = arith.constant 0 : i32
    %dma_wait3A_81 = tpu.memref_slice %arg2[%dma_wait3A_79, %dma_wait3A_80] : memref<102400x8xf32, #tpu.memory_space<hbm>> -> memref<102400x8xf32, #tpu.memory_space<hbm>>
    tpu.wait_indirect_dma semaphore(%arg8 : memref<!tpu.dma_semaphore, #tpu.memory_space<semaphore_mem>>) src(%dma_wait3A_81 : memref<102400x8xf32, #tpu.memory_space<hbm>>) dst(%arg6 : memref<6400x8xf32, #tpu.memory_space<vmem>>)
    %scan3A_82 = arith.constant 0 : i32
    %scan3A_83 = arith.constant 0 : i32
    %scan3A_84 = arith.constant 400 : i32
    %scan3A_85 = arith.addi %scan3A_83, %scan3A_84 : i32
    %scan3A_86 = arith.constant 1 : i32
    %scan3A_87 = scf.for %scan3A_197 = %scan3A_83 to %scan3A_85 step %scan3A_86 iter_args(%scan3A_198 = %scan3A_82) -> (i32)  : i32 {
      %mul3A_199 = arith.constant 16 : i32
      %mul3A_200 = arith.muli %scan3A_197, %mul3A_199 : i32
      %add3A_201 = vector.broadcast %mul3A_200 : i32 to vector<16xi32>
      %add3A_202 = arith.addi %iota3A, %add3A_201 : vector<16xi32>
      %broadcast_in_dim3A = arith.constant 0 : i32
      %broadcast_in_dim3A_203 = vector.broadcast %broadcast_in_dim3A : i32 to vector<16xi32>
      %gather3A = tpu.vector_load_idx %arg6[%add3A_202, %broadcast_in_dim3A_203] : memref<6400x8xf32, #tpu.memory_space<vmem>>[vector<16xi32>, vector<16xi32>], vector<16xf32>,
      %mul3A_204 = arith.constant 16 : i32
      %mul3A_205 = arith.muli %scan3A_197, %mul3A_204 : i32
      %swap3A = arith.constant 0 : i32
      %swap3A_206 = arith.index_cast %swap3A : i32 to index
      %swap3A_207 = arith.index_cast %mul3A_205 : i32 to index
      %swap3A_208 = tpu.vector_load %arg7[%swap3A_206, %swap3A_207] {strides = array<i32>} : memref<4x6400xf32, #tpu.memory_space<vmem>>, vector<16xf32>,
      tpu.vector_store %arg7[%swap3A_206, %swap3A_207], %gather3A {strides = array<i32>} : memref<4x6400xf32, #tpu.memory_space<vmem>>, vector<16xf32>,
      %broadcast_in_dim3A_209 = arith.constant 1 : i32
      %broadcast_in_dim3A_210 = vector.broadcast %broadcast_in_dim3A_209 : i32 to vector<16xi32>
      %gather3A_211 = tpu.vector_load_idx %arg6[%add3A_202, %broadcast_in_dim3A_210] : memref<6400x8xf32, #tpu.memory_space<vmem>>[vector<16xi32>, vector<16xi32>], vector<16xf32>,
      %mul3A_212 = arith.constant 16 : i32
      %mul3A_213 = arith.muli %scan3A_197, %mul3A_212 : i32
      %swap3A_214 = arith.constant 1 : i32
      %swap3A_215 = arith.index_cast %swap3A_214 : i32 to index
      %swap3A_216 = arith.index_cast %mul3A_213 : i32 to index
      %swap3A_217 = tpu.vector_load %arg7[%swap3A_215, %swap3A_216] {strides = array<i32>} : memref<4x6400xf32, #tpu.memory_space<vmem>>, vector<16xf32>,
      tpu.vector_store %arg7[%swap3A_215, %swap3A_216], %gather3A_211 {strides = array<i32>} : memref<4x6400xf32, #tpu.memory_space<vmem>>, vector<16xf32>,
      %broadcast_in_dim3A_218 = arith.constant 2 : i32
      %broadcast_in_dim3A_219 = vector.broadcast %broadcast_in_dim3A_218 : i32 to vector<16xi32>
      %gather3A_220 = tpu.vector_load_idx %arg6[%add3A_202, %broadcast_in_dim3A_219] : memref<6400x8xf32, #tpu.memory_space<vmem>>[vector<16xi32>, vector<16xi32>], vector<16xf32>,
      %mul3A_221 = arith.constant 16 : i32
      %mul3A_222 = arith.muli %scan3A_197, %mul3A_221 : i32
      %swap3A_223 = arith.constant 2 : i32
      %swap3A_224 = arith.index_cast %swap3A_223 : i32 to index
      %swap3A_225 = arith.index_cast %mul3A_222 : i32 to index
      %swap3A_226 = tpu.vector_load %arg7[%swap3A_224, %swap3A_225] {strides = array<i32>} : memref<4x6400xf32, #tpu.memory_space<vmem>>, vector<16xf32>,
      tpu.vector_store %arg7[%swap3A_224, %swap3A_225], %gather3A_220 {strides = array<i32>} : memref<4x6400xf32, #tpu.memory_space<vmem>>, vector<16xf32>,
      %broadcast_in_dim3A_227 = arith.constant 3 : i32
      %broadcast_in_dim3A_228 = vector.broadcast %broadcast_in_dim3A_227 : i32 to vector<16xi32>
      %gather3A_229 = tpu.vector_load_idx %arg6[%add3A_202, %broadcast_in_dim3A_228] : memref<6400x8xf32, #tpu.memory_space<vmem>>[vector<16xi32>, vector<16xi32>], vector<16xf32>,
      %mul3A_230 = arith.constant 16 : i32
      %mul3A_231 = arith.muli %scan3A_197, %mul3A_230 : i32
      %swap3A_232 = arith.constant 3 : i32
      %swap3A_233 = arith.index_cast %swap3A_232 : i32 to index
      %swap3A_234 = arith.index_cast %mul3A_231 : i32 to index
      %swap3A_235 = tpu.vector_load %arg7[%swap3A_233, %swap3A_234] {strides = array<i32>} : memref<4x6400xf32, #tpu.memory_space<vmem>>, vector<16xf32>,
      tpu.vector_store %arg7[%swap3A_233, %swap3A_234], %gather3A_229 {strides = array<i32>} : memref<4x6400xf32, #tpu.memory_space<vmem>>, vector<16xf32>,
      %scan3A_236 = arith.constant 0 : i32
      scf.yield %scan3A_236 : i32
    }
    %scan3A_88 = arith.constant 400 : i32
    %run_scoped3A_89 = arith.constant 0 : i32
    %run_scoped3A_90 = arith.constant 0 : i32
    "tpu.region"() ({
      %run_scoped3A_197 = tpu.sem_alloc : memref<!tpu.dma_semaphore, #tpu.memory_space<semaphore_mem>>
      %dma_start3A_198 = arith.constant 0 : i32
      %dma_start3A_199 = tpu.memref_slice %arg7[%run_scoped3A_89, %dma_start3A_198] : memref<4x6400xf32, #tpu.memory_space<vmem>> -> memref<1x6400xf32, #tpu.memory_space<vmem>>
      %dma_start3A_200 = tpu.memref_squeeze %dma_start3A_199 : memref<1x6400xf32, #tpu.memory_space<vmem>> -> memref<6400xf32, #tpu.memory_space<vmem>>
      %dma_start3A_201 = tpu.memref_slice %arg4[%run_scoped3A_90, %add3A_75] : memref<4x1638400xf32, #tpu.memory_space<hbm>> -> memref<1x6400xf32, #tpu.memory_space<hbm>>
      %dma_start3A_202 = tpu.memref_squeeze %dma_start3A_201 : memref<1x6400xf32, #tpu.memory_space<hbm>> -> memref<6400xf32, #tpu.memory_space<hbm>>
      %dma_start3A_203 = tpu.memref_slice %arg4[%run_scoped3A_90, %add3A_75] : memref<4x1638400xf32, #tpu.memory_space<hbm>> -> memref<1x6400xf32, #tpu.memory_space<hbm>>
      %dma_start3A_204 = tpu.memref_squeeze %dma_start3A_203 : memref<1x6400xf32, #tpu.memory_space<hbm>> -> memref<6400xf32, #tpu.memory_space<hbm>>
      %dma_start3A_205 = arith.constant 0 : i32
      %dma_start3A_206 = tpu.memref_slice %arg7[%run_scoped3A_89, %dma_start3A_205] : memref<4x6400xf32, #tpu.memory_space<vmem>> -> memref<1x6400xf32, #tpu.memory_space<vmem>>
      %dma_start3A_207 = tpu.memref_squeeze %dma_start3A_206 : memref<1x6400xf32, #tpu.memory_space<vmem>> -> memref<6400xf32, #tpu.memory_space<vmem>>
      tpu.enqueue_dma source(%dma_start3A_207 : memref<6400xf32, #tpu.memory_space<vmem>>) target(%dma_start3A_204 : memref<6400xf32, #tpu.memory_space<hbm>>) target_semaphore(%run_scoped3A_197 : memref<!tpu.dma_semaphore, #tpu.memory_space<semaphore_mem>>)
      %dma_wait3A_208 = arith.constant 0 : i32
      %dma_wait3A_209 = tpu.memref_slice %arg7[%run_scoped3A_89, %dma_wait3A_208] : memref<4x6400xf32, #tpu.memory_space<vmem>> -> memref<1x6400xf32, #tpu.memory_space<vmem>>
      %dma_wait3A_210 = tpu.memref_squeeze %dma_wait3A_209 : memref<1x6400xf32, #tpu.memory_space<vmem>> -> memref<6400xf32, #tpu.memory_space<vmem>>
      %dma_wait3A_211 = tpu.memref_slice %arg4[%run_scoped3A_90, %add3A_75] : memref<4x1638400xf32, #tpu.memory_space<hbm>> -> memref<1x6400xf32, #tpu.memory_space<hbm>>
      %dma_wait3A_212 = tpu.memref_squeeze %dma_wait3A_211 : memref<1x6400xf32, #tpu.memory_space<hbm>> -> memref<6400xf32, #tpu.memory_space<hbm>>
      %dma_wait3A_213 = tpu.memref_slice %arg4[%run_scoped3A_90, %add3A_75] : memref<4x1638400xf32, #tpu.memory_space<hbm>> -> memref<1x6400xf32, #tpu.memory_space<hbm>>
      %dma_wait3A_214 = tpu.memref_squeeze %dma_wait3A_213 : memref<1x6400xf32, #tpu.memory_space<hbm>> -> memref<6400xf32, #tpu.memory_space<hbm>>
      %dma_wait3A_215 = arith.constant 0 : i32
      %dma_wait3A_216 = tpu.memref_slice %arg7[%run_scoped3A_89, %dma_wait3A_215] : memref<4x6400xf32, #tpu.memory_space<vmem>> -> memref<1x6400xf32, #tpu.memory_space<vmem>>
      %dma_wait3A_217 = tpu.memref_squeeze %dma_wait3A_216 : memref<1x6400xf32, #tpu.memory_space<vmem>> -> memref<6400xf32, #tpu.memory_space<vmem>>
      tpu.wait_dma2 semaphore(%run_scoped3A_197 : memref<!tpu.dma_semaphore, #tpu.memory_space<semaphore_mem>>) src(%dma_wait3A_217 : memref<6400xf32, #tpu.memory_space<vmem>>) dst(%dma_wait3A_214 : memref<6400xf32, #tpu.memory_space<hbm>>)
      tpu.yield
    }) : () -> ()
    %run_scoped3A_91 = arith.constant 1 : i32
    %run_scoped3A_92 = arith.constant 1 : i32
    "tpu.region"() ({
      %run_scoped3A_197 = tpu.sem_alloc : memref<!tpu.dma_semaphore, #tpu.memory_space<semaphore_mem>>
      %dma_start3A_198 = arith.constant 0 : i32
      %dma_start3A_199 = tpu.memref_slice %arg7[%run_scoped3A_91, %dma_start3A_198] : memref<4x6400xf32, #tpu.memory_space<vmem>> -> memref<1x6400xf32, #tpu.memory_space<vmem>>
      %dma_start3A_200 = tpu.memref_squeeze %dma_start3A_199 : memref<1x6400xf32, #tpu.memory_space<vmem>> -> memref<6400xf32, #tpu.memory_space<vmem>>
      %dma_start3A_201 = tpu.memref_slice %arg4[%run_scoped3A_92, %add3A_75] : memref<4x1638400xf32, #tpu.memory_space<hbm>> -> memref<1x6400xf32, #tpu.memory_space<hbm>>
      %dma_start3A_202 = tpu.memref_squeeze %dma_start3A_201 : memref<1x6400xf32, #tpu.memory_space<hbm>> -> memref<6400xf32, #tpu.memory_space<hbm>>
      %dma_start3A_203 = tpu.memref_slice %arg4[%run_scoped3A_92, %add3A_75] : memref<4x1638400xf32, #tpu.memory_space<hbm>> -> memref<1x6400xf32, #tpu.memory_space<hbm>>
      %dma_start3A_204 = tpu.memref_squeeze %dma_start3A_203 : memref<1x6400xf32, #tpu.memory_space<hbm>> -> memref<6400xf32, #tpu.memory_space<hbm>>
      %dma_start3A_205 = arith.constant 0 : i32
      %dma_start3A_206 = tpu.memref_slice %arg7[%run_scoped3A_91, %dma_start3A_205] : memref<4x6400xf32, #tpu.memory_space<vmem>> -> memref<1x6400xf32, #tpu.memory_space<vmem>>
      %dma_start3A_207 = tpu.memref_squeeze %dma_start3A_206 : memref<1x6400xf32, #tpu.memory_space<vmem>> -> memref<6400xf32, #tpu.memory_space<vmem>>
      tpu.enqueue_dma source(%dma_start3A_207 : memref<6400xf32, #tpu.memory_space<vmem>>) target(%dma_start3A_204 : memref<6400xf32, #tpu.memory_space<hbm>>) target_semaphore(%run_scoped3A_197 : memref<!tpu.dma_semaphore, #tpu.memory_space<semaphore_mem>>)
      %dma_wait3A_208 = arith.constant 0 : i32
      %dma_wait3A_209 = tpu.memref_slice %arg7[%run_scoped3A_91, %dma_wait3A_208] : memref<4x6400xf32, #tpu.memory_space<vmem>> -> memref<1x6400xf32, #tpu.memory_space<vmem>>
      %dma_wait3A_210 = tpu.memref_squeeze %dma_wait3A_209 : memref<1x6400xf32, #tpu.memory_space<vmem>> -> memref<6400xf32, #tpu.memory_space<vmem>>
      %dma_wait3A_211 = tpu.memref_slice %arg4[%run_scoped3A_92, %add3A_75] : memref<4x1638400xf32, #tpu.memory_space<hbm>> -> memref<1x6400xf32, #tpu.memory_space<hbm>>
      %dma_wait3A_212 = tpu.memref_squeeze %dma_wait3A_211 : memref<1x6400xf32, #tpu.memory_space<hbm>> -> memref<6400xf32, #tpu.memory_space<hbm>>
      %dma_wait3A_213 = tpu.memref_slice %arg4[%run_scoped3A_92, %add3A_75] : memref<4x1638400xf32, #tpu.memory_space<hbm>> -> memref<1x6400xf32, #tpu.memory_space<hbm>>
      %dma_wait3A_214 = tpu.memref_squeeze %dma_wait3A_213 : memref<1x6400xf32, #tpu.memory_space<hbm>> -> memref<6400xf32, #tpu.memory_space<hbm>>
      %dma_wait3A_215 = arith.constant 0 : i32
      %dma_wait3A_216 = tpu.memref_slice %arg7[%run_scoped3A_91, %dma_wait3A_215] : memref<4x6400xf32, #tpu.memory_space<vmem>> -> memref<1x6400xf32, #tpu.memory_space<vmem>>
      %dma_wait3A_217 = tpu.memref_squeeze %dma_wait3A_216 : memref<1x6400xf32, #tpu.memory_space<vmem>> -> memref<6400xf32, #tpu.memory_space<vmem>>
      tpu.wait_dma2 semaphore(%run_scoped3A_197 : memref<!tpu.dma_semaphore, #tpu.memory_space<semaphore_mem>>) src(%dma_wait3A_217 : memref<6400xf32, #tpu.memory_space<vmem>>) dst(%dma_wait3A_214 : memref<6400xf32, #tpu.memory_space<hbm>>)
      tpu.yield
    }) : () -> ()
    %run_scoped3A_93 = arith.constant 2 : i32
    %run_scoped3A_94 = arith.constant 2 : i32
    "tpu.region"() ({
      %run_scoped3A_197 = tpu.sem_alloc : memref<!tpu.dma_semaphore, #tpu.memory_space<semaphore_mem>>
      %dma_start3A_198 = arith.constant 0 : i32
      %dma_start3A_199 = tpu.memref_slice %arg7[%run_scoped3A_93, %dma_start3A_198] : memref<4x6400xf32, #tpu.memory_space<vmem>> -> memref<1x6400xf32, #tpu.memory_space<vmem>>
      %dma_start3A_200 = tpu.memref_squeeze %dma_start3A_199 : memref<1x6400xf32, #tpu.memory_space<vmem>> -> memref<6400xf32, #tpu.memory_space<vmem>>
      %dma_start3A_201 = tpu.memref_slice %arg4[%run_scoped3A_94, %add3A_75] : memref<4x1638400xf32, #tpu.memory_space<hbm>> -> memref<1x6400xf32, #tpu.memory_space<hbm>>
      %dma_start3A_202 = tpu.memref_squeeze %dma_start3A_201 : memref<1x6400xf32, #tpu.memory_space<hbm>> -> memref<6400xf32, #tpu.memory_space<hbm>>
      %dma_start3A_203 = tpu.memref_slice %arg4[%run_scoped3A_94, %add3A_75] : memref<4x1638400xf32, #tpu.memory_space<hbm>> -> memref<1x6400xf32, #tpu.memory_space<hbm>>
      %dma_start3A_204 = tpu.memref_squeeze %dma_start3A_203 : memref<1x6400xf32, #tpu.memory_space<hbm>> -> memref<6400xf32, #tpu.memory_space<hbm>>
      %dma_start3A_205 = arith.constant 0 : i32
      %dma_start3A_206 = tpu.memref_slice %arg7[%run_scoped3A_93, %dma_start3A_205] : memref<4x6400xf32, #tpu.memory_space<vmem>> -> memref<1x6400xf32, #tpu.memory_space<vmem>>
      %dma_start3A_207 = tpu.memref_squeeze %dma_start3A_206 : memref<1x6400xf32, #tpu.memory_space<vmem>> -> memref<6400xf32, #tpu.memory_space<vmem>>
      tpu.enqueue_dma source(%dma_start3A_207 : memref<6400xf32, #tpu.memory_space<vmem>>) target(%dma_start3A_204 : memref<6400xf32, #tpu.memory_space<hbm>>) target_semaphore(%run_scoped3A_197 : memref<!tpu.dma_semaphore, #tpu.memory_space<semaphore_mem>>)
      %dma_wait3A_208 = arith.constant 0 : i32
      %dma_wait3A_209 = tpu.memref_slice %arg7[%run_scoped3A_93, %dma_wait3A_208] : memref<4x6400xf32, #tpu.memory_space<vmem>> -> memref<1x6400xf32, #tpu.memory_space<vmem>>
      %dma_wait3A_210 = tpu.memref_squeeze %dma_wait3A_209 : memref<1x6400xf32, #tpu.memory_space<vmem>> -> memref<6400xf32, #tpu.memory_space<vmem>>
      %dma_wait3A_211 = tpu.memref_slice %arg4[%run_scoped3A_94, %add3A_75] : memref<4x1638400xf32, #tpu.memory_space<hbm>> -> memref<1x6400xf32, #tpu.memory_space<hbm>>
      %dma_wait3A_212 = tpu.memref_squeeze %dma_wait3A_211 : memref<1x6400xf32, #tpu.memory_space<hbm>> -> memref<6400xf32, #tpu.memory_space<hbm>>
      %dma_wait3A_213 = tpu.memref_slice %arg4[%run_scoped3A_94, %add3A_75] : memref<4x1638400xf32, #tpu.memory_space<hbm>> -> memref<1x6400xf32, #tpu.memory_space<hbm>>
      %dma_wait3A_214 = tpu.memref_squeeze %dma_wait3A_213 : memref<1x6400xf32, #tpu.memory_space<hbm>> -> memref<6400xf32, #tpu.memory_space<hbm>>
      %dma_wait3A_215 = arith.constant 0 : i32
      %dma_wait3A_216 = tpu.memref_slice %arg7[%run_scoped3A_93, %dma_wait3A_215] : memref<4x6400xf32, #tpu.memory_space<vmem>> -> memref<1x6400xf32, #tpu.memory_space<vmem>>
      %dma_wait3A_217 = tpu.memref_squeeze %dma_wait3A_216 : memref<1x6400xf32, #tpu.memory_space<vmem>> -> memref<6400xf32, #tpu.memory_space<vmem>>
      tpu.wait_dma2 semaphore(%run_scoped3A_197 : memref<!tpu.dma_semaphore, #tpu.memory_space<semaphore_mem>>) src(%dma_wait3A_217 : memref<6400xf32, #tpu.memory_space<vmem>>) dst(%dma_wait3A_214 : memref<6400xf32, #tpu.memory_space<hbm>>)
      tpu.yield
    }) : () -> ()
    %run_scoped3A_95 = arith.constant 3 : i32
    %run_scoped3A_96 = arith.constant 3 : i32
    "tpu.region"() ({
      %run_scoped3A_197 = tpu.sem_alloc : memref<!tpu.dma_semaphore, #tpu.memory_space<semaphore_mem>>
      %dma_start3A_198 = arith.constant 0 : i32
      %dma_start3A_199 = tpu.memref_slice %arg7[%run_scoped3A_95, %dma_start3A_198] : memref<4x6400xf32, #tpu.memory_space<vmem>> -> memref<1x6400xf32, #tpu.memory_space<vmem>>
      %dma_start3A_200 = tpu.memref_squeeze %dma_start3A_199 : memref<1x6400xf32, #tpu.memory_space<vmem>> -> memref<6400xf32, #tpu.memory_space<vmem>>
      %dma_start3A_201 = tpu.memref_slice %arg4[%run_scoped3A_96, %add3A_75] : memref<4x1638400xf32, #tpu.memory_space<hbm>> -> memref<1x6400xf32, #tpu.memory_space<hbm>>
      %dma_start3A_202 = tpu.memref_squeeze %dma_start3A_201 : memref<1x6400xf32, #tpu.memory_space<hbm>> -> memref<6400xf32, #tpu.memory_space<hbm>>
      %dma_start3A_203 = tpu.memref_slice %arg4[%run_scoped3A_96, %add3A_75] : memref<4x1638400xf32, #tpu.memory_space<hbm>> -> memref<1x6400xf32, #tpu.memory_space<hbm>>
      %dma_start3A_204 = tpu.memref_squeeze %dma_start3A_203 : memref<1x6400xf32, #tpu.memory_space<hbm>> -> memref<6400xf32, #tpu.memory_space<hbm>>
      %dma_start3A_205 = arith.constant 0 : i32
      %dma_start3A_206 = tpu.memref_slice %arg7[%run_scoped3A_95, %dma_start3A_205] : memref<4x6400xf32, #tpu.memory_space<vmem>> -> memref<1x6400xf32, #tpu.memory_space<vmem>>
      %dma_start3A_207 = tpu.memref_squeeze %dma_start3A_206 : memref<1x6400xf32, #tpu.memory_space<vmem>> -> memref<6400xf32, #tpu.memory_space<vmem>>
      tpu.enqueue_dma source(%dma_start3A_207 : memref<6400xf32, #tpu.memory_space<vmem>>) target(%dma_start3A_204 : memref<6400xf32, #tpu.memory_space<hbm>>) target_semaphore(%run_scoped3A_197 : memref<!tpu.dma_semaphore, #tpu.memory_space<semaphore_mem>>)
      %dma_wait3A_208 = arith.constant 0 : i32
      %dma_wait3A_209 = tpu.memref_slice %arg7[%run_scoped3A_95, %dma_wait3A_208] : memref<4x6400xf32, #tpu.memory_space<vmem>> -> memref<1x6400xf32, #tpu.memory_space<vmem>>
      %dma_wait3A_210 = tpu.memref_squeeze %dma_wait3A_209 : memref<1x6400xf32, #tpu.memory_space<vmem>> -> memref<6400xf32, #tpu.memory_space<vmem>>
      %dma_wait3A_211 = tpu.memref_slice %arg4[%run_scoped3A_96, %add3A_75] : memref<4x1638400xf32, #tpu.memory_space<hbm>> -> memref<1x6400xf32, #tpu.memory_space<hbm>>
      %dma_wait3A_212 = tpu.memref_squeeze %dma_wait3A_211 : memref<1x6400xf32, #tpu.memory_space<hbm>> -> memref<6400xf32, #tpu.memory_space<hbm>>
      %dma_wait3A_213 = tpu.memref_slice %arg4[%run_scoped3A_96, %add3A_75] : memref<4x1638400xf32, #tpu.memory_space<hbm>> -> memref<1x6400xf32, #tpu.memory_space<hbm>>
      %dma_wait3A_214 = tpu.memref_squeeze %dma_wait3A_213 : memref<1x6400xf32, #tpu.memory_space<hbm>> -> memref<6400xf32, #tpu.memory_space<hbm>>
      %dma_wait3A_215 = arith.constant 0 : i32
      %dma_wait3A_216 = tpu.memref_slice %arg7[%run_scoped3A_95, %dma_wait3A_215] : memref<4x6400xf32, #tpu.memory_space<vmem>> -> memref<1x6400xf32, #tpu.memory_space<vmem>>
      %dma_wait3A_217 = tpu.memref_squeeze %dma_wait3A_216 : memref<1x6400xf32, #tpu.memory_space<vmem>> -> memref<6400xf32, #tpu.memory_space<vmem>>
      tpu.wait_dma2 semaphore(%run_scoped3A_197 : memref<!tpu.dma_semaphore, #tpu.memory_space<semaphore_mem>>) src(%dma_wait3A_217 : memref<6400xf32, #tpu.memory_space<vmem>>) dst(%dma_wait3A_214 : memref<6400xf32, #tpu.memory_space<hbm>>)
      tpu.yield
    }) : () -> ()
    %mul3A_97 = arith.constant 51200 : i32
    %mul3A_98 = arith.muli %add3A, %mul3A_97 : i32
    %add3A_99 = arith.constant 25600 : i32
    %add3A_100 = arith.addi %mul3A_98, %add3A_99 : i32
    "tpu.region"() ({
      %run_scoped3A_197 = tpu.sem_alloc : memref<!tpu.dma_semaphore, #tpu.memory_space<semaphore_mem>>
      %dma_start3A_198 = tpu.memref_slice %arg3[%add3A_100] : memref<1638400xi32, #tpu.memory_space<hbm>> -> memref<6400xi32, #tpu.memory_space<hbm>>
      %dma_start3A_199 = tpu.memref_slice %arg3[%add3A_100] : memref<1638400xi32, #tpu.memory_space<hbm>> -> memref<6400xi32, #tpu.memory_space<hbm>>
      tpu.enqueue_dma source(%dma_start3A_199 : memref<6400xi32, #tpu.memory_space<hbm>>) target(%arg5 : memref<6400xi32, #tpu.memory_space<vmem>>) target_semaphore(%run_scoped3A_197 : memref<!tpu.dma_semaphore, #tpu.memory_space<semaphore_mem>>)
      %dma_wait3A_200 = tpu.memref_slice %arg3[%add3A_100] : memref<1638400xi32, #tpu.memory_space<hbm>> -> memref<6400xi32, #tpu.memory_space<hbm>>
      %dma_wait3A_201 = tpu.memref_slice %arg3[%add3A_100] : memref<1638400xi32, #tpu.memory_space<hbm>> -> memref<6400xi32, #tpu.memory_space<hbm>>
      tpu.wait_dma2 semaphore(%run_scoped3A_197 : memref<!tpu.dma_semaphore, #tpu.memory_space<semaphore_mem>>) src(%dma_wait3A_201 : memref<6400xi32, #tpu.memory_space<hbm>>) dst(%arg5 : memref<6400xi32, #tpu.memory_space<vmem>>)
      tpu.yield
    }) : () -> ()
    %dma_start3A_101 = arith.constant 0 : i32
    %dma_start3A_102 = arith.constant 0 : i32
    %dma_start3A_103 = tpu.memref_slice %arg2[%dma_start3A_101, %dma_start3A_102] : memref<102400x8xf32, #tpu.memory_space<hbm>> -> memref<102400x8xf32, #tpu.memory_space<hbm>>
    tpu.enqueue_indirect_dma source(%dma_start3A_103 : memref<102400x8xf32, #tpu.memory_space<hbm>>) target(%arg6 : memref<6400x8xf32, #tpu.memory_space<vmem>>) offsets(%arg5 : memref<6400xi32, #tpu.memory_space<vmem>>) semaphore(%arg8 : memref<!tpu.dma_semaphore, #tpu.memory_space<semaphore_mem>>)
    %dma_wait3A_104 = arith.constant 0 : i32
    %dma_wait3A_105 = arith.constant 0 : i32
    %dma_wait3A_106 = tpu.memref_slice %arg2[%dma_wait3A_104, %dma_wait3A_105] : memref<102400x8xf32, #tpu.memory_space<hbm>> -> memref<102400x8xf32, #tpu.memory_space<hbm>>
    tpu.wait_indirect_dma semaphore(%arg8 : memref<!tpu.dma_semaphore, #tpu.memory_space<semaphore_mem>>) src(%dma_wait3A_106 : memref<102400x8xf32, #tpu.memory_space<hbm>>) dst(%arg6 : memref<6400x8xf32, #tpu.memory_space<vmem>>)
    %scan3A_107 = arith.constant 0 : i32
    %scan3A_108 = arith.constant 0 : i32
    %scan3A_109 = arith.constant 400 : i32
    %scan3A_110 = arith.addi %scan3A_108, %scan3A_109 : i32
    %scan3A_111 = arith.constant 1 : i32
    %scan3A_112 = scf.for %scan3A_197 = %scan3A_108 to %scan3A_110 step %scan3A_111 iter_args(%scan3A_198 = %scan3A_107) -> (i32)  : i32 {
      %mul3A_199 = arith.constant 16 : i32
      %mul3A_200 = arith.muli %scan3A_197, %mul3A_199 : i32
      %add3A_201 = vector.broadcast %mul3A_200 : i32 to vector<16xi32>
      %add3A_202 = arith.addi %iota3A, %add3A_201 : vector<16xi32>
      %broadcast_in_dim3A = arith.constant 0 : i32
      %broadcast_in_dim3A_203 = vector.broadcast %broadcast_in_dim3A : i32 to vector<16xi32>
      %gather3A = tpu.vector_load_idx %arg6[%add3A_202, %broadcast_in_dim3A_203] : memref<6400x8xf32, #tpu.memory_space<vmem>>[vector<16xi32>, vector<16xi32>], vector<16xf32>,
      %mul3A_204 = arith.constant 16 : i32
      %mul3A_205 = arith.muli %scan3A_197, %mul3A_204 : i32
      %swap3A = arith.constant 0 : i32
      %swap3A_206 = arith.index_cast %swap3A : i32 to index
      %swap3A_207 = arith.index_cast %mul3A_205 : i32 to index
      %swap3A_208 = tpu.vector_load %arg7[%swap3A_206, %swap3A_207] {strides = array<i32>} : memref<4x6400xf32, #tpu.memory_space<vmem>>, vector<16xf32>,
      tpu.vector_store %arg7[%swap3A_206, %swap3A_207], %gather3A {strides = array<i32>} : memref<4x6400xf32, #tpu.memory_space<vmem>>, vector<16xf32>,
      %broadcast_in_dim3A_209 = arith.constant 1 : i32
      %broadcast_in_dim3A_210 = vector.broadcast %broadcast_in_dim3A_209 : i32 to vector<16xi32>
      %gather3A_211 = tpu.vector_load_idx %arg6[%add3A_202, %broadcast_in_dim3A_210] : memref<6400x8xf32, #tpu.memory_space<vmem>>[vector<16xi32>, vector<16xi32>], vector<16xf32>,
      %mul3A_212 = arith.constant 16 : i32
      %mul3A_213 = arith.muli %scan3A_197, %mul3A_212 : i32
      %swap3A_214 = arith.constant 1 : i32
      %swap3A_215 = arith.index_cast %swap3A_214 : i32 to index
      %swap3A_216 = arith.index_cast %mul3A_213 : i32 to index
      %swap3A_217 = tpu.vector_load %arg7[%swap3A_215, %swap3A_216] {strides = array<i32>} : memref<4x6400xf32, #tpu.memory_space<vmem>>, vector<16xf32>,
      tpu.vector_store %arg7[%swap3A_215, %swap3A_216], %gather3A_211 {strides = array<i32>} : memref<4x6400xf32, #tpu.memory_space<vmem>>, vector<16xf32>,
      %broadcast_in_dim3A_218 = arith.constant 2 : i32
      %broadcast_in_dim3A_219 = vector.broadcast %broadcast_in_dim3A_218 : i32 to vector<16xi32>
      %gather3A_220 = tpu.vector_load_idx %arg6[%add3A_202, %broadcast_in_dim3A_219] : memref<6400x8xf32, #tpu.memory_space<vmem>>[vector<16xi32>, vector<16xi32>], vector<16xf32>,
      %mul3A_221 = arith.constant 16 : i32
      %mul3A_222 = arith.muli %scan3A_197, %mul3A_221 : i32
      %swap3A_223 = arith.constant 2 : i32
      %swap3A_224 = arith.index_cast %swap3A_223 : i32 to index
      %swap3A_225 = arith.index_cast %mul3A_222 : i32 to index
      %swap3A_226 = tpu.vector_load %arg7[%swap3A_224, %swap3A_225] {strides = array<i32>} : memref<4x6400xf32, #tpu.memory_space<vmem>>, vector<16xf32>,
      tpu.vector_store %arg7[%swap3A_224, %swap3A_225], %gather3A_220 {strides = array<i32>} : memref<4x6400xf32, #tpu.memory_space<vmem>>, vector<16xf32>,
      %broadcast_in_dim3A_227 = arith.constant 3 : i32
      %broadcast_in_dim3A_228 = vector.broadcast %broadcast_in_dim3A_227 : i32 to vector<16xi32>
      %gather3A_229 = tpu.vector_load_idx %arg6[%add3A_202, %broadcast_in_dim3A_228] : memref<6400x8xf32, #tpu.memory_space<vmem>>[vector<16xi32>, vector<16xi32>], vector<16xf32>,
      %mul3A_230 = arith.constant 16 : i32
      %mul3A_231 = arith.muli %scan3A_197, %mul3A_230 : i32
      %swap3A_232 = arith.constant 3 : i32
      %swap3A_233 = arith.index_cast %swap3A_232 : i32 to index
      %swap3A_234 = arith.index_cast %mul3A_231 : i32 to index
      %swap3A_235 = tpu.vector_load %arg7[%swap3A_233, %swap3A_234] {strides = array<i32>} : memref<4x6400xf32, #tpu.memory_space<vmem>>, vector<16xf32>,
      tpu.vector_store %arg7[%swap3A_233, %swap3A_234], %gather3A_229 {strides = array<i32>} : memref<4x6400xf32, #tpu.memory_space<vmem>>, vector<16xf32>,
      %scan3A_236 = arith.constant 0 : i32
      scf.yield %scan3A_236 : i32
    }
    %scan3A_113 = arith.constant 400 : i32
    %run_scoped3A_114 = arith.constant 0 : i32
    %run_scoped3A_115 = arith.constant 0 : i32
    "tpu.region"() ({
      %run_scoped3A_197 = tpu.sem_alloc : memref<!tpu.dma_semaphore, #tpu.memory_space<semaphore_mem>>
      %dma_start3A_198 = arith.constant 0 : i32
      %dma_start3A_199 = tpu.memref_slice %arg7[%run_scoped3A_114, %dma_start3A_198] : memref<4x6400xf32, #tpu.memory_space<vmem>> -> memref<1x6400xf32, #tpu.memory_space<vmem>>
      %dma_start3A_200 = tpu.memref_squeeze %dma_start3A_199 : memref<1x6400xf32, #tpu.memory_space<vmem>> -> memref<6400xf32, #tpu.memory_space<vmem>>
      %dma_start3A_201 = tpu.memref_slice %arg4[%run_scoped3A_115, %add3A_100] : memref<4x1638400xf32, #tpu.memory_space<hbm>> -> memref<1x6400xf32, #tpu.memory_space<hbm>>
      %dma_start3A_202 = tpu.memref_squeeze %dma_start3A_201 : memref<1x6400xf32, #tpu.memory_space<hbm>> -> memref<6400xf32, #tpu.memory_space<hbm>>
      %dma_start3A_203 = tpu.memref_slice %arg4[%run_scoped3A_115, %add3A_100] : memref<4x1638400xf32, #tpu.memory_space<hbm>> -> memref<1x6400xf32, #tpu.memory_space<hbm>>
      %dma_start3A_204 = tpu.memref_squeeze %dma_start3A_203 : memref<1x6400xf32, #tpu.memory_space<hbm>> -> memref<6400xf32, #tpu.memory_space<hbm>>
      %dma_start3A_205 = arith.constant 0 : i32
      %dma_start3A_206 = tpu.memref_slice %arg7[%run_scoped3A_114, %dma_start3A_205] : memref<4x6400xf32, #tpu.memory_space<vmem>> -> memref<1x6400xf32, #tpu.memory_space<vmem>>
      %dma_start3A_207 = tpu.memref_squeeze %dma_start3A_206 : memref<1x6400xf32, #tpu.memory_space<vmem>> -> memref<6400xf32, #tpu.memory_space<vmem>>
      tpu.enqueue_dma source(%dma_start3A_207 : memref<6400xf32, #tpu.memory_space<vmem>>) target(%dma_start3A_204 : memref<6400xf32, #tpu.memory_space<hbm>>) target_semaphore(%run_scoped3A_197 : memref<!tpu.dma_semaphore, #tpu.memory_space<semaphore_mem>>)
      %dma_wait3A_208 = arith.constant 0 : i32
      %dma_wait3A_209 = tpu.memref_slice %arg7[%run_scoped3A_114, %dma_wait3A_208] : memref<4x6400xf32, #tpu.memory_space<vmem>> -> memref<1x6400xf32, #tpu.memory_space<vmem>>
      %dma_wait3A_210 = tpu.memref_squeeze %dma_wait3A_209 : memref<1x6400xf32, #tpu.memory_space<vmem>> -> memref<6400xf32, #tpu.memory_space<vmem>>
      %dma_wait3A_211 = tpu.memref_slice %arg4[%run_scoped3A_115, %add3A_100] : memref<4x1638400xf32, #tpu.memory_space<hbm>> -> memref<1x6400xf32, #tpu.memory_space<hbm>>
      %dma_wait3A_212 = tpu.memref_squeeze %dma_wait3A_211 : memref<1x6400xf32, #tpu.memory_space<hbm>> -> memref<6400xf32, #tpu.memory_space<hbm>>
      %dma_wait3A_213 = tpu.memref_slice %arg4[%run_scoped3A_115, %add3A_100] : memref<4x1638400xf32, #tpu.memory_space<hbm>> -> memref<1x6400xf32, #tpu.memory_space<hbm>>
      %dma_wait3A_214 = tpu.memref_squeeze %dma_wait3A_213 : memref<1x6400xf32, #tpu.memory_space<hbm>> -> memref<6400xf32, #tpu.memory_space<hbm>>
      %dma_wait3A_215 = arith.constant 0 : i32
      %dma_wait3A_216 = tpu.memref_slice %arg7[%run_scoped3A_114, %dma_wait3A_215] : memref<4x6400xf32, #tpu.memory_space<vmem>> -> memref<1x6400xf32, #tpu.memory_space<vmem>>
      %dma_wait3A_217 = tpu.memref_squeeze %dma_wait3A_216 : memref<1x6400xf32, #tpu.memory_space<vmem>> -> memref<6400xf32, #tpu.memory_space<vmem>>
      tpu.wait_dma2 semaphore(%run_scoped3A_197 : memref<!tpu.dma_semaphore, #tpu.memory_space<semaphore_mem>>) src(%dma_wait3A_217 : memref<6400xf32, #tpu.memory_space<vmem>>) dst(%dma_wait3A_214 : memref<6400xf32, #tpu.memory_space<hbm>>)
      tpu.yield
    }) : () -> ()
    %run_scoped3A_116 = arith.constant 1 : i32
    %run_scoped3A_117 = arith.constant 1 : i32
    "tpu.region"() ({
      %run_scoped3A_197 = tpu.sem_alloc : memref<!tpu.dma_semaphore, #tpu.memory_space<semaphore_mem>>
      %dma_start3A_198 = arith.constant 0 : i32
      %dma_start3A_199 = tpu.memref_slice %arg7[%run_scoped3A_116, %dma_start3A_198] : memref<4x6400xf32, #tpu.memory_space<vmem>> -> memref<1x6400xf32, #tpu.memory_space<vmem>>
      %dma_start3A_200 = tpu.memref_squeeze %dma_start3A_199 : memref<1x6400xf32, #tpu.memory_space<vmem>> -> memref<6400xf32, #tpu.memory_space<vmem>>
      %dma_start3A_201 = tpu.memref_slice %arg4[%run_scoped3A_117, %add3A_100] : memref<4x1638400xf32, #tpu.memory_space<hbm>> -> memref<1x6400xf32, #tpu.memory_space<hbm>>
      %dma_start3A_202 = tpu.memref_squeeze %dma_start3A_201 : memref<1x6400xf32, #tpu.memory_space<hbm>> -> memref<6400xf32, #tpu.memory_space<hbm>>
      %dma_start3A_203 = tpu.memref_slice %arg4[%run_scoped3A_117, %add3A_100] : memref<4x1638400xf32, #tpu.memory_space<hbm>> -> memref<1x6400xf32, #tpu.memory_space<hbm>>
      %dma_start3A_204 = tpu.memref_squeeze %dma_start3A_203 : memref<1x6400xf32, #tpu.memory_space<hbm>> -> memref<6400xf32, #tpu.memory_space<hbm>>
      %dma_start3A_205 = arith.constant 0 : i32
      %dma_start3A_206 = tpu.memref_slice %arg7[%run_scoped3A_116, %dma_start3A_205] : memref<4x6400xf32, #tpu.memory_space<vmem>> -> memref<1x6400xf32, #tpu.memory_space<vmem>>
      %dma_start3A_207 = tpu.memref_squeeze %dma_start3A_206 : memref<1x6400xf32, #tpu.memory_space<vmem>> -> memref<6400xf32, #tpu.memory_space<vmem>>
      tpu.enqueue_dma source(%dma_start3A_207 : memref<6400xf32, #tpu.memory_space<vmem>>) target(%dma_start3A_204 : memref<6400xf32, #tpu.memory_space<hbm>>) target_semaphore(%run_scoped3A_197 : memref<!tpu.dma_semaphore, #tpu.memory_space<semaphore_mem>>)
      %dma_wait3A_208 = arith.constant 0 : i32
      %dma_wait3A_209 = tpu.memref_slice %arg7[%run_scoped3A_116, %dma_wait3A_208] : memref<4x6400xf32, #tpu.memory_space<vmem>> -> memref<1x6400xf32, #tpu.memory_space<vmem>>
      %dma_wait3A_210 = tpu.memref_squeeze %dma_wait3A_209 : memref<1x6400xf32, #tpu.memory_space<vmem>> -> memref<6400xf32, #tpu.memory_space<vmem>>
      %dma_wait3A_211 = tpu.memref_slice %arg4[%run_scoped3A_117, %add3A_100] : memref<4x1638400xf32, #tpu.memory_space<hbm>> -> memref<1x6400xf32, #tpu.memory_space<hbm>>
      %dma_wait3A_212 = tpu.memref_squeeze %dma_wait3A_211 : memref<1x6400xf32, #tpu.memory_space<hbm>> -> memref<6400xf32, #tpu.memory_space<hbm>>
      %dma_wait3A_213 = tpu.memref_slice %arg4[%run_scoped3A_117, %add3A_100] : memref<4x1638400xf32, #tpu.memory_space<hbm>> -> memref<1x6400xf32, #tpu.memory_space<hbm>>
      %dma_wait3A_214 = tpu.memref_squeeze %dma_wait3A_213 : memref<1x6400xf32, #tpu.memory_space<hbm>> -> memref<6400xf32, #tpu.memory_space<hbm>>
      %dma_wait3A_215 = arith.constant 0 : i32
      %dma_wait3A_216 = tpu.memref_slice %arg7[%run_scoped3A_116, %dma_wait3A_215] : memref<4x6400xf32, #tpu.memory_space<vmem>> -> memref<1x6400xf32, #tpu.memory_space<vmem>>
      %dma_wait3A_217 = tpu.memref_squeeze %dma_wait3A_216 : memref<1x6400xf32, #tpu.memory_space<vmem>> -> memref<6400xf32, #tpu.memory_space<vmem>>
      tpu.wait_dma2 semaphore(%run_scoped3A_197 : memref<!tpu.dma_semaphore, #tpu.memory_space<semaphore_mem>>) src(%dma_wait3A_217 : memref<6400xf32, #tpu.memory_space<vmem>>) dst(%dma_wait3A_214 : memref<6400xf32, #tpu.memory_space<hbm>>)
      tpu.yield
    }) : () -> ()
    %run_scoped3A_118 = arith.constant 2 : i32
    %run_scoped3A_119 = arith.constant 2 : i32
    "tpu.region"() ({
      %run_scoped3A_197 = tpu.sem_alloc : memref<!tpu.dma_semaphore, #tpu.memory_space<semaphore_mem>>
      %dma_start3A_198 = arith.constant 0 : i32
      %dma_start3A_199 = tpu.memref_slice %arg7[%run_scoped3A_118, %dma_start3A_198] : memref<4x6400xf32, #tpu.memory_space<vmem>> -> memref<1x6400xf32, #tpu.memory_space<vmem>>
      %dma_start3A_200 = tpu.memref_squeeze %dma_start3A_199 : memref<1x6400xf32, #tpu.memory_space<vmem>> -> memref<6400xf32, #tpu.memory_space<vmem>>
      %dma_start3A_201 = tpu.memref_slice %arg4[%run_scoped3A_119, %add3A_100] : memref<4x1638400xf32, #tpu.memory_space<hbm>> -> memref<1x6400xf32, #tpu.memory_space<hbm>>
      %dma_start3A_202 = tpu.memref_squeeze %dma_start3A_201 : memref<1x6400xf32, #tpu.memory_space<hbm>> -> memref<6400xf32, #tpu.memory_space<hbm>>
      %dma_start3A_203 = tpu.memref_slice %arg4[%run_scoped3A_119, %add3A_100] : memref<4x1638400xf32, #tpu.memory_space<hbm>> -> memref<1x6400xf32, #tpu.memory_space<hbm>>
      %dma_start3A_204 = tpu.memref_squeeze %dma_start3A_203 : memref<1x6400xf32, #tpu.memory_space<hbm>> -> memref<6400xf32, #tpu.memory_space<hbm>>
      %dma_start3A_205 = arith.constant 0 : i32
      %dma_start3A_206 = tpu.memref_slice %arg7[%run_scoped3A_118, %dma_start3A_205] : memref<4x6400xf32, #tpu.memory_space<vmem>> -> memref<1x6400xf32, #tpu.memory_space<vmem>>
      %dma_start3A_207 = tpu.memref_squeeze %dma_start3A_206 : memref<1x6400xf32, #tpu.memory_space<vmem>> -> memref<6400xf32, #tpu.memory_space<vmem>>
      tpu.enqueue_dma source(%dma_start3A_207 : memref<6400xf32, #tpu.memory_space<vmem>>) target(%dma_start3A_204 : memref<6400xf32, #tpu.memory_space<hbm>>) target_semaphore(%run_scoped3A_197 : memref<!tpu.dma_semaphore, #tpu.memory_space<semaphore_mem>>)
      %dma_wait3A_208 = arith.constant 0 : i32
      %dma_wait3A_209 = tpu.memref_slice %arg7[%run_scoped3A_118, %dma_wait3A_208] : memref<4x6400xf32, #tpu.memory_space<vmem>> -> memref<1x6400xf32, #tpu.memory_space<vmem>>
      %dma_wait3A_210 = tpu.memref_squeeze %dma_wait3A_209 : memref<1x6400xf32, #tpu.memory_space<vmem>> -> memref<6400xf32, #tpu.memory_space<vmem>>
      %dma_wait3A_211 = tpu.memref_slice %arg4[%run_scoped3A_119, %add3A_100] : memref<4x1638400xf32, #tpu.memory_space<hbm>> -> memref<1x6400xf32, #tpu.memory_space<hbm>>
      %dma_wait3A_212 = tpu.memref_squeeze %dma_wait3A_211 : memref<1x6400xf32, #tpu.memory_space<hbm>> -> memref<6400xf32, #tpu.memory_space<hbm>>
      %dma_wait3A_213 = tpu.memref_slice %arg4[%run_scoped3A_119, %add3A_100] : memref<4x1638400xf32, #tpu.memory_space<hbm>> -> memref<1x6400xf32, #tpu.memory_space<hbm>>
      %dma_wait3A_214 = tpu.memref_squeeze %dma_wait3A_213 : memref<1x6400xf32, #tpu.memory_space<hbm>> -> memref<6400xf32, #tpu.memory_space<hbm>>
      %dma_wait3A_215 = arith.constant 0 : i32
      %dma_wait3A_216 = tpu.memref_slice %arg7[%run_scoped3A_118, %dma_wait3A_215] : memref<4x6400xf32, #tpu.memory_space<vmem>> -> memref<1x6400xf32, #tpu.memory_space<vmem>>
      %dma_wait3A_217 = tpu.memref_squeeze %dma_wait3A_216 : memref<1x6400xf32, #tpu.memory_space<vmem>> -> memref<6400xf32, #tpu.memory_space<vmem>>
      tpu.wait_dma2 semaphore(%run_scoped3A_197 : memref<!tpu.dma_semaphore, #tpu.memory_space<semaphore_mem>>) src(%dma_wait3A_217 : memref<6400xf32, #tpu.memory_space<vmem>>) dst(%dma_wait3A_214 : memref<6400xf32, #tpu.memory_space<hbm>>)
      tpu.yield
    }) : () -> ()
    %run_scoped3A_120 = arith.constant 3 : i32
    %run_scoped3A_121 = arith.constant 3 : i32
    "tpu.region"() ({
      %run_scoped3A_197 = tpu.sem_alloc : memref<!tpu.dma_semaphore, #tpu.memory_space<semaphore_mem>>
      %dma_start3A_198 = arith.constant 0 : i32
      %dma_start3A_199 = tpu.memref_slice %arg7[%run_scoped3A_120, %dma_start3A_198] : memref<4x6400xf32, #tpu.memory_space<vmem>> -> memref<1x6400xf32, #tpu.memory_space<vmem>>
      %dma_start3A_200 = tpu.memref_squeeze %dma_start3A_199 : memref<1x6400xf32, #tpu.memory_space<vmem>> -> memref<6400xf32, #tpu.memory_space<vmem>>
      %dma_start3A_201 = tpu.memref_slice %arg4[%run_scoped3A_121, %add3A_100] : memref<4x1638400xf32, #tpu.memory_space<hbm>> -> memref<1x6400xf32, #tpu.memory_space<hbm>>
      %dma_start3A_202 = tpu.memref_squeeze %dma_start3A_201 : memref<1x6400xf32, #tpu.memory_space<hbm>> -> memref<6400xf32, #tpu.memory_space<hbm>>
      %dma_start3A_203 = tpu.memref_slice %arg4[%run_scoped3A_121, %add3A_100] : memref<4x1638400xf32, #tpu.memory_space<hbm>> -> memref<1x6400xf32, #tpu.memory_space<hbm>>
      %dma_start3A_204 = tpu.memref_squeeze %dma_start3A_203 : memref<1x6400xf32, #tpu.memory_space<hbm>> -> memref<6400xf32, #tpu.memory_space<hbm>>
      %dma_start3A_205 = arith.constant 0 : i32
      %dma_start3A_206 = tpu.memref_slice %arg7[%run_scoped3A_120, %dma_start3A_205] : memref<4x6400xf32, #tpu.memory_space<vmem>> -> memref<1x6400xf32, #tpu.memory_space<vmem>>
      %dma_start3A_207 = tpu.memref_squeeze %dma_start3A_206 : memref<1x6400xf32, #tpu.memory_space<vmem>> -> memref<6400xf32, #tpu.memory_space<vmem>>
      tpu.enqueue_dma source(%dma_start3A_207 : memref<6400xf32, #tpu.memory_space<vmem>>) target(%dma_start3A_204 : memref<6400xf32, #tpu.memory_space<hbm>>) target_semaphore(%run_scoped3A_197 : memref<!tpu.dma_semaphore, #tpu.memory_space<semaphore_mem>>)
      %dma_wait3A_208 = arith.constant 0 : i32
      %dma_wait3A_209 = tpu.memref_slice %arg7[%run_scoped3A_120, %dma_wait3A_208] : memref<4x6400xf32, #tpu.memory_space<vmem>> -> memref<1x6400xf32, #tpu.memory_space<vmem>>
      %dma_wait3A_210 = tpu.memref_squeeze %dma_wait3A_209 : memref<1x6400xf32, #tpu.memory_space<vmem>> -> memref<6400xf32, #tpu.memory_space<vmem>>
      %dma_wait3A_211 = tpu.memref_slice %arg4[%run_scoped3A_121, %add3A_100] : memref<4x1638400xf32, #tpu.memory_space<hbm>> -> memref<1x6400xf32, #tpu.memory_space<hbm>>
      %dma_wait3A_212 = tpu.memref_squeeze %dma_wait3A_211 : memref<1x6400xf32, #tpu.memory_space<hbm>> -> memref<6400xf32, #tpu.memory_space<hbm>>
      %dma_wait3A_213 = tpu.memref_slice %arg4[%run_scoped3A_121, %add3A_100] : memref<4x1638400xf32, #tpu.memory_space<hbm>> -> memref<1x6400xf32, #tpu.memory_space<hbm>>
      %dma_wait3A_214 = tpu.memref_squeeze %dma_wait3A_213 : memref<1x6400xf32, #tpu.memory_space<hbm>> -> memref<6400xf32, #tpu.memory_space<hbm>>
      %dma_wait3A_215 = arith.constant 0 : i32
      %dma_wait3A_216 = tpu.memref_slice %arg7[%run_scoped3A_120, %dma_wait3A_215] : memref<4x6400xf32, #tpu.memory_space<vmem>> -> memref<1x6400xf32, #tpu.memory_space<vmem>>
      %dma_wait3A_217 = tpu.memref_squeeze %dma_wait3A_216 : memref<1x6400xf32, #tpu.memory_space<vmem>> -> memref<6400xf32, #tpu.memory_space<vmem>>
      tpu.wait_dma2 semaphore(%run_scoped3A_197 : memref<!tpu.dma_semaphore, #tpu.memory_space<semaphore_mem>>) src(%dma_wait3A_217 : memref<6400xf32, #tpu.memory_space<vmem>>) dst(%dma_wait3A_214 : memref<6400xf32, #tpu.memory_space<hbm>>)
      tpu.yield
    }) : () -> ()
    %mul3A_122 = arith.constant 51200 : i32
    %mul3A_123 = arith.muli %add3A, %mul3A_122 : i32
    %add3A_124 = arith.constant 32000 : i32
    %add3A_125 = arith.addi %mul3A_123, %add3A_124 : i32
    "tpu.region"() ({
      %run_scoped3A_197 = tpu.sem_alloc : memref<!tpu.dma_semaphore, #tpu.memory_space<semaphore_mem>>
      %dma_start3A_198 = tpu.memref_slice %arg3[%add3A_125] : memref<1638400xi32, #tpu.memory_space<hbm>> -> memref<6400xi32, #tpu.memory_space<hbm>>
      %dma_start3A_199 = tpu.memref_slice %arg3[%add3A_125] : memref<1638400xi32, #tpu.memory_space<hbm>> -> memref<6400xi32, #tpu.memory_space<hbm>>
      tpu.enqueue_dma source(%dma_start3A_199 : memref<6400xi32, #tpu.memory_space<hbm>>) target(%arg5 : memref<6400xi32, #tpu.memory_space<vmem>>) target_semaphore(%run_scoped3A_197 : memref<!tpu.dma_semaphore, #tpu.memory_space<semaphore_mem>>)
      %dma_wait3A_200 = tpu.memref_slice %arg3[%add3A_125] : memref<1638400xi32, #tpu.memory_space<hbm>> -> memref<6400xi32, #tpu.memory_space<hbm>>
      %dma_wait3A_201 = tpu.memref_slice %arg3[%add3A_125] : memref<1638400xi32, #tpu.memory_space<hbm>> -> memref<6400xi32, #tpu.memory_space<hbm>>
      tpu.wait_dma2 semaphore(%run_scoped3A_197 : memref<!tpu.dma_semaphore, #tpu.memory_space<semaphore_mem>>) src(%dma_wait3A_201 : memref<6400xi32, #tpu.memory_space<hbm>>) dst(%arg5 : memref<6400xi32, #tpu.memory_space<vmem>>)
      tpu.yield
    }) : () -> ()
    %dma_start3A_126 = arith.constant 0 : i32
    %dma_start3A_127 = arith.constant 0 : i32
    %dma_start3A_128 = tpu.memref_slice %arg2[%dma_start3A_126, %dma_start3A_127] : memref<102400x8xf32, #tpu.memory_space<hbm>> -> memref<102400x8xf32, #tpu.memory_space<hbm>>
    tpu.enqueue_indirect_dma source(%dma_start3A_128 : memref<102400x8xf32, #tpu.memory_space<hbm>>) target(%arg6 : memref<6400x8xf32, #tpu.memory_space<vmem>>) offsets(%arg5 : memref<6400xi32, #tpu.memory_space<vmem>>) semaphore(%arg8 : memref<!tpu.dma_semaphore, #tpu.memory_space<semaphore_mem>>)
    %dma_wait3A_129 = arith.constant 0 : i32
    %dma_wait3A_130 = arith.constant 0 : i32
    %dma_wait3A_131 = tpu.memref_slice %arg2[%dma_wait3A_129, %dma_wait3A_130] : memref<102400x8xf32, #tpu.memory_space<hbm>> -> memref<102400x8xf32, #tpu.memory_space<hbm>>
    tpu.wait_indirect_dma semaphore(%arg8 : memref<!tpu.dma_semaphore, #tpu.memory_space<semaphore_mem>>) src(%dma_wait3A_131 : memref<102400x8xf32, #tpu.memory_space<hbm>>) dst(%arg6 : memref<6400x8xf32, #tpu.memory_space<vmem>>)
    %scan3A_132 = arith.constant 0 : i32
    %scan3A_133 = arith.constant 0 : i32
    %scan3A_134 = arith.constant 400 : i32
    %scan3A_135 = arith.addi %scan3A_133, %scan3A_134 : i32
    %scan3A_136 = arith.constant 1 : i32
    %scan3A_137 = scf.for %scan3A_197 = %scan3A_133 to %scan3A_135 step %scan3A_136 iter_args(%scan3A_198 = %scan3A_132) -> (i32)  : i32 {
      %mul3A_199 = arith.constant 16 : i32
      %mul3A_200 = arith.muli %scan3A_197, %mul3A_199 : i32
      %add3A_201 = vector.broadcast %mul3A_200 : i32 to vector<16xi32>
      %add3A_202 = arith.addi %iota3A, %add3A_201 : vector<16xi32>
      %broadcast_in_dim3A = arith.constant 0 : i32
      %broadcast_in_dim3A_203 = vector.broadcast %broadcast_in_dim3A : i32 to vector<16xi32>
      %gather3A = tpu.vector_load_idx %arg6[%add3A_202, %broadcast_in_dim3A_203] : memref<6400x8xf32, #tpu.memory_space<vmem>>[vector<16xi32>, vector<16xi32>], vector<16xf32>,
      %mul3A_204 = arith.constant 16 : i32
      %mul3A_205 = arith.muli %scan3A_197, %mul3A_204 : i32
      %swap3A = arith.constant 0 : i32
      %swap3A_206 = arith.index_cast %swap3A : i32 to index
      %swap3A_207 = arith.index_cast %mul3A_205 : i32 to index
      %swap3A_208 = tpu.vector_load %arg7[%swap3A_206, %swap3A_207] {strides = array<i32>} : memref<4x6400xf32, #tpu.memory_space<vmem>>, vector<16xf32>,
      tpu.vector_store %arg7[%swap3A_206, %swap3A_207], %gather3A {strides = array<i32>} : memref<4x6400xf32, #tpu.memory_space<vmem>>, vector<16xf32>,
      %broadcast_in_dim3A_209 = arith.constant 1 : i32
      %broadcast_in_dim3A_210 = vector.broadcast %broadcast_in_dim3A_209 : i32 to vector<16xi32>
      %gather3A_211 = tpu.vector_load_idx %arg6[%add3A_202, %broadcast_in_dim3A_210] : memref<6400x8xf32, #tpu.memory_space<vmem>>[vector<16xi32>, vector<16xi32>], vector<16xf32>,
      %mul3A_212 = arith.constant 16 : i32
      %mul3A_213 = arith.muli %scan3A_197, %mul3A_212 : i32
      %swap3A_214 = arith.constant 1 : i32
      %swap3A_215 = arith.index_cast %swap3A_214 : i32 to index
      %swap3A_216 = arith.index_cast %mul3A_213 : i32 to index
      %swap3A_217 = tpu.vector_load %arg7[%swap3A_215, %swap3A_216] {strides = array<i32>} : memref<4x6400xf32, #tpu.memory_space<vmem>>, vector<16xf32>,
      tpu.vector_store %arg7[%swap3A_215, %swap3A_216], %gather3A_211 {strides = array<i32>} : memref<4x6400xf32, #tpu.memory_space<vmem>>, vector<16xf32>,
      %broadcast_in_dim3A_218 = arith.constant 2 : i32
      %broadcast_in_dim3A_219 = vector.broadcast %broadcast_in_dim3A_218 : i32 to vector<16xi32>
      %gather3A_220 = tpu.vector_load_idx %arg6[%add3A_202, %broadcast_in_dim3A_219] : memref<6400x8xf32, #tpu.memory_space<vmem>>[vector<16xi32>, vector<16xi32>], vector<16xf32>,
      %mul3A_221 = arith.constant 16 : i32
      %mul3A_222 = arith.muli %scan3A_197, %mul3A_221 : i32
      %swap3A_223 = arith.constant 2 : i32
      %swap3A_224 = arith.index_cast %swap3A_223 : i32 to index
      %swap3A_225 = arith.index_cast %mul3A_222 : i32 to index
      %swap3A_226 = tpu.vector_load %arg7[%swap3A_224, %swap3A_225] {strides = array<i32>} : memref<4x6400xf32, #tpu.memory_space<vmem>>, vector<16xf32>,
      tpu.vector_store %arg7[%swap3A_224, %swap3A_225], %gather3A_220 {strides = array<i32>} : memref<4x6400xf32, #tpu.memory_space<vmem>>, vector<16xf32>,
      %broadcast_in_dim3A_227 = arith.constant 3 : i32
      %broadcast_in_dim3A_228 = vector.broadcast %broadcast_in_dim3A_227 : i32 to vector<16xi32>
      %gather3A_229 = tpu.vector_load_idx %arg6[%add3A_202, %broadcast_in_dim3A_228] : memref<6400x8xf32, #tpu.memory_space<vmem>>[vector<16xi32>, vector<16xi32>], vector<16xf32>,
      %mul3A_230 = arith.constant 16 : i32
      %mul3A_231 = arith.muli %scan3A_197, %mul3A_230 : i32
      %swap3A_232 = arith.constant 3 : i32
      %swap3A_233 = arith.index_cast %swap3A_232 : i32 to index
      %swap3A_234 = arith.index_cast %mul3A_231 : i32 to index
      %swap3A_235 = tpu.vector_load %arg7[%swap3A_233, %swap3A_234] {strides = array<i32>} : memref<4x6400xf32, #tpu.memory_space<vmem>>, vector<16xf32>,
      tpu.vector_store %arg7[%swap3A_233, %swap3A_234], %gather3A_229 {strides = array<i32>} : memref<4x6400xf32, #tpu.memory_space<vmem>>, vector<16xf32>,
      %scan3A_236 = arith.constant 0 : i32
      scf.yield %scan3A_236 : i32
    }
    %scan3A_138 = arith.constant 400 : i32
    %run_scoped3A_139 = arith.constant 0 : i32
    %run_scoped3A_140 = arith.constant 0 : i32
    "tpu.region"() ({
      %run_scoped3A_197 = tpu.sem_alloc : memref<!tpu.dma_semaphore, #tpu.memory_space<semaphore_mem>>
      %dma_start3A_198 = arith.constant 0 : i32
      %dma_start3A_199 = tpu.memref_slice %arg7[%run_scoped3A_139, %dma_start3A_198] : memref<4x6400xf32, #tpu.memory_space<vmem>> -> memref<1x6400xf32, #tpu.memory_space<vmem>>
      %dma_start3A_200 = tpu.memref_squeeze %dma_start3A_199 : memref<1x6400xf32, #tpu.memory_space<vmem>> -> memref<6400xf32, #tpu.memory_space<vmem>>
      %dma_start3A_201 = tpu.memref_slice %arg4[%run_scoped3A_140, %add3A_125] : memref<4x1638400xf32, #tpu.memory_space<hbm>> -> memref<1x6400xf32, #tpu.memory_space<hbm>>
      %dma_start3A_202 = tpu.memref_squeeze %dma_start3A_201 : memref<1x6400xf32, #tpu.memory_space<hbm>> -> memref<6400xf32, #tpu.memory_space<hbm>>
      %dma_start3A_203 = tpu.memref_slice %arg4[%run_scoped3A_140, %add3A_125] : memref<4x1638400xf32, #tpu.memory_space<hbm>> -> memref<1x6400xf32, #tpu.memory_space<hbm>>
      %dma_start3A_204 = tpu.memref_squeeze %dma_start3A_203 : memref<1x6400xf32, #tpu.memory_space<hbm>> -> memref<6400xf32, #tpu.memory_space<hbm>>
      %dma_start3A_205 = arith.constant 0 : i32
      %dma_start3A_206 = tpu.memref_slice %arg7[%run_scoped3A_139, %dma_start3A_205] : memref<4x6400xf32, #tpu.memory_space<vmem>> -> memref<1x6400xf32, #tpu.memory_space<vmem>>
      %dma_start3A_207 = tpu.memref_squeeze %dma_start3A_206 : memref<1x6400xf32, #tpu.memory_space<vmem>> -> memref<6400xf32, #tpu.memory_space<vmem>>
      tpu.enqueue_dma source(%dma_start3A_207 : memref<6400xf32, #tpu.memory_space<vmem>>) target(%dma_start3A_204 : memref<6400xf32, #tpu.memory_space<hbm>>) target_semaphore(%run_scoped3A_197 : memref<!tpu.dma_semaphore, #tpu.memory_space<semaphore_mem>>)
      %dma_wait3A_208 = arith.constant 0 : i32
      %dma_wait3A_209 = tpu.memref_slice %arg7[%run_scoped3A_139, %dma_wait3A_208] : memref<4x6400xf32, #tpu.memory_space<vmem>> -> memref<1x6400xf32, #tpu.memory_space<vmem>>
      %dma_wait3A_210 = tpu.memref_squeeze %dma_wait3A_209 : memref<1x6400xf32, #tpu.memory_space<vmem>> -> memref<6400xf32, #tpu.memory_space<vmem>>
      %dma_wait3A_211 = tpu.memref_slice %arg4[%run_scoped3A_140, %add3A_125] : memref<4x1638400xf32, #tpu.memory_space<hbm>> -> memref<1x6400xf32, #tpu.memory_space<hbm>>
      %dma_wait3A_212 = tpu.memref_squeeze %dma_wait3A_211 : memref<1x6400xf32, #tpu.memory_space<hbm>> -> memref<6400xf32, #tpu.memory_space<hbm>>
      %dma_wait3A_213 = tpu.memref_slice %arg4[%run_scoped3A_140, %add3A_125] : memref<4x1638400xf32, #tpu.memory_space<hbm>> -> memref<1x6400xf32, #tpu.memory_space<hbm>>
      %dma_wait3A_214 = tpu.memref_squeeze %dma_wait3A_213 : memref<1x6400xf32, #tpu.memory_space<hbm>> -> memref<6400xf32, #tpu.memory_space<hbm>>
      %dma_wait3A_215 = arith.constant 0 : i32
      %dma_wait3A_216 = tpu.memref_slice %arg7[%run_scoped3A_139, %dma_wait3A_215] : memref<4x6400xf32, #tpu.memory_space<vmem>> -> memref<1x6400xf32, #tpu.memory_space<vmem>>
      %dma_wait3A_217 = tpu.memref_squeeze %dma_wait3A_216 : memref<1x6400xf32, #tpu.memory_space<vmem>> -> memref<6400xf32, #tpu.memory_space<vmem>>
      tpu.wait_dma2 semaphore(%run_scoped3A_197 : memref<!tpu.dma_semaphore, #tpu.memory_space<semaphore_mem>>) src(%dma_wait3A_217 : memref<6400xf32, #tpu.memory_space<vmem>>) dst(%dma_wait3A_214 : memref<6400xf32, #tpu.memory_space<hbm>>)
      tpu.yield
    }) : () -> ()
    %run_scoped3A_141 = arith.constant 1 : i32
    %run_scoped3A_142 = arith.constant 1 : i32
    "tpu.region"() ({
      %run_scoped3A_197 = tpu.sem_alloc : memref<!tpu.dma_semaphore, #tpu.memory_space<semaphore_mem>>
      %dma_start3A_198 = arith.constant 0 : i32
      %dma_start3A_199 = tpu.memref_slice %arg7[%run_scoped3A_141, %dma_start3A_198] : memref<4x6400xf32, #tpu.memory_space<vmem>> -> memref<1x6400xf32, #tpu.memory_space<vmem>>
      %dma_start3A_200 = tpu.memref_squeeze %dma_start3A_199 : memref<1x6400xf32, #tpu.memory_space<vmem>> -> memref<6400xf32, #tpu.memory_space<vmem>>
      %dma_start3A_201 = tpu.memref_slice %arg4[%run_scoped3A_142, %add3A_125] : memref<4x1638400xf32, #tpu.memory_space<hbm>> -> memref<1x6400xf32, #tpu.memory_space<hbm>>
      %dma_start3A_202 = tpu.memref_squeeze %dma_start3A_201 : memref<1x6400xf32, #tpu.memory_space<hbm>> -> memref<6400xf32, #tpu.memory_space<hbm>>
      %dma_start3A_203 = tpu.memref_slice %arg4[%run_scoped3A_142, %add3A_125] : memref<4x1638400xf32, #tpu.memory_space<hbm>> -> memref<1x6400xf32, #tpu.memory_space<hbm>>
      %dma_start3A_204 = tpu.memref_squeeze %dma_start3A_203 : memref<1x6400xf32, #tpu.memory_space<hbm>> -> memref<6400xf32, #tpu.memory_space<hbm>>
      %dma_start3A_205 = arith.constant 0 : i32
      %dma_start3A_206 = tpu.memref_slice %arg7[%run_scoped3A_141, %dma_start3A_205] : memref<4x6400xf32, #tpu.memory_space<vmem>> -> memref<1x6400xf32, #tpu.memory_space<vmem>>
      %dma_start3A_207 = tpu.memref_squeeze %dma_start3A_206 : memref<1x6400xf32, #tpu.memory_space<vmem>> -> memref<6400xf32, #tpu.memory_space<vmem>>
      tpu.enqueue_dma source(%dma_start3A_207 : memref<6400xf32, #tpu.memory_space<vmem>>) target(%dma_start3A_204 : memref<6400xf32, #tpu.memory_space<hbm>>) target_semaphore(%run_scoped3A_197 : memref<!tpu.dma_semaphore, #tpu.memory_space<semaphore_mem>>)
      %dma_wait3A_208 = arith.constant 0 : i32
      %dma_wait3A_209 = tpu.memref_slice %arg7[%run_scoped3A_141, %dma_wait3A_208] : memref<4x6400xf32, #tpu.memory_space<vmem>> -> memref<1x6400xf32, #tpu.memory_space<vmem>>
      %dma_wait3A_210 = tpu.memref_squeeze %dma_wait3A_209 : memref<1x6400xf32, #tpu.memory_space<vmem>> -> memref<6400xf32, #tpu.memory_space<vmem>>
      %dma_wait3A_211 = tpu.memref_slice %arg4[%run_scoped3A_142, %add3A_125] : memref<4x1638400xf32, #tpu.memory_space<hbm>> -> memref<1x6400xf32, #tpu.memory_space<hbm>>
      %dma_wait3A_212 = tpu.memref_squeeze %dma_wait3A_211 : memref<1x6400xf32, #tpu.memory_space<hbm>> -> memref<6400xf32, #tpu.memory_space<hbm>>
      %dma_wait3A_213 = tpu.memref_slice %arg4[%run_scoped3A_142, %add3A_125] : memref<4x1638400xf32, #tpu.memory_space<hbm>> -> memref<1x6400xf32, #tpu.memory_space<hbm>>
      %dma_wait3A_214 = tpu.memref_squeeze %dma_wait3A_213 : memref<1x6400xf32, #tpu.memory_space<hbm>> -> memref<6400xf32, #tpu.memory_space<hbm>>
      %dma_wait3A_215 = arith.constant 0 : i32
      %dma_wait3A_216 = tpu.memref_slice %arg7[%run_scoped3A_141, %dma_wait3A_215] : memref<4x6400xf32, #tpu.memory_space<vmem>> -> memref<1x6400xf32, #tpu.memory_space<vmem>>
      %dma_wait3A_217 = tpu.memref_squeeze %dma_wait3A_216 : memref<1x6400xf32, #tpu.memory_space<vmem>> -> memref<6400xf32, #tpu.memory_space<vmem>>
      tpu.wait_dma2 semaphore(%run_scoped3A_197 : memref<!tpu.dma_semaphore, #tpu.memory_space<semaphore_mem>>) src(%dma_wait3A_217 : memref<6400xf32, #tpu.memory_space<vmem>>) dst(%dma_wait3A_214 : memref<6400xf32, #tpu.memory_space<hbm>>)
      tpu.yield
    }) : () -> ()
    %run_scoped3A_143 = arith.constant 2 : i32
    %run_scoped3A_144 = arith.constant 2 : i32
    "tpu.region"() ({
      %run_scoped3A_197 = tpu.sem_alloc : memref<!tpu.dma_semaphore, #tpu.memory_space<semaphore_mem>>
      %dma_start3A_198 = arith.constant 0 : i32
      %dma_start3A_199 = tpu.memref_slice %arg7[%run_scoped3A_143, %dma_start3A_198] : memref<4x6400xf32, #tpu.memory_space<vmem>> -> memref<1x6400xf32, #tpu.memory_space<vmem>>
      %dma_start3A_200 = tpu.memref_squeeze %dma_start3A_199 : memref<1x6400xf32, #tpu.memory_space<vmem>> -> memref<6400xf32, #tpu.memory_space<vmem>>
      %dma_start3A_201 = tpu.memref_slice %arg4[%run_scoped3A_144, %add3A_125] : memref<4x1638400xf32, #tpu.memory_space<hbm>> -> memref<1x6400xf32, #tpu.memory_space<hbm>>
      %dma_start3A_202 = tpu.memref_squeeze %dma_start3A_201 : memref<1x6400xf32, #tpu.memory_space<hbm>> -> memref<6400xf32, #tpu.memory_space<hbm>>
      %dma_start3A_203 = tpu.memref_slice %arg4[%run_scoped3A_144, %add3A_125] : memref<4x1638400xf32, #tpu.memory_space<hbm>> -> memref<1x6400xf32, #tpu.memory_space<hbm>>
      %dma_start3A_204 = tpu.memref_squeeze %dma_start3A_203 : memref<1x6400xf32, #tpu.memory_space<hbm>> -> memref<6400xf32, #tpu.memory_space<hbm>>
      %dma_start3A_205 = arith.constant 0 : i32
      %dma_start3A_206 = tpu.memref_slice %arg7[%run_scoped3A_143, %dma_start3A_205] : memref<4x6400xf32, #tpu.memory_space<vmem>> -> memref<1x6400xf32, #tpu.memory_space<vmem>>
      %dma_start3A_207 = tpu.memref_squeeze %dma_start3A_206 : memref<1x6400xf32, #tpu.memory_space<vmem>> -> memref<6400xf32, #tpu.memory_space<vmem>>
      tpu.enqueue_dma source(%dma_start3A_207 : memref<6400xf32, #tpu.memory_space<vmem>>) target(%dma_start3A_204 : memref<6400xf32, #tpu.memory_space<hbm>>) target_semaphore(%run_scoped3A_197 : memref<!tpu.dma_semaphore, #tpu.memory_space<semaphore_mem>>)
      %dma_wait3A_208 = arith.constant 0 : i32
      %dma_wait3A_209 = tpu.memref_slice %arg7[%run_scoped3A_143, %dma_wait3A_208] : memref<4x6400xf32, #tpu.memory_space<vmem>> -> memref<1x6400xf32, #tpu.memory_space<vmem>>
      %dma_wait3A_210 = tpu.memref_squeeze %dma_wait3A_209 : memref<1x6400xf32, #tpu.memory_space<vmem>> -> memref<6400xf32, #tpu.memory_space<vmem>>
      %dma_wait3A_211 = tpu.memref_slice %arg4[%run_scoped3A_144, %add3A_125] : memref<4x1638400xf32, #tpu.memory_space<hbm>> -> memref<1x6400xf32, #tpu.memory_space<hbm>>
      %dma_wait3A_212 = tpu.memref_squeeze %dma_wait3A_211 : memref<1x6400xf32, #tpu.memory_space<hbm>> -> memref<6400xf32, #tpu.memory_space<hbm>>
      %dma_wait3A_213 = tpu.memref_slice %arg4[%run_scoped3A_144, %add3A_125] : memref<4x1638400xf32, #tpu.memory_space<hbm>> -> memref<1x6400xf32, #tpu.memory_space<hbm>>
      %dma_wait3A_214 = tpu.memref_squeeze %dma_wait3A_213 : memref<1x6400xf32, #tpu.memory_space<hbm>> -> memref<6400xf32, #tpu.memory_space<hbm>>
      %dma_wait3A_215 = arith.constant 0 : i32
      %dma_wait3A_216 = tpu.memref_slice %arg7[%run_scoped3A_143, %dma_wait3A_215] : memref<4x6400xf32, #tpu.memory_space<vmem>> -> memref<1x6400xf32, #tpu.memory_space<vmem>>
      %dma_wait3A_217 = tpu.memref_squeeze %dma_wait3A_216 : memref<1x6400xf32, #tpu.memory_space<vmem>> -> memref<6400xf32, #tpu.memory_space<vmem>>
      tpu.wait_dma2 semaphore(%run_scoped3A_197 : memref<!tpu.dma_semaphore, #tpu.memory_space<semaphore_mem>>) src(%dma_wait3A_217 : memref<6400xf32, #tpu.memory_space<vmem>>) dst(%dma_wait3A_214 : memref<6400xf32, #tpu.memory_space<hbm>>)
      tpu.yield
    }) : () -> ()
    %run_scoped3A_145 = arith.constant 3 : i32
    %run_scoped3A_146 = arith.constant 3 : i32
    "tpu.region"() ({
      %run_scoped3A_197 = tpu.sem_alloc : memref<!tpu.dma_semaphore, #tpu.memory_space<semaphore_mem>>
      %dma_start3A_198 = arith.constant 0 : i32
      %dma_start3A_199 = tpu.memref_slice %arg7[%run_scoped3A_145, %dma_start3A_198] : memref<4x6400xf32, #tpu.memory_space<vmem>> -> memref<1x6400xf32, #tpu.memory_space<vmem>>
      %dma_start3A_200 = tpu.memref_squeeze %dma_start3A_199 : memref<1x6400xf32, #tpu.memory_space<vmem>> -> memref<6400xf32, #tpu.memory_space<vmem>>
      %dma_start3A_201 = tpu.memref_slice %arg4[%run_scoped3A_146, %add3A_125] : memref<4x1638400xf32, #tpu.memory_space<hbm>> -> memref<1x6400xf32, #tpu.memory_space<hbm>>
      %dma_start3A_202 = tpu.memref_squeeze %dma_start3A_201 : memref<1x6400xf32, #tpu.memory_space<hbm>> -> memref<6400xf32, #tpu.memory_space<hbm>>
      %dma_start3A_203 = tpu.memref_slice %arg4[%run_scoped3A_146, %add3A_125] : memref<4x1638400xf32, #tpu.memory_space<hbm>> -> memref<1x6400xf32, #tpu.memory_space<hbm>>
      %dma_start3A_204 = tpu.memref_squeeze %dma_start3A_203 : memref<1x6400xf32, #tpu.memory_space<hbm>> -> memref<6400xf32, #tpu.memory_space<hbm>>
      %dma_start3A_205 = arith.constant 0 : i32
      %dma_start3A_206 = tpu.memref_slice %arg7[%run_scoped3A_145, %dma_start3A_205] : memref<4x6400xf32, #tpu.memory_space<vmem>> -> memref<1x6400xf32, #tpu.memory_space<vmem>>
      %dma_start3A_207 = tpu.memref_squeeze %dma_start3A_206 : memref<1x6400xf32, #tpu.memory_space<vmem>> -> memref<6400xf32, #tpu.memory_space<vmem>>
      tpu.enqueue_dma source(%dma_start3A_207 : memref<6400xf32, #tpu.memory_space<vmem>>) target(%dma_start3A_204 : memref<6400xf32, #tpu.memory_space<hbm>>) target_semaphore(%run_scoped3A_197 : memref<!tpu.dma_semaphore, #tpu.memory_space<semaphore_mem>>)
      %dma_wait3A_208 = arith.constant 0 : i32
      %dma_wait3A_209 = tpu.memref_slice %arg7[%run_scoped3A_145, %dma_wait3A_208] : memref<4x6400xf32, #tpu.memory_space<vmem>> -> memref<1x6400xf32, #tpu.memory_space<vmem>>
      %dma_wait3A_210 = tpu.memref_squeeze %dma_wait3A_209 : memref<1x6400xf32, #tpu.memory_space<vmem>> -> memref<6400xf32, #tpu.memory_space<vmem>>
      %dma_wait3A_211 = tpu.memref_slice %arg4[%run_scoped3A_146, %add3A_125] : memref<4x1638400xf32, #tpu.memory_space<hbm>> -> memref<1x6400xf32, #tpu.memory_space<hbm>>
      %dma_wait3A_212 = tpu.memref_squeeze %dma_wait3A_211 : memref<1x6400xf32, #tpu.memory_space<hbm>> -> memref<6400xf32, #tpu.memory_space<hbm>>
      %dma_wait3A_213 = tpu.memref_slice %arg4[%run_scoped3A_146, %add3A_125] : memref<4x1638400xf32, #tpu.memory_space<hbm>> -> memref<1x6400xf32, #tpu.memory_space<hbm>>
      %dma_wait3A_214 = tpu.memref_squeeze %dma_wait3A_213 : memref<1x6400xf32, #tpu.memory_space<hbm>> -> memref<6400xf32, #tpu.memory_space<hbm>>
      %dma_wait3A_215 = arith.constant 0 : i32
      %dma_wait3A_216 = tpu.memref_slice %arg7[%run_scoped3A_145, %dma_wait3A_215] : memref<4x6400xf32, #tpu.memory_space<vmem>> -> memref<1x6400xf32, #tpu.memory_space<vmem>>
      %dma_wait3A_217 = tpu.memref_squeeze %dma_wait3A_216 : memref<1x6400xf32, #tpu.memory_space<vmem>> -> memref<6400xf32, #tpu.memory_space<vmem>>
      tpu.wait_dma2 semaphore(%run_scoped3A_197 : memref<!tpu.dma_semaphore, #tpu.memory_space<semaphore_mem>>) src(%dma_wait3A_217 : memref<6400xf32, #tpu.memory_space<vmem>>) dst(%dma_wait3A_214 : memref<6400xf32, #tpu.memory_space<hbm>>)
      tpu.yield
    }) : () -> ()
    %mul3A_147 = arith.constant 51200 : i32
    %mul3A_148 = arith.muli %add3A, %mul3A_147 : i32
    %add3A_149 = arith.constant 38400 : i32
    %add3A_150 = arith.addi %mul3A_148, %add3A_149 : i32
    "tpu.region"() ({
      %run_scoped3A_197 = tpu.sem_alloc : memref<!tpu.dma_semaphore, #tpu.memory_space<semaphore_mem>>
      %dma_start3A_198 = tpu.memref_slice %arg3[%add3A_150] : memref<1638400xi32, #tpu.memory_space<hbm>> -> memref<6400xi32, #tpu.memory_space<hbm>>
      %dma_start3A_199 = tpu.memref_slice %arg3[%add3A_150] : memref<1638400xi32, #tpu.memory_space<hbm>> -> memref<6400xi32, #tpu.memory_space<hbm>>
      tpu.enqueue_dma source(%dma_start3A_199 : memref<6400xi32, #tpu.memory_space<hbm>>) target(%arg5 : memref<6400xi32, #tpu.memory_space<vmem>>) target_semaphore(%run_scoped3A_197 : memref<!tpu.dma_semaphore, #tpu.memory_space<semaphore_mem>>)
      %dma_wait3A_200 = tpu.memref_slice %arg3[%add3A_150] : memref<1638400xi32, #tpu.memory_space<hbm>> -> memref<6400xi32, #tpu.memory_space<hbm>>
      %dma_wait3A_201 = tpu.memref_slice %arg3[%add3A_150] : memref<1638400xi32, #tpu.memory_space<hbm>> -> memref<6400xi32, #tpu.memory_space<hbm>>
      tpu.wait_dma2 semaphore(%run_scoped3A_197 : memref<!tpu.dma_semaphore, #tpu.memory_space<semaphore_mem>>) src(%dma_wait3A_201 : memref<6400xi32, #tpu.memory_space<hbm>>) dst(%arg5 : memref<6400xi32, #tpu.memory_space<vmem>>)
      tpu.yield
    }) : () -> ()
    %dma_start3A_151 = arith.constant 0 : i32
    %dma_start3A_152 = arith.constant 0 : i32
    %dma_start3A_153 = tpu.memref_slice %arg2[%dma_start3A_151, %dma_start3A_152] : memref<102400x8xf32, #tpu.memory_space<hbm>> -> memref<102400x8xf32, #tpu.memory_space<hbm>>
    tpu.enqueue_indirect_dma source(%dma_start3A_153 : memref<102400x8xf32, #tpu.memory_space<hbm>>) target(%arg6 : memref<6400x8xf32, #tpu.memory_space<vmem>>) offsets(%arg5 : memref<6400xi32, #tpu.memory_space<vmem>>) semaphore(%arg8 : memref<!tpu.dma_semaphore, #tpu.memory_space<semaphore_mem>>)
    %dma_wait3A_154 = arith.constant 0 : i32
    %dma_wait3A_155 = arith.constant 0 : i32
    %dma_wait3A_156 = tpu.memref_slice %arg2[%dma_wait3A_154, %dma_wait3A_155] : memref<102400x8xf32, #tpu.memory_space<hbm>> -> memref<102400x8xf32, #tpu.memory_space<hbm>>
    tpu.wait_indirect_dma semaphore(%arg8 : memref<!tpu.dma_semaphore, #tpu.memory_space<semaphore_mem>>) src(%dma_wait3A_156 : memref<102400x8xf32, #tpu.memory_space<hbm>>) dst(%arg6 : memref<6400x8xf32, #tpu.memory_space<vmem>>)
    %scan3A_157 = arith.constant 0 : i32
    %scan3A_158 = arith.constant 0 : i32
    %scan3A_159 = arith.constant 400 : i32
    %scan3A_160 = arith.addi %scan3A_158, %scan3A_159 : i32
    %scan3A_161 = arith.constant 1 : i32
    %scan3A_162 = scf.for %scan3A_197 = %scan3A_158 to %scan3A_160 step %scan3A_161 iter_args(%scan3A_198 = %scan3A_157) -> (i32)  : i32 {
      %mul3A_199 = arith.constant 16 : i32
      %mul3A_200 = arith.muli %scan3A_197, %mul3A_199 : i32
      %add3A_201 = vector.broadcast %mul3A_200 : i32 to vector<16xi32>
      %add3A_202 = arith.addi %iota3A, %add3A_201 : vector<16xi32>
      %broadcast_in_dim3A = arith.constant 0 : i32
      %broadcast_in_dim3A_203 = vector.broadcast %broadcast_in_dim3A : i32 to vector<16xi32>
      %gather3A = tpu.vector_load_idx %arg6[%add3A_202, %broadcast_in_dim3A_203] : memref<6400x8xf32, #tpu.memory_space<vmem>>[vector<16xi32>, vector<16xi32>], vector<16xf32>,
      %mul3A_204 = arith.constant 16 : i32
      %mul3A_205 = arith.muli %scan3A_197, %mul3A_204 : i32
      %swap3A = arith.constant 0 : i32
      %swap3A_206 = arith.index_cast %swap3A : i32 to index
      %swap3A_207 = arith.index_cast %mul3A_205 : i32 to index
      %swap3A_208 = tpu.vector_load %arg7[%swap3A_206, %swap3A_207] {strides = array<i32>} : memref<4x6400xf32, #tpu.memory_space<vmem>>, vector<16xf32>,
      tpu.vector_store %arg7[%swap3A_206, %swap3A_207], %gather3A {strides = array<i32>} : memref<4x6400xf32, #tpu.memory_space<vmem>>, vector<16xf32>,
      %broadcast_in_dim3A_209 = arith.constant 1 : i32
      %broadcast_in_dim3A_210 = vector.broadcast %broadcast_in_dim3A_209 : i32 to vector<16xi32>
      %gather3A_211 = tpu.vector_load_idx %arg6[%add3A_202, %broadcast_in_dim3A_210] : memref<6400x8xf32, #tpu.memory_space<vmem>>[vector<16xi32>, vector<16xi32>], vector<16xf32>,
      %mul3A_212 = arith.constant 16 : i32
      %mul3A_213 = arith.muli %scan3A_197, %mul3A_212 : i32
      %swap3A_214 = arith.constant 1 : i32
      %swap3A_215 = arith.index_cast %swap3A_214 : i32 to index
      %swap3A_216 = arith.index_cast %mul3A_213 : i32 to index
      %swap3A_217 = tpu.vector_load %arg7[%swap3A_215, %swap3A_216] {strides = array<i32>} : memref<4x6400xf32, #tpu.memory_space<vmem>>, vector<16xf32>,
      tpu.vector_store %arg7[%swap3A_215, %swap3A_216], %gather3A_211 {strides = array<i32>} : memref<4x6400xf32, #tpu.memory_space<vmem>>, vector<16xf32>,
      %broadcast_in_dim3A_218 = arith.constant 2 : i32
      %broadcast_in_dim3A_219 = vector.broadcast %broadcast_in_dim3A_218 : i32 to vector<16xi32>
      %gather3A_220 = tpu.vector_load_idx %arg6[%add3A_202, %broadcast_in_dim3A_219] : memref<6400x8xf32, #tpu.memory_space<vmem>>[vector<16xi32>, vector<16xi32>], vector<16xf32>,
      %mul3A_221 = arith.constant 16 : i32
      %mul3A_222 = arith.muli %scan3A_197, %mul3A_221 : i32
      %swap3A_223 = arith.constant 2 : i32
      %swap3A_224 = arith.index_cast %swap3A_223 : i32 to index
      %swap3A_225 = arith.index_cast %mul3A_222 : i32 to index
      %swap3A_226 = tpu.vector_load %arg7[%swap3A_224, %swap3A_225] {strides = array<i32>} : memref<4x6400xf32, #tpu.memory_space<vmem>>, vector<16xf32>,
      tpu.vector_store %arg7[%swap3A_224, %swap3A_225], %gather3A_220 {strides = array<i32>} : memref<4x6400xf32, #tpu.memory_space<vmem>>, vector<16xf32>,
      %broadcast_in_dim3A_227 = arith.constant 3 : i32
      %broadcast_in_dim3A_228 = vector.broadcast %broadcast_in_dim3A_227 : i32 to vector<16xi32>
      %gather3A_229 = tpu.vector_load_idx %arg6[%add3A_202, %broadcast_in_dim3A_228] : memref<6400x8xf32, #tpu.memory_space<vmem>>[vector<16xi32>, vector<16xi32>], vector<16xf32>,
      %mul3A_230 = arith.constant 16 : i32
      %mul3A_231 = arith.muli %scan3A_197, %mul3A_230 : i32
      %swap3A_232 = arith.constant 3 : i32
      %swap3A_233 = arith.index_cast %swap3A_232 : i32 to index
      %swap3A_234 = arith.index_cast %mul3A_231 : i32 to index
      %swap3A_235 = tpu.vector_load %arg7[%swap3A_233, %swap3A_234] {strides = array<i32>} : memref<4x6400xf32, #tpu.memory_space<vmem>>, vector<16xf32>,
      tpu.vector_store %arg7[%swap3A_233, %swap3A_234], %gather3A_229 {strides = array<i32>} : memref<4x6400xf32, #tpu.memory_space<vmem>>, vector<16xf32>,
      %scan3A_236 = arith.constant 0 : i32
      scf.yield %scan3A_236 : i32
    }
    %scan3A_163 = arith.constant 400 : i32
    %run_scoped3A_164 = arith.constant 0 : i32
    %run_scoped3A_165 = arith.constant 0 : i32
    "tpu.region"() ({
      %run_scoped3A_197 = tpu.sem_alloc : memref<!tpu.dma_semaphore, #tpu.memory_space<semaphore_mem>>
      %dma_start3A_198 = arith.constant 0 : i32
      %dma_start3A_199 = tpu.memref_slice %arg7[%run_scoped3A_164, %dma_start3A_198] : memref<4x6400xf32, #tpu.memory_space<vmem>> -> memref<1x6400xf32, #tpu.memory_space<vmem>>
      %dma_start3A_200 = tpu.memref_squeeze %dma_start3A_199 : memref<1x6400xf32, #tpu.memory_space<vmem>> -> memref<6400xf32, #tpu.memory_space<vmem>>
      %dma_start3A_201 = tpu.memref_slice %arg4[%run_scoped3A_165, %add3A_150] : memref<4x1638400xf32, #tpu.memory_space<hbm>> -> memref<1x6400xf32, #tpu.memory_space<hbm>>
      %dma_start3A_202 = tpu.memref_squeeze %dma_start3A_201 : memref<1x6400xf32, #tpu.memory_space<hbm>> -> memref<6400xf32, #tpu.memory_space<hbm>>
      %dma_start3A_203 = tpu.memref_slice %arg4[%run_scoped3A_165, %add3A_150] : memref<4x1638400xf32, #tpu.memory_space<hbm>> -> memref<1x6400xf32, #tpu.memory_space<hbm>>
      %dma_start3A_204 = tpu.memref_squeeze %dma_start3A_203 : memref<1x6400xf32, #tpu.memory_space<hbm>> -> memref<6400xf32, #tpu.memory_space<hbm>>
      %dma_start3A_205 = arith.constant 0 : i32
      %dma_start3A_206 = tpu.memref_slice %arg7[%run_scoped3A_164, %dma_start3A_205] : memref<4x6400xf32, #tpu.memory_space<vmem>> -> memref<1x6400xf32, #tpu.memory_space<vmem>>
      %dma_start3A_207 = tpu.memref_squeeze %dma_start3A_206 : memref<1x6400xf32, #tpu.memory_space<vmem>> -> memref<6400xf32, #tpu.memory_space<vmem>>
      tpu.enqueue_dma source(%dma_start3A_207 : memref<6400xf32, #tpu.memory_space<vmem>>) target(%dma_start3A_204 : memref<6400xf32, #tpu.memory_space<hbm>>) target_semaphore(%run_scoped3A_197 : memref<!tpu.dma_semaphore, #tpu.memory_space<semaphore_mem>>)
      %dma_wait3A_208 = arith.constant 0 : i32
      %dma_wait3A_209 = tpu.memref_slice %arg7[%run_scoped3A_164, %dma_wait3A_208] : memref<4x6400xf32, #tpu.memory_space<vmem>> -> memref<1x6400xf32, #tpu.memory_space<vmem>>
      %dma_wait3A_210 = tpu.memref_squeeze %dma_wait3A_209 : memref<1x6400xf32, #tpu.memory_space<vmem>> -> memref<6400xf32, #tpu.memory_space<vmem>>
      %dma_wait3A_211 = tpu.memref_slice %arg4[%run_scoped3A_165, %add3A_150] : memref<4x1638400xf32, #tpu.memory_space<hbm>> -> memref<1x6400xf32, #tpu.memory_space<hbm>>
      %dma_wait3A_212 = tpu.memref_squeeze %dma_wait3A_211 : memref<1x6400xf32, #tpu.memory_space<hbm>> -> memref<6400xf32, #tpu.memory_space<hbm>>
      %dma_wait3A_213 = tpu.memref_slice %arg4[%run_scoped3A_165, %add3A_150] : memref<4x1638400xf32, #tpu.memory_space<hbm>> -> memref<1x6400xf32, #tpu.memory_space<hbm>>
      %dma_wait3A_214 = tpu.memref_squeeze %dma_wait3A_213 : memref<1x6400xf32, #tpu.memory_space<hbm>> -> memref<6400xf32, #tpu.memory_space<hbm>>
      %dma_wait3A_215 = arith.constant 0 : i32
      %dma_wait3A_216 = tpu.memref_slice %arg7[%run_scoped3A_164, %dma_wait3A_215] : memref<4x6400xf32, #tpu.memory_space<vmem>> -> memref<1x6400xf32, #tpu.memory_space<vmem>>
      %dma_wait3A_217 = tpu.memref_squeeze %dma_wait3A_216 : memref<1x6400xf32, #tpu.memory_space<vmem>> -> memref<6400xf32, #tpu.memory_space<vmem>>
      tpu.wait_dma2 semaphore(%run_scoped3A_197 : memref<!tpu.dma_semaphore, #tpu.memory_space<semaphore_mem>>) src(%dma_wait3A_217 : memref<6400xf32, #tpu.memory_space<vmem>>) dst(%dma_wait3A_214 : memref<6400xf32, #tpu.memory_space<hbm>>)
      tpu.yield
    }) : () -> ()
    %run_scoped3A_166 = arith.constant 1 : i32
    %run_scoped3A_167 = arith.constant 1 : i32
    "tpu.region"() ({
      %run_scoped3A_197 = tpu.sem_alloc : memref<!tpu.dma_semaphore, #tpu.memory_space<semaphore_mem>>
      %dma_start3A_198 = arith.constant 0 : i32
      %dma_start3A_199 = tpu.memref_slice %arg7[%run_scoped3A_166, %dma_start3A_198] : memref<4x6400xf32, #tpu.memory_space<vmem>> -> memref<1x6400xf32, #tpu.memory_space<vmem>>
      %dma_start3A_200 = tpu.memref_squeeze %dma_start3A_199 : memref<1x6400xf32, #tpu.memory_space<vmem>> -> memref<6400xf32, #tpu.memory_space<vmem>>
      %dma_start3A_201 = tpu.memref_slice %arg4[%run_scoped3A_167, %add3A_150] : memref<4x1638400xf32, #tpu.memory_space<hbm>> -> memref<1x6400xf32, #tpu.memory_space<hbm>>
      %dma_start3A_202 = tpu.memref_squeeze %dma_start3A_201 : memref<1x6400xf32, #tpu.memory_space<hbm>> -> memref<6400xf32, #tpu.memory_space<hbm>>
      %dma_start3A_203 = tpu.memref_slice %arg4[%run_scoped3A_167, %add3A_150] : memref<4x1638400xf32, #tpu.memory_space<hbm>> -> memref<1x6400xf32, #tpu.memory_space<hbm>>
      %dma_start3A_204 = tpu.memref_squeeze %dma_start3A_203 : memref<1x6400xf32, #tpu.memory_space<hbm>> -> memref<6400xf32, #tpu.memory_space<hbm>>
      %dma_start3A_205 = arith.constant 0 : i32
      %dma_start3A_206 = tpu.memref_slice %arg7[%run_scoped3A_166, %dma_start3A_205] : memref<4x6400xf32, #tpu.memory_space<vmem>> -> memref<1x6400xf32, #tpu.memory_space<vmem>>
      %dma_start3A_207 = tpu.memref_squeeze %dma_start3A_206 : memref<1x6400xf32, #tpu.memory_space<vmem>> -> memref<6400xf32, #tpu.memory_space<vmem>>
      tpu.enqueue_dma source(%dma_start3A_207 : memref<6400xf32, #tpu.memory_space<vmem>>) target(%dma_start3A_204 : memref<6400xf32, #tpu.memory_space<hbm>>) target_semaphore(%run_scoped3A_197 : memref<!tpu.dma_semaphore, #tpu.memory_space<semaphore_mem>>)
      %dma_wait3A_208 = arith.constant 0 : i32
      %dma_wait3A_209 = tpu.memref_slice %arg7[%run_scoped3A_166, %dma_wait3A_208] : memref<4x6400xf32, #tpu.memory_space<vmem>> -> memref<1x6400xf32, #tpu.memory_space<vmem>>
      %dma_wait3A_210 = tpu.memref_squeeze %dma_wait3A_209 : memref<1x6400xf32, #tpu.memory_space<vmem>> -> memref<6400xf32, #tpu.memory_space<vmem>>
      %dma_wait3A_211 = tpu.memref_slice %arg4[%run_scoped3A_167, %add3A_150] : memref<4x1638400xf32, #tpu.memory_space<hbm>> -> memref<1x6400xf32, #tpu.memory_space<hbm>>
      %dma_wait3A_212 = tpu.memref_squeeze %dma_wait3A_211 : memref<1x6400xf32, #tpu.memory_space<hbm>> -> memref<6400xf32, #tpu.memory_space<hbm>>
      %dma_wait3A_213 = tpu.memref_slice %arg4[%run_scoped3A_167, %add3A_150] : memref<4x1638400xf32, #tpu.memory_space<hbm>> -> memref<1x6400xf32, #tpu.memory_space<hbm>>
      %dma_wait3A_214 = tpu.memref_squeeze %dma_wait3A_213 : memref<1x6400xf32, #tpu.memory_space<hbm>> -> memref<6400xf32, #tpu.memory_space<hbm>>
      %dma_wait3A_215 = arith.constant 0 : i32
      %dma_wait3A_216 = tpu.memref_slice %arg7[%run_scoped3A_166, %dma_wait3A_215] : memref<4x6400xf32, #tpu.memory_space<vmem>> -> memref<1x6400xf32, #tpu.memory_space<vmem>>
      %dma_wait3A_217 = tpu.memref_squeeze %dma_wait3A_216 : memref<1x6400xf32, #tpu.memory_space<vmem>> -> memref<6400xf32, #tpu.memory_space<vmem>>
      tpu.wait_dma2 semaphore(%run_scoped3A_197 : memref<!tpu.dma_semaphore, #tpu.memory_space<semaphore_mem>>) src(%dma_wait3A_217 : memref<6400xf32, #tpu.memory_space<vmem>>) dst(%dma_wait3A_214 : memref<6400xf32, #tpu.memory_space<hbm>>)
      tpu.yield
    }) : () -> ()
    %run_scoped3A_168 = arith.constant 2 : i32
    %run_scoped3A_169 = arith.constant 2 : i32
    "tpu.region"() ({
      %run_scoped3A_197 = tpu.sem_alloc : memref<!tpu.dma_semaphore, #tpu.memory_space<semaphore_mem>>
      %dma_start3A_198 = arith.constant 0 : i32
      %dma_start3A_199 = tpu.memref_slice %arg7[%run_scoped3A_168, %dma_start3A_198] : memref<4x6400xf32, #tpu.memory_space<vmem>> -> memref<1x6400xf32, #tpu.memory_space<vmem>>
      %dma_start3A_200 = tpu.memref_squeeze %dma_start3A_199 : memref<1x6400xf32, #tpu.memory_space<vmem>> -> memref<6400xf32, #tpu.memory_space<vmem>>
      %dma_start3A_201 = tpu.memref_slice %arg4[%run_scoped3A_169, %add3A_150] : memref<4x1638400xf32, #tpu.memory_space<hbm>> -> memref<1x6400xf32, #tpu.memory_space<hbm>>
      %dma_start3A_202 = tpu.memref_squeeze %dma_start3A_201 : memref<1x6400xf32, #tpu.memory_space<hbm>> -> memref<6400xf32, #tpu.memory_space<hbm>>
      %dma_start3A_203 = tpu.memref_slice %arg4[%run_scoped3A_169, %add3A_150] : memref<4x1638400xf32, #tpu.memory_space<hbm>> -> memref<1x6400xf32, #tpu.memory_space<hbm>>
      %dma_start3A_204 = tpu.memref_squeeze %dma_start3A_203 : memref<1x6400xf32, #tpu.memory_space<hbm>> -> memref<6400xf32, #tpu.memory_space<hbm>>
      %dma_start3A_205 = arith.constant 0 : i32
      %dma_start3A_206 = tpu.memref_slice %arg7[%run_scoped3A_168, %dma_start3A_205] : memref<4x6400xf32, #tpu.memory_space<vmem>> -> memref<1x6400xf32, #tpu.memory_space<vmem>>
      %dma_start3A_207 = tpu.memref_squeeze %dma_start3A_206 : memref<1x6400xf32, #tpu.memory_space<vmem>> -> memref<6400xf32, #tpu.memory_space<vmem>>
      tpu.enqueue_dma source(%dma_start3A_207 : memref<6400xf32, #tpu.memory_space<vmem>>) target(%dma_start3A_204 : memref<6400xf32, #tpu.memory_space<hbm>>) target_semaphore(%run_scoped3A_197 : memref<!tpu.dma_semaphore, #tpu.memory_space<semaphore_mem>>)
      %dma_wait3A_208 = arith.constant 0 : i32
      %dma_wait3A_209 = tpu.memref_slice %arg7[%run_scoped3A_168, %dma_wait3A_208] : memref<4x6400xf32, #tpu.memory_space<vmem>> -> memref<1x6400xf32, #tpu.memory_space<vmem>>
      %dma_wait3A_210 = tpu.memref_squeeze %dma_wait3A_209 : memref<1x6400xf32, #tpu.memory_space<vmem>> -> memref<6400xf32, #tpu.memory_space<vmem>>
      %dma_wait3A_211 = tpu.memref_slice %arg4[%run_scoped3A_169, %add3A_150] : memref<4x1638400xf32, #tpu.memory_space<hbm>> -> memref<1x6400xf32, #tpu.memory_space<hbm>>
      %dma_wait3A_212 = tpu.memref_squeeze %dma_wait3A_211 : memref<1x6400xf32, #tpu.memory_space<hbm>> -> memref<6400xf32, #tpu.memory_space<hbm>>
      %dma_wait3A_213 = tpu.memref_slice %arg4[%run_scoped3A_169, %add3A_150] : memref<4x1638400xf32, #tpu.memory_space<hbm>> -> memref<1x6400xf32, #tpu.memory_space<hbm>>
      %dma_wait3A_214 = tpu.memref_squeeze %dma_wait3A_213 : memref<1x6400xf32, #tpu.memory_space<hbm>> -> memref<6400xf32, #tpu.memory_space<hbm>>
      %dma_wait3A_215 = arith.constant 0 : i32
      %dma_wait3A_216 = tpu.memref_slice %arg7[%run_scoped3A_168, %dma_wait3A_215] : memref<4x6400xf32, #tpu.memory_space<vmem>> -> memref<1x6400xf32, #tpu.memory_space<vmem>>
      %dma_wait3A_217 = tpu.memref_squeeze %dma_wait3A_216 : memref<1x6400xf32, #tpu.memory_space<vmem>> -> memref<6400xf32, #tpu.memory_space<vmem>>
      tpu.wait_dma2 semaphore(%run_scoped3A_197 : memref<!tpu.dma_semaphore, #tpu.memory_space<semaphore_mem>>) src(%dma_wait3A_217 : memref<6400xf32, #tpu.memory_space<vmem>>) dst(%dma_wait3A_214 : memref<6400xf32, #tpu.memory_space<hbm>>)
      tpu.yield
    }) : () -> ()
    %run_scoped3A_170 = arith.constant 3 : i32
    %run_scoped3A_171 = arith.constant 3 : i32
    "tpu.region"() ({
      %run_scoped3A_197 = tpu.sem_alloc : memref<!tpu.dma_semaphore, #tpu.memory_space<semaphore_mem>>
      %dma_start3A_198 = arith.constant 0 : i32
      %dma_start3A_199 = tpu.memref_slice %arg7[%run_scoped3A_170, %dma_start3A_198] : memref<4x6400xf32, #tpu.memory_space<vmem>> -> memref<1x6400xf32, #tpu.memory_space<vmem>>
      %dma_start3A_200 = tpu.memref_squeeze %dma_start3A_199 : memref<1x6400xf32, #tpu.memory_space<vmem>> -> memref<6400xf32, #tpu.memory_space<vmem>>
      %dma_start3A_201 = tpu.memref_slice %arg4[%run_scoped3A_171, %add3A_150] : memref<4x1638400xf32, #tpu.memory_space<hbm>> -> memref<1x6400xf32, #tpu.memory_space<hbm>>
      %dma_start3A_202 = tpu.memref_squeeze %dma_start3A_201 : memref<1x6400xf32, #tpu.memory_space<hbm>> -> memref<6400xf32, #tpu.memory_space<hbm>>
      %dma_start3A_203 = tpu.memref_slice %arg4[%run_scoped3A_171, %add3A_150] : memref<4x1638400xf32, #tpu.memory_space<hbm>> -> memref<1x6400xf32, #tpu.memory_space<hbm>>
      %dma_start3A_204 = tpu.memref_squeeze %dma_start3A_203 : memref<1x6400xf32, #tpu.memory_space<hbm>> -> memref<6400xf32, #tpu.memory_space<hbm>>
      %dma_start3A_205 = arith.constant 0 : i32
      %dma_start3A_206 = tpu.memref_slice %arg7[%run_scoped3A_170, %dma_start3A_205] : memref<4x6400xf32, #tpu.memory_space<vmem>> -> memref<1x6400xf32, #tpu.memory_space<vmem>>
      %dma_start3A_207 = tpu.memref_squeeze %dma_start3A_206 : memref<1x6400xf32, #tpu.memory_space<vmem>> -> memref<6400xf32, #tpu.memory_space<vmem>>
      tpu.enqueue_dma source(%dma_start3A_207 : memref<6400xf32, #tpu.memory_space<vmem>>) target(%dma_start3A_204 : memref<6400xf32, #tpu.memory_space<hbm>>) target_semaphore(%run_scoped3A_197 : memref<!tpu.dma_semaphore, #tpu.memory_space<semaphore_mem>>)
      %dma_wait3A_208 = arith.constant 0 : i32
      %dma_wait3A_209 = tpu.memref_slice %arg7[%run_scoped3A_170, %dma_wait3A_208] : memref<4x6400xf32, #tpu.memory_space<vmem>> -> memref<1x6400xf32, #tpu.memory_space<vmem>>
      %dma_wait3A_210 = tpu.memref_squeeze %dma_wait3A_209 : memref<1x6400xf32, #tpu.memory_space<vmem>> -> memref<6400xf32, #tpu.memory_space<vmem>>
      %dma_wait3A_211 = tpu.memref_slice %arg4[%run_scoped3A_171, %add3A_150] : memref<4x1638400xf32, #tpu.memory_space<hbm>> -> memref<1x6400xf32, #tpu.memory_space<hbm>>
      %dma_wait3A_212 = tpu.memref_squeeze %dma_wait3A_211 : memref<1x6400xf32, #tpu.memory_space<hbm>> -> memref<6400xf32, #tpu.memory_space<hbm>>
      %dma_wait3A_213 = tpu.memref_slice %arg4[%run_scoped3A_171, %add3A_150] : memref<4x1638400xf32, #tpu.memory_space<hbm>> -> memref<1x6400xf32, #tpu.memory_space<hbm>>
      %dma_wait3A_214 = tpu.memref_squeeze %dma_wait3A_213 : memref<1x6400xf32, #tpu.memory_space<hbm>> -> memref<6400xf32, #tpu.memory_space<hbm>>
      %dma_wait3A_215 = arith.constant 0 : i32
      %dma_wait3A_216 = tpu.memref_slice %arg7[%run_scoped3A_170, %dma_wait3A_215] : memref<4x6400xf32, #tpu.memory_space<vmem>> -> memref<1x6400xf32, #tpu.memory_space<vmem>>
      %dma_wait3A_217 = tpu.memref_squeeze %dma_wait3A_216 : memref<1x6400xf32, #tpu.memory_space<vmem>> -> memref<6400xf32, #tpu.memory_space<vmem>>
      tpu.wait_dma2 semaphore(%run_scoped3A_197 : memref<!tpu.dma_semaphore, #tpu.memory_space<semaphore_mem>>) src(%dma_wait3A_217 : memref<6400xf32, #tpu.memory_space<vmem>>) dst(%dma_wait3A_214 : memref<6400xf32, #tpu.memory_space<hbm>>)
      tpu.yield
    }) : () -> ()
    %mul3A_172 = arith.constant 51200 : i32
    %mul3A_173 = arith.muli %add3A, %mul3A_172 : i32
    %add3A_174 = arith.constant 44800 : i32
    %add3A_175 = arith.addi %mul3A_173, %add3A_174 : i32
    "tpu.region"() ({
      %run_scoped3A_197 = tpu.sem_alloc : memref<!tpu.dma_semaphore, #tpu.memory_space<semaphore_mem>>
      %dma_start3A_198 = tpu.memref_slice %arg3[%add3A_175] : memref<1638400xi32, #tpu.memory_space<hbm>> -> memref<6400xi32, #tpu.memory_space<hbm>>
      %dma_start3A_199 = tpu.memref_slice %arg3[%add3A_175] : memref<1638400xi32, #tpu.memory_space<hbm>> -> memref<6400xi32, #tpu.memory_space<hbm>>
      tpu.enqueue_dma source(%dma_start3A_199 : memref<6400xi32, #tpu.memory_space<hbm>>) target(%arg5 : memref<6400xi32, #tpu.memory_space<vmem>>) target_semaphore(%run_scoped3A_197 : memref<!tpu.dma_semaphore, #tpu.memory_space<semaphore_mem>>)
      %dma_wait3A_200 = tpu.memref_slice %arg3[%add3A_175] : memref<1638400xi32, #tpu.memory_space<hbm>> -> memref<6400xi32, #tpu.memory_space<hbm>>
      %dma_wait3A_201 = tpu.memref_slice %arg3[%add3A_175] : memref<1638400xi32, #tpu.memory_space<hbm>> -> memref<6400xi32, #tpu.memory_space<hbm>>
      tpu.wait_dma2 semaphore(%run_scoped3A_197 : memref<!tpu.dma_semaphore, #tpu.memory_space<semaphore_mem>>) src(%dma_wait3A_201 : memref<6400xi32, #tpu.memory_space<hbm>>) dst(%arg5 : memref<6400xi32, #tpu.memory_space<vmem>>)
      tpu.yield
    }) : () -> ()
    %dma_start3A_176 = arith.constant 0 : i32
    %dma_start3A_177 = arith.constant 0 : i32
    %dma_start3A_178 = tpu.memref_slice %arg2[%dma_start3A_176, %dma_start3A_177] : memref<102400x8xf32, #tpu.memory_space<hbm>> -> memref<102400x8xf32, #tpu.memory_space<hbm>>
    tpu.enqueue_indirect_dma source(%dma_start3A_178 : memref<102400x8xf32, #tpu.memory_space<hbm>>) target(%arg6 : memref<6400x8xf32, #tpu.memory_space<vmem>>) offsets(%arg5 : memref<6400xi32, #tpu.memory_space<vmem>>) semaphore(%arg8 : memref<!tpu.dma_semaphore, #tpu.memory_space<semaphore_mem>>)
    %dma_wait3A_179 = arith.constant 0 : i32
    %dma_wait3A_180 = arith.constant 0 : i32
    %dma_wait3A_181 = tpu.memref_slice %arg2[%dma_wait3A_179, %dma_wait3A_180] : memref<102400x8xf32, #tpu.memory_space<hbm>> -> memref<102400x8xf32, #tpu.memory_space<hbm>>
    tpu.wait_indirect_dma semaphore(%arg8 : memref<!tpu.dma_semaphore, #tpu.memory_space<semaphore_mem>>) src(%dma_wait3A_181 : memref<102400x8xf32, #tpu.memory_space<hbm>>) dst(%arg6 : memref<6400x8xf32, #tpu.memory_space<vmem>>)
    %scan3A_182 = arith.constant 0 : i32
    %scan3A_183 = arith.constant 0 : i32
    %scan3A_184 = arith.constant 400 : i32
    %scan3A_185 = arith.addi %scan3A_183, %scan3A_184 : i32
    %scan3A_186 = arith.constant 1 : i32
    %scan3A_187 = scf.for %scan3A_197 = %scan3A_183 to %scan3A_185 step %scan3A_186 iter_args(%scan3A_198 = %scan3A_182) -> (i32)  : i32 {
      %mul3A_199 = arith.constant 16 : i32
      %mul3A_200 = arith.muli %scan3A_197, %mul3A_199 : i32
      %add3A_201 = vector.broadcast %mul3A_200 : i32 to vector<16xi32>
      %add3A_202 = arith.addi %iota3A, %add3A_201 : vector<16xi32>
      %broadcast_in_dim3A = arith.constant 0 : i32
      %broadcast_in_dim3A_203 = vector.broadcast %broadcast_in_dim3A : i32 to vector<16xi32>
      %gather3A = tpu.vector_load_idx %arg6[%add3A_202, %broadcast_in_dim3A_203] : memref<6400x8xf32, #tpu.memory_space<vmem>>[vector<16xi32>, vector<16xi32>], vector<16xf32>,
      %mul3A_204 = arith.constant 16 : i32
      %mul3A_205 = arith.muli %scan3A_197, %mul3A_204 : i32
      %swap3A = arith.constant 0 : i32
      %swap3A_206 = arith.index_cast %swap3A : i32 to index
      %swap3A_207 = arith.index_cast %mul3A_205 : i32 to index
      %swap3A_208 = tpu.vector_load %arg7[%swap3A_206, %swap3A_207] {strides = array<i32>} : memref<4x6400xf32, #tpu.memory_space<vmem>>, vector<16xf32>,
      tpu.vector_store %arg7[%swap3A_206, %swap3A_207], %gather3A {strides = array<i32>} : memref<4x6400xf32, #tpu.memory_space<vmem>>, vector<16xf32>,
      %broadcast_in_dim3A_209 = arith.constant 1 : i32
      %broadcast_in_dim3A_210 = vector.broadcast %broadcast_in_dim3A_209 : i32 to vector<16xi32>
      %gather3A_211 = tpu.vector_load_idx %arg6[%add3A_202, %broadcast_in_dim3A_210] : memref<6400x8xf32, #tpu.memory_space<vmem>>[vector<16xi32>, vector<16xi32>], vector<16xf32>,
      %mul3A_212 = arith.constant 16 : i32
      %mul3A_213 = arith.muli %scan3A_197, %mul3A_212 : i32
      %swap3A_214 = arith.constant 1 : i32
      %swap3A_215 = arith.index_cast %swap3A_214 : i32 to index
      %swap3A_216 = arith.index_cast %mul3A_213 : i32 to index
      %swap3A_217 = tpu.vector_load %arg7[%swap3A_215, %swap3A_216] {strides = array<i32>} : memref<4x6400xf32, #tpu.memory_space<vmem>>, vector<16xf32>,
      tpu.vector_store %arg7[%swap3A_215, %swap3A_216], %gather3A_211 {strides = array<i32>} : memref<4x6400xf32, #tpu.memory_space<vmem>>, vector<16xf32>,
      %broadcast_in_dim3A_218 = arith.constant 2 : i32
      %broadcast_in_dim3A_219 = vector.broadcast %broadcast_in_dim3A_218 : i32 to vector<16xi32>
      %gather3A_220 = tpu.vector_load_idx %arg6[%add3A_202, %broadcast_in_dim3A_219] : memref<6400x8xf32, #tpu.memory_space<vmem>>[vector<16xi32>, vector<16xi32>], vector<16xf32>,
      %mul3A_221 = arith.constant 16 : i32
      %mul3A_222 = arith.muli %scan3A_197, %mul3A_221 : i32
      %swap3A_223 = arith.constant 2 : i32
      %swap3A_224 = arith.index_cast %swap3A_223 : i32 to index
      %swap3A_225 = arith.index_cast %mul3A_222 : i32 to index
      %swap3A_226 = tpu.vector_load %arg7[%swap3A_224, %swap3A_225] {strides = array<i32>} : memref<4x6400xf32, #tpu.memory_space<vmem>>, vector<16xf32>,
      tpu.vector_store %arg7[%swap3A_224, %swap3A_225], %gather3A_220 {strides = array<i32>} : memref<4x6400xf32, #tpu.memory_space<vmem>>, vector<16xf32>,
      %broadcast_in_dim3A_227 = arith.constant 3 : i32
      %broadcast_in_dim3A_228 = vector.broadcast %broadcast_in_dim3A_227 : i32 to vector<16xi32>
      %gather3A_229 = tpu.vector_load_idx %arg6[%add3A_202, %broadcast_in_dim3A_228] : memref<6400x8xf32, #tpu.memory_space<vmem>>[vector<16xi32>, vector<16xi32>], vector<16xf32>,
      %mul3A_230 = arith.constant 16 : i32
      %mul3A_231 = arith.muli %scan3A_197, %mul3A_230 : i32
      %swap3A_232 = arith.constant 3 : i32
      %swap3A_233 = arith.index_cast %swap3A_232 : i32 to index
      %swap3A_234 = arith.index_cast %mul3A_231 : i32 to index
      %swap3A_235 = tpu.vector_load %arg7[%swap3A_233, %swap3A_234] {strides = array<i32>} : memref<4x6400xf32, #tpu.memory_space<vmem>>, vector<16xf32>,
      tpu.vector_store %arg7[%swap3A_233, %swap3A_234], %gather3A_229 {strides = array<i32>} : memref<4x6400xf32, #tpu.memory_space<vmem>>, vector<16xf32>,
      %scan3A_236 = arith.constant 0 : i32
      scf.yield %scan3A_236 : i32
    }
    %scan3A_188 = arith.constant 400 : i32
    %run_scoped3A_189 = arith.constant 0 : i32
    %run_scoped3A_190 = arith.constant 0 : i32
    "tpu.region"() ({
      %run_scoped3A_197 = tpu.sem_alloc : memref<!tpu.dma_semaphore, #tpu.memory_space<semaphore_mem>>
      %dma_start3A_198 = arith.constant 0 : i32
      %dma_start3A_199 = tpu.memref_slice %arg7[%run_scoped3A_189, %dma_start3A_198] : memref<4x6400xf32, #tpu.memory_space<vmem>> -> memref<1x6400xf32, #tpu.memory_space<vmem>>
      %dma_start3A_200 = tpu.memref_squeeze %dma_start3A_199 : memref<1x6400xf32, #tpu.memory_space<vmem>> -> memref<6400xf32, #tpu.memory_space<vmem>>
      %dma_start3A_201 = tpu.memref_slice %arg4[%run_scoped3A_190, %add3A_175] : memref<4x1638400xf32, #tpu.memory_space<hbm>> -> memref<1x6400xf32, #tpu.memory_space<hbm>>
      %dma_start3A_202 = tpu.memref_squeeze %dma_start3A_201 : memref<1x6400xf32, #tpu.memory_space<hbm>> -> memref<6400xf32, #tpu.memory_space<hbm>>
      %dma_start3A_203 = tpu.memref_slice %arg4[%run_scoped3A_190, %add3A_175] : memref<4x1638400xf32, #tpu.memory_space<hbm>> -> memref<1x6400xf32, #tpu.memory_space<hbm>>
      %dma_start3A_204 = tpu.memref_squeeze %dma_start3A_203 : memref<1x6400xf32, #tpu.memory_space<hbm>> -> memref<6400xf32, #tpu.memory_space<hbm>>
      %dma_start3A_205 = arith.constant 0 : i32
      %dma_start3A_206 = tpu.memref_slice %arg7[%run_scoped3A_189, %dma_start3A_205] : memref<4x6400xf32, #tpu.memory_space<vmem>> -> memref<1x6400xf32, #tpu.memory_space<vmem>>
      %dma_start3A_207 = tpu.memref_squeeze %dma_start3A_206 : memref<1x6400xf32, #tpu.memory_space<vmem>> -> memref<6400xf32, #tpu.memory_space<vmem>>
      tpu.enqueue_dma source(%dma_start3A_207 : memref<6400xf32, #tpu.memory_space<vmem>>) target(%dma_start3A_204 : memref<6400xf32, #tpu.memory_space<hbm>>) target_semaphore(%run_scoped3A_197 : memref<!tpu.dma_semaphore, #tpu.memory_space<semaphore_mem>>)
      %dma_wait3A_208 = arith.constant 0 : i32
      %dma_wait3A_209 = tpu.memref_slice %arg7[%run_scoped3A_189, %dma_wait3A_208] : memref<4x6400xf32, #tpu.memory_space<vmem>> -> memref<1x6400xf32, #tpu.memory_space<vmem>>
      %dma_wait3A_210 = tpu.memref_squeeze %dma_wait3A_209 : memref<1x6400xf32, #tpu.memory_space<vmem>> -> memref<6400xf32, #tpu.memory_space<vmem>>
      %dma_wait3A_211 = tpu.memref_slice %arg4[%run_scoped3A_190, %add3A_175] : memref<4x1638400xf32, #tpu.memory_space<hbm>> -> memref<1x6400xf32, #tpu.memory_space<hbm>>
      %dma_wait3A_212 = tpu.memref_squeeze %dma_wait3A_211 : memref<1x6400xf32, #tpu.memory_space<hbm>> -> memref<6400xf32, #tpu.memory_space<hbm>>
      %dma_wait3A_213 = tpu.memref_slice %arg4[%run_scoped3A_190, %add3A_175] : memref<4x1638400xf32, #tpu.memory_space<hbm>> -> memref<1x6400xf32, #tpu.memory_space<hbm>>
      %dma_wait3A_214 = tpu.memref_squeeze %dma_wait3A_213 : memref<1x6400xf32, #tpu.memory_space<hbm>> -> memref<6400xf32, #tpu.memory_space<hbm>>
      %dma_wait3A_215 = arith.constant 0 : i32
      %dma_wait3A_216 = tpu.memref_slice %arg7[%run_scoped3A_189, %dma_wait3A_215] : memref<4x6400xf32, #tpu.memory_space<vmem>> -> memref<1x6400xf32, #tpu.memory_space<vmem>>
      %dma_wait3A_217 = tpu.memref_squeeze %dma_wait3A_216 : memref<1x6400xf32, #tpu.memory_space<vmem>> -> memref<6400xf32, #tpu.memory_space<vmem>>
      tpu.wait_dma2 semaphore(%run_scoped3A_197 : memref<!tpu.dma_semaphore, #tpu.memory_space<semaphore_mem>>) src(%dma_wait3A_217 : memref<6400xf32, #tpu.memory_space<vmem>>) dst(%dma_wait3A_214 : memref<6400xf32, #tpu.memory_space<hbm>>)
      tpu.yield
    }) : () -> ()
    %run_scoped3A_191 = arith.constant 1 : i32
    %run_scoped3A_192 = arith.constant 1 : i32
    "tpu.region"() ({
      %run_scoped3A_197 = tpu.sem_alloc : memref<!tpu.dma_semaphore, #tpu.memory_space<semaphore_mem>>
      %dma_start3A_198 = arith.constant 0 : i32
      %dma_start3A_199 = tpu.memref_slice %arg7[%run_scoped3A_191, %dma_start3A_198] : memref<4x6400xf32, #tpu.memory_space<vmem>> -> memref<1x6400xf32, #tpu.memory_space<vmem>>
      %dma_start3A_200 = tpu.memref_squeeze %dma_start3A_199 : memref<1x6400xf32, #tpu.memory_space<vmem>> -> memref<6400xf32, #tpu.memory_space<vmem>>
      %dma_start3A_201 = tpu.memref_slice %arg4[%run_scoped3A_192, %add3A_175] : memref<4x1638400xf32, #tpu.memory_space<hbm>> -> memref<1x6400xf32, #tpu.memory_space<hbm>>
      %dma_start3A_202 = tpu.memref_squeeze %dma_start3A_201 : memref<1x6400xf32, #tpu.memory_space<hbm>> -> memref<6400xf32, #tpu.memory_space<hbm>>
      %dma_start3A_203 = tpu.memref_slice %arg4[%run_scoped3A_192, %add3A_175] : memref<4x1638400xf32, #tpu.memory_space<hbm>> -> memref<1x6400xf32, #tpu.memory_space<hbm>>
      %dma_start3A_204 = tpu.memref_squeeze %dma_start3A_203 : memref<1x6400xf32, #tpu.memory_space<hbm>> -> memref<6400xf32, #tpu.memory_space<hbm>>
      %dma_start3A_205 = arith.constant 0 : i32
      %dma_start3A_206 = tpu.memref_slice %arg7[%run_scoped3A_191, %dma_start3A_205] : memref<4x6400xf32, #tpu.memory_space<vmem>> -> memref<1x6400xf32, #tpu.memory_space<vmem>>
      %dma_start3A_207 = tpu.memref_squeeze %dma_start3A_206 : memref<1x6400xf32, #tpu.memory_space<vmem>> -> memref<6400xf32, #tpu.memory_space<vmem>>
      tpu.enqueue_dma source(%dma_start3A_207 : memref<6400xf32, #tpu.memory_space<vmem>>) target(%dma_start3A_204 : memref<6400xf32, #tpu.memory_space<hbm>>) target_semaphore(%run_scoped3A_197 : memref<!tpu.dma_semaphore, #tpu.memory_space<semaphore_mem>>)
      %dma_wait3A_208 = arith.constant 0 : i32
      %dma_wait3A_209 = tpu.memref_slice %arg7[%run_scoped3A_191, %dma_wait3A_208] : memref<4x6400xf32, #tpu.memory_space<vmem>> -> memref<1x6400xf32, #tpu.memory_space<vmem>>
      %dma_wait3A_210 = tpu.memref_squeeze %dma_wait3A_209 : memref<1x6400xf32, #tpu.memory_space<vmem>> -> memref<6400xf32, #tpu.memory_space<vmem>>
      %dma_wait3A_211 = tpu.memref_slice %arg4[%run_scoped3A_192, %add3A_175] : memref<4x1638400xf32, #tpu.memory_space<hbm>> -> memref<1x6400xf32, #tpu.memory_space<hbm>>
      %dma_wait3A_212 = tpu.memref_squeeze %dma_wait3A_211 : memref<1x6400xf32, #tpu.memory_space<hbm>> -> memref<6400xf32, #tpu.memory_space<hbm>>
      %dma_wait3A_213 = tpu.memref_slice %arg4[%run_scoped3A_192, %add3A_175] : memref<4x1638400xf32, #tpu.memory_space<hbm>> -> memref<1x6400xf32, #tpu.memory_space<hbm>>
      %dma_wait3A_214 = tpu.memref_squeeze %dma_wait3A_213 : memref<1x6400xf32, #tpu.memory_space<hbm>> -> memref<6400xf32, #tpu.memory_space<hbm>>
      %dma_wait3A_215 = arith.constant 0 : i32
      %dma_wait3A_216 = tpu.memref_slice %arg7[%run_scoped3A_191, %dma_wait3A_215] : memref<4x6400xf32, #tpu.memory_space<vmem>> -> memref<1x6400xf32, #tpu.memory_space<vmem>>
      %dma_wait3A_217 = tpu.memref_squeeze %dma_wait3A_216 : memref<1x6400xf32, #tpu.memory_space<vmem>> -> memref<6400xf32, #tpu.memory_space<vmem>>
      tpu.wait_dma2 semaphore(%run_scoped3A_197 : memref<!tpu.dma_semaphore, #tpu.memory_space<semaphore_mem>>) src(%dma_wait3A_217 : memref<6400xf32, #tpu.memory_space<vmem>>) dst(%dma_wait3A_214 : memref<6400xf32, #tpu.memory_space<hbm>>)
      tpu.yield
    }) : () -> ()
    %run_scoped3A_193 = arith.constant 2 : i32
    %run_scoped3A_194 = arith.constant 2 : i32
    "tpu.region"() ({
      %run_scoped3A_197 = tpu.sem_alloc : memref<!tpu.dma_semaphore, #tpu.memory_space<semaphore_mem>>
      %dma_start3A_198 = arith.constant 0 : i32
      %dma_start3A_199 = tpu.memref_slice %arg7[%run_scoped3A_193, %dma_start3A_198] : memref<4x6400xf32, #tpu.memory_space<vmem>> -> memref<1x6400xf32, #tpu.memory_space<vmem>>
      %dma_start3A_200 = tpu.memref_squeeze %dma_start3A_199 : memref<1x6400xf32, #tpu.memory_space<vmem>> -> memref<6400xf32, #tpu.memory_space<vmem>>
      %dma_start3A_201 = tpu.memref_slice %arg4[%run_scoped3A_194, %add3A_175] : memref<4x1638400xf32, #tpu.memory_space<hbm>> -> memref<1x6400xf32, #tpu.memory_space<hbm>>
      %dma_start3A_202 = tpu.memref_squeeze %dma_start3A_201 : memref<1x6400xf32, #tpu.memory_space<hbm>> -> memref<6400xf32, #tpu.memory_space<hbm>>
      %dma_start3A_203 = tpu.memref_slice %arg4[%run_scoped3A_194, %add3A_175] : memref<4x1638400xf32, #tpu.memory_space<hbm>> -> memref<1x6400xf32, #tpu.memory_space<hbm>>
      %dma_start3A_204 = tpu.memref_squeeze %dma_start3A_203 : memref<1x6400xf32, #tpu.memory_space<hbm>> -> memref<6400xf32, #tpu.memory_space<hbm>>
      %dma_start3A_205 = arith.constant 0 : i32
      %dma_start3A_206 = tpu.memref_slice %arg7[%run_scoped3A_193, %dma_start3A_205] : memref<4x6400xf32, #tpu.memory_space<vmem>> -> memref<1x6400xf32, #tpu.memory_space<vmem>>
      %dma_start3A_207 = tpu.memref_squeeze %dma_start3A_206 : memref<1x6400xf32, #tpu.memory_space<vmem>> -> memref<6400xf32, #tpu.memory_space<vmem>>
      tpu.enqueue_dma source(%dma_start3A_207 : memref<6400xf32, #tpu.memory_space<vmem>>) target(%dma_start3A_204 : memref<6400xf32, #tpu.memory_space<hbm>>) target_semaphore(%run_scoped3A_197 : memref<!tpu.dma_semaphore, #tpu.memory_space<semaphore_mem>>)
      %dma_wait3A_208 = arith.constant 0 : i32
      %dma_wait3A_209 = tpu.memref_slice %arg7[%run_scoped3A_193, %dma_wait3A_208] : memref<4x6400xf32, #tpu.memory_space<vmem>> -> memref<1x6400xf32, #tpu.memory_space<vmem>>
      %dma_wait3A_210 = tpu.memref_squeeze %dma_wait3A_209 : memref<1x6400xf32, #tpu.memory_space<vmem>> -> memref<6400xf32, #tpu.memory_space<vmem>>
      %dma_wait3A_211 = tpu.memref_slice %arg4[%run_scoped3A_194, %add3A_175] : memref<4x1638400xf32, #tpu.memory_space<hbm>> -> memref<1x6400xf32, #tpu.memory_space<hbm>>
      %dma_wait3A_212 = tpu.memref_squeeze %dma_wait3A_211 : memref<1x6400xf32, #tpu.memory_space<hbm>> -> memref<6400xf32, #tpu.memory_space<hbm>>
      %dma_wait3A_213 = tpu.memref_slice %arg4[%run_scoped3A_194, %add3A_175] : memref<4x1638400xf32, #tpu.memory_space<hbm>> -> memref<1x6400xf32, #tpu.memory_space<hbm>>
      %dma_wait3A_214 = tpu.memref_squeeze %dma_wait3A_213 : memref<1x6400xf32, #tpu.memory_space<hbm>> -> memref<6400xf32, #tpu.memory_space<hbm>>
      %dma_wait3A_215 = arith.constant 0 : i32
      %dma_wait3A_216 = tpu.memref_slice %arg7[%run_scoped3A_193, %dma_wait3A_215] : memref<4x6400xf32, #tpu.memory_space<vmem>> -> memref<1x6400xf32, #tpu.memory_space<vmem>>
      %dma_wait3A_217 = tpu.memref_squeeze %dma_wait3A_216 : memref<1x6400xf32, #tpu.memory_space<vmem>> -> memref<6400xf32, #tpu.memory_space<vmem>>
      tpu.wait_dma2 semaphore(%run_scoped3A_197 : memref<!tpu.dma_semaphore, #tpu.memory_space<semaphore_mem>>) src(%dma_wait3A_217 : memref<6400xf32, #tpu.memory_space<vmem>>) dst(%dma_wait3A_214 : memref<6400xf32, #tpu.memory_space<hbm>>)
      tpu.yield
    }) : () -> ()
    %run_scoped3A_195 = arith.constant 3 : i32
    %run_scoped3A_196 = arith.constant 3 : i32
    "tpu.region"() ({
      %run_scoped3A_197 = tpu.sem_alloc : memref<!tpu.dma_semaphore, #tpu.memory_space<semaphore_mem>>
      %dma_start3A_198 = arith.constant 0 : i32
      %dma_start3A_199 = tpu.memref_slice %arg7[%run_scoped3A_195, %dma_start3A_198] : memref<4x6400xf32, #tpu.memory_space<vmem>> -> memref<1x6400xf32, #tpu.memory_space<vmem>>
      %dma_start3A_200 = tpu.memref_squeeze %dma_start3A_199 : memref<1x6400xf32, #tpu.memory_space<vmem>> -> memref<6400xf32, #tpu.memory_space<vmem>>
      %dma_start3A_201 = tpu.memref_slice %arg4[%run_scoped3A_196, %add3A_175] : memref<4x1638400xf32, #tpu.memory_space<hbm>> -> memref<1x6400xf32, #tpu.memory_space<hbm>>
      %dma_start3A_202 = tpu.memref_squeeze %dma_start3A_201 : memref<1x6400xf32, #tpu.memory_space<hbm>> -> memref<6400xf32, #tpu.memory_space<hbm>>
      %dma_start3A_203 = tpu.memref_slice %arg4[%run_scoped3A_196, %add3A_175] : memref<4x1638400xf32, #tpu.memory_space<hbm>> -> memref<1x6400xf32, #tpu.memory_space<hbm>>
      %dma_start3A_204 = tpu.memref_squeeze %dma_start3A_203 : memref<1x6400xf32, #tpu.memory_space<hbm>> -> memref<6400xf32, #tpu.memory_space<hbm>>
      %dma_start3A_205 = arith.constant 0 : i32
      %dma_start3A_206 = tpu.memref_slice %arg7[%run_scoped3A_195, %dma_start3A_205] : memref<4x6400xf32, #tpu.memory_space<vmem>> -> memref<1x6400xf32, #tpu.memory_space<vmem>>
      %dma_start3A_207 = tpu.memref_squeeze %dma_start3A_206 : memref<1x6400xf32, #tpu.memory_space<vmem>> -> memref<6400xf32, #tpu.memory_space<vmem>>
      tpu.enqueue_dma source(%dma_start3A_207 : memref<6400xf32, #tpu.memory_space<vmem>>) target(%dma_start3A_204 : memref<6400xf32, #tpu.memory_space<hbm>>) target_semaphore(%run_scoped3A_197 : memref<!tpu.dma_semaphore, #tpu.memory_space<semaphore_mem>>)
      %dma_wait3A_208 = arith.constant 0 : i32
      %dma_wait3A_209 = tpu.memref_slice %arg7[%run_scoped3A_195, %dma_wait3A_208] : memref<4x6400xf32, #tpu.memory_space<vmem>> -> memref<1x6400xf32, #tpu.memory_space<vmem>>
      %dma_wait3A_210 = tpu.memref_squeeze %dma_wait3A_209 : memref<1x6400xf32, #tpu.memory_space<vmem>> -> memref<6400xf32, #tpu.memory_space<vmem>>
      %dma_wait3A_211 = tpu.memref_slice %arg4[%run_scoped3A_196, %add3A_175] : memref<4x1638400xf32, #tpu.memory_space<hbm>> -> memref<1x6400xf32, #tpu.memory_space<hbm>>
      %dma_wait3A_212 = tpu.memref_squeeze %dma_wait3A_211 : memref<1x6400xf32, #tpu.memory_space<hbm>> -> memref<6400xf32, #tpu.memory_space<hbm>>
      %dma_wait3A_213 = tpu.memref_slice %arg4[%run_scoped3A_196, %add3A_175] : memref<4x1638400xf32, #tpu.memory_space<hbm>> -> memref<1x6400xf32, #tpu.memory_space<hbm>>
      %dma_wait3A_214 = tpu.memref_squeeze %dma_wait3A_213 : memref<1x6400xf32, #tpu.memory_space<hbm>> -> memref<6400xf32, #tpu.memory_space<hbm>>
      %dma_wait3A_215 = arith.constant 0 : i32
      %dma_wait3A_216 = tpu.memref_slice %arg7[%run_scoped3A_195, %dma_wait3A_215] : memref<4x6400xf32, #tpu.memory_space<vmem>> -> memref<1x6400xf32, #tpu.memory_space<vmem>>
      %dma_wait3A_217 = tpu.memref_squeeze %dma_wait3A_216 : memref<1x6400xf32, #tpu.memory_space<vmem>> -> memref<6400xf32, #tpu.memory_space<vmem>>
      tpu.wait_dma2 semaphore(%run_scoped3A_197 : memref<!tpu.dma_semaphore, #tpu.memory_space<semaphore_mem>>) src(%dma_wait3A_217 : memref<6400xf32, #tpu.memory_space<vmem>>) dst(%dma_wait3A_214 : memref<6400xf32, #tpu.memory_space<hbm>>)
      tpu.yield
    }) : () -> ()
    return
  }
}

module attributes {stable_mosaic.version = 14 : i64} {
  func.func @_mlp_body(%arg0: i32, %arg1: memref<512x128xf32, #tpu.memory_space<vmem>>, %arg2: memref<4x512x128xf32, #tpu.memory_space<vmem>>, %arg3: memref<512x128xf32, #tpu.memory_space<vmem>>, %arg4: memref<512x128xf32, #tpu.memory_space<vmem>>, %arg5: memref<512x128xf32, #tpu.memory_space<vmem>>, %arg6: memref<10x2xf32, #tpu.memory_space<smem>>, %arg7: memref<10xf32, #tpu.memory_space<smem>>, %arg8: memref<20x10xf32, #tpu.memory_space<smem>>, %arg9: memref<20xf32, #tpu.memory_space<smem>>, %arg10: memref<10x20xf32, #tpu.memory_space<smem>>, %arg11: memref<10xf32, #tpu.memory_space<smem>>, %arg12: memref<5x10xf32, #tpu.memory_space<smem>>, %arg13: memref<5xf32, #tpu.memory_space<smem>>, %arg14: memref<1x5xf32, #tpu.memory_space<smem>>, %arg15: memref<1xf32, #tpu.memory_space<smem>>, %arg16: memref<512x128xf32, #tpu.memory_space<vmem>>, %arg17: memref<512x128xf32, #tpu.memory_space<vmem>>, %arg18: memref<512x128xf32, #tpu.memory_space<vmem>>) attributes {dimension_semantics = [#tpu.dimension_semantics<arbitrary>], iteration_bounds = array<i64: 25>, scalar_prefetch = 0 : i64, scratch_operands = 0 : i64, tpu.core_type = #tpu.core_type<tc>, window_params = [{transform_indices = @transform_0, window_bounds = array<i64: 512, 128>}, {transform_indices = @transform_1, window_bounds = array<i64: 4, 512, 128>}, {transform_indices = @transform_2, window_bounds = array<i64: 512, 128>}, {transform_indices = @transform_3, window_bounds = array<i64: 512, 128>}, {transform_indices = @transform_4, window_bounds = array<i64: 512, 128>}, {transform_indices = @transform_5, window_bounds = array<i64: 10, 2>}, {transform_indices = @transform_6, window_bounds = array<i64: 10>}, {transform_indices = @transform_7, window_bounds = array<i64: 20, 10>}, {transform_indices = @transform_8, window_bounds = array<i64: 20>}, {transform_indices = @transform_9, window_bounds = array<i64: 10, 20>}, {transform_indices = @transform_10, window_bounds = array<i64: 10>}, {transform_indices = @transform_11, window_bounds = array<i64: 5, 10>}, {transform_indices = @transform_12, window_bounds = array<i64: 5>}, {transform_indices = @transform_13, window_bounds = array<i64: 1, 5>}, {transform_indices = @transform_14, window_bounds = array<i64: 1>}, {transform_indices = @transform_15, window_bounds = array<i64: 512, 128>}, {transform_indices = @transform_16, window_bounds = array<i64: 512, 128>}, {transform_indices = @transform_17, window_bounds = array<i64: 512, 128>}]} {
    %get3A = arith.constant 0 : index
    %get3A_0 = arith.constant 0 : index
    %get3A_1 = vector.load %arg1[%get3A, %get3A_0] : memref<512x128xf32, #tpu.memory_space<vmem>>, vector<512x128xf32>
    %get3A_2 = arith.constant 0 : index
    %get3A_3 = arith.constant 0 : index
    %get3A_4 = arith.constant 0 : index
    %get3A_5 = vector.load %arg2[%get3A_2, %get3A_3, %get3A_4] : memref<4x512x128xf32, #tpu.memory_space<vmem>>, vector<1x512x128xf32>
    %get3A_6 = vector.shape_cast %get3A_5 : vector<1x512x128xf32> to vector<512x128xf32>
    %get3A_7 = arith.constant 1 : index
    %get3A_8 = arith.constant 0 : index
    %get3A_9 = arith.constant 0 : index
    %get3A_10 = vector.load %arg2[%get3A_7, %get3A_8, %get3A_9] : memref<4x512x128xf32, #tpu.memory_space<vmem>>, vector<1x512x128xf32>
    %get3A_11 = vector.shape_cast %get3A_10 : vector<1x512x128xf32> to vector<512x128xf32>
    %get3A_12 = arith.constant 2 : index
    %get3A_13 = arith.constant 0 : index
    %get3A_14 = arith.constant 0 : index
    %get3A_15 = vector.load %arg2[%get3A_12, %get3A_13, %get3A_14] : memref<4x512x128xf32, #tpu.memory_space<vmem>>, vector<1x512x128xf32>
    %get3A_16 = vector.shape_cast %get3A_15 : vector<1x512x128xf32> to vector<512x128xf32>
    %get3A_17 = arith.constant 3 : index
    %get3A_18 = arith.constant 0 : index
    %get3A_19 = arith.constant 0 : index
    %get3A_20 = vector.load %arg2[%get3A_17, %get3A_18, %get3A_19] : memref<4x512x128xf32, #tpu.memory_space<vmem>>, vector<1x512x128xf32>
    %get3A_21 = vector.shape_cast %get3A_20 : vector<1x512x128xf32> to vector<512x128xf32>
    %get3A_22 = arith.constant 0 : index
    %get3A_23 = arith.constant 0 : index
    %get3A_24 = vector.load %arg3[%get3A_22, %get3A_23] : memref<512x128xf32, #tpu.memory_space<vmem>>, vector<512x128xf32>
    %get3A_25 = arith.constant 0 : index
    %get3A_26 = arith.constant 0 : index
    %get3A_27 = vector.load %arg4[%get3A_25, %get3A_26] : memref<512x128xf32, #tpu.memory_space<vmem>>, vector<512x128xf32>
    %get3A_28 = arith.constant 0 : index
    %get3A_29 = arith.constant 0 : index
    %get3A_30 = vector.load %arg5[%get3A_28, %get3A_29] : memref<512x128xf32, #tpu.memory_space<vmem>>, vector<512x128xf32>
    %sub3A = arith.subf %get3A_1, %get3A_6 : vector<512x128xf32>
    %sign3A = tpu.bitcast %sub3A : vector<512x128xf32> -> vector<512x128xi32>
    %sign3A_31 = arith.constant -2147483648 : i32
    %sign3A_32 = vector.broadcast %sign3A_31 : i32 to vector<512x128xi32>
    %sign3A_33 = arith.andi %sign3A, %sign3A_32 : vector<512x128xi32>
    %sign3A_34 = arith.constant 1065353216 : i32
    %sign3A_35 = vector.broadcast %sign3A_34 : i32 to vector<512x128xi32>
    %sign3A_36 = arith.ori %sign3A_35, %sign3A_33 : vector<512x128xi32>
    %sign3A_37 = tpu.bitcast %sign3A_36 : vector<512x128xi32> -> vector<512x128xf32>
    %sign3A_38 = math.absf %sub3A : vector<512x128xf32>
    %sign3A_39 = arith.constant 0.000000e+00 : f32
    %sign3A_40 = vector.broadcast %sign3A_39 : f32 to vector<512x128xf32>
    %sign3A_41 = arith.cmpf ogt, %sign3A_38, %sign3A_40 : vector<512x128xf32>
    %sign3A_42 = arith.select %sign3A_41, %sign3A_37, %sub3A : vector<512x128xi1>, vector<512x128xf32>
    %sub3A_43 = arith.subf %get3A_24, %get3A_11 : vector<512x128xf32>
    %sub3A_44 = arith.subf %get3A_27, %get3A_16 : vector<512x128xf32>
    %sub3A_45 = arith.subf %get3A_30, %get3A_21 : vector<512x128xf32>
    %mul3A = arith.mulf %sub3A_43, %sub3A_43 : vector<512x128xf32>
    %mul3A_46 = arith.mulf %sub3A_44, %sub3A_44 : vector<512x128xf32>
    %add3A = arith.addf %mul3A, %mul3A_46 : vector<512x128xf32>
    %mul3A_47 = arith.mulf %sub3A_45, %sub3A_45 : vector<512x128xf32>
    %add3A_48 = arith.addf %add3A, %mul3A_47 : vector<512x128xf32>
    %get3A_49 = arith.constant 0 : index
    %get3A_50 = arith.constant 0 : index
    %get3A_51 = memref.load %arg6[%get3A_49, %get3A_50] : memref<10x2xf32, #tpu.memory_space<smem>>
    %mul3A_52 = vector.broadcast %get3A_51 : f32 to vector<512x128xf32>
    %mul3A_53 = arith.mulf %sign3A_42, %mul3A_52 : vector<512x128xf32>
    %get3A_54 = arith.constant 0 : index
    %get3A_55 = memref.load %arg7[%get3A_54] : memref<10xf32, #tpu.memory_space<smem>>
    %add3A_56 = vector.broadcast %get3A_55 : f32 to vector<512x128xf32>
    %add3A_57 = arith.addf %mul3A_53, %add3A_56 : vector<512x128xf32>
    %get3A_58 = arith.constant 0 : index
    %get3A_59 = arith.constant 1 : index
    %get3A_60 = memref.load %arg6[%get3A_58, %get3A_59] : memref<10x2xf32, #tpu.memory_space<smem>>
    %mul3A_61 = vector.broadcast %get3A_60 : f32 to vector<512x128xf32>
    %mul3A_62 = arith.mulf %add3A_48, %mul3A_61 : vector<512x128xf32>
    %add3A_63 = arith.addf %add3A_57, %mul3A_62 : vector<512x128xf32>
    %max3A = arith.constant 0.000000e+00 : f32
    %max3A_64 = vector.broadcast %max3A : f32 to vector<512x128xf32>
    %max3A_65 = arith.maximumf %add3A_63, %max3A_64 : vector<512x128xf32>
    %get3A_66 = arith.constant 1 : index
    %get3A_67 = arith.constant 0 : index
    %get3A_68 = memref.load %arg6[%get3A_66, %get3A_67] : memref<10x2xf32, #tpu.memory_space<smem>>
    %mul3A_69 = vector.broadcast %get3A_68 : f32 to vector<512x128xf32>
    %mul3A_70 = arith.mulf %sign3A_42, %mul3A_69 : vector<512x128xf32>
    %get3A_71 = arith.constant 1 : index
    %get3A_72 = memref.load %arg7[%get3A_71] : memref<10xf32, #tpu.memory_space<smem>>
    %add3A_73 = vector.broadcast %get3A_72 : f32 to vector<512x128xf32>
    %add3A_74 = arith.addf %mul3A_70, %add3A_73 : vector<512x128xf32>
    %get3A_75 = arith.constant 1 : index
    %get3A_76 = arith.constant 1 : index
    %get3A_77 = memref.load %arg6[%get3A_75, %get3A_76] : memref<10x2xf32, #tpu.memory_space<smem>>
    %mul3A_78 = vector.broadcast %get3A_77 : f32 to vector<512x128xf32>
    %mul3A_79 = arith.mulf %add3A_48, %mul3A_78 : vector<512x128xf32>
    %add3A_80 = arith.addf %add3A_74, %mul3A_79 : vector<512x128xf32>
    %max3A_81 = arith.constant 0.000000e+00 : f32
    %max3A_82 = vector.broadcast %max3A_81 : f32 to vector<512x128xf32>
    %max3A_83 = arith.maximumf %add3A_80, %max3A_82 : vector<512x128xf32>
    %get3A_84 = arith.constant 2 : index
    %get3A_85 = arith.constant 0 : index
    %get3A_86 = memref.load %arg6[%get3A_84, %get3A_85] : memref<10x2xf32, #tpu.memory_space<smem>>
    %mul3A_87 = vector.broadcast %get3A_86 : f32 to vector<512x128xf32>
    %mul3A_88 = arith.mulf %sign3A_42, %mul3A_87 : vector<512x128xf32>
    %get3A_89 = arith.constant 2 : index
    %get3A_90 = memref.load %arg7[%get3A_89] : memref<10xf32, #tpu.memory_space<smem>>
    %add3A_91 = vector.broadcast %get3A_90 : f32 to vector<512x128xf32>
    %add3A_92 = arith.addf %mul3A_88, %add3A_91 : vector<512x128xf32>
    %get3A_93 = arith.constant 2 : index
    %get3A_94 = arith.constant 1 : index
    %get3A_95 = memref.load %arg6[%get3A_93, %get3A_94] : memref<10x2xf32, #tpu.memory_space<smem>>
    %mul3A_96 = vector.broadcast %get3A_95 : f32 to vector<512x128xf32>
    %mul3A_97 = arith.mulf %add3A_48, %mul3A_96 : vector<512x128xf32>
    %add3A_98 = arith.addf %add3A_92, %mul3A_97 : vector<512x128xf32>
    %max3A_99 = arith.constant 0.000000e+00 : f32
    %max3A_100 = vector.broadcast %max3A_99 : f32 to vector<512x128xf32>
    %max3A_101 = arith.maximumf %add3A_98, %max3A_100 : vector<512x128xf32>
    %get3A_102 = arith.constant 3 : index
    %get3A_103 = arith.constant 0 : index
    %get3A_104 = memref.load %arg6[%get3A_102, %get3A_103] : memref<10x2xf32, #tpu.memory_space<smem>>
    %mul3A_105 = vector.broadcast %get3A_104 : f32 to vector<512x128xf32>
    %mul3A_106 = arith.mulf %sign3A_42, %mul3A_105 : vector<512x128xf32>
    %get3A_107 = arith.constant 3 : index
    %get3A_108 = memref.load %arg7[%get3A_107] : memref<10xf32, #tpu.memory_space<smem>>
    %add3A_109 = vector.broadcast %get3A_108 : f32 to vector<512x128xf32>
    %add3A_110 = arith.addf %mul3A_106, %add3A_109 : vector<512x128xf32>
    %get3A_111 = arith.constant 3 : index
    %get3A_112 = arith.constant 1 : index
    %get3A_113 = memref.load %arg6[%get3A_111, %get3A_112] : memref<10x2xf32, #tpu.memory_space<smem>>
    %mul3A_114 = vector.broadcast %get3A_113 : f32 to vector<512x128xf32>
    %mul3A_115 = arith.mulf %add3A_48, %mul3A_114 : vector<512x128xf32>
    %add3A_116 = arith.addf %add3A_110, %mul3A_115 : vector<512x128xf32>
    %max3A_117 = arith.constant 0.000000e+00 : f32
    %max3A_118 = vector.broadcast %max3A_117 : f32 to vector<512x128xf32>
    %max3A_119 = arith.maximumf %add3A_116, %max3A_118 : vector<512x128xf32>
    %get3A_120 = arith.constant 4 : index
    %get3A_121 = arith.constant 0 : index
    %get3A_122 = memref.load %arg6[%get3A_120, %get3A_121] : memref<10x2xf32, #tpu.memory_space<smem>>
    %mul3A_123 = vector.broadcast %get3A_122 : f32 to vector<512x128xf32>
    %mul3A_124 = arith.mulf %sign3A_42, %mul3A_123 : vector<512x128xf32>
    %get3A_125 = arith.constant 4 : index
    %get3A_126 = memref.load %arg7[%get3A_125] : memref<10xf32, #tpu.memory_space<smem>>
    %add3A_127 = vector.broadcast %get3A_126 : f32 to vector<512x128xf32>
    %add3A_128 = arith.addf %mul3A_124, %add3A_127 : vector<512x128xf32>
    %get3A_129 = arith.constant 4 : index
    %get3A_130 = arith.constant 1 : index
    %get3A_131 = memref.load %arg6[%get3A_129, %get3A_130] : memref<10x2xf32, #tpu.memory_space<smem>>
    %mul3A_132 = vector.broadcast %get3A_131 : f32 to vector<512x128xf32>
    %mul3A_133 = arith.mulf %add3A_48, %mul3A_132 : vector<512x128xf32>
    %add3A_134 = arith.addf %add3A_128, %mul3A_133 : vector<512x128xf32>
    %max3A_135 = arith.constant 0.000000e+00 : f32
    %max3A_136 = vector.broadcast %max3A_135 : f32 to vector<512x128xf32>
    %max3A_137 = arith.maximumf %add3A_134, %max3A_136 : vector<512x128xf32>
    %get3A_138 = arith.constant 5 : index
    %get3A_139 = arith.constant 0 : index
    %get3A_140 = memref.load %arg6[%get3A_138, %get3A_139] : memref<10x2xf32, #tpu.memory_space<smem>>
    %mul3A_141 = vector.broadcast %get3A_140 : f32 to vector<512x128xf32>
    %mul3A_142 = arith.mulf %sign3A_42, %mul3A_141 : vector<512x128xf32>
    %get3A_143 = arith.constant 5 : index
    %get3A_144 = memref.load %arg7[%get3A_143] : memref<10xf32, #tpu.memory_space<smem>>
    %add3A_145 = vector.broadcast %get3A_144 : f32 to vector<512x128xf32>
    %add3A_146 = arith.addf %mul3A_142, %add3A_145 : vector<512x128xf32>
    %get3A_147 = arith.constant 5 : index
    %get3A_148 = arith.constant 1 : index
    %get3A_149 = memref.load %arg6[%get3A_147, %get3A_148] : memref<10x2xf32, #tpu.memory_space<smem>>
    %mul3A_150 = vector.broadcast %get3A_149 : f32 to vector<512x128xf32>
    %mul3A_151 = arith.mulf %add3A_48, %mul3A_150 : vector<512x128xf32>
    %add3A_152 = arith.addf %add3A_146, %mul3A_151 : vector<512x128xf32>
    %max3A_153 = arith.constant 0.000000e+00 : f32
    %max3A_154 = vector.broadcast %max3A_153 : f32 to vector<512x128xf32>
    %max3A_155 = arith.maximumf %add3A_152, %max3A_154 : vector<512x128xf32>
    %get3A_156 = arith.constant 6 : index
    %get3A_157 = arith.constant 0 : index
    %get3A_158 = memref.load %arg6[%get3A_156, %get3A_157] : memref<10x2xf32, #tpu.memory_space<smem>>
    %mul3A_159 = vector.broadcast %get3A_158 : f32 to vector<512x128xf32>
    %mul3A_160 = arith.mulf %sign3A_42, %mul3A_159 : vector<512x128xf32>
    %get3A_161 = arith.constant 6 : index
    %get3A_162 = memref.load %arg7[%get3A_161] : memref<10xf32, #tpu.memory_space<smem>>
    %add3A_163 = vector.broadcast %get3A_162 : f32 to vector<512x128xf32>
    %add3A_164 = arith.addf %mul3A_160, %add3A_163 : vector<512x128xf32>
    %get3A_165 = arith.constant 6 : index
    %get3A_166 = arith.constant 1 : index
    %get3A_167 = memref.load %arg6[%get3A_165, %get3A_166] : memref<10x2xf32, #tpu.memory_space<smem>>
    %mul3A_168 = vector.broadcast %get3A_167 : f32 to vector<512x128xf32>
    %mul3A_169 = arith.mulf %add3A_48, %mul3A_168 : vector<512x128xf32>
    %add3A_170 = arith.addf %add3A_164, %mul3A_169 : vector<512x128xf32>
    %max3A_171 = arith.constant 0.000000e+00 : f32
    %max3A_172 = vector.broadcast %max3A_171 : f32 to vector<512x128xf32>
    %max3A_173 = arith.maximumf %add3A_170, %max3A_172 : vector<512x128xf32>
    %get3A_174 = arith.constant 7 : index
    %get3A_175 = arith.constant 0 : index
    %get3A_176 = memref.load %arg6[%get3A_174, %get3A_175] : memref<10x2xf32, #tpu.memory_space<smem>>
    %mul3A_177 = vector.broadcast %get3A_176 : f32 to vector<512x128xf32>
    %mul3A_178 = arith.mulf %sign3A_42, %mul3A_177 : vector<512x128xf32>
    %get3A_179 = arith.constant 7 : index
    %get3A_180 = memref.load %arg7[%get3A_179] : memref<10xf32, #tpu.memory_space<smem>>
    %add3A_181 = vector.broadcast %get3A_180 : f32 to vector<512x128xf32>
    %add3A_182 = arith.addf %mul3A_178, %add3A_181 : vector<512x128xf32>
    %get3A_183 = arith.constant 7 : index
    %get3A_184 = arith.constant 1 : index
    %get3A_185 = memref.load %arg6[%get3A_183, %get3A_184] : memref<10x2xf32, #tpu.memory_space<smem>>
    %mul3A_186 = vector.broadcast %get3A_185 : f32 to vector<512x128xf32>
    %mul3A_187 = arith.mulf %add3A_48, %mul3A_186 : vector<512x128xf32>
    %add3A_188 = arith.addf %add3A_182, %mul3A_187 : vector<512x128xf32>
    %max3A_189 = arith.constant 0.000000e+00 : f32
    %max3A_190 = vector.broadcast %max3A_189 : f32 to vector<512x128xf32>
    %max3A_191 = arith.maximumf %add3A_188, %max3A_190 : vector<512x128xf32>
    %get3A_192 = arith.constant 8 : index
    %get3A_193 = arith.constant 0 : index
    %get3A_194 = memref.load %arg6[%get3A_192, %get3A_193] : memref<10x2xf32, #tpu.memory_space<smem>>
    %mul3A_195 = vector.broadcast %get3A_194 : f32 to vector<512x128xf32>
    %mul3A_196 = arith.mulf %sign3A_42, %mul3A_195 : vector<512x128xf32>
    %get3A_197 = arith.constant 8 : index
    %get3A_198 = memref.load %arg7[%get3A_197] : memref<10xf32, #tpu.memory_space<smem>>
    %add3A_199 = vector.broadcast %get3A_198 : f32 to vector<512x128xf32>
    %add3A_200 = arith.addf %mul3A_196, %add3A_199 : vector<512x128xf32>
    %get3A_201 = arith.constant 8 : index
    %get3A_202 = arith.constant 1 : index
    %get3A_203 = memref.load %arg6[%get3A_201, %get3A_202] : memref<10x2xf32, #tpu.memory_space<smem>>
    %mul3A_204 = vector.broadcast %get3A_203 : f32 to vector<512x128xf32>
    %mul3A_205 = arith.mulf %add3A_48, %mul3A_204 : vector<512x128xf32>
    %add3A_206 = arith.addf %add3A_200, %mul3A_205 : vector<512x128xf32>
    %max3A_207 = arith.constant 0.000000e+00 : f32
    %max3A_208 = vector.broadcast %max3A_207 : f32 to vector<512x128xf32>
    %max3A_209 = arith.maximumf %add3A_206, %max3A_208 : vector<512x128xf32>
    %get3A_210 = arith.constant 9 : index
    %get3A_211 = arith.constant 0 : index
    %get3A_212 = memref.load %arg6[%get3A_210, %get3A_211] : memref<10x2xf32, #tpu.memory_space<smem>>
    %mul3A_213 = vector.broadcast %get3A_212 : f32 to vector<512x128xf32>
    %mul3A_214 = arith.mulf %sign3A_42, %mul3A_213 : vector<512x128xf32>
    %get3A_215 = arith.constant 9 : index
    %get3A_216 = memref.load %arg7[%get3A_215] : memref<10xf32, #tpu.memory_space<smem>>
    %add3A_217 = vector.broadcast %get3A_216 : f32 to vector<512x128xf32>
    %add3A_218 = arith.addf %mul3A_214, %add3A_217 : vector<512x128xf32>
    %get3A_219 = arith.constant 9 : index
    %get3A_220 = arith.constant 1 : index
    %get3A_221 = memref.load %arg6[%get3A_219, %get3A_220] : memref<10x2xf32, #tpu.memory_space<smem>>
    %mul3A_222 = vector.broadcast %get3A_221 : f32 to vector<512x128xf32>
    %mul3A_223 = arith.mulf %add3A_48, %mul3A_222 : vector<512x128xf32>
    %add3A_224 = arith.addf %add3A_218, %mul3A_223 : vector<512x128xf32>
    %max3A_225 = arith.constant 0.000000e+00 : f32
    %max3A_226 = vector.broadcast %max3A_225 : f32 to vector<512x128xf32>
    %max3A_227 = arith.maximumf %add3A_224, %max3A_226 : vector<512x128xf32>
    %get3A_228 = arith.constant 0 : index
    %get3A_229 = arith.constant 0 : index
    %get3A_230 = memref.load %arg8[%get3A_228, %get3A_229] : memref<20x10xf32, #tpu.memory_space<smem>>
    %mul3A_231 = vector.broadcast %get3A_230 : f32 to vector<512x128xf32>
    %mul3A_232 = arith.mulf %max3A_65, %mul3A_231 : vector<512x128xf32>
    %get3A_233 = arith.constant 0 : index
    %get3A_234 = memref.load %arg9[%get3A_233] : memref<20xf32, #tpu.memory_space<smem>>
    %add3A_235 = vector.broadcast %get3A_234 : f32 to vector<512x128xf32>
    %add3A_236 = arith.addf %mul3A_232, %add3A_235 : vector<512x128xf32>
    %get3A_237 = arith.constant 0 : index
    %get3A_238 = arith.constant 1 : index
    %get3A_239 = memref.load %arg8[%get3A_237, %get3A_238] : memref<20x10xf32, #tpu.memory_space<smem>>
    %mul3A_240 = vector.broadcast %get3A_239 : f32 to vector<512x128xf32>
    %mul3A_241 = arith.mulf %max3A_83, %mul3A_240 : vector<512x128xf32>
    %add3A_242 = arith.addf %add3A_236, %mul3A_241 : vector<512x128xf32>
    %get3A_243 = arith.constant 0 : index
    %get3A_244 = arith.constant 2 : index
    %get3A_245 = memref.load %arg8[%get3A_243, %get3A_244] : memref<20x10xf32, #tpu.memory_space<smem>>
    %mul3A_246 = vector.broadcast %get3A_245 : f32 to vector<512x128xf32>
    %mul3A_247 = arith.mulf %max3A_101, %mul3A_246 : vector<512x128xf32>
    %add3A_248 = arith.addf %add3A_242, %mul3A_247 : vector<512x128xf32>
    %get3A_249 = arith.constant 0 : index
    %get3A_250 = arith.constant 3 : index
    %get3A_251 = memref.load %arg8[%get3A_249, %get3A_250] : memref<20x10xf32, #tpu.memory_space<smem>>
    %mul3A_252 = vector.broadcast %get3A_251 : f32 to vector<512x128xf32>
    %mul3A_253 = arith.mulf %max3A_119, %mul3A_252 : vector<512x128xf32>
    %add3A_254 = arith.addf %add3A_248, %mul3A_253 : vector<512x128xf32>
    %get3A_255 = arith.constant 0 : index
    %get3A_256 = arith.constant 4 : index
    %get3A_257 = memref.load %arg8[%get3A_255, %get3A_256] : memref<20x10xf32, #tpu.memory_space<smem>>
    %mul3A_258 = vector.broadcast %get3A_257 : f32 to vector<512x128xf32>
    %mul3A_259 = arith.mulf %max3A_137, %mul3A_258 : vector<512x128xf32>
    %add3A_260 = arith.addf %add3A_254, %mul3A_259 : vector<512x128xf32>
    %get3A_261 = arith.constant 0 : index
    %get3A_262 = arith.constant 5 : index
    %get3A_263 = memref.load %arg8[%get3A_261, %get3A_262] : memref<20x10xf32, #tpu.memory_space<smem>>
    %mul3A_264 = vector.broadcast %get3A_263 : f32 to vector<512x128xf32>
    %mul3A_265 = arith.mulf %max3A_155, %mul3A_264 : vector<512x128xf32>
    %add3A_266 = arith.addf %add3A_260, %mul3A_265 : vector<512x128xf32>
    %get3A_267 = arith.constant 0 : index
    %get3A_268 = arith.constant 6 : index
    %get3A_269 = memref.load %arg8[%get3A_267, %get3A_268] : memref<20x10xf32, #tpu.memory_space<smem>>
    %mul3A_270 = vector.broadcast %get3A_269 : f32 to vector<512x128xf32>
    %mul3A_271 = arith.mulf %max3A_173, %mul3A_270 : vector<512x128xf32>
    %add3A_272 = arith.addf %add3A_266, %mul3A_271 : vector<512x128xf32>
    %get3A_273 = arith.constant 0 : index
    %get3A_274 = arith.constant 7 : index
    %get3A_275 = memref.load %arg8[%get3A_273, %get3A_274] : memref<20x10xf32, #tpu.memory_space<smem>>
    %mul3A_276 = vector.broadcast %get3A_275 : f32 to vector<512x128xf32>
    %mul3A_277 = arith.mulf %max3A_191, %mul3A_276 : vector<512x128xf32>
    %add3A_278 = arith.addf %add3A_272, %mul3A_277 : vector<512x128xf32>
    %get3A_279 = arith.constant 0 : index
    %get3A_280 = arith.constant 8 : index
    %get3A_281 = memref.load %arg8[%get3A_279, %get3A_280] : memref<20x10xf32, #tpu.memory_space<smem>>
    %mul3A_282 = vector.broadcast %get3A_281 : f32 to vector<512x128xf32>
    %mul3A_283 = arith.mulf %max3A_209, %mul3A_282 : vector<512x128xf32>
    %add3A_284 = arith.addf %add3A_278, %mul3A_283 : vector<512x128xf32>
    %get3A_285 = arith.constant 0 : index
    %get3A_286 = arith.constant 9 : index
    %get3A_287 = memref.load %arg8[%get3A_285, %get3A_286] : memref<20x10xf32, #tpu.memory_space<smem>>
    %mul3A_288 = vector.broadcast %get3A_287 : f32 to vector<512x128xf32>
    %mul3A_289 = arith.mulf %max3A_227, %mul3A_288 : vector<512x128xf32>
    %add3A_290 = arith.addf %add3A_284, %mul3A_289 : vector<512x128xf32>
    %max3A_291 = arith.constant 0.000000e+00 : f32
    %max3A_292 = vector.broadcast %max3A_291 : f32 to vector<512x128xf32>
    %max3A_293 = arith.maximumf %add3A_290, %max3A_292 : vector<512x128xf32>
    %get3A_294 = arith.constant 1 : index
    %get3A_295 = arith.constant 0 : index
    %get3A_296 = memref.load %arg8[%get3A_294, %get3A_295] : memref<20x10xf32, #tpu.memory_space<smem>>
    %mul3A_297 = vector.broadcast %get3A_296 : f32 to vector<512x128xf32>
    %mul3A_298 = arith.mulf %max3A_65, %mul3A_297 : vector<512x128xf32>
    %get3A_299 = arith.constant 1 : index
    %get3A_300 = memref.load %arg9[%get3A_299] : memref<20xf32, #tpu.memory_space<smem>>
    %add3A_301 = vector.broadcast %get3A_300 : f32 to vector<512x128xf32>
    %add3A_302 = arith.addf %mul3A_298, %add3A_301 : vector<512x128xf32>
    %get3A_303 = arith.constant 1 : index
    %get3A_304 = arith.constant 1 : index
    %get3A_305 = memref.load %arg8[%get3A_303, %get3A_304] : memref<20x10xf32, #tpu.memory_space<smem>>
    %mul3A_306 = vector.broadcast %get3A_305 : f32 to vector<512x128xf32>
    %mul3A_307 = arith.mulf %max3A_83, %mul3A_306 : vector<512x128xf32>
    %add3A_308 = arith.addf %add3A_302, %mul3A_307 : vector<512x128xf32>
    %get3A_309 = arith.constant 1 : index
    %get3A_310 = arith.constant 2 : index
    %get3A_311 = memref.load %arg8[%get3A_309, %get3A_310] : memref<20x10xf32, #tpu.memory_space<smem>>
    %mul3A_312 = vector.broadcast %get3A_311 : f32 to vector<512x128xf32>
    %mul3A_313 = arith.mulf %max3A_101, %mul3A_312 : vector<512x128xf32>
    %add3A_314 = arith.addf %add3A_308, %mul3A_313 : vector<512x128xf32>
    %get3A_315 = arith.constant 1 : index
    %get3A_316 = arith.constant 3 : index
    %get3A_317 = memref.load %arg8[%get3A_315, %get3A_316] : memref<20x10xf32, #tpu.memory_space<smem>>
    %mul3A_318 = vector.broadcast %get3A_317 : f32 to vector<512x128xf32>
    %mul3A_319 = arith.mulf %max3A_119, %mul3A_318 : vector<512x128xf32>
    %add3A_320 = arith.addf %add3A_314, %mul3A_319 : vector<512x128xf32>
    %get3A_321 = arith.constant 1 : index
    %get3A_322 = arith.constant 4 : index
    %get3A_323 = memref.load %arg8[%get3A_321, %get3A_322] : memref<20x10xf32, #tpu.memory_space<smem>>
    %mul3A_324 = vector.broadcast %get3A_323 : f32 to vector<512x128xf32>
    %mul3A_325 = arith.mulf %max3A_137, %mul3A_324 : vector<512x128xf32>
    %add3A_326 = arith.addf %add3A_320, %mul3A_325 : vector<512x128xf32>
    %get3A_327 = arith.constant 1 : index
    %get3A_328 = arith.constant 5 : index
    %get3A_329 = memref.load %arg8[%get3A_327, %get3A_328] : memref<20x10xf32, #tpu.memory_space<smem>>
    %mul3A_330 = vector.broadcast %get3A_329 : f32 to vector<512x128xf32>
    %mul3A_331 = arith.mulf %max3A_155, %mul3A_330 : vector<512x128xf32>
    %add3A_332 = arith.addf %add3A_326, %mul3A_331 : vector<512x128xf32>
    %get3A_333 = arith.constant 1 : index
    %get3A_334 = arith.constant 6 : index
    %get3A_335 = memref.load %arg8[%get3A_333, %get3A_334] : memref<20x10xf32, #tpu.memory_space<smem>>
    %mul3A_336 = vector.broadcast %get3A_335 : f32 to vector<512x128xf32>
    %mul3A_337 = arith.mulf %max3A_173, %mul3A_336 : vector<512x128xf32>
    %add3A_338 = arith.addf %add3A_332, %mul3A_337 : vector<512x128xf32>
    %get3A_339 = arith.constant 1 : index
    %get3A_340 = arith.constant 7 : index
    %get3A_341 = memref.load %arg8[%get3A_339, %get3A_340] : memref<20x10xf32, #tpu.memory_space<smem>>
    %mul3A_342 = vector.broadcast %get3A_341 : f32 to vector<512x128xf32>
    %mul3A_343 = arith.mulf %max3A_191, %mul3A_342 : vector<512x128xf32>
    %add3A_344 = arith.addf %add3A_338, %mul3A_343 : vector<512x128xf32>
    %get3A_345 = arith.constant 1 : index
    %get3A_346 = arith.constant 8 : index
    %get3A_347 = memref.load %arg8[%get3A_345, %get3A_346] : memref<20x10xf32, #tpu.memory_space<smem>>
    %mul3A_348 = vector.broadcast %get3A_347 : f32 to vector<512x128xf32>
    %mul3A_349 = arith.mulf %max3A_209, %mul3A_348 : vector<512x128xf32>
    %add3A_350 = arith.addf %add3A_344, %mul3A_349 : vector<512x128xf32>
    %get3A_351 = arith.constant 1 : index
    %get3A_352 = arith.constant 9 : index
    %get3A_353 = memref.load %arg8[%get3A_351, %get3A_352] : memref<20x10xf32, #tpu.memory_space<smem>>
    %mul3A_354 = vector.broadcast %get3A_353 : f32 to vector<512x128xf32>
    %mul3A_355 = arith.mulf %max3A_227, %mul3A_354 : vector<512x128xf32>
    %add3A_356 = arith.addf %add3A_350, %mul3A_355 : vector<512x128xf32>
    %max3A_357 = arith.constant 0.000000e+00 : f32
    %max3A_358 = vector.broadcast %max3A_357 : f32 to vector<512x128xf32>
    %max3A_359 = arith.maximumf %add3A_356, %max3A_358 : vector<512x128xf32>
    %get3A_360 = arith.constant 2 : index
    %get3A_361 = arith.constant 0 : index
    %get3A_362 = memref.load %arg8[%get3A_360, %get3A_361] : memref<20x10xf32, #tpu.memory_space<smem>>
    %mul3A_363 = vector.broadcast %get3A_362 : f32 to vector<512x128xf32>
    %mul3A_364 = arith.mulf %max3A_65, %mul3A_363 : vector<512x128xf32>
    %get3A_365 = arith.constant 2 : index
    %get3A_366 = memref.load %arg9[%get3A_365] : memref<20xf32, #tpu.memory_space<smem>>
    %add3A_367 = vector.broadcast %get3A_366 : f32 to vector<512x128xf32>
    %add3A_368 = arith.addf %mul3A_364, %add3A_367 : vector<512x128xf32>
    %get3A_369 = arith.constant 2 : index
    %get3A_370 = arith.constant 1 : index
    %get3A_371 = memref.load %arg8[%get3A_369, %get3A_370] : memref<20x10xf32, #tpu.memory_space<smem>>
    %mul3A_372 = vector.broadcast %get3A_371 : f32 to vector<512x128xf32>
    %mul3A_373 = arith.mulf %max3A_83, %mul3A_372 : vector<512x128xf32>
    %add3A_374 = arith.addf %add3A_368, %mul3A_373 : vector<512x128xf32>
    %get3A_375 = arith.constant 2 : index
    %get3A_376 = arith.constant 2 : index
    %get3A_377 = memref.load %arg8[%get3A_375, %get3A_376] : memref<20x10xf32, #tpu.memory_space<smem>>
    %mul3A_378 = vector.broadcast %get3A_377 : f32 to vector<512x128xf32>
    %mul3A_379 = arith.mulf %max3A_101, %mul3A_378 : vector<512x128xf32>
    %add3A_380 = arith.addf %add3A_374, %mul3A_379 : vector<512x128xf32>
    %get3A_381 = arith.constant 2 : index
    %get3A_382 = arith.constant 3 : index
    %get3A_383 = memref.load %arg8[%get3A_381, %get3A_382] : memref<20x10xf32, #tpu.memory_space<smem>>
    %mul3A_384 = vector.broadcast %get3A_383 : f32 to vector<512x128xf32>
    %mul3A_385 = arith.mulf %max3A_119, %mul3A_384 : vector<512x128xf32>
    %add3A_386 = arith.addf %add3A_380, %mul3A_385 : vector<512x128xf32>
    %get3A_387 = arith.constant 2 : index
    %get3A_388 = arith.constant 4 : index
    %get3A_389 = memref.load %arg8[%get3A_387, %get3A_388] : memref<20x10xf32, #tpu.memory_space<smem>>
    %mul3A_390 = vector.broadcast %get3A_389 : f32 to vector<512x128xf32>
    %mul3A_391 = arith.mulf %max3A_137, %mul3A_390 : vector<512x128xf32>
    %add3A_392 = arith.addf %add3A_386, %mul3A_391 : vector<512x128xf32>
    %get3A_393 = arith.constant 2 : index
    %get3A_394 = arith.constant 5 : index
    %get3A_395 = memref.load %arg8[%get3A_393, %get3A_394] : memref<20x10xf32, #tpu.memory_space<smem>>
    %mul3A_396 = vector.broadcast %get3A_395 : f32 to vector<512x128xf32>
    %mul3A_397 = arith.mulf %max3A_155, %mul3A_396 : vector<512x128xf32>
    %add3A_398 = arith.addf %add3A_392, %mul3A_397 : vector<512x128xf32>
    %get3A_399 = arith.constant 2 : index
    %get3A_400 = arith.constant 6 : index
    %get3A_401 = memref.load %arg8[%get3A_399, %get3A_400] : memref<20x10xf32, #tpu.memory_space<smem>>
    %mul3A_402 = vector.broadcast %get3A_401 : f32 to vector<512x128xf32>
    %mul3A_403 = arith.mulf %max3A_173, %mul3A_402 : vector<512x128xf32>
    %add3A_404 = arith.addf %add3A_398, %mul3A_403 : vector<512x128xf32>
    %get3A_405 = arith.constant 2 : index
    %get3A_406 = arith.constant 7 : index
    %get3A_407 = memref.load %arg8[%get3A_405, %get3A_406] : memref<20x10xf32, #tpu.memory_space<smem>>
    %mul3A_408 = vector.broadcast %get3A_407 : f32 to vector<512x128xf32>
    %mul3A_409 = arith.mulf %max3A_191, %mul3A_408 : vector<512x128xf32>
    %add3A_410 = arith.addf %add3A_404, %mul3A_409 : vector<512x128xf32>
    %get3A_411 = arith.constant 2 : index
    %get3A_412 = arith.constant 8 : index
    %get3A_413 = memref.load %arg8[%get3A_411, %get3A_412] : memref<20x10xf32, #tpu.memory_space<smem>>
    %mul3A_414 = vector.broadcast %get3A_413 : f32 to vector<512x128xf32>
    %mul3A_415 = arith.mulf %max3A_209, %mul3A_414 : vector<512x128xf32>
    %add3A_416 = arith.addf %add3A_410, %mul3A_415 : vector<512x128xf32>
    %get3A_417 = arith.constant 2 : index
    %get3A_418 = arith.constant 9 : index
    %get3A_419 = memref.load %arg8[%get3A_417, %get3A_418] : memref<20x10xf32, #tpu.memory_space<smem>>
    %mul3A_420 = vector.broadcast %get3A_419 : f32 to vector<512x128xf32>
    %mul3A_421 = arith.mulf %max3A_227, %mul3A_420 : vector<512x128xf32>
    %add3A_422 = arith.addf %add3A_416, %mul3A_421 : vector<512x128xf32>
    %max3A_423 = arith.constant 0.000000e+00 : f32
    %max3A_424 = vector.broadcast %max3A_423 : f32 to vector<512x128xf32>
    %max3A_425 = arith.maximumf %add3A_422, %max3A_424 : vector<512x128xf32>
    %get3A_426 = arith.constant 3 : index
    %get3A_427 = arith.constant 0 : index
    %get3A_428 = memref.load %arg8[%get3A_426, %get3A_427] : memref<20x10xf32, #tpu.memory_space<smem>>
    %mul3A_429 = vector.broadcast %get3A_428 : f32 to vector<512x128xf32>
    %mul3A_430 = arith.mulf %max3A_65, %mul3A_429 : vector<512x128xf32>
    %get3A_431 = arith.constant 3 : index
    %get3A_432 = memref.load %arg9[%get3A_431] : memref<20xf32, #tpu.memory_space<smem>>
    %add3A_433 = vector.broadcast %get3A_432 : f32 to vector<512x128xf32>
    %add3A_434 = arith.addf %mul3A_430, %add3A_433 : vector<512x128xf32>
    %get3A_435 = arith.constant 3 : index
    %get3A_436 = arith.constant 1 : index
    %get3A_437 = memref.load %arg8[%get3A_435, %get3A_436] : memref<20x10xf32, #tpu.memory_space<smem>>
    %mul3A_438 = vector.broadcast %get3A_437 : f32 to vector<512x128xf32>
    %mul3A_439 = arith.mulf %max3A_83, %mul3A_438 : vector<512x128xf32>
    %add3A_440 = arith.addf %add3A_434, %mul3A_439 : vector<512x128xf32>
    %get3A_441 = arith.constant 3 : index
    %get3A_442 = arith.constant 2 : index
    %get3A_443 = memref.load %arg8[%get3A_441, %get3A_442] : memref<20x10xf32, #tpu.memory_space<smem>>
    %mul3A_444 = vector.broadcast %get3A_443 : f32 to vector<512x128xf32>
    %mul3A_445 = arith.mulf %max3A_101, %mul3A_444 : vector<512x128xf32>
    %add3A_446 = arith.addf %add3A_440, %mul3A_445 : vector<512x128xf32>
    %get3A_447 = arith.constant 3 : index
    %get3A_448 = arith.constant 3 : index
    %get3A_449 = memref.load %arg8[%get3A_447, %get3A_448] : memref<20x10xf32, #tpu.memory_space<smem>>
    %mul3A_450 = vector.broadcast %get3A_449 : f32 to vector<512x128xf32>
    %mul3A_451 = arith.mulf %max3A_119, %mul3A_450 : vector<512x128xf32>
    %add3A_452 = arith.addf %add3A_446, %mul3A_451 : vector<512x128xf32>
    %get3A_453 = arith.constant 3 : index
    %get3A_454 = arith.constant 4 : index
    %get3A_455 = memref.load %arg8[%get3A_453, %get3A_454] : memref<20x10xf32, #tpu.memory_space<smem>>
    %mul3A_456 = vector.broadcast %get3A_455 : f32 to vector<512x128xf32>
    %mul3A_457 = arith.mulf %max3A_137, %mul3A_456 : vector<512x128xf32>
    %add3A_458 = arith.addf %add3A_452, %mul3A_457 : vector<512x128xf32>
    %get3A_459 = arith.constant 3 : index
    %get3A_460 = arith.constant 5 : index
    %get3A_461 = memref.load %arg8[%get3A_459, %get3A_460] : memref<20x10xf32, #tpu.memory_space<smem>>
    %mul3A_462 = vector.broadcast %get3A_461 : f32 to vector<512x128xf32>
    %mul3A_463 = arith.mulf %max3A_155, %mul3A_462 : vector<512x128xf32>
    %add3A_464 = arith.addf %add3A_458, %mul3A_463 : vector<512x128xf32>
    %get3A_465 = arith.constant 3 : index
    %get3A_466 = arith.constant 6 : index
    %get3A_467 = memref.load %arg8[%get3A_465, %get3A_466] : memref<20x10xf32, #tpu.memory_space<smem>>
    %mul3A_468 = vector.broadcast %get3A_467 : f32 to vector<512x128xf32>
    %mul3A_469 = arith.mulf %max3A_173, %mul3A_468 : vector<512x128xf32>
    %add3A_470 = arith.addf %add3A_464, %mul3A_469 : vector<512x128xf32>
    %get3A_471 = arith.constant 3 : index
    %get3A_472 = arith.constant 7 : index
    %get3A_473 = memref.load %arg8[%get3A_471, %get3A_472] : memref<20x10xf32, #tpu.memory_space<smem>>
    %mul3A_474 = vector.broadcast %get3A_473 : f32 to vector<512x128xf32>
    %mul3A_475 = arith.mulf %max3A_191, %mul3A_474 : vector<512x128xf32>
    %add3A_476 = arith.addf %add3A_470, %mul3A_475 : vector<512x128xf32>
    %get3A_477 = arith.constant 3 : index
    %get3A_478 = arith.constant 8 : index
    %get3A_479 = memref.load %arg8[%get3A_477, %get3A_478] : memref<20x10xf32, #tpu.memory_space<smem>>
    %mul3A_480 = vector.broadcast %get3A_479 : f32 to vector<512x128xf32>
    %mul3A_481 = arith.mulf %max3A_209, %mul3A_480 : vector<512x128xf32>
    %add3A_482 = arith.addf %add3A_476, %mul3A_481 : vector<512x128xf32>
    %get3A_483 = arith.constant 3 : index
    %get3A_484 = arith.constant 9 : index
    %get3A_485 = memref.load %arg8[%get3A_483, %get3A_484] : memref<20x10xf32, #tpu.memory_space<smem>>
    %mul3A_486 = vector.broadcast %get3A_485 : f32 to vector<512x128xf32>
    %mul3A_487 = arith.mulf %max3A_227, %mul3A_486 : vector<512x128xf32>
    %add3A_488 = arith.addf %add3A_482, %mul3A_487 : vector<512x128xf32>
    %max3A_489 = arith.constant 0.000000e+00 : f32
    %max3A_490 = vector.broadcast %max3A_489 : f32 to vector<512x128xf32>
    %max3A_491 = arith.maximumf %add3A_488, %max3A_490 : vector<512x128xf32>
    %get3A_492 = arith.constant 4 : index
    %get3A_493 = arith.constant 0 : index
    %get3A_494 = memref.load %arg8[%get3A_492, %get3A_493] : memref<20x10xf32, #tpu.memory_space<smem>>
    %mul3A_495 = vector.broadcast %get3A_494 : f32 to vector<512x128xf32>
    %mul3A_496 = arith.mulf %max3A_65, %mul3A_495 : vector<512x128xf32>
    %get3A_497 = arith.constant 4 : index
    %get3A_498 = memref.load %arg9[%get3A_497] : memref<20xf32, #tpu.memory_space<smem>>
    %add3A_499 = vector.broadcast %get3A_498 : f32 to vector<512x128xf32>
    %add3A_500 = arith.addf %mul3A_496, %add3A_499 : vector<512x128xf32>
    %get3A_501 = arith.constant 4 : index
    %get3A_502 = arith.constant 1 : index
    %get3A_503 = memref.load %arg8[%get3A_501, %get3A_502] : memref<20x10xf32, #tpu.memory_space<smem>>
    %mul3A_504 = vector.broadcast %get3A_503 : f32 to vector<512x128xf32>
    %mul3A_505 = arith.mulf %max3A_83, %mul3A_504 : vector<512x128xf32>
    %add3A_506 = arith.addf %add3A_500, %mul3A_505 : vector<512x128xf32>
    %get3A_507 = arith.constant 4 : index
    %get3A_508 = arith.constant 2 : index
    %get3A_509 = memref.load %arg8[%get3A_507, %get3A_508] : memref<20x10xf32, #tpu.memory_space<smem>>
    %mul3A_510 = vector.broadcast %get3A_509 : f32 to vector<512x128xf32>
    %mul3A_511 = arith.mulf %max3A_101, %mul3A_510 : vector<512x128xf32>
    %add3A_512 = arith.addf %add3A_506, %mul3A_511 : vector<512x128xf32>
    %get3A_513 = arith.constant 4 : index
    %get3A_514 = arith.constant 3 : index
    %get3A_515 = memref.load %arg8[%get3A_513, %get3A_514] : memref<20x10xf32, #tpu.memory_space<smem>>
    %mul3A_516 = vector.broadcast %get3A_515 : f32 to vector<512x128xf32>
    %mul3A_517 = arith.mulf %max3A_119, %mul3A_516 : vector<512x128xf32>
    %add3A_518 = arith.addf %add3A_512, %mul3A_517 : vector<512x128xf32>
    %get3A_519 = arith.constant 4 : index
    %get3A_520 = arith.constant 4 : index
    %get3A_521 = memref.load %arg8[%get3A_519, %get3A_520] : memref<20x10xf32, #tpu.memory_space<smem>>
    %mul3A_522 = vector.broadcast %get3A_521 : f32 to vector<512x128xf32>
    %mul3A_523 = arith.mulf %max3A_137, %mul3A_522 : vector<512x128xf32>
    %add3A_524 = arith.addf %add3A_518, %mul3A_523 : vector<512x128xf32>
    %get3A_525 = arith.constant 4 : index
    %get3A_526 = arith.constant 5 : index
    %get3A_527 = memref.load %arg8[%get3A_525, %get3A_526] : memref<20x10xf32, #tpu.memory_space<smem>>
    %mul3A_528 = vector.broadcast %get3A_527 : f32 to vector<512x128xf32>
    %mul3A_529 = arith.mulf %max3A_155, %mul3A_528 : vector<512x128xf32>
    %add3A_530 = arith.addf %add3A_524, %mul3A_529 : vector<512x128xf32>
    %get3A_531 = arith.constant 4 : index
    %get3A_532 = arith.constant 6 : index
    %get3A_533 = memref.load %arg8[%get3A_531, %get3A_532] : memref<20x10xf32, #tpu.memory_space<smem>>
    %mul3A_534 = vector.broadcast %get3A_533 : f32 to vector<512x128xf32>
    %mul3A_535 = arith.mulf %max3A_173, %mul3A_534 : vector<512x128xf32>
    %add3A_536 = arith.addf %add3A_530, %mul3A_535 : vector<512x128xf32>
    %get3A_537 = arith.constant 4 : index
    %get3A_538 = arith.constant 7 : index
    %get3A_539 = memref.load %arg8[%get3A_537, %get3A_538] : memref<20x10xf32, #tpu.memory_space<smem>>
    %mul3A_540 = vector.broadcast %get3A_539 : f32 to vector<512x128xf32>
    %mul3A_541 = arith.mulf %max3A_191, %mul3A_540 : vector<512x128xf32>
    %add3A_542 = arith.addf %add3A_536, %mul3A_541 : vector<512x128xf32>
    %get3A_543 = arith.constant 4 : index
    %get3A_544 = arith.constant 8 : index
    %get3A_545 = memref.load %arg8[%get3A_543, %get3A_544] : memref<20x10xf32, #tpu.memory_space<smem>>
    %mul3A_546 = vector.broadcast %get3A_545 : f32 to vector<512x128xf32>
    %mul3A_547 = arith.mulf %max3A_209, %mul3A_546 : vector<512x128xf32>
    %add3A_548 = arith.addf %add3A_542, %mul3A_547 : vector<512x128xf32>
    %get3A_549 = arith.constant 4 : index
    %get3A_550 = arith.constant 9 : index
    %get3A_551 = memref.load %arg8[%get3A_549, %get3A_550] : memref<20x10xf32, #tpu.memory_space<smem>>
    %mul3A_552 = vector.broadcast %get3A_551 : f32 to vector<512x128xf32>
    %mul3A_553 = arith.mulf %max3A_227, %mul3A_552 : vector<512x128xf32>
    %add3A_554 = arith.addf %add3A_548, %mul3A_553 : vector<512x128xf32>
    %max3A_555 = arith.constant 0.000000e+00 : f32
    %max3A_556 = vector.broadcast %max3A_555 : f32 to vector<512x128xf32>
    %max3A_557 = arith.maximumf %add3A_554, %max3A_556 : vector<512x128xf32>
    %get3A_558 = arith.constant 5 : index
    %get3A_559 = arith.constant 0 : index
    %get3A_560 = memref.load %arg8[%get3A_558, %get3A_559] : memref<20x10xf32, #tpu.memory_space<smem>>
    %mul3A_561 = vector.broadcast %get3A_560 : f32 to vector<512x128xf32>
    %mul3A_562 = arith.mulf %max3A_65, %mul3A_561 : vector<512x128xf32>
    %get3A_563 = arith.constant 5 : index
    %get3A_564 = memref.load %arg9[%get3A_563] : memref<20xf32, #tpu.memory_space<smem>>
    %add3A_565 = vector.broadcast %get3A_564 : f32 to vector<512x128xf32>
    %add3A_566 = arith.addf %mul3A_562, %add3A_565 : vector<512x128xf32>
    %get3A_567 = arith.constant 5 : index
    %get3A_568 = arith.constant 1 : index
    %get3A_569 = memref.load %arg8[%get3A_567, %get3A_568] : memref<20x10xf32, #tpu.memory_space<smem>>
    %mul3A_570 = vector.broadcast %get3A_569 : f32 to vector<512x128xf32>
    %mul3A_571 = arith.mulf %max3A_83, %mul3A_570 : vector<512x128xf32>
    %add3A_572 = arith.addf %add3A_566, %mul3A_571 : vector<512x128xf32>
    %get3A_573 = arith.constant 5 : index
    %get3A_574 = arith.constant 2 : index
    %get3A_575 = memref.load %arg8[%get3A_573, %get3A_574] : memref<20x10xf32, #tpu.memory_space<smem>>
    %mul3A_576 = vector.broadcast %get3A_575 : f32 to vector<512x128xf32>
    %mul3A_577 = arith.mulf %max3A_101, %mul3A_576 : vector<512x128xf32>
    %add3A_578 = arith.addf %add3A_572, %mul3A_577 : vector<512x128xf32>
    %get3A_579 = arith.constant 5 : index
    %get3A_580 = arith.constant 3 : index
    %get3A_581 = memref.load %arg8[%get3A_579, %get3A_580] : memref<20x10xf32, #tpu.memory_space<smem>>
    %mul3A_582 = vector.broadcast %get3A_581 : f32 to vector<512x128xf32>
    %mul3A_583 = arith.mulf %max3A_119, %mul3A_582 : vector<512x128xf32>
    %add3A_584 = arith.addf %add3A_578, %mul3A_583 : vector<512x128xf32>
    %get3A_585 = arith.constant 5 : index
    %get3A_586 = arith.constant 4 : index
    %get3A_587 = memref.load %arg8[%get3A_585, %get3A_586] : memref<20x10xf32, #tpu.memory_space<smem>>
    %mul3A_588 = vector.broadcast %get3A_587 : f32 to vector<512x128xf32>
    %mul3A_589 = arith.mulf %max3A_137, %mul3A_588 : vector<512x128xf32>
    %add3A_590 = arith.addf %add3A_584, %mul3A_589 : vector<512x128xf32>
    %get3A_591 = arith.constant 5 : index
    %get3A_592 = arith.constant 5 : index
    %get3A_593 = memref.load %arg8[%get3A_591, %get3A_592] : memref<20x10xf32, #tpu.memory_space<smem>>
    %mul3A_594 = vector.broadcast %get3A_593 : f32 to vector<512x128xf32>
    %mul3A_595 = arith.mulf %max3A_155, %mul3A_594 : vector<512x128xf32>
    %add3A_596 = arith.addf %add3A_590, %mul3A_595 : vector<512x128xf32>
    %get3A_597 = arith.constant 5 : index
    %get3A_598 = arith.constant 6 : index
    %get3A_599 = memref.load %arg8[%get3A_597, %get3A_598] : memref<20x10xf32, #tpu.memory_space<smem>>
    %mul3A_600 = vector.broadcast %get3A_599 : f32 to vector<512x128xf32>
    %mul3A_601 = arith.mulf %max3A_173, %mul3A_600 : vector<512x128xf32>
    %add3A_602 = arith.addf %add3A_596, %mul3A_601 : vector<512x128xf32>
    %get3A_603 = arith.constant 5 : index
    %get3A_604 = arith.constant 7 : index
    %get3A_605 = memref.load %arg8[%get3A_603, %get3A_604] : memref<20x10xf32, #tpu.memory_space<smem>>
    %mul3A_606 = vector.broadcast %get3A_605 : f32 to vector<512x128xf32>
    %mul3A_607 = arith.mulf %max3A_191, %mul3A_606 : vector<512x128xf32>
    %add3A_608 = arith.addf %add3A_602, %mul3A_607 : vector<512x128xf32>
    %get3A_609 = arith.constant 5 : index
    %get3A_610 = arith.constant 8 : index
    %get3A_611 = memref.load %arg8[%get3A_609, %get3A_610] : memref<20x10xf32, #tpu.memory_space<smem>>
    %mul3A_612 = vector.broadcast %get3A_611 : f32 to vector<512x128xf32>
    %mul3A_613 = arith.mulf %max3A_209, %mul3A_612 : vector<512x128xf32>
    %add3A_614 = arith.addf %add3A_608, %mul3A_613 : vector<512x128xf32>
    %get3A_615 = arith.constant 5 : index
    %get3A_616 = arith.constant 9 : index
    %get3A_617 = memref.load %arg8[%get3A_615, %get3A_616] : memref<20x10xf32, #tpu.memory_space<smem>>
    %mul3A_618 = vector.broadcast %get3A_617 : f32 to vector<512x128xf32>
    %mul3A_619 = arith.mulf %max3A_227, %mul3A_618 : vector<512x128xf32>
    %add3A_620 = arith.addf %add3A_614, %mul3A_619 : vector<512x128xf32>
    %max3A_621 = arith.constant 0.000000e+00 : f32
    %max3A_622 = vector.broadcast %max3A_621 : f32 to vector<512x128xf32>
    %max3A_623 = arith.maximumf %add3A_620, %max3A_622 : vector<512x128xf32>
    %get3A_624 = arith.constant 6 : index
    %get3A_625 = arith.constant 0 : index
    %get3A_626 = memref.load %arg8[%get3A_624, %get3A_625] : memref<20x10xf32, #tpu.memory_space<smem>>
    %mul3A_627 = vector.broadcast %get3A_626 : f32 to vector<512x128xf32>
    %mul3A_628 = arith.mulf %max3A_65, %mul3A_627 : vector<512x128xf32>
    %get3A_629 = arith.constant 6 : index
    %get3A_630 = memref.load %arg9[%get3A_629] : memref<20xf32, #tpu.memory_space<smem>>
    %add3A_631 = vector.broadcast %get3A_630 : f32 to vector<512x128xf32>
    %add3A_632 = arith.addf %mul3A_628, %add3A_631 : vector<512x128xf32>
    %get3A_633 = arith.constant 6 : index
    %get3A_634 = arith.constant 1 : index
    %get3A_635 = memref.load %arg8[%get3A_633, %get3A_634] : memref<20x10xf32, #tpu.memory_space<smem>>
    %mul3A_636 = vector.broadcast %get3A_635 : f32 to vector<512x128xf32>
    %mul3A_637 = arith.mulf %max3A_83, %mul3A_636 : vector<512x128xf32>
    %add3A_638 = arith.addf %add3A_632, %mul3A_637 : vector<512x128xf32>
    %get3A_639 = arith.constant 6 : index
    %get3A_640 = arith.constant 2 : index
    %get3A_641 = memref.load %arg8[%get3A_639, %get3A_640] : memref<20x10xf32, #tpu.memory_space<smem>>
    %mul3A_642 = vector.broadcast %get3A_641 : f32 to vector<512x128xf32>
    %mul3A_643 = arith.mulf %max3A_101, %mul3A_642 : vector<512x128xf32>
    %add3A_644 = arith.addf %add3A_638, %mul3A_643 : vector<512x128xf32>
    %get3A_645 = arith.constant 6 : index
    %get3A_646 = arith.constant 3 : index
    %get3A_647 = memref.load %arg8[%get3A_645, %get3A_646] : memref<20x10xf32, #tpu.memory_space<smem>>
    %mul3A_648 = vector.broadcast %get3A_647 : f32 to vector<512x128xf32>
    %mul3A_649 = arith.mulf %max3A_119, %mul3A_648 : vector<512x128xf32>
    %add3A_650 = arith.addf %add3A_644, %mul3A_649 : vector<512x128xf32>
    %get3A_651 = arith.constant 6 : index
    %get3A_652 = arith.constant 4 : index
    %get3A_653 = memref.load %arg8[%get3A_651, %get3A_652] : memref<20x10xf32, #tpu.memory_space<smem>>
    %mul3A_654 = vector.broadcast %get3A_653 : f32 to vector<512x128xf32>
    %mul3A_655 = arith.mulf %max3A_137, %mul3A_654 : vector<512x128xf32>
    %add3A_656 = arith.addf %add3A_650, %mul3A_655 : vector<512x128xf32>
    %get3A_657 = arith.constant 6 : index
    %get3A_658 = arith.constant 5 : index
    %get3A_659 = memref.load %arg8[%get3A_657, %get3A_658] : memref<20x10xf32, #tpu.memory_space<smem>>
    %mul3A_660 = vector.broadcast %get3A_659 : f32 to vector<512x128xf32>
    %mul3A_661 = arith.mulf %max3A_155, %mul3A_660 : vector<512x128xf32>
    %add3A_662 = arith.addf %add3A_656, %mul3A_661 : vector<512x128xf32>
    %get3A_663 = arith.constant 6 : index
    %get3A_664 = arith.constant 6 : index
    %get3A_665 = memref.load %arg8[%get3A_663, %get3A_664] : memref<20x10xf32, #tpu.memory_space<smem>>
    %mul3A_666 = vector.broadcast %get3A_665 : f32 to vector<512x128xf32>
    %mul3A_667 = arith.mulf %max3A_173, %mul3A_666 : vector<512x128xf32>
    %add3A_668 = arith.addf %add3A_662, %mul3A_667 : vector<512x128xf32>
    %get3A_669 = arith.constant 6 : index
    %get3A_670 = arith.constant 7 : index
    %get3A_671 = memref.load %arg8[%get3A_669, %get3A_670] : memref<20x10xf32, #tpu.memory_space<smem>>
    %mul3A_672 = vector.broadcast %get3A_671 : f32 to vector<512x128xf32>
    %mul3A_673 = arith.mulf %max3A_191, %mul3A_672 : vector<512x128xf32>
    %add3A_674 = arith.addf %add3A_668, %mul3A_673 : vector<512x128xf32>
    %get3A_675 = arith.constant 6 : index
    %get3A_676 = arith.constant 8 : index
    %get3A_677 = memref.load %arg8[%get3A_675, %get3A_676] : memref<20x10xf32, #tpu.memory_space<smem>>
    %mul3A_678 = vector.broadcast %get3A_677 : f32 to vector<512x128xf32>
    %mul3A_679 = arith.mulf %max3A_209, %mul3A_678 : vector<512x128xf32>
    %add3A_680 = arith.addf %add3A_674, %mul3A_679 : vector<512x128xf32>
    %get3A_681 = arith.constant 6 : index
    %get3A_682 = arith.constant 9 : index
    %get3A_683 = memref.load %arg8[%get3A_681, %get3A_682] : memref<20x10xf32, #tpu.memory_space<smem>>
    %mul3A_684 = vector.broadcast %get3A_683 : f32 to vector<512x128xf32>
    %mul3A_685 = arith.mulf %max3A_227, %mul3A_684 : vector<512x128xf32>
    %add3A_686 = arith.addf %add3A_680, %mul3A_685 : vector<512x128xf32>
    %max3A_687 = arith.constant 0.000000e+00 : f32
    %max3A_688 = vector.broadcast %max3A_687 : f32 to vector<512x128xf32>
    %max3A_689 = arith.maximumf %add3A_686, %max3A_688 : vector<512x128xf32>
    %get3A_690 = arith.constant 7 : index
    %get3A_691 = arith.constant 0 : index
    %get3A_692 = memref.load %arg8[%get3A_690, %get3A_691] : memref<20x10xf32, #tpu.memory_space<smem>>
    %mul3A_693 = vector.broadcast %get3A_692 : f32 to vector<512x128xf32>
    %mul3A_694 = arith.mulf %max3A_65, %mul3A_693 : vector<512x128xf32>
    %get3A_695 = arith.constant 7 : index
    %get3A_696 = memref.load %arg9[%get3A_695] : memref<20xf32, #tpu.memory_space<smem>>
    %add3A_697 = vector.broadcast %get3A_696 : f32 to vector<512x128xf32>
    %add3A_698 = arith.addf %mul3A_694, %add3A_697 : vector<512x128xf32>
    %get3A_699 = arith.constant 7 : index
    %get3A_700 = arith.constant 1 : index
    %get3A_701 = memref.load %arg8[%get3A_699, %get3A_700] : memref<20x10xf32, #tpu.memory_space<smem>>
    %mul3A_702 = vector.broadcast %get3A_701 : f32 to vector<512x128xf32>
    %mul3A_703 = arith.mulf %max3A_83, %mul3A_702 : vector<512x128xf32>
    %add3A_704 = arith.addf %add3A_698, %mul3A_703 : vector<512x128xf32>
    %get3A_705 = arith.constant 7 : index
    %get3A_706 = arith.constant 2 : index
    %get3A_707 = memref.load %arg8[%get3A_705, %get3A_706] : memref<20x10xf32, #tpu.memory_space<smem>>
    %mul3A_708 = vector.broadcast %get3A_707 : f32 to vector<512x128xf32>
    %mul3A_709 = arith.mulf %max3A_101, %mul3A_708 : vector<512x128xf32>
    %add3A_710 = arith.addf %add3A_704, %mul3A_709 : vector<512x128xf32>
    %get3A_711 = arith.constant 7 : index
    %get3A_712 = arith.constant 3 : index
    %get3A_713 = memref.load %arg8[%get3A_711, %get3A_712] : memref<20x10xf32, #tpu.memory_space<smem>>
    %mul3A_714 = vector.broadcast %get3A_713 : f32 to vector<512x128xf32>
    %mul3A_715 = arith.mulf %max3A_119, %mul3A_714 : vector<512x128xf32>
    %add3A_716 = arith.addf %add3A_710, %mul3A_715 : vector<512x128xf32>
    %get3A_717 = arith.constant 7 : index
    %get3A_718 = arith.constant 4 : index
    %get3A_719 = memref.load %arg8[%get3A_717, %get3A_718] : memref<20x10xf32, #tpu.memory_space<smem>>
    %mul3A_720 = vector.broadcast %get3A_719 : f32 to vector<512x128xf32>
    %mul3A_721 = arith.mulf %max3A_137, %mul3A_720 : vector<512x128xf32>
    %add3A_722 = arith.addf %add3A_716, %mul3A_721 : vector<512x128xf32>
    %get3A_723 = arith.constant 7 : index
    %get3A_724 = arith.constant 5 : index
    %get3A_725 = memref.load %arg8[%get3A_723, %get3A_724] : memref<20x10xf32, #tpu.memory_space<smem>>
    %mul3A_726 = vector.broadcast %get3A_725 : f32 to vector<512x128xf32>
    %mul3A_727 = arith.mulf %max3A_155, %mul3A_726 : vector<512x128xf32>
    %add3A_728 = arith.addf %add3A_722, %mul3A_727 : vector<512x128xf32>
    %get3A_729 = arith.constant 7 : index
    %get3A_730 = arith.constant 6 : index
    %get3A_731 = memref.load %arg8[%get3A_729, %get3A_730] : memref<20x10xf32, #tpu.memory_space<smem>>
    %mul3A_732 = vector.broadcast %get3A_731 : f32 to vector<512x128xf32>
    %mul3A_733 = arith.mulf %max3A_173, %mul3A_732 : vector<512x128xf32>
    %add3A_734 = arith.addf %add3A_728, %mul3A_733 : vector<512x128xf32>
    %get3A_735 = arith.constant 7 : index
    %get3A_736 = arith.constant 7 : index
    %get3A_737 = memref.load %arg8[%get3A_735, %get3A_736] : memref<20x10xf32, #tpu.memory_space<smem>>
    %mul3A_738 = vector.broadcast %get3A_737 : f32 to vector<512x128xf32>
    %mul3A_739 = arith.mulf %max3A_191, %mul3A_738 : vector<512x128xf32>
    %add3A_740 = arith.addf %add3A_734, %mul3A_739 : vector<512x128xf32>
    %get3A_741 = arith.constant 7 : index
    %get3A_742 = arith.constant 8 : index
    %get3A_743 = memref.load %arg8[%get3A_741, %get3A_742] : memref<20x10xf32, #tpu.memory_space<smem>>
    %mul3A_744 = vector.broadcast %get3A_743 : f32 to vector<512x128xf32>
    %mul3A_745 = arith.mulf %max3A_209, %mul3A_744 : vector<512x128xf32>
    %add3A_746 = arith.addf %add3A_740, %mul3A_745 : vector<512x128xf32>
    %get3A_747 = arith.constant 7 : index
    %get3A_748 = arith.constant 9 : index
    %get3A_749 = memref.load %arg8[%get3A_747, %get3A_748] : memref<20x10xf32, #tpu.memory_space<smem>>
    %mul3A_750 = vector.broadcast %get3A_749 : f32 to vector<512x128xf32>
    %mul3A_751 = arith.mulf %max3A_227, %mul3A_750 : vector<512x128xf32>
    %add3A_752 = arith.addf %add3A_746, %mul3A_751 : vector<512x128xf32>
    %max3A_753 = arith.constant 0.000000e+00 : f32
    %max3A_754 = vector.broadcast %max3A_753 : f32 to vector<512x128xf32>
    %max3A_755 = arith.maximumf %add3A_752, %max3A_754 : vector<512x128xf32>
    %get3A_756 = arith.constant 8 : index
    %get3A_757 = arith.constant 0 : index
    %get3A_758 = memref.load %arg8[%get3A_756, %get3A_757] : memref<20x10xf32, #tpu.memory_space<smem>>
    %mul3A_759 = vector.broadcast %get3A_758 : f32 to vector<512x128xf32>
    %mul3A_760 = arith.mulf %max3A_65, %mul3A_759 : vector<512x128xf32>
    %get3A_761 = arith.constant 8 : index
    %get3A_762 = memref.load %arg9[%get3A_761] : memref<20xf32, #tpu.memory_space<smem>>
    %add3A_763 = vector.broadcast %get3A_762 : f32 to vector<512x128xf32>
    %add3A_764 = arith.addf %mul3A_760, %add3A_763 : vector<512x128xf32>
    %get3A_765 = arith.constant 8 : index
    %get3A_766 = arith.constant 1 : index
    %get3A_767 = memref.load %arg8[%get3A_765, %get3A_766] : memref<20x10xf32, #tpu.memory_space<smem>>
    %mul3A_768 = vector.broadcast %get3A_767 : f32 to vector<512x128xf32>
    %mul3A_769 = arith.mulf %max3A_83, %mul3A_768 : vector<512x128xf32>
    %add3A_770 = arith.addf %add3A_764, %mul3A_769 : vector<512x128xf32>
    %get3A_771 = arith.constant 8 : index
    %get3A_772 = arith.constant 2 : index
    %get3A_773 = memref.load %arg8[%get3A_771, %get3A_772] : memref<20x10xf32, #tpu.memory_space<smem>>
    %mul3A_774 = vector.broadcast %get3A_773 : f32 to vector<512x128xf32>
    %mul3A_775 = arith.mulf %max3A_101, %mul3A_774 : vector<512x128xf32>
    %add3A_776 = arith.addf %add3A_770, %mul3A_775 : vector<512x128xf32>
    %get3A_777 = arith.constant 8 : index
    %get3A_778 = arith.constant 3 : index
    %get3A_779 = memref.load %arg8[%get3A_777, %get3A_778] : memref<20x10xf32, #tpu.memory_space<smem>>
    %mul3A_780 = vector.broadcast %get3A_779 : f32 to vector<512x128xf32>
    %mul3A_781 = arith.mulf %max3A_119, %mul3A_780 : vector<512x128xf32>
    %add3A_782 = arith.addf %add3A_776, %mul3A_781 : vector<512x128xf32>
    %get3A_783 = arith.constant 8 : index
    %get3A_784 = arith.constant 4 : index
    %get3A_785 = memref.load %arg8[%get3A_783, %get3A_784] : memref<20x10xf32, #tpu.memory_space<smem>>
    %mul3A_786 = vector.broadcast %get3A_785 : f32 to vector<512x128xf32>
    %mul3A_787 = arith.mulf %max3A_137, %mul3A_786 : vector<512x128xf32>
    %add3A_788 = arith.addf %add3A_782, %mul3A_787 : vector<512x128xf32>
    %get3A_789 = arith.constant 8 : index
    %get3A_790 = arith.constant 5 : index
    %get3A_791 = memref.load %arg8[%get3A_789, %get3A_790] : memref<20x10xf32, #tpu.memory_space<smem>>
    %mul3A_792 = vector.broadcast %get3A_791 : f32 to vector<512x128xf32>
    %mul3A_793 = arith.mulf %max3A_155, %mul3A_792 : vector<512x128xf32>
    %add3A_794 = arith.addf %add3A_788, %mul3A_793 : vector<512x128xf32>
    %get3A_795 = arith.constant 8 : index
    %get3A_796 = arith.constant 6 : index
    %get3A_797 = memref.load %arg8[%get3A_795, %get3A_796] : memref<20x10xf32, #tpu.memory_space<smem>>
    %mul3A_798 = vector.broadcast %get3A_797 : f32 to vector<512x128xf32>
    %mul3A_799 = arith.mulf %max3A_173, %mul3A_798 : vector<512x128xf32>
    %add3A_800 = arith.addf %add3A_794, %mul3A_799 : vector<512x128xf32>
    %get3A_801 = arith.constant 8 : index
    %get3A_802 = arith.constant 7 : index
    %get3A_803 = memref.load %arg8[%get3A_801, %get3A_802] : memref<20x10xf32, #tpu.memory_space<smem>>
    %mul3A_804 = vector.broadcast %get3A_803 : f32 to vector<512x128xf32>
    %mul3A_805 = arith.mulf %max3A_191, %mul3A_804 : vector<512x128xf32>
    %add3A_806 = arith.addf %add3A_800, %mul3A_805 : vector<512x128xf32>
    %get3A_807 = arith.constant 8 : index
    %get3A_808 = arith.constant 8 : index
    %get3A_809 = memref.load %arg8[%get3A_807, %get3A_808] : memref<20x10xf32, #tpu.memory_space<smem>>
    %mul3A_810 = vector.broadcast %get3A_809 : f32 to vector<512x128xf32>
    %mul3A_811 = arith.mulf %max3A_209, %mul3A_810 : vector<512x128xf32>
    %add3A_812 = arith.addf %add3A_806, %mul3A_811 : vector<512x128xf32>
    %get3A_813 = arith.constant 8 : index
    %get3A_814 = arith.constant 9 : index
    %get3A_815 = memref.load %arg8[%get3A_813, %get3A_814] : memref<20x10xf32, #tpu.memory_space<smem>>
    %mul3A_816 = vector.broadcast %get3A_815 : f32 to vector<512x128xf32>
    %mul3A_817 = arith.mulf %max3A_227, %mul3A_816 : vector<512x128xf32>
    %add3A_818 = arith.addf %add3A_812, %mul3A_817 : vector<512x128xf32>
    %max3A_819 = arith.constant 0.000000e+00 : f32
    %max3A_820 = vector.broadcast %max3A_819 : f32 to vector<512x128xf32>
    %max3A_821 = arith.maximumf %add3A_818, %max3A_820 : vector<512x128xf32>
    %get3A_822 = arith.constant 9 : index
    %get3A_823 = arith.constant 0 : index
    %get3A_824 = memref.load %arg8[%get3A_822, %get3A_823] : memref<20x10xf32, #tpu.memory_space<smem>>
    %mul3A_825 = vector.broadcast %get3A_824 : f32 to vector<512x128xf32>
    %mul3A_826 = arith.mulf %max3A_65, %mul3A_825 : vector<512x128xf32>
    %get3A_827 = arith.constant 9 : index
    %get3A_828 = memref.load %arg9[%get3A_827] : memref<20xf32, #tpu.memory_space<smem>>
    %add3A_829 = vector.broadcast %get3A_828 : f32 to vector<512x128xf32>
    %add3A_830 = arith.addf %mul3A_826, %add3A_829 : vector<512x128xf32>
    %get3A_831 = arith.constant 9 : index
    %get3A_832 = arith.constant 1 : index
    %get3A_833 = memref.load %arg8[%get3A_831, %get3A_832] : memref<20x10xf32, #tpu.memory_space<smem>>
    %mul3A_834 = vector.broadcast %get3A_833 : f32 to vector<512x128xf32>
    %mul3A_835 = arith.mulf %max3A_83, %mul3A_834 : vector<512x128xf32>
    %add3A_836 = arith.addf %add3A_830, %mul3A_835 : vector<512x128xf32>
    %get3A_837 = arith.constant 9 : index
    %get3A_838 = arith.constant 2 : index
    %get3A_839 = memref.load %arg8[%get3A_837, %get3A_838] : memref<20x10xf32, #tpu.memory_space<smem>>
    %mul3A_840 = vector.broadcast %get3A_839 : f32 to vector<512x128xf32>
    %mul3A_841 = arith.mulf %max3A_101, %mul3A_840 : vector<512x128xf32>
    %add3A_842 = arith.addf %add3A_836, %mul3A_841 : vector<512x128xf32>
    %get3A_843 = arith.constant 9 : index
    %get3A_844 = arith.constant 3 : index
    %get3A_845 = memref.load %arg8[%get3A_843, %get3A_844] : memref<20x10xf32, #tpu.memory_space<smem>>
    %mul3A_846 = vector.broadcast %get3A_845 : f32 to vector<512x128xf32>
    %mul3A_847 = arith.mulf %max3A_119, %mul3A_846 : vector<512x128xf32>
    %add3A_848 = arith.addf %add3A_842, %mul3A_847 : vector<512x128xf32>
    %get3A_849 = arith.constant 9 : index
    %get3A_850 = arith.constant 4 : index
    %get3A_851 = memref.load %arg8[%get3A_849, %get3A_850] : memref<20x10xf32, #tpu.memory_space<smem>>
    %mul3A_852 = vector.broadcast %get3A_851 : f32 to vector<512x128xf32>
    %mul3A_853 = arith.mulf %max3A_137, %mul3A_852 : vector<512x128xf32>
    %add3A_854 = arith.addf %add3A_848, %mul3A_853 : vector<512x128xf32>
    %get3A_855 = arith.constant 9 : index
    %get3A_856 = arith.constant 5 : index
    %get3A_857 = memref.load %arg8[%get3A_855, %get3A_856] : memref<20x10xf32, #tpu.memory_space<smem>>
    %mul3A_858 = vector.broadcast %get3A_857 : f32 to vector<512x128xf32>
    %mul3A_859 = arith.mulf %max3A_155, %mul3A_858 : vector<512x128xf32>
    %add3A_860 = arith.addf %add3A_854, %mul3A_859 : vector<512x128xf32>
    %get3A_861 = arith.constant 9 : index
    %get3A_862 = arith.constant 6 : index
    %get3A_863 = memref.load %arg8[%get3A_861, %get3A_862] : memref<20x10xf32, #tpu.memory_space<smem>>
    %mul3A_864 = vector.broadcast %get3A_863 : f32 to vector<512x128xf32>
    %mul3A_865 = arith.mulf %max3A_173, %mul3A_864 : vector<512x128xf32>
    %add3A_866 = arith.addf %add3A_860, %mul3A_865 : vector<512x128xf32>
    %get3A_867 = arith.constant 9 : index
    %get3A_868 = arith.constant 7 : index
    %get3A_869 = memref.load %arg8[%get3A_867, %get3A_868] : memref<20x10xf32, #tpu.memory_space<smem>>
    %mul3A_870 = vector.broadcast %get3A_869 : f32 to vector<512x128xf32>
    %mul3A_871 = arith.mulf %max3A_191, %mul3A_870 : vector<512x128xf32>
    %add3A_872 = arith.addf %add3A_866, %mul3A_871 : vector<512x128xf32>
    %get3A_873 = arith.constant 9 : index
    %get3A_874 = arith.constant 8 : index
    %get3A_875 = memref.load %arg8[%get3A_873, %get3A_874] : memref<20x10xf32, #tpu.memory_space<smem>>
    %mul3A_876 = vector.broadcast %get3A_875 : f32 to vector<512x128xf32>
    %mul3A_877 = arith.mulf %max3A_209, %mul3A_876 : vector<512x128xf32>
    %add3A_878 = arith.addf %add3A_872, %mul3A_877 : vector<512x128xf32>
    %get3A_879 = arith.constant 9 : index
    %get3A_880 = arith.constant 9 : index
    %get3A_881 = memref.load %arg8[%get3A_879, %get3A_880] : memref<20x10xf32, #tpu.memory_space<smem>>
    %mul3A_882 = vector.broadcast %get3A_881 : f32 to vector<512x128xf32>
    %mul3A_883 = arith.mulf %max3A_227, %mul3A_882 : vector<512x128xf32>
    %add3A_884 = arith.addf %add3A_878, %mul3A_883 : vector<512x128xf32>
    %max3A_885 = arith.constant 0.000000e+00 : f32
    %max3A_886 = vector.broadcast %max3A_885 : f32 to vector<512x128xf32>
    %max3A_887 = arith.maximumf %add3A_884, %max3A_886 : vector<512x128xf32>
    %get3A_888 = arith.constant 10 : index
    %get3A_889 = arith.constant 0 : index
    %get3A_890 = memref.load %arg8[%get3A_888, %get3A_889] : memref<20x10xf32, #tpu.memory_space<smem>>
    %mul3A_891 = vector.broadcast %get3A_890 : f32 to vector<512x128xf32>
    %mul3A_892 = arith.mulf %max3A_65, %mul3A_891 : vector<512x128xf32>
    %get3A_893 = arith.constant 10 : index
    %get3A_894 = memref.load %arg9[%get3A_893] : memref<20xf32, #tpu.memory_space<smem>>
    %add3A_895 = vector.broadcast %get3A_894 : f32 to vector<512x128xf32>
    %add3A_896 = arith.addf %mul3A_892, %add3A_895 : vector<512x128xf32>
    %get3A_897 = arith.constant 10 : index
    %get3A_898 = arith.constant 1 : index
    %get3A_899 = memref.load %arg8[%get3A_897, %get3A_898] : memref<20x10xf32, #tpu.memory_space<smem>>
    %mul3A_900 = vector.broadcast %get3A_899 : f32 to vector<512x128xf32>
    %mul3A_901 = arith.mulf %max3A_83, %mul3A_900 : vector<512x128xf32>
    %add3A_902 = arith.addf %add3A_896, %mul3A_901 : vector<512x128xf32>
    %get3A_903 = arith.constant 10 : index
    %get3A_904 = arith.constant 2 : index
    %get3A_905 = memref.load %arg8[%get3A_903, %get3A_904] : memref<20x10xf32, #tpu.memory_space<smem>>
    %mul3A_906 = vector.broadcast %get3A_905 : f32 to vector<512x128xf32>
    %mul3A_907 = arith.mulf %max3A_101, %mul3A_906 : vector<512x128xf32>
    %add3A_908 = arith.addf %add3A_902, %mul3A_907 : vector<512x128xf32>
    %get3A_909 = arith.constant 10 : index
    %get3A_910 = arith.constant 3 : index
    %get3A_911 = memref.load %arg8[%get3A_909, %get3A_910] : memref<20x10xf32, #tpu.memory_space<smem>>
    %mul3A_912 = vector.broadcast %get3A_911 : f32 to vector<512x128xf32>
    %mul3A_913 = arith.mulf %max3A_119, %mul3A_912 : vector<512x128xf32>
    %add3A_914 = arith.addf %add3A_908, %mul3A_913 : vector<512x128xf32>
    %get3A_915 = arith.constant 10 : index
    %get3A_916 = arith.constant 4 : index
    %get3A_917 = memref.load %arg8[%get3A_915, %get3A_916] : memref<20x10xf32, #tpu.memory_space<smem>>
    %mul3A_918 = vector.broadcast %get3A_917 : f32 to vector<512x128xf32>
    %mul3A_919 = arith.mulf %max3A_137, %mul3A_918 : vector<512x128xf32>
    %add3A_920 = arith.addf %add3A_914, %mul3A_919 : vector<512x128xf32>
    %get3A_921 = arith.constant 10 : index
    %get3A_922 = arith.constant 5 : index
    %get3A_923 = memref.load %arg8[%get3A_921, %get3A_922] : memref<20x10xf32, #tpu.memory_space<smem>>
    %mul3A_924 = vector.broadcast %get3A_923 : f32 to vector<512x128xf32>
    %mul3A_925 = arith.mulf %max3A_155, %mul3A_924 : vector<512x128xf32>
    %add3A_926 = arith.addf %add3A_920, %mul3A_925 : vector<512x128xf32>
    %get3A_927 = arith.constant 10 : index
    %get3A_928 = arith.constant 6 : index
    %get3A_929 = memref.load %arg8[%get3A_927, %get3A_928] : memref<20x10xf32, #tpu.memory_space<smem>>
    %mul3A_930 = vector.broadcast %get3A_929 : f32 to vector<512x128xf32>
    %mul3A_931 = arith.mulf %max3A_173, %mul3A_930 : vector<512x128xf32>
    %add3A_932 = arith.addf %add3A_926, %mul3A_931 : vector<512x128xf32>
    %get3A_933 = arith.constant 10 : index
    %get3A_934 = arith.constant 7 : index
    %get3A_935 = memref.load %arg8[%get3A_933, %get3A_934] : memref<20x10xf32, #tpu.memory_space<smem>>
    %mul3A_936 = vector.broadcast %get3A_935 : f32 to vector<512x128xf32>
    %mul3A_937 = arith.mulf %max3A_191, %mul3A_936 : vector<512x128xf32>
    %add3A_938 = arith.addf %add3A_932, %mul3A_937 : vector<512x128xf32>
    %get3A_939 = arith.constant 10 : index
    %get3A_940 = arith.constant 8 : index
    %get3A_941 = memref.load %arg8[%get3A_939, %get3A_940] : memref<20x10xf32, #tpu.memory_space<smem>>
    %mul3A_942 = vector.broadcast %get3A_941 : f32 to vector<512x128xf32>
    %mul3A_943 = arith.mulf %max3A_209, %mul3A_942 : vector<512x128xf32>
    %add3A_944 = arith.addf %add3A_938, %mul3A_943 : vector<512x128xf32>
    %get3A_945 = arith.constant 10 : index
    %get3A_946 = arith.constant 9 : index
    %get3A_947 = memref.load %arg8[%get3A_945, %get3A_946] : memref<20x10xf32, #tpu.memory_space<smem>>
    %mul3A_948 = vector.broadcast %get3A_947 : f32 to vector<512x128xf32>
    %mul3A_949 = arith.mulf %max3A_227, %mul3A_948 : vector<512x128xf32>
    %add3A_950 = arith.addf %add3A_944, %mul3A_949 : vector<512x128xf32>
    %max3A_951 = arith.constant 0.000000e+00 : f32
    %max3A_952 = vector.broadcast %max3A_951 : f32 to vector<512x128xf32>
    %max3A_953 = arith.maximumf %add3A_950, %max3A_952 : vector<512x128xf32>
    %get3A_954 = arith.constant 11 : index
    %get3A_955 = arith.constant 0 : index
    %get3A_956 = memref.load %arg8[%get3A_954, %get3A_955] : memref<20x10xf32, #tpu.memory_space<smem>>
    %mul3A_957 = vector.broadcast %get3A_956 : f32 to vector<512x128xf32>
    %mul3A_958 = arith.mulf %max3A_65, %mul3A_957 : vector<512x128xf32>
    %get3A_959 = arith.constant 11 : index
    %get3A_960 = memref.load %arg9[%get3A_959] : memref<20xf32, #tpu.memory_space<smem>>
    %add3A_961 = vector.broadcast %get3A_960 : f32 to vector<512x128xf32>
    %add3A_962 = arith.addf %mul3A_958, %add3A_961 : vector<512x128xf32>
    %get3A_963 = arith.constant 11 : index
    %get3A_964 = arith.constant 1 : index
    %get3A_965 = memref.load %arg8[%get3A_963, %get3A_964] : memref<20x10xf32, #tpu.memory_space<smem>>
    %mul3A_966 = vector.broadcast %get3A_965 : f32 to vector<512x128xf32>
    %mul3A_967 = arith.mulf %max3A_83, %mul3A_966 : vector<512x128xf32>
    %add3A_968 = arith.addf %add3A_962, %mul3A_967 : vector<512x128xf32>
    %get3A_969 = arith.constant 11 : index
    %get3A_970 = arith.constant 2 : index
    %get3A_971 = memref.load %arg8[%get3A_969, %get3A_970] : memref<20x10xf32, #tpu.memory_space<smem>>
    %mul3A_972 = vector.broadcast %get3A_971 : f32 to vector<512x128xf32>
    %mul3A_973 = arith.mulf %max3A_101, %mul3A_972 : vector<512x128xf32>
    %add3A_974 = arith.addf %add3A_968, %mul3A_973 : vector<512x128xf32>
    %get3A_975 = arith.constant 11 : index
    %get3A_976 = arith.constant 3 : index
    %get3A_977 = memref.load %arg8[%get3A_975, %get3A_976] : memref<20x10xf32, #tpu.memory_space<smem>>
    %mul3A_978 = vector.broadcast %get3A_977 : f32 to vector<512x128xf32>
    %mul3A_979 = arith.mulf %max3A_119, %mul3A_978 : vector<512x128xf32>
    %add3A_980 = arith.addf %add3A_974, %mul3A_979 : vector<512x128xf32>
    %get3A_981 = arith.constant 11 : index
    %get3A_982 = arith.constant 4 : index
    %get3A_983 = memref.load %arg8[%get3A_981, %get3A_982] : memref<20x10xf32, #tpu.memory_space<smem>>
    %mul3A_984 = vector.broadcast %get3A_983 : f32 to vector<512x128xf32>
    %mul3A_985 = arith.mulf %max3A_137, %mul3A_984 : vector<512x128xf32>
    %add3A_986 = arith.addf %add3A_980, %mul3A_985 : vector<512x128xf32>
    %get3A_987 = arith.constant 11 : index
    %get3A_988 = arith.constant 5 : index
    %get3A_989 = memref.load %arg8[%get3A_987, %get3A_988] : memref<20x10xf32, #tpu.memory_space<smem>>
    %mul3A_990 = vector.broadcast %get3A_989 : f32 to vector<512x128xf32>
    %mul3A_991 = arith.mulf %max3A_155, %mul3A_990 : vector<512x128xf32>
    %add3A_992 = arith.addf %add3A_986, %mul3A_991 : vector<512x128xf32>
    %get3A_993 = arith.constant 11 : index
    %get3A_994 = arith.constant 6 : index
    %get3A_995 = memref.load %arg8[%get3A_993, %get3A_994] : memref<20x10xf32, #tpu.memory_space<smem>>
    %mul3A_996 = vector.broadcast %get3A_995 : f32 to vector<512x128xf32>
    %mul3A_997 = arith.mulf %max3A_173, %mul3A_996 : vector<512x128xf32>
    %add3A_998 = arith.addf %add3A_992, %mul3A_997 : vector<512x128xf32>
    %get3A_999 = arith.constant 11 : index
    %get3A_1000 = arith.constant 7 : index
    %get3A_1001 = memref.load %arg8[%get3A_999, %get3A_1000] : memref<20x10xf32, #tpu.memory_space<smem>>
    %mul3A_1002 = vector.broadcast %get3A_1001 : f32 to vector<512x128xf32>
    %mul3A_1003 = arith.mulf %max3A_191, %mul3A_1002 : vector<512x128xf32>
    %add3A_1004 = arith.addf %add3A_998, %mul3A_1003 : vector<512x128xf32>
    %get3A_1005 = arith.constant 11 : index
    %get3A_1006 = arith.constant 8 : index
    %get3A_1007 = memref.load %arg8[%get3A_1005, %get3A_1006] : memref<20x10xf32, #tpu.memory_space<smem>>
    %mul3A_1008 = vector.broadcast %get3A_1007 : f32 to vector<512x128xf32>
    %mul3A_1009 = arith.mulf %max3A_209, %mul3A_1008 : vector<512x128xf32>
    %add3A_1010 = arith.addf %add3A_1004, %mul3A_1009 : vector<512x128xf32>
    %get3A_1011 = arith.constant 11 : index
    %get3A_1012 = arith.constant 9 : index
    %get3A_1013 = memref.load %arg8[%get3A_1011, %get3A_1012] : memref<20x10xf32, #tpu.memory_space<smem>>
    %mul3A_1014 = vector.broadcast %get3A_1013 : f32 to vector<512x128xf32>
    %mul3A_1015 = arith.mulf %max3A_227, %mul3A_1014 : vector<512x128xf32>
    %add3A_1016 = arith.addf %add3A_1010, %mul3A_1015 : vector<512x128xf32>
    %max3A_1017 = arith.constant 0.000000e+00 : f32
    %max3A_1018 = vector.broadcast %max3A_1017 : f32 to vector<512x128xf32>
    %max3A_1019 = arith.maximumf %add3A_1016, %max3A_1018 : vector<512x128xf32>
    %get3A_1020 = arith.constant 12 : index
    %get3A_1021 = arith.constant 0 : index
    %get3A_1022 = memref.load %arg8[%get3A_1020, %get3A_1021] : memref<20x10xf32, #tpu.memory_space<smem>>
    %mul3A_1023 = vector.broadcast %get3A_1022 : f32 to vector<512x128xf32>
    %mul3A_1024 = arith.mulf %max3A_65, %mul3A_1023 : vector<512x128xf32>
    %get3A_1025 = arith.constant 12 : index
    %get3A_1026 = memref.load %arg9[%get3A_1025] : memref<20xf32, #tpu.memory_space<smem>>
    %add3A_1027 = vector.broadcast %get3A_1026 : f32 to vector<512x128xf32>
    %add3A_1028 = arith.addf %mul3A_1024, %add3A_1027 : vector<512x128xf32>
    %get3A_1029 = arith.constant 12 : index
    %get3A_1030 = arith.constant 1 : index
    %get3A_1031 = memref.load %arg8[%get3A_1029, %get3A_1030] : memref<20x10xf32, #tpu.memory_space<smem>>
    %mul3A_1032 = vector.broadcast %get3A_1031 : f32 to vector<512x128xf32>
    %mul3A_1033 = arith.mulf %max3A_83, %mul3A_1032 : vector<512x128xf32>
    %add3A_1034 = arith.addf %add3A_1028, %mul3A_1033 : vector<512x128xf32>
    %get3A_1035 = arith.constant 12 : index
    %get3A_1036 = arith.constant 2 : index
    %get3A_1037 = memref.load %arg8[%get3A_1035, %get3A_1036] : memref<20x10xf32, #tpu.memory_space<smem>>
    %mul3A_1038 = vector.broadcast %get3A_1037 : f32 to vector<512x128xf32>
    %mul3A_1039 = arith.mulf %max3A_101, %mul3A_1038 : vector<512x128xf32>
    %add3A_1040 = arith.addf %add3A_1034, %mul3A_1039 : vector<512x128xf32>
    %get3A_1041 = arith.constant 12 : index
    %get3A_1042 = arith.constant 3 : index
    %get3A_1043 = memref.load %arg8[%get3A_1041, %get3A_1042] : memref<20x10xf32, #tpu.memory_space<smem>>
    %mul3A_1044 = vector.broadcast %get3A_1043 : f32 to vector<512x128xf32>
    %mul3A_1045 = arith.mulf %max3A_119, %mul3A_1044 : vector<512x128xf32>
    %add3A_1046 = arith.addf %add3A_1040, %mul3A_1045 : vector<512x128xf32>
    %get3A_1047 = arith.constant 12 : index
    %get3A_1048 = arith.constant 4 : index
    %get3A_1049 = memref.load %arg8[%get3A_1047, %get3A_1048] : memref<20x10xf32, #tpu.memory_space<smem>>
    %mul3A_1050 = vector.broadcast %get3A_1049 : f32 to vector<512x128xf32>
    %mul3A_1051 = arith.mulf %max3A_137, %mul3A_1050 : vector<512x128xf32>
    %add3A_1052 = arith.addf %add3A_1046, %mul3A_1051 : vector<512x128xf32>
    %get3A_1053 = arith.constant 12 : index
    %get3A_1054 = arith.constant 5 : index
    %get3A_1055 = memref.load %arg8[%get3A_1053, %get3A_1054] : memref<20x10xf32, #tpu.memory_space<smem>>
    %mul3A_1056 = vector.broadcast %get3A_1055 : f32 to vector<512x128xf32>
    %mul3A_1057 = arith.mulf %max3A_155, %mul3A_1056 : vector<512x128xf32>
    %add3A_1058 = arith.addf %add3A_1052, %mul3A_1057 : vector<512x128xf32>
    %get3A_1059 = arith.constant 12 : index
    %get3A_1060 = arith.constant 6 : index
    %get3A_1061 = memref.load %arg8[%get3A_1059, %get3A_1060] : memref<20x10xf32, #tpu.memory_space<smem>>
    %mul3A_1062 = vector.broadcast %get3A_1061 : f32 to vector<512x128xf32>
    %mul3A_1063 = arith.mulf %max3A_173, %mul3A_1062 : vector<512x128xf32>
    %add3A_1064 = arith.addf %add3A_1058, %mul3A_1063 : vector<512x128xf32>
    %get3A_1065 = arith.constant 12 : index
    %get3A_1066 = arith.constant 7 : index
    %get3A_1067 = memref.load %arg8[%get3A_1065, %get3A_1066] : memref<20x10xf32, #tpu.memory_space<smem>>
    %mul3A_1068 = vector.broadcast %get3A_1067 : f32 to vector<512x128xf32>
    %mul3A_1069 = arith.mulf %max3A_191, %mul3A_1068 : vector<512x128xf32>
    %add3A_1070 = arith.addf %add3A_1064, %mul3A_1069 : vector<512x128xf32>
    %get3A_1071 = arith.constant 12 : index
    %get3A_1072 = arith.constant 8 : index
    %get3A_1073 = memref.load %arg8[%get3A_1071, %get3A_1072] : memref<20x10xf32, #tpu.memory_space<smem>>
    %mul3A_1074 = vector.broadcast %get3A_1073 : f32 to vector<512x128xf32>
    %mul3A_1075 = arith.mulf %max3A_209, %mul3A_1074 : vector<512x128xf32>
    %add3A_1076 = arith.addf %add3A_1070, %mul3A_1075 : vector<512x128xf32>
    %get3A_1077 = arith.constant 12 : index
    %get3A_1078 = arith.constant 9 : index
    %get3A_1079 = memref.load %arg8[%get3A_1077, %get3A_1078] : memref<20x10xf32, #tpu.memory_space<smem>>
    %mul3A_1080 = vector.broadcast %get3A_1079 : f32 to vector<512x128xf32>
    %mul3A_1081 = arith.mulf %max3A_227, %mul3A_1080 : vector<512x128xf32>
    %add3A_1082 = arith.addf %add3A_1076, %mul3A_1081 : vector<512x128xf32>
    %max3A_1083 = arith.constant 0.000000e+00 : f32
    %max3A_1084 = vector.broadcast %max3A_1083 : f32 to vector<512x128xf32>
    %max3A_1085 = arith.maximumf %add3A_1082, %max3A_1084 : vector<512x128xf32>
    %get3A_1086 = arith.constant 13 : index
    %get3A_1087 = arith.constant 0 : index
    %get3A_1088 = memref.load %arg8[%get3A_1086, %get3A_1087] : memref<20x10xf32, #tpu.memory_space<smem>>
    %mul3A_1089 = vector.broadcast %get3A_1088 : f32 to vector<512x128xf32>
    %mul3A_1090 = arith.mulf %max3A_65, %mul3A_1089 : vector<512x128xf32>
    %get3A_1091 = arith.constant 13 : index
    %get3A_1092 = memref.load %arg9[%get3A_1091] : memref<20xf32, #tpu.memory_space<smem>>
    %add3A_1093 = vector.broadcast %get3A_1092 : f32 to vector<512x128xf32>
    %add3A_1094 = arith.addf %mul3A_1090, %add3A_1093 : vector<512x128xf32>
    %get3A_1095 = arith.constant 13 : index
    %get3A_1096 = arith.constant 1 : index
    %get3A_1097 = memref.load %arg8[%get3A_1095, %get3A_1096] : memref<20x10xf32, #tpu.memory_space<smem>>
    %mul3A_1098 = vector.broadcast %get3A_1097 : f32 to vector<512x128xf32>
    %mul3A_1099 = arith.mulf %max3A_83, %mul3A_1098 : vector<512x128xf32>
    %add3A_1100 = arith.addf %add3A_1094, %mul3A_1099 : vector<512x128xf32>
    %get3A_1101 = arith.constant 13 : index
    %get3A_1102 = arith.constant 2 : index
    %get3A_1103 = memref.load %arg8[%get3A_1101, %get3A_1102] : memref<20x10xf32, #tpu.memory_space<smem>>
    %mul3A_1104 = vector.broadcast %get3A_1103 : f32 to vector<512x128xf32>
    %mul3A_1105 = arith.mulf %max3A_101, %mul3A_1104 : vector<512x128xf32>
    %add3A_1106 = arith.addf %add3A_1100, %mul3A_1105 : vector<512x128xf32>
    %get3A_1107 = arith.constant 13 : index
    %get3A_1108 = arith.constant 3 : index
    %get3A_1109 = memref.load %arg8[%get3A_1107, %get3A_1108] : memref<20x10xf32, #tpu.memory_space<smem>>
    %mul3A_1110 = vector.broadcast %get3A_1109 : f32 to vector<512x128xf32>
    %mul3A_1111 = arith.mulf %max3A_119, %mul3A_1110 : vector<512x128xf32>
    %add3A_1112 = arith.addf %add3A_1106, %mul3A_1111 : vector<512x128xf32>
    %get3A_1113 = arith.constant 13 : index
    %get3A_1114 = arith.constant 4 : index
    %get3A_1115 = memref.load %arg8[%get3A_1113, %get3A_1114] : memref<20x10xf32, #tpu.memory_space<smem>>
    %mul3A_1116 = vector.broadcast %get3A_1115 : f32 to vector<512x128xf32>
    %mul3A_1117 = arith.mulf %max3A_137, %mul3A_1116 : vector<512x128xf32>
    %add3A_1118 = arith.addf %add3A_1112, %mul3A_1117 : vector<512x128xf32>
    %get3A_1119 = arith.constant 13 : index
    %get3A_1120 = arith.constant 5 : index
    %get3A_1121 = memref.load %arg8[%get3A_1119, %get3A_1120] : memref<20x10xf32, #tpu.memory_space<smem>>
    %mul3A_1122 = vector.broadcast %get3A_1121 : f32 to vector<512x128xf32>
    %mul3A_1123 = arith.mulf %max3A_155, %mul3A_1122 : vector<512x128xf32>
    %add3A_1124 = arith.addf %add3A_1118, %mul3A_1123 : vector<512x128xf32>
    %get3A_1125 = arith.constant 13 : index
    %get3A_1126 = arith.constant 6 : index
    %get3A_1127 = memref.load %arg8[%get3A_1125, %get3A_1126] : memref<20x10xf32, #tpu.memory_space<smem>>
    %mul3A_1128 = vector.broadcast %get3A_1127 : f32 to vector<512x128xf32>
    %mul3A_1129 = arith.mulf %max3A_173, %mul3A_1128 : vector<512x128xf32>
    %add3A_1130 = arith.addf %add3A_1124, %mul3A_1129 : vector<512x128xf32>
    %get3A_1131 = arith.constant 13 : index
    %get3A_1132 = arith.constant 7 : index
    %get3A_1133 = memref.load %arg8[%get3A_1131, %get3A_1132] : memref<20x10xf32, #tpu.memory_space<smem>>
    %mul3A_1134 = vector.broadcast %get3A_1133 : f32 to vector<512x128xf32>
    %mul3A_1135 = arith.mulf %max3A_191, %mul3A_1134 : vector<512x128xf32>
    %add3A_1136 = arith.addf %add3A_1130, %mul3A_1135 : vector<512x128xf32>
    %get3A_1137 = arith.constant 13 : index
    %get3A_1138 = arith.constant 8 : index
    %get3A_1139 = memref.load %arg8[%get3A_1137, %get3A_1138] : memref<20x10xf32, #tpu.memory_space<smem>>
    %mul3A_1140 = vector.broadcast %get3A_1139 : f32 to vector<512x128xf32>
    %mul3A_1141 = arith.mulf %max3A_209, %mul3A_1140 : vector<512x128xf32>
    %add3A_1142 = arith.addf %add3A_1136, %mul3A_1141 : vector<512x128xf32>
    %get3A_1143 = arith.constant 13 : index
    %get3A_1144 = arith.constant 9 : index
    %get3A_1145 = memref.load %arg8[%get3A_1143, %get3A_1144] : memref<20x10xf32, #tpu.memory_space<smem>>
    %mul3A_1146 = vector.broadcast %get3A_1145 : f32 to vector<512x128xf32>
    %mul3A_1147 = arith.mulf %max3A_227, %mul3A_1146 : vector<512x128xf32>
    %add3A_1148 = arith.addf %add3A_1142, %mul3A_1147 : vector<512x128xf32>
    %max3A_1149 = arith.constant 0.000000e+00 : f32
    %max3A_1150 = vector.broadcast %max3A_1149 : f32 to vector<512x128xf32>
    %max3A_1151 = arith.maximumf %add3A_1148, %max3A_1150 : vector<512x128xf32>
    %get3A_1152 = arith.constant 14 : index
    %get3A_1153 = arith.constant 0 : index
    %get3A_1154 = memref.load %arg8[%get3A_1152, %get3A_1153] : memref<20x10xf32, #tpu.memory_space<smem>>
    %mul3A_1155 = vector.broadcast %get3A_1154 : f32 to vector<512x128xf32>
    %mul3A_1156 = arith.mulf %max3A_65, %mul3A_1155 : vector<512x128xf32>
    %get3A_1157 = arith.constant 14 : index
    %get3A_1158 = memref.load %arg9[%get3A_1157] : memref<20xf32, #tpu.memory_space<smem>>
    %add3A_1159 = vector.broadcast %get3A_1158 : f32 to vector<512x128xf32>
    %add3A_1160 = arith.addf %mul3A_1156, %add3A_1159 : vector<512x128xf32>
    %get3A_1161 = arith.constant 14 : index
    %get3A_1162 = arith.constant 1 : index
    %get3A_1163 = memref.load %arg8[%get3A_1161, %get3A_1162] : memref<20x10xf32, #tpu.memory_space<smem>>
    %mul3A_1164 = vector.broadcast %get3A_1163 : f32 to vector<512x128xf32>
    %mul3A_1165 = arith.mulf %max3A_83, %mul3A_1164 : vector<512x128xf32>
    %add3A_1166 = arith.addf %add3A_1160, %mul3A_1165 : vector<512x128xf32>
    %get3A_1167 = arith.constant 14 : index
    %get3A_1168 = arith.constant 2 : index
    %get3A_1169 = memref.load %arg8[%get3A_1167, %get3A_1168] : memref<20x10xf32, #tpu.memory_space<smem>>
    %mul3A_1170 = vector.broadcast %get3A_1169 : f32 to vector<512x128xf32>
    %mul3A_1171 = arith.mulf %max3A_101, %mul3A_1170 : vector<512x128xf32>
    %add3A_1172 = arith.addf %add3A_1166, %mul3A_1171 : vector<512x128xf32>
    %get3A_1173 = arith.constant 14 : index
    %get3A_1174 = arith.constant 3 : index
    %get3A_1175 = memref.load %arg8[%get3A_1173, %get3A_1174] : memref<20x10xf32, #tpu.memory_space<smem>>
    %mul3A_1176 = vector.broadcast %get3A_1175 : f32 to vector<512x128xf32>
    %mul3A_1177 = arith.mulf %max3A_119, %mul3A_1176 : vector<512x128xf32>
    %add3A_1178 = arith.addf %add3A_1172, %mul3A_1177 : vector<512x128xf32>
    %get3A_1179 = arith.constant 14 : index
    %get3A_1180 = arith.constant 4 : index
    %get3A_1181 = memref.load %arg8[%get3A_1179, %get3A_1180] : memref<20x10xf32, #tpu.memory_space<smem>>
    %mul3A_1182 = vector.broadcast %get3A_1181 : f32 to vector<512x128xf32>
    %mul3A_1183 = arith.mulf %max3A_137, %mul3A_1182 : vector<512x128xf32>
    %add3A_1184 = arith.addf %add3A_1178, %mul3A_1183 : vector<512x128xf32>
    %get3A_1185 = arith.constant 14 : index
    %get3A_1186 = arith.constant 5 : index
    %get3A_1187 = memref.load %arg8[%get3A_1185, %get3A_1186] : memref<20x10xf32, #tpu.memory_space<smem>>
    %mul3A_1188 = vector.broadcast %get3A_1187 : f32 to vector<512x128xf32>
    %mul3A_1189 = arith.mulf %max3A_155, %mul3A_1188 : vector<512x128xf32>
    %add3A_1190 = arith.addf %add3A_1184, %mul3A_1189 : vector<512x128xf32>
    %get3A_1191 = arith.constant 14 : index
    %get3A_1192 = arith.constant 6 : index
    %get3A_1193 = memref.load %arg8[%get3A_1191, %get3A_1192] : memref<20x10xf32, #tpu.memory_space<smem>>
    %mul3A_1194 = vector.broadcast %get3A_1193 : f32 to vector<512x128xf32>
    %mul3A_1195 = arith.mulf %max3A_173, %mul3A_1194 : vector<512x128xf32>
    %add3A_1196 = arith.addf %add3A_1190, %mul3A_1195 : vector<512x128xf32>
    %get3A_1197 = arith.constant 14 : index
    %get3A_1198 = arith.constant 7 : index
    %get3A_1199 = memref.load %arg8[%get3A_1197, %get3A_1198] : memref<20x10xf32, #tpu.memory_space<smem>>
    %mul3A_1200 = vector.broadcast %get3A_1199 : f32 to vector<512x128xf32>
    %mul3A_1201 = arith.mulf %max3A_191, %mul3A_1200 : vector<512x128xf32>
    %add3A_1202 = arith.addf %add3A_1196, %mul3A_1201 : vector<512x128xf32>
    %get3A_1203 = arith.constant 14 : index
    %get3A_1204 = arith.constant 8 : index
    %get3A_1205 = memref.load %arg8[%get3A_1203, %get3A_1204] : memref<20x10xf32, #tpu.memory_space<smem>>
    %mul3A_1206 = vector.broadcast %get3A_1205 : f32 to vector<512x128xf32>
    %mul3A_1207 = arith.mulf %max3A_209, %mul3A_1206 : vector<512x128xf32>
    %add3A_1208 = arith.addf %add3A_1202, %mul3A_1207 : vector<512x128xf32>
    %get3A_1209 = arith.constant 14 : index
    %get3A_1210 = arith.constant 9 : index
    %get3A_1211 = memref.load %arg8[%get3A_1209, %get3A_1210] : memref<20x10xf32, #tpu.memory_space<smem>>
    %mul3A_1212 = vector.broadcast %get3A_1211 : f32 to vector<512x128xf32>
    %mul3A_1213 = arith.mulf %max3A_227, %mul3A_1212 : vector<512x128xf32>
    %add3A_1214 = arith.addf %add3A_1208, %mul3A_1213 : vector<512x128xf32>
    %max3A_1215 = arith.constant 0.000000e+00 : f32
    %max3A_1216 = vector.broadcast %max3A_1215 : f32 to vector<512x128xf32>
    %max3A_1217 = arith.maximumf %add3A_1214, %max3A_1216 : vector<512x128xf32>
    %get3A_1218 = arith.constant 15 : index
    %get3A_1219 = arith.constant 0 : index
    %get3A_1220 = memref.load %arg8[%get3A_1218, %get3A_1219] : memref<20x10xf32, #tpu.memory_space<smem>>
    %mul3A_1221 = vector.broadcast %get3A_1220 : f32 to vector<512x128xf32>
    %mul3A_1222 = arith.mulf %max3A_65, %mul3A_1221 : vector<512x128xf32>
    %get3A_1223 = arith.constant 15 : index
    %get3A_1224 = memref.load %arg9[%get3A_1223] : memref<20xf32, #tpu.memory_space<smem>>
    %add3A_1225 = vector.broadcast %get3A_1224 : f32 to vector<512x128xf32>
    %add3A_1226 = arith.addf %mul3A_1222, %add3A_1225 : vector<512x128xf32>
    %get3A_1227 = arith.constant 15 : index
    %get3A_1228 = arith.constant 1 : index
    %get3A_1229 = memref.load %arg8[%get3A_1227, %get3A_1228] : memref<20x10xf32, #tpu.memory_space<smem>>
    %mul3A_1230 = vector.broadcast %get3A_1229 : f32 to vector<512x128xf32>
    %mul3A_1231 = arith.mulf %max3A_83, %mul3A_1230 : vector<512x128xf32>
    %add3A_1232 = arith.addf %add3A_1226, %mul3A_1231 : vector<512x128xf32>
    %get3A_1233 = arith.constant 15 : index
    %get3A_1234 = arith.constant 2 : index
    %get3A_1235 = memref.load %arg8[%get3A_1233, %get3A_1234] : memref<20x10xf32, #tpu.memory_space<smem>>
    %mul3A_1236 = vector.broadcast %get3A_1235 : f32 to vector<512x128xf32>
    %mul3A_1237 = arith.mulf %max3A_101, %mul3A_1236 : vector<512x128xf32>
    %add3A_1238 = arith.addf %add3A_1232, %mul3A_1237 : vector<512x128xf32>
    %get3A_1239 = arith.constant 15 : index
    %get3A_1240 = arith.constant 3 : index
    %get3A_1241 = memref.load %arg8[%get3A_1239, %get3A_1240] : memref<20x10xf32, #tpu.memory_space<smem>>
    %mul3A_1242 = vector.broadcast %get3A_1241 : f32 to vector<512x128xf32>
    %mul3A_1243 = arith.mulf %max3A_119, %mul3A_1242 : vector<512x128xf32>
    %add3A_1244 = arith.addf %add3A_1238, %mul3A_1243 : vector<512x128xf32>
    %get3A_1245 = arith.constant 15 : index
    %get3A_1246 = arith.constant 4 : index
    %get3A_1247 = memref.load %arg8[%get3A_1245, %get3A_1246] : memref<20x10xf32, #tpu.memory_space<smem>>
    %mul3A_1248 = vector.broadcast %get3A_1247 : f32 to vector<512x128xf32>
    %mul3A_1249 = arith.mulf %max3A_137, %mul3A_1248 : vector<512x128xf32>
    %add3A_1250 = arith.addf %add3A_1244, %mul3A_1249 : vector<512x128xf32>
    %get3A_1251 = arith.constant 15 : index
    %get3A_1252 = arith.constant 5 : index
    %get3A_1253 = memref.load %arg8[%get3A_1251, %get3A_1252] : memref<20x10xf32, #tpu.memory_space<smem>>
    %mul3A_1254 = vector.broadcast %get3A_1253 : f32 to vector<512x128xf32>
    %mul3A_1255 = arith.mulf %max3A_155, %mul3A_1254 : vector<512x128xf32>
    %add3A_1256 = arith.addf %add3A_1250, %mul3A_1255 : vector<512x128xf32>
    %get3A_1257 = arith.constant 15 : index
    %get3A_1258 = arith.constant 6 : index
    %get3A_1259 = memref.load %arg8[%get3A_1257, %get3A_1258] : memref<20x10xf32, #tpu.memory_space<smem>>
    %mul3A_1260 = vector.broadcast %get3A_1259 : f32 to vector<512x128xf32>
    %mul3A_1261 = arith.mulf %max3A_173, %mul3A_1260 : vector<512x128xf32>
    %add3A_1262 = arith.addf %add3A_1256, %mul3A_1261 : vector<512x128xf32>
    %get3A_1263 = arith.constant 15 : index
    %get3A_1264 = arith.constant 7 : index
    %get3A_1265 = memref.load %arg8[%get3A_1263, %get3A_1264] : memref<20x10xf32, #tpu.memory_space<smem>>
    %mul3A_1266 = vector.broadcast %get3A_1265 : f32 to vector<512x128xf32>
    %mul3A_1267 = arith.mulf %max3A_191, %mul3A_1266 : vector<512x128xf32>
    %add3A_1268 = arith.addf %add3A_1262, %mul3A_1267 : vector<512x128xf32>
    %get3A_1269 = arith.constant 15 : index
    %get3A_1270 = arith.constant 8 : index
    %get3A_1271 = memref.load %arg8[%get3A_1269, %get3A_1270] : memref<20x10xf32, #tpu.memory_space<smem>>
    %mul3A_1272 = vector.broadcast %get3A_1271 : f32 to vector<512x128xf32>
    %mul3A_1273 = arith.mulf %max3A_209, %mul3A_1272 : vector<512x128xf32>
    %add3A_1274 = arith.addf %add3A_1268, %mul3A_1273 : vector<512x128xf32>
    %get3A_1275 = arith.constant 15 : index
    %get3A_1276 = arith.constant 9 : index
    %get3A_1277 = memref.load %arg8[%get3A_1275, %get3A_1276] : memref<20x10xf32, #tpu.memory_space<smem>>
    %mul3A_1278 = vector.broadcast %get3A_1277 : f32 to vector<512x128xf32>
    %mul3A_1279 = arith.mulf %max3A_227, %mul3A_1278 : vector<512x128xf32>
    %add3A_1280 = arith.addf %add3A_1274, %mul3A_1279 : vector<512x128xf32>
    %max3A_1281 = arith.constant 0.000000e+00 : f32
    %max3A_1282 = vector.broadcast %max3A_1281 : f32 to vector<512x128xf32>
    %max3A_1283 = arith.maximumf %add3A_1280, %max3A_1282 : vector<512x128xf32>
    %get3A_1284 = arith.constant 16 : index
    %get3A_1285 = arith.constant 0 : index
    %get3A_1286 = memref.load %arg8[%get3A_1284, %get3A_1285] : memref<20x10xf32, #tpu.memory_space<smem>>
    %mul3A_1287 = vector.broadcast %get3A_1286 : f32 to vector<512x128xf32>
    %mul3A_1288 = arith.mulf %max3A_65, %mul3A_1287 : vector<512x128xf32>
    %get3A_1289 = arith.constant 16 : index
    %get3A_1290 = memref.load %arg9[%get3A_1289] : memref<20xf32, #tpu.memory_space<smem>>
    %add3A_1291 = vector.broadcast %get3A_1290 : f32 to vector<512x128xf32>
    %add3A_1292 = arith.addf %mul3A_1288, %add3A_1291 : vector<512x128xf32>
    %get3A_1293 = arith.constant 16 : index
    %get3A_1294 = arith.constant 1 : index
    %get3A_1295 = memref.load %arg8[%get3A_1293, %get3A_1294] : memref<20x10xf32, #tpu.memory_space<smem>>
    %mul3A_1296 = vector.broadcast %get3A_1295 : f32 to vector<512x128xf32>
    %mul3A_1297 = arith.mulf %max3A_83, %mul3A_1296 : vector<512x128xf32>
    %add3A_1298 = arith.addf %add3A_1292, %mul3A_1297 : vector<512x128xf32>
    %get3A_1299 = arith.constant 16 : index
    %get3A_1300 = arith.constant 2 : index
    %get3A_1301 = memref.load %arg8[%get3A_1299, %get3A_1300] : memref<20x10xf32, #tpu.memory_space<smem>>
    %mul3A_1302 = vector.broadcast %get3A_1301 : f32 to vector<512x128xf32>
    %mul3A_1303 = arith.mulf %max3A_101, %mul3A_1302 : vector<512x128xf32>
    %add3A_1304 = arith.addf %add3A_1298, %mul3A_1303 : vector<512x128xf32>
    %get3A_1305 = arith.constant 16 : index
    %get3A_1306 = arith.constant 3 : index
    %get3A_1307 = memref.load %arg8[%get3A_1305, %get3A_1306] : memref<20x10xf32, #tpu.memory_space<smem>>
    %mul3A_1308 = vector.broadcast %get3A_1307 : f32 to vector<512x128xf32>
    %mul3A_1309 = arith.mulf %max3A_119, %mul3A_1308 : vector<512x128xf32>
    %add3A_1310 = arith.addf %add3A_1304, %mul3A_1309 : vector<512x128xf32>
    %get3A_1311 = arith.constant 16 : index
    %get3A_1312 = arith.constant 4 : index
    %get3A_1313 = memref.load %arg8[%get3A_1311, %get3A_1312] : memref<20x10xf32, #tpu.memory_space<smem>>
    %mul3A_1314 = vector.broadcast %get3A_1313 : f32 to vector<512x128xf32>
    %mul3A_1315 = arith.mulf %max3A_137, %mul3A_1314 : vector<512x128xf32>
    %add3A_1316 = arith.addf %add3A_1310, %mul3A_1315 : vector<512x128xf32>
    %get3A_1317 = arith.constant 16 : index
    %get3A_1318 = arith.constant 5 : index
    %get3A_1319 = memref.load %arg8[%get3A_1317, %get3A_1318] : memref<20x10xf32, #tpu.memory_space<smem>>
    %mul3A_1320 = vector.broadcast %get3A_1319 : f32 to vector<512x128xf32>
    %mul3A_1321 = arith.mulf %max3A_155, %mul3A_1320 : vector<512x128xf32>
    %add3A_1322 = arith.addf %add3A_1316, %mul3A_1321 : vector<512x128xf32>
    %get3A_1323 = arith.constant 16 : index
    %get3A_1324 = arith.constant 6 : index
    %get3A_1325 = memref.load %arg8[%get3A_1323, %get3A_1324] : memref<20x10xf32, #tpu.memory_space<smem>>
    %mul3A_1326 = vector.broadcast %get3A_1325 : f32 to vector<512x128xf32>
    %mul3A_1327 = arith.mulf %max3A_173, %mul3A_1326 : vector<512x128xf32>
    %add3A_1328 = arith.addf %add3A_1322, %mul3A_1327 : vector<512x128xf32>
    %get3A_1329 = arith.constant 16 : index
    %get3A_1330 = arith.constant 7 : index
    %get3A_1331 = memref.load %arg8[%get3A_1329, %get3A_1330] : memref<20x10xf32, #tpu.memory_space<smem>>
    %mul3A_1332 = vector.broadcast %get3A_1331 : f32 to vector<512x128xf32>
    %mul3A_1333 = arith.mulf %max3A_191, %mul3A_1332 : vector<512x128xf32>
    %add3A_1334 = arith.addf %add3A_1328, %mul3A_1333 : vector<512x128xf32>
    %get3A_1335 = arith.constant 16 : index
    %get3A_1336 = arith.constant 8 : index
    %get3A_1337 = memref.load %arg8[%get3A_1335, %get3A_1336] : memref<20x10xf32, #tpu.memory_space<smem>>
    %mul3A_1338 = vector.broadcast %get3A_1337 : f32 to vector<512x128xf32>
    %mul3A_1339 = arith.mulf %max3A_209, %mul3A_1338 : vector<512x128xf32>
    %add3A_1340 = arith.addf %add3A_1334, %mul3A_1339 : vector<512x128xf32>
    %get3A_1341 = arith.constant 16 : index
    %get3A_1342 = arith.constant 9 : index
    %get3A_1343 = memref.load %arg8[%get3A_1341, %get3A_1342] : memref<20x10xf32, #tpu.memory_space<smem>>
    %mul3A_1344 = vector.broadcast %get3A_1343 : f32 to vector<512x128xf32>
    %mul3A_1345 = arith.mulf %max3A_227, %mul3A_1344 : vector<512x128xf32>
    %add3A_1346 = arith.addf %add3A_1340, %mul3A_1345 : vector<512x128xf32>
    %max3A_1347 = arith.constant 0.000000e+00 : f32
    %max3A_1348 = vector.broadcast %max3A_1347 : f32 to vector<512x128xf32>
    %max3A_1349 = arith.maximumf %add3A_1346, %max3A_1348 : vector<512x128xf32>
    %get3A_1350 = arith.constant 17 : index
    %get3A_1351 = arith.constant 0 : index
    %get3A_1352 = memref.load %arg8[%get3A_1350, %get3A_1351] : memref<20x10xf32, #tpu.memory_space<smem>>
    %mul3A_1353 = vector.broadcast %get3A_1352 : f32 to vector<512x128xf32>
    %mul3A_1354 = arith.mulf %max3A_65, %mul3A_1353 : vector<512x128xf32>
    %get3A_1355 = arith.constant 17 : index
    %get3A_1356 = memref.load %arg9[%get3A_1355] : memref<20xf32, #tpu.memory_space<smem>>
    %add3A_1357 = vector.broadcast %get3A_1356 : f32 to vector<512x128xf32>
    %add3A_1358 = arith.addf %mul3A_1354, %add3A_1357 : vector<512x128xf32>
    %get3A_1359 = arith.constant 17 : index
    %get3A_1360 = arith.constant 1 : index
    %get3A_1361 = memref.load %arg8[%get3A_1359, %get3A_1360] : memref<20x10xf32, #tpu.memory_space<smem>>
    %mul3A_1362 = vector.broadcast %get3A_1361 : f32 to vector<512x128xf32>
    %mul3A_1363 = arith.mulf %max3A_83, %mul3A_1362 : vector<512x128xf32>
    %add3A_1364 = arith.addf %add3A_1358, %mul3A_1363 : vector<512x128xf32>
    %get3A_1365 = arith.constant 17 : index
    %get3A_1366 = arith.constant 2 : index
    %get3A_1367 = memref.load %arg8[%get3A_1365, %get3A_1366] : memref<20x10xf32, #tpu.memory_space<smem>>
    %mul3A_1368 = vector.broadcast %get3A_1367 : f32 to vector<512x128xf32>
    %mul3A_1369 = arith.mulf %max3A_101, %mul3A_1368 : vector<512x128xf32>
    %add3A_1370 = arith.addf %add3A_1364, %mul3A_1369 : vector<512x128xf32>
    %get3A_1371 = arith.constant 17 : index
    %get3A_1372 = arith.constant 3 : index
    %get3A_1373 = memref.load %arg8[%get3A_1371, %get3A_1372] : memref<20x10xf32, #tpu.memory_space<smem>>
    %mul3A_1374 = vector.broadcast %get3A_1373 : f32 to vector<512x128xf32>
    %mul3A_1375 = arith.mulf %max3A_119, %mul3A_1374 : vector<512x128xf32>
    %add3A_1376 = arith.addf %add3A_1370, %mul3A_1375 : vector<512x128xf32>
    %get3A_1377 = arith.constant 17 : index
    %get3A_1378 = arith.constant 4 : index
    %get3A_1379 = memref.load %arg8[%get3A_1377, %get3A_1378] : memref<20x10xf32, #tpu.memory_space<smem>>
    %mul3A_1380 = vector.broadcast %get3A_1379 : f32 to vector<512x128xf32>
    %mul3A_1381 = arith.mulf %max3A_137, %mul3A_1380 : vector<512x128xf32>
    %add3A_1382 = arith.addf %add3A_1376, %mul3A_1381 : vector<512x128xf32>
    %get3A_1383 = arith.constant 17 : index
    %get3A_1384 = arith.constant 5 : index
    %get3A_1385 = memref.load %arg8[%get3A_1383, %get3A_1384] : memref<20x10xf32, #tpu.memory_space<smem>>
    %mul3A_1386 = vector.broadcast %get3A_1385 : f32 to vector<512x128xf32>
    %mul3A_1387 = arith.mulf %max3A_155, %mul3A_1386 : vector<512x128xf32>
    %add3A_1388 = arith.addf %add3A_1382, %mul3A_1387 : vector<512x128xf32>
    %get3A_1389 = arith.constant 17 : index
    %get3A_1390 = arith.constant 6 : index
    %get3A_1391 = memref.load %arg8[%get3A_1389, %get3A_1390] : memref<20x10xf32, #tpu.memory_space<smem>>
    %mul3A_1392 = vector.broadcast %get3A_1391 : f32 to vector<512x128xf32>
    %mul3A_1393 = arith.mulf %max3A_173, %mul3A_1392 : vector<512x128xf32>
    %add3A_1394 = arith.addf %add3A_1388, %mul3A_1393 : vector<512x128xf32>
    %get3A_1395 = arith.constant 17 : index
    %get3A_1396 = arith.constant 7 : index
    %get3A_1397 = memref.load %arg8[%get3A_1395, %get3A_1396] : memref<20x10xf32, #tpu.memory_space<smem>>
    %mul3A_1398 = vector.broadcast %get3A_1397 : f32 to vector<512x128xf32>
    %mul3A_1399 = arith.mulf %max3A_191, %mul3A_1398 : vector<512x128xf32>
    %add3A_1400 = arith.addf %add3A_1394, %mul3A_1399 : vector<512x128xf32>
    %get3A_1401 = arith.constant 17 : index
    %get3A_1402 = arith.constant 8 : index
    %get3A_1403 = memref.load %arg8[%get3A_1401, %get3A_1402] : memref<20x10xf32, #tpu.memory_space<smem>>
    %mul3A_1404 = vector.broadcast %get3A_1403 : f32 to vector<512x128xf32>
    %mul3A_1405 = arith.mulf %max3A_209, %mul3A_1404 : vector<512x128xf32>
    %add3A_1406 = arith.addf %add3A_1400, %mul3A_1405 : vector<512x128xf32>
    %get3A_1407 = arith.constant 17 : index
    %get3A_1408 = arith.constant 9 : index
    %get3A_1409 = memref.load %arg8[%get3A_1407, %get3A_1408] : memref<20x10xf32, #tpu.memory_space<smem>>
    %mul3A_1410 = vector.broadcast %get3A_1409 : f32 to vector<512x128xf32>
    %mul3A_1411 = arith.mulf %max3A_227, %mul3A_1410 : vector<512x128xf32>
    %add3A_1412 = arith.addf %add3A_1406, %mul3A_1411 : vector<512x128xf32>
    %max3A_1413 = arith.constant 0.000000e+00 : f32
    %max3A_1414 = vector.broadcast %max3A_1413 : f32 to vector<512x128xf32>
    %max3A_1415 = arith.maximumf %add3A_1412, %max3A_1414 : vector<512x128xf32>
    %get3A_1416 = arith.constant 18 : index
    %get3A_1417 = arith.constant 0 : index
    %get3A_1418 = memref.load %arg8[%get3A_1416, %get3A_1417] : memref<20x10xf32, #tpu.memory_space<smem>>
    %mul3A_1419 = vector.broadcast %get3A_1418 : f32 to vector<512x128xf32>
    %mul3A_1420 = arith.mulf %max3A_65, %mul3A_1419 : vector<512x128xf32>
    %get3A_1421 = arith.constant 18 : index
    %get3A_1422 = memref.load %arg9[%get3A_1421] : memref<20xf32, #tpu.memory_space<smem>>
    %add3A_1423 = vector.broadcast %get3A_1422 : f32 to vector<512x128xf32>
    %add3A_1424 = arith.addf %mul3A_1420, %add3A_1423 : vector<512x128xf32>
    %get3A_1425 = arith.constant 18 : index
    %get3A_1426 = arith.constant 1 : index
    %get3A_1427 = memref.load %arg8[%get3A_1425, %get3A_1426] : memref<20x10xf32, #tpu.memory_space<smem>>
    %mul3A_1428 = vector.broadcast %get3A_1427 : f32 to vector<512x128xf32>
    %mul3A_1429 = arith.mulf %max3A_83, %mul3A_1428 : vector<512x128xf32>
    %add3A_1430 = arith.addf %add3A_1424, %mul3A_1429 : vector<512x128xf32>
    %get3A_1431 = arith.constant 18 : index
    %get3A_1432 = arith.constant 2 : index
    %get3A_1433 = memref.load %arg8[%get3A_1431, %get3A_1432] : memref<20x10xf32, #tpu.memory_space<smem>>
    %mul3A_1434 = vector.broadcast %get3A_1433 : f32 to vector<512x128xf32>
    %mul3A_1435 = arith.mulf %max3A_101, %mul3A_1434 : vector<512x128xf32>
    %add3A_1436 = arith.addf %add3A_1430, %mul3A_1435 : vector<512x128xf32>
    %get3A_1437 = arith.constant 18 : index
    %get3A_1438 = arith.constant 3 : index
    %get3A_1439 = memref.load %arg8[%get3A_1437, %get3A_1438] : memref<20x10xf32, #tpu.memory_space<smem>>
    %mul3A_1440 = vector.broadcast %get3A_1439 : f32 to vector<512x128xf32>
    %mul3A_1441 = arith.mulf %max3A_119, %mul3A_1440 : vector<512x128xf32>
    %add3A_1442 = arith.addf %add3A_1436, %mul3A_1441 : vector<512x128xf32>
    %get3A_1443 = arith.constant 18 : index
    %get3A_1444 = arith.constant 4 : index
    %get3A_1445 = memref.load %arg8[%get3A_1443, %get3A_1444] : memref<20x10xf32, #tpu.memory_space<smem>>
    %mul3A_1446 = vector.broadcast %get3A_1445 : f32 to vector<512x128xf32>
    %mul3A_1447 = arith.mulf %max3A_137, %mul3A_1446 : vector<512x128xf32>
    %add3A_1448 = arith.addf %add3A_1442, %mul3A_1447 : vector<512x128xf32>
    %get3A_1449 = arith.constant 18 : index
    %get3A_1450 = arith.constant 5 : index
    %get3A_1451 = memref.load %arg8[%get3A_1449, %get3A_1450] : memref<20x10xf32, #tpu.memory_space<smem>>
    %mul3A_1452 = vector.broadcast %get3A_1451 : f32 to vector<512x128xf32>
    %mul3A_1453 = arith.mulf %max3A_155, %mul3A_1452 : vector<512x128xf32>
    %add3A_1454 = arith.addf %add3A_1448, %mul3A_1453 : vector<512x128xf32>
    %get3A_1455 = arith.constant 18 : index
    %get3A_1456 = arith.constant 6 : index
    %get3A_1457 = memref.load %arg8[%get3A_1455, %get3A_1456] : memref<20x10xf32, #tpu.memory_space<smem>>
    %mul3A_1458 = vector.broadcast %get3A_1457 : f32 to vector<512x128xf32>
    %mul3A_1459 = arith.mulf %max3A_173, %mul3A_1458 : vector<512x128xf32>
    %add3A_1460 = arith.addf %add3A_1454, %mul3A_1459 : vector<512x128xf32>
    %get3A_1461 = arith.constant 18 : index
    %get3A_1462 = arith.constant 7 : index
    %get3A_1463 = memref.load %arg8[%get3A_1461, %get3A_1462] : memref<20x10xf32, #tpu.memory_space<smem>>
    %mul3A_1464 = vector.broadcast %get3A_1463 : f32 to vector<512x128xf32>
    %mul3A_1465 = arith.mulf %max3A_191, %mul3A_1464 : vector<512x128xf32>
    %add3A_1466 = arith.addf %add3A_1460, %mul3A_1465 : vector<512x128xf32>
    %get3A_1467 = arith.constant 18 : index
    %get3A_1468 = arith.constant 8 : index
    %get3A_1469 = memref.load %arg8[%get3A_1467, %get3A_1468] : memref<20x10xf32, #tpu.memory_space<smem>>
    %mul3A_1470 = vector.broadcast %get3A_1469 : f32 to vector<512x128xf32>
    %mul3A_1471 = arith.mulf %max3A_209, %mul3A_1470 : vector<512x128xf32>
    %add3A_1472 = arith.addf %add3A_1466, %mul3A_1471 : vector<512x128xf32>
    %get3A_1473 = arith.constant 18 : index
    %get3A_1474 = arith.constant 9 : index
    %get3A_1475 = memref.load %arg8[%get3A_1473, %get3A_1474] : memref<20x10xf32, #tpu.memory_space<smem>>
    %mul3A_1476 = vector.broadcast %get3A_1475 : f32 to vector<512x128xf32>
    %mul3A_1477 = arith.mulf %max3A_227, %mul3A_1476 : vector<512x128xf32>
    %add3A_1478 = arith.addf %add3A_1472, %mul3A_1477 : vector<512x128xf32>
    %max3A_1479 = arith.constant 0.000000e+00 : f32
    %max3A_1480 = vector.broadcast %max3A_1479 : f32 to vector<512x128xf32>
    %max3A_1481 = arith.maximumf %add3A_1478, %max3A_1480 : vector<512x128xf32>
    %get3A_1482 = arith.constant 19 : index
    %get3A_1483 = arith.constant 0 : index
    %get3A_1484 = memref.load %arg8[%get3A_1482, %get3A_1483] : memref<20x10xf32, #tpu.memory_space<smem>>
    %mul3A_1485 = vector.broadcast %get3A_1484 : f32 to vector<512x128xf32>
    %mul3A_1486 = arith.mulf %max3A_65, %mul3A_1485 : vector<512x128xf32>
    %get3A_1487 = arith.constant 19 : index
    %get3A_1488 = memref.load %arg9[%get3A_1487] : memref<20xf32, #tpu.memory_space<smem>>
    %add3A_1489 = vector.broadcast %get3A_1488 : f32 to vector<512x128xf32>
    %add3A_1490 = arith.addf %mul3A_1486, %add3A_1489 : vector<512x128xf32>
    %get3A_1491 = arith.constant 19 : index
    %get3A_1492 = arith.constant 1 : index
    %get3A_1493 = memref.load %arg8[%get3A_1491, %get3A_1492] : memref<20x10xf32, #tpu.memory_space<smem>>
    %mul3A_1494 = vector.broadcast %get3A_1493 : f32 to vector<512x128xf32>
    %mul3A_1495 = arith.mulf %max3A_83, %mul3A_1494 : vector<512x128xf32>
    %add3A_1496 = arith.addf %add3A_1490, %mul3A_1495 : vector<512x128xf32>
    %get3A_1497 = arith.constant 19 : index
    %get3A_1498 = arith.constant 2 : index
    %get3A_1499 = memref.load %arg8[%get3A_1497, %get3A_1498] : memref<20x10xf32, #tpu.memory_space<smem>>
    %mul3A_1500 = vector.broadcast %get3A_1499 : f32 to vector<512x128xf32>
    %mul3A_1501 = arith.mulf %max3A_101, %mul3A_1500 : vector<512x128xf32>
    %add3A_1502 = arith.addf %add3A_1496, %mul3A_1501 : vector<512x128xf32>
    %get3A_1503 = arith.constant 19 : index
    %get3A_1504 = arith.constant 3 : index
    %get3A_1505 = memref.load %arg8[%get3A_1503, %get3A_1504] : memref<20x10xf32, #tpu.memory_space<smem>>
    %mul3A_1506 = vector.broadcast %get3A_1505 : f32 to vector<512x128xf32>
    %mul3A_1507 = arith.mulf %max3A_119, %mul3A_1506 : vector<512x128xf32>
    %add3A_1508 = arith.addf %add3A_1502, %mul3A_1507 : vector<512x128xf32>
    %get3A_1509 = arith.constant 19 : index
    %get3A_1510 = arith.constant 4 : index
    %get3A_1511 = memref.load %arg8[%get3A_1509, %get3A_1510] : memref<20x10xf32, #tpu.memory_space<smem>>
    %mul3A_1512 = vector.broadcast %get3A_1511 : f32 to vector<512x128xf32>
    %mul3A_1513 = arith.mulf %max3A_137, %mul3A_1512 : vector<512x128xf32>
    %add3A_1514 = arith.addf %add3A_1508, %mul3A_1513 : vector<512x128xf32>
    %get3A_1515 = arith.constant 19 : index
    %get3A_1516 = arith.constant 5 : index
    %get3A_1517 = memref.load %arg8[%get3A_1515, %get3A_1516] : memref<20x10xf32, #tpu.memory_space<smem>>
    %mul3A_1518 = vector.broadcast %get3A_1517 : f32 to vector<512x128xf32>
    %mul3A_1519 = arith.mulf %max3A_155, %mul3A_1518 : vector<512x128xf32>
    %add3A_1520 = arith.addf %add3A_1514, %mul3A_1519 : vector<512x128xf32>
    %get3A_1521 = arith.constant 19 : index
    %get3A_1522 = arith.constant 6 : index
    %get3A_1523 = memref.load %arg8[%get3A_1521, %get3A_1522] : memref<20x10xf32, #tpu.memory_space<smem>>
    %mul3A_1524 = vector.broadcast %get3A_1523 : f32 to vector<512x128xf32>
    %mul3A_1525 = arith.mulf %max3A_173, %mul3A_1524 : vector<512x128xf32>
    %add3A_1526 = arith.addf %add3A_1520, %mul3A_1525 : vector<512x128xf32>
    %get3A_1527 = arith.constant 19 : index
    %get3A_1528 = arith.constant 7 : index
    %get3A_1529 = memref.load %arg8[%get3A_1527, %get3A_1528] : memref<20x10xf32, #tpu.memory_space<smem>>
    %mul3A_1530 = vector.broadcast %get3A_1529 : f32 to vector<512x128xf32>
    %mul3A_1531 = arith.mulf %max3A_191, %mul3A_1530 : vector<512x128xf32>
    %add3A_1532 = arith.addf %add3A_1526, %mul3A_1531 : vector<512x128xf32>
    %get3A_1533 = arith.constant 19 : index
    %get3A_1534 = arith.constant 8 : index
    %get3A_1535 = memref.load %arg8[%get3A_1533, %get3A_1534] : memref<20x10xf32, #tpu.memory_space<smem>>
    %mul3A_1536 = vector.broadcast %get3A_1535 : f32 to vector<512x128xf32>
    %mul3A_1537 = arith.mulf %max3A_209, %mul3A_1536 : vector<512x128xf32>
    %add3A_1538 = arith.addf %add3A_1532, %mul3A_1537 : vector<512x128xf32>
    %get3A_1539 = arith.constant 19 : index
    %get3A_1540 = arith.constant 9 : index
    %get3A_1541 = memref.load %arg8[%get3A_1539, %get3A_1540] : memref<20x10xf32, #tpu.memory_space<smem>>
    %mul3A_1542 = vector.broadcast %get3A_1541 : f32 to vector<512x128xf32>
    %mul3A_1543 = arith.mulf %max3A_227, %mul3A_1542 : vector<512x128xf32>
    %add3A_1544 = arith.addf %add3A_1538, %mul3A_1543 : vector<512x128xf32>
    %max3A_1545 = arith.constant 0.000000e+00 : f32
    %max3A_1546 = vector.broadcast %max3A_1545 : f32 to vector<512x128xf32>
    %max3A_1547 = arith.maximumf %add3A_1544, %max3A_1546 : vector<512x128xf32>
    %get3A_1548 = arith.constant 0 : index
    %get3A_1549 = arith.constant 0 : index
    %get3A_1550 = memref.load %arg10[%get3A_1548, %get3A_1549] : memref<10x20xf32, #tpu.memory_space<smem>>
    %mul3A_1551 = vector.broadcast %get3A_1550 : f32 to vector<512x128xf32>
    %mul3A_1552 = arith.mulf %max3A_293, %mul3A_1551 : vector<512x128xf32>
    %get3A_1553 = arith.constant 0 : index
    %get3A_1554 = memref.load %arg11[%get3A_1553] : memref<10xf32, #tpu.memory_space<smem>>
    %add3A_1555 = vector.broadcast %get3A_1554 : f32 to vector<512x128xf32>
    %add3A_1556 = arith.addf %mul3A_1552, %add3A_1555 : vector<512x128xf32>
    %get3A_1557 = arith.constant 0 : index
    %get3A_1558 = arith.constant 1 : index
    %get3A_1559 = memref.load %arg10[%get3A_1557, %get3A_1558] : memref<10x20xf32, #tpu.memory_space<smem>>
    %mul3A_1560 = vector.broadcast %get3A_1559 : f32 to vector<512x128xf32>
    %mul3A_1561 = arith.mulf %max3A_359, %mul3A_1560 : vector<512x128xf32>
    %add3A_1562 = arith.addf %add3A_1556, %mul3A_1561 : vector<512x128xf32>
    %get3A_1563 = arith.constant 0 : index
    %get3A_1564 = arith.constant 2 : index
    %get3A_1565 = memref.load %arg10[%get3A_1563, %get3A_1564] : memref<10x20xf32, #tpu.memory_space<smem>>
    %mul3A_1566 = vector.broadcast %get3A_1565 : f32 to vector<512x128xf32>
    %mul3A_1567 = arith.mulf %max3A_425, %mul3A_1566 : vector<512x128xf32>
    %add3A_1568 = arith.addf %add3A_1562, %mul3A_1567 : vector<512x128xf32>
    %get3A_1569 = arith.constant 0 : index
    %get3A_1570 = arith.constant 3 : index
    %get3A_1571 = memref.load %arg10[%get3A_1569, %get3A_1570] : memref<10x20xf32, #tpu.memory_space<smem>>
    %mul3A_1572 = vector.broadcast %get3A_1571 : f32 to vector<512x128xf32>
    %mul3A_1573 = arith.mulf %max3A_491, %mul3A_1572 : vector<512x128xf32>
    %add3A_1574 = arith.addf %add3A_1568, %mul3A_1573 : vector<512x128xf32>
    %get3A_1575 = arith.constant 0 : index
    %get3A_1576 = arith.constant 4 : index
    %get3A_1577 = memref.load %arg10[%get3A_1575, %get3A_1576] : memref<10x20xf32, #tpu.memory_space<smem>>
    %mul3A_1578 = vector.broadcast %get3A_1577 : f32 to vector<512x128xf32>
    %mul3A_1579 = arith.mulf %max3A_557, %mul3A_1578 : vector<512x128xf32>
    %add3A_1580 = arith.addf %add3A_1574, %mul3A_1579 : vector<512x128xf32>
    %get3A_1581 = arith.constant 0 : index
    %get3A_1582 = arith.constant 5 : index
    %get3A_1583 = memref.load %arg10[%get3A_1581, %get3A_1582] : memref<10x20xf32, #tpu.memory_space<smem>>
    %mul3A_1584 = vector.broadcast %get3A_1583 : f32 to vector<512x128xf32>
    %mul3A_1585 = arith.mulf %max3A_623, %mul3A_1584 : vector<512x128xf32>
    %add3A_1586 = arith.addf %add3A_1580, %mul3A_1585 : vector<512x128xf32>
    %get3A_1587 = arith.constant 0 : index
    %get3A_1588 = arith.constant 6 : index
    %get3A_1589 = memref.load %arg10[%get3A_1587, %get3A_1588] : memref<10x20xf32, #tpu.memory_space<smem>>
    %mul3A_1590 = vector.broadcast %get3A_1589 : f32 to vector<512x128xf32>
    %mul3A_1591 = arith.mulf %max3A_689, %mul3A_1590 : vector<512x128xf32>
    %add3A_1592 = arith.addf %add3A_1586, %mul3A_1591 : vector<512x128xf32>
    %get3A_1593 = arith.constant 0 : index
    %get3A_1594 = arith.constant 7 : index
    %get3A_1595 = memref.load %arg10[%get3A_1593, %get3A_1594] : memref<10x20xf32, #tpu.memory_space<smem>>
    %mul3A_1596 = vector.broadcast %get3A_1595 : f32 to vector<512x128xf32>
    %mul3A_1597 = arith.mulf %max3A_755, %mul3A_1596 : vector<512x128xf32>
    %add3A_1598 = arith.addf %add3A_1592, %mul3A_1597 : vector<512x128xf32>
    %get3A_1599 = arith.constant 0 : index
    %get3A_1600 = arith.constant 8 : index
    %get3A_1601 = memref.load %arg10[%get3A_1599, %get3A_1600] : memref<10x20xf32, #tpu.memory_space<smem>>
    %mul3A_1602 = vector.broadcast %get3A_1601 : f32 to vector<512x128xf32>
    %mul3A_1603 = arith.mulf %max3A_821, %mul3A_1602 : vector<512x128xf32>
    %add3A_1604 = arith.addf %add3A_1598, %mul3A_1603 : vector<512x128xf32>
    %get3A_1605 = arith.constant 0 : index
    %get3A_1606 = arith.constant 9 : index
    %get3A_1607 = memref.load %arg10[%get3A_1605, %get3A_1606] : memref<10x20xf32, #tpu.memory_space<smem>>
    %mul3A_1608 = vector.broadcast %get3A_1607 : f32 to vector<512x128xf32>
    %mul3A_1609 = arith.mulf %max3A_887, %mul3A_1608 : vector<512x128xf32>
    %add3A_1610 = arith.addf %add3A_1604, %mul3A_1609 : vector<512x128xf32>
    %get3A_1611 = arith.constant 0 : index
    %get3A_1612 = arith.constant 10 : index
    %get3A_1613 = memref.load %arg10[%get3A_1611, %get3A_1612] : memref<10x20xf32, #tpu.memory_space<smem>>
    %mul3A_1614 = vector.broadcast %get3A_1613 : f32 to vector<512x128xf32>
    %mul3A_1615 = arith.mulf %max3A_953, %mul3A_1614 : vector<512x128xf32>
    %add3A_1616 = arith.addf %add3A_1610, %mul3A_1615 : vector<512x128xf32>
    %get3A_1617 = arith.constant 0 : index
    %get3A_1618 = arith.constant 11 : index
    %get3A_1619 = memref.load %arg10[%get3A_1617, %get3A_1618] : memref<10x20xf32, #tpu.memory_space<smem>>
    %mul3A_1620 = vector.broadcast %get3A_1619 : f32 to vector<512x128xf32>
    %mul3A_1621 = arith.mulf %max3A_1019, %mul3A_1620 : vector<512x128xf32>
    %add3A_1622 = arith.addf %add3A_1616, %mul3A_1621 : vector<512x128xf32>
    %get3A_1623 = arith.constant 0 : index
    %get3A_1624 = arith.constant 12 : index
    %get3A_1625 = memref.load %arg10[%get3A_1623, %get3A_1624] : memref<10x20xf32, #tpu.memory_space<smem>>
    %mul3A_1626 = vector.broadcast %get3A_1625 : f32 to vector<512x128xf32>
    %mul3A_1627 = arith.mulf %max3A_1085, %mul3A_1626 : vector<512x128xf32>
    %add3A_1628 = arith.addf %add3A_1622, %mul3A_1627 : vector<512x128xf32>
    %get3A_1629 = arith.constant 0 : index
    %get3A_1630 = arith.constant 13 : index
    %get3A_1631 = memref.load %arg10[%get3A_1629, %get3A_1630] : memref<10x20xf32, #tpu.memory_space<smem>>
    %mul3A_1632 = vector.broadcast %get3A_1631 : f32 to vector<512x128xf32>
    %mul3A_1633 = arith.mulf %max3A_1151, %mul3A_1632 : vector<512x128xf32>
    %add3A_1634 = arith.addf %add3A_1628, %mul3A_1633 : vector<512x128xf32>
    %get3A_1635 = arith.constant 0 : index
    %get3A_1636 = arith.constant 14 : index
    %get3A_1637 = memref.load %arg10[%get3A_1635, %get3A_1636] : memref<10x20xf32, #tpu.memory_space<smem>>
    %mul3A_1638 = vector.broadcast %get3A_1637 : f32 to vector<512x128xf32>
    %mul3A_1639 = arith.mulf %max3A_1217, %mul3A_1638 : vector<512x128xf32>
    %add3A_1640 = arith.addf %add3A_1634, %mul3A_1639 : vector<512x128xf32>
    %get3A_1641 = arith.constant 0 : index
    %get3A_1642 = arith.constant 15 : index
    %get3A_1643 = memref.load %arg10[%get3A_1641, %get3A_1642] : memref<10x20xf32, #tpu.memory_space<smem>>
    %mul3A_1644 = vector.broadcast %get3A_1643 : f32 to vector<512x128xf32>
    %mul3A_1645 = arith.mulf %max3A_1283, %mul3A_1644 : vector<512x128xf32>
    %add3A_1646 = arith.addf %add3A_1640, %mul3A_1645 : vector<512x128xf32>
    %get3A_1647 = arith.constant 0 : index
    %get3A_1648 = arith.constant 16 : index
    %get3A_1649 = memref.load %arg10[%get3A_1647, %get3A_1648] : memref<10x20xf32, #tpu.memory_space<smem>>
    %mul3A_1650 = vector.broadcast %get3A_1649 : f32 to vector<512x128xf32>
    %mul3A_1651 = arith.mulf %max3A_1349, %mul3A_1650 : vector<512x128xf32>
    %add3A_1652 = arith.addf %add3A_1646, %mul3A_1651 : vector<512x128xf32>
    %get3A_1653 = arith.constant 0 : index
    %get3A_1654 = arith.constant 17 : index
    %get3A_1655 = memref.load %arg10[%get3A_1653, %get3A_1654] : memref<10x20xf32, #tpu.memory_space<smem>>
    %mul3A_1656 = vector.broadcast %get3A_1655 : f32 to vector<512x128xf32>
    %mul3A_1657 = arith.mulf %max3A_1415, %mul3A_1656 : vector<512x128xf32>
    %add3A_1658 = arith.addf %add3A_1652, %mul3A_1657 : vector<512x128xf32>
    %get3A_1659 = arith.constant 0 : index
    %get3A_1660 = arith.constant 18 : index
    %get3A_1661 = memref.load %arg10[%get3A_1659, %get3A_1660] : memref<10x20xf32, #tpu.memory_space<smem>>
    %mul3A_1662 = vector.broadcast %get3A_1661 : f32 to vector<512x128xf32>
    %mul3A_1663 = arith.mulf %max3A_1481, %mul3A_1662 : vector<512x128xf32>
    %add3A_1664 = arith.addf %add3A_1658, %mul3A_1663 : vector<512x128xf32>
    %get3A_1665 = arith.constant 0 : index
    %get3A_1666 = arith.constant 19 : index
    %get3A_1667 = memref.load %arg10[%get3A_1665, %get3A_1666] : memref<10x20xf32, #tpu.memory_space<smem>>
    %mul3A_1668 = vector.broadcast %get3A_1667 : f32 to vector<512x128xf32>
    %mul3A_1669 = arith.mulf %max3A_1547, %mul3A_1668 : vector<512x128xf32>
    %add3A_1670 = arith.addf %add3A_1664, %mul3A_1669 : vector<512x128xf32>
    %max3A_1671 = arith.constant 0.000000e+00 : f32
    %max3A_1672 = vector.broadcast %max3A_1671 : f32 to vector<512x128xf32>
    %max3A_1673 = arith.maximumf %add3A_1670, %max3A_1672 : vector<512x128xf32>
    %get3A_1674 = arith.constant 1 : index
    %get3A_1675 = arith.constant 0 : index
    %get3A_1676 = memref.load %arg10[%get3A_1674, %get3A_1675] : memref<10x20xf32, #tpu.memory_space<smem>>
    %mul3A_1677 = vector.broadcast %get3A_1676 : f32 to vector<512x128xf32>
    %mul3A_1678 = arith.mulf %max3A_293, %mul3A_1677 : vector<512x128xf32>
    %get3A_1679 = arith.constant 1 : index
    %get3A_1680 = memref.load %arg11[%get3A_1679] : memref<10xf32, #tpu.memory_space<smem>>
    %add3A_1681 = vector.broadcast %get3A_1680 : f32 to vector<512x128xf32>
    %add3A_1682 = arith.addf %mul3A_1678, %add3A_1681 : vector<512x128xf32>
    %get3A_1683 = arith.constant 1 : index
    %get3A_1684 = arith.constant 1 : index
    %get3A_1685 = memref.load %arg10[%get3A_1683, %get3A_1684] : memref<10x20xf32, #tpu.memory_space<smem>>
    %mul3A_1686 = vector.broadcast %get3A_1685 : f32 to vector<512x128xf32>
    %mul3A_1687 = arith.mulf %max3A_359, %mul3A_1686 : vector<512x128xf32>
    %add3A_1688 = arith.addf %add3A_1682, %mul3A_1687 : vector<512x128xf32>
    %get3A_1689 = arith.constant 1 : index
    %get3A_1690 = arith.constant 2 : index
    %get3A_1691 = memref.load %arg10[%get3A_1689, %get3A_1690] : memref<10x20xf32, #tpu.memory_space<smem>>
    %mul3A_1692 = vector.broadcast %get3A_1691 : f32 to vector<512x128xf32>
    %mul3A_1693 = arith.mulf %max3A_425, %mul3A_1692 : vector<512x128xf32>
    %add3A_1694 = arith.addf %add3A_1688, %mul3A_1693 : vector<512x128xf32>
    %get3A_1695 = arith.constant 1 : index
    %get3A_1696 = arith.constant 3 : index
    %get3A_1697 = memref.load %arg10[%get3A_1695, %get3A_1696] : memref<10x20xf32, #tpu.memory_space<smem>>
    %mul3A_1698 = vector.broadcast %get3A_1697 : f32 to vector<512x128xf32>
    %mul3A_1699 = arith.mulf %max3A_491, %mul3A_1698 : vector<512x128xf32>
    %add3A_1700 = arith.addf %add3A_1694, %mul3A_1699 : vector<512x128xf32>
    %get3A_1701 = arith.constant 1 : index
    %get3A_1702 = arith.constant 4 : index
    %get3A_1703 = memref.load %arg10[%get3A_1701, %get3A_1702] : memref<10x20xf32, #tpu.memory_space<smem>>
    %mul3A_1704 = vector.broadcast %get3A_1703 : f32 to vector<512x128xf32>
    %mul3A_1705 = arith.mulf %max3A_557, %mul3A_1704 : vector<512x128xf32>
    %add3A_1706 = arith.addf %add3A_1700, %mul3A_1705 : vector<512x128xf32>
    %get3A_1707 = arith.constant 1 : index
    %get3A_1708 = arith.constant 5 : index
    %get3A_1709 = memref.load %arg10[%get3A_1707, %get3A_1708] : memref<10x20xf32, #tpu.memory_space<smem>>
    %mul3A_1710 = vector.broadcast %get3A_1709 : f32 to vector<512x128xf32>
    %mul3A_1711 = arith.mulf %max3A_623, %mul3A_1710 : vector<512x128xf32>
    %add3A_1712 = arith.addf %add3A_1706, %mul3A_1711 : vector<512x128xf32>
    %get3A_1713 = arith.constant 1 : index
    %get3A_1714 = arith.constant 6 : index
    %get3A_1715 = memref.load %arg10[%get3A_1713, %get3A_1714] : memref<10x20xf32, #tpu.memory_space<smem>>
    %mul3A_1716 = vector.broadcast %get3A_1715 : f32 to vector<512x128xf32>
    %mul3A_1717 = arith.mulf %max3A_689, %mul3A_1716 : vector<512x128xf32>
    %add3A_1718 = arith.addf %add3A_1712, %mul3A_1717 : vector<512x128xf32>
    %get3A_1719 = arith.constant 1 : index
    %get3A_1720 = arith.constant 7 : index
    %get3A_1721 = memref.load %arg10[%get3A_1719, %get3A_1720] : memref<10x20xf32, #tpu.memory_space<smem>>
    %mul3A_1722 = vector.broadcast %get3A_1721 : f32 to vector<512x128xf32>
    %mul3A_1723 = arith.mulf %max3A_755, %mul3A_1722 : vector<512x128xf32>
    %add3A_1724 = arith.addf %add3A_1718, %mul3A_1723 : vector<512x128xf32>
    %get3A_1725 = arith.constant 1 : index
    %get3A_1726 = arith.constant 8 : index
    %get3A_1727 = memref.load %arg10[%get3A_1725, %get3A_1726] : memref<10x20xf32, #tpu.memory_space<smem>>
    %mul3A_1728 = vector.broadcast %get3A_1727 : f32 to vector<512x128xf32>
    %mul3A_1729 = arith.mulf %max3A_821, %mul3A_1728 : vector<512x128xf32>
    %add3A_1730 = arith.addf %add3A_1724, %mul3A_1729 : vector<512x128xf32>
    %get3A_1731 = arith.constant 1 : index
    %get3A_1732 = arith.constant 9 : index
    %get3A_1733 = memref.load %arg10[%get3A_1731, %get3A_1732] : memref<10x20xf32, #tpu.memory_space<smem>>
    %mul3A_1734 = vector.broadcast %get3A_1733 : f32 to vector<512x128xf32>
    %mul3A_1735 = arith.mulf %max3A_887, %mul3A_1734 : vector<512x128xf32>
    %add3A_1736 = arith.addf %add3A_1730, %mul3A_1735 : vector<512x128xf32>
    %get3A_1737 = arith.constant 1 : index
    %get3A_1738 = arith.constant 10 : index
    %get3A_1739 = memref.load %arg10[%get3A_1737, %get3A_1738] : memref<10x20xf32, #tpu.memory_space<smem>>
    %mul3A_1740 = vector.broadcast %get3A_1739 : f32 to vector<512x128xf32>
    %mul3A_1741 = arith.mulf %max3A_953, %mul3A_1740 : vector<512x128xf32>
    %add3A_1742 = arith.addf %add3A_1736, %mul3A_1741 : vector<512x128xf32>
    %get3A_1743 = arith.constant 1 : index
    %get3A_1744 = arith.constant 11 : index
    %get3A_1745 = memref.load %arg10[%get3A_1743, %get3A_1744] : memref<10x20xf32, #tpu.memory_space<smem>>
    %mul3A_1746 = vector.broadcast %get3A_1745 : f32 to vector<512x128xf32>
    %mul3A_1747 = arith.mulf %max3A_1019, %mul3A_1746 : vector<512x128xf32>
    %add3A_1748 = arith.addf %add3A_1742, %mul3A_1747 : vector<512x128xf32>
    %get3A_1749 = arith.constant 1 : index
    %get3A_1750 = arith.constant 12 : index
    %get3A_1751 = memref.load %arg10[%get3A_1749, %get3A_1750] : memref<10x20xf32, #tpu.memory_space<smem>>
    %mul3A_1752 = vector.broadcast %get3A_1751 : f32 to vector<512x128xf32>
    %mul3A_1753 = arith.mulf %max3A_1085, %mul3A_1752 : vector<512x128xf32>
    %add3A_1754 = arith.addf %add3A_1748, %mul3A_1753 : vector<512x128xf32>
    %get3A_1755 = arith.constant 1 : index
    %get3A_1756 = arith.constant 13 : index
    %get3A_1757 = memref.load %arg10[%get3A_1755, %get3A_1756] : memref<10x20xf32, #tpu.memory_space<smem>>
    %mul3A_1758 = vector.broadcast %get3A_1757 : f32 to vector<512x128xf32>
    %mul3A_1759 = arith.mulf %max3A_1151, %mul3A_1758 : vector<512x128xf32>
    %add3A_1760 = arith.addf %add3A_1754, %mul3A_1759 : vector<512x128xf32>
    %get3A_1761 = arith.constant 1 : index
    %get3A_1762 = arith.constant 14 : index
    %get3A_1763 = memref.load %arg10[%get3A_1761, %get3A_1762] : memref<10x20xf32, #tpu.memory_space<smem>>
    %mul3A_1764 = vector.broadcast %get3A_1763 : f32 to vector<512x128xf32>
    %mul3A_1765 = arith.mulf %max3A_1217, %mul3A_1764 : vector<512x128xf32>
    %add3A_1766 = arith.addf %add3A_1760, %mul3A_1765 : vector<512x128xf32>
    %get3A_1767 = arith.constant 1 : index
    %get3A_1768 = arith.constant 15 : index
    %get3A_1769 = memref.load %arg10[%get3A_1767, %get3A_1768] : memref<10x20xf32, #tpu.memory_space<smem>>
    %mul3A_1770 = vector.broadcast %get3A_1769 : f32 to vector<512x128xf32>
    %mul3A_1771 = arith.mulf %max3A_1283, %mul3A_1770 : vector<512x128xf32>
    %add3A_1772 = arith.addf %add3A_1766, %mul3A_1771 : vector<512x128xf32>
    %get3A_1773 = arith.constant 1 : index
    %get3A_1774 = arith.constant 16 : index
    %get3A_1775 = memref.load %arg10[%get3A_1773, %get3A_1774] : memref<10x20xf32, #tpu.memory_space<smem>>
    %mul3A_1776 = vector.broadcast %get3A_1775 : f32 to vector<512x128xf32>
    %mul3A_1777 = arith.mulf %max3A_1349, %mul3A_1776 : vector<512x128xf32>
    %add3A_1778 = arith.addf %add3A_1772, %mul3A_1777 : vector<512x128xf32>
    %get3A_1779 = arith.constant 1 : index
    %get3A_1780 = arith.constant 17 : index
    %get3A_1781 = memref.load %arg10[%get3A_1779, %get3A_1780] : memref<10x20xf32, #tpu.memory_space<smem>>
    %mul3A_1782 = vector.broadcast %get3A_1781 : f32 to vector<512x128xf32>
    %mul3A_1783 = arith.mulf %max3A_1415, %mul3A_1782 : vector<512x128xf32>
    %add3A_1784 = arith.addf %add3A_1778, %mul3A_1783 : vector<512x128xf32>
    %get3A_1785 = arith.constant 1 : index
    %get3A_1786 = arith.constant 18 : index
    %get3A_1787 = memref.load %arg10[%get3A_1785, %get3A_1786] : memref<10x20xf32, #tpu.memory_space<smem>>
    %mul3A_1788 = vector.broadcast %get3A_1787 : f32 to vector<512x128xf32>
    %mul3A_1789 = arith.mulf %max3A_1481, %mul3A_1788 : vector<512x128xf32>
    %add3A_1790 = arith.addf %add3A_1784, %mul3A_1789 : vector<512x128xf32>
    %get3A_1791 = arith.constant 1 : index
    %get3A_1792 = arith.constant 19 : index
    %get3A_1793 = memref.load %arg10[%get3A_1791, %get3A_1792] : memref<10x20xf32, #tpu.memory_space<smem>>
    %mul3A_1794 = vector.broadcast %get3A_1793 : f32 to vector<512x128xf32>
    %mul3A_1795 = arith.mulf %max3A_1547, %mul3A_1794 : vector<512x128xf32>
    %add3A_1796 = arith.addf %add3A_1790, %mul3A_1795 : vector<512x128xf32>
    %max3A_1797 = arith.constant 0.000000e+00 : f32
    %max3A_1798 = vector.broadcast %max3A_1797 : f32 to vector<512x128xf32>
    %max3A_1799 = arith.maximumf %add3A_1796, %max3A_1798 : vector<512x128xf32>
    %get3A_1800 = arith.constant 2 : index
    %get3A_1801 = arith.constant 0 : index
    %get3A_1802 = memref.load %arg10[%get3A_1800, %get3A_1801] : memref<10x20xf32, #tpu.memory_space<smem>>
    %mul3A_1803 = vector.broadcast %get3A_1802 : f32 to vector<512x128xf32>
    %mul3A_1804 = arith.mulf %max3A_293, %mul3A_1803 : vector<512x128xf32>
    %get3A_1805 = arith.constant 2 : index
    %get3A_1806 = memref.load %arg11[%get3A_1805] : memref<10xf32, #tpu.memory_space<smem>>
    %add3A_1807 = vector.broadcast %get3A_1806 : f32 to vector<512x128xf32>
    %add3A_1808 = arith.addf %mul3A_1804, %add3A_1807 : vector<512x128xf32>
    %get3A_1809 = arith.constant 2 : index
    %get3A_1810 = arith.constant 1 : index
    %get3A_1811 = memref.load %arg10[%get3A_1809, %get3A_1810] : memref<10x20xf32, #tpu.memory_space<smem>>
    %mul3A_1812 = vector.broadcast %get3A_1811 : f32 to vector<512x128xf32>
    %mul3A_1813 = arith.mulf %max3A_359, %mul3A_1812 : vector<512x128xf32>
    %add3A_1814 = arith.addf %add3A_1808, %mul3A_1813 : vector<512x128xf32>
    %get3A_1815 = arith.constant 2 : index
    %get3A_1816 = arith.constant 2 : index
    %get3A_1817 = memref.load %arg10[%get3A_1815, %get3A_1816] : memref<10x20xf32, #tpu.memory_space<smem>>
    %mul3A_1818 = vector.broadcast %get3A_1817 : f32 to vector<512x128xf32>
    %mul3A_1819 = arith.mulf %max3A_425, %mul3A_1818 : vector<512x128xf32>
    %add3A_1820 = arith.addf %add3A_1814, %mul3A_1819 : vector<512x128xf32>
    %get3A_1821 = arith.constant 2 : index
    %get3A_1822 = arith.constant 3 : index
    %get3A_1823 = memref.load %arg10[%get3A_1821, %get3A_1822] : memref<10x20xf32, #tpu.memory_space<smem>>
    %mul3A_1824 = vector.broadcast %get3A_1823 : f32 to vector<512x128xf32>
    %mul3A_1825 = arith.mulf %max3A_491, %mul3A_1824 : vector<512x128xf32>
    %add3A_1826 = arith.addf %add3A_1820, %mul3A_1825 : vector<512x128xf32>
    %get3A_1827 = arith.constant 2 : index
    %get3A_1828 = arith.constant 4 : index
    %get3A_1829 = memref.load %arg10[%get3A_1827, %get3A_1828] : memref<10x20xf32, #tpu.memory_space<smem>>
    %mul3A_1830 = vector.broadcast %get3A_1829 : f32 to vector<512x128xf32>
    %mul3A_1831 = arith.mulf %max3A_557, %mul3A_1830 : vector<512x128xf32>
    %add3A_1832 = arith.addf %add3A_1826, %mul3A_1831 : vector<512x128xf32>
    %get3A_1833 = arith.constant 2 : index
    %get3A_1834 = arith.constant 5 : index
    %get3A_1835 = memref.load %arg10[%get3A_1833, %get3A_1834] : memref<10x20xf32, #tpu.memory_space<smem>>
    %mul3A_1836 = vector.broadcast %get3A_1835 : f32 to vector<512x128xf32>
    %mul3A_1837 = arith.mulf %max3A_623, %mul3A_1836 : vector<512x128xf32>
    %add3A_1838 = arith.addf %add3A_1832, %mul3A_1837 : vector<512x128xf32>
    %get3A_1839 = arith.constant 2 : index
    %get3A_1840 = arith.constant 6 : index
    %get3A_1841 = memref.load %arg10[%get3A_1839, %get3A_1840] : memref<10x20xf32, #tpu.memory_space<smem>>
    %mul3A_1842 = vector.broadcast %get3A_1841 : f32 to vector<512x128xf32>
    %mul3A_1843 = arith.mulf %max3A_689, %mul3A_1842 : vector<512x128xf32>
    %add3A_1844 = arith.addf %add3A_1838, %mul3A_1843 : vector<512x128xf32>
    %get3A_1845 = arith.constant 2 : index
    %get3A_1846 = arith.constant 7 : index
    %get3A_1847 = memref.load %arg10[%get3A_1845, %get3A_1846] : memref<10x20xf32, #tpu.memory_space<smem>>
    %mul3A_1848 = vector.broadcast %get3A_1847 : f32 to vector<512x128xf32>
    %mul3A_1849 = arith.mulf %max3A_755, %mul3A_1848 : vector<512x128xf32>
    %add3A_1850 = arith.addf %add3A_1844, %mul3A_1849 : vector<512x128xf32>
    %get3A_1851 = arith.constant 2 : index
    %get3A_1852 = arith.constant 8 : index
    %get3A_1853 = memref.load %arg10[%get3A_1851, %get3A_1852] : memref<10x20xf32, #tpu.memory_space<smem>>
    %mul3A_1854 = vector.broadcast %get3A_1853 : f32 to vector<512x128xf32>
    %mul3A_1855 = arith.mulf %max3A_821, %mul3A_1854 : vector<512x128xf32>
    %add3A_1856 = arith.addf %add3A_1850, %mul3A_1855 : vector<512x128xf32>
    %get3A_1857 = arith.constant 2 : index
    %get3A_1858 = arith.constant 9 : index
    %get3A_1859 = memref.load %arg10[%get3A_1857, %get3A_1858] : memref<10x20xf32, #tpu.memory_space<smem>>
    %mul3A_1860 = vector.broadcast %get3A_1859 : f32 to vector<512x128xf32>
    %mul3A_1861 = arith.mulf %max3A_887, %mul3A_1860 : vector<512x128xf32>
    %add3A_1862 = arith.addf %add3A_1856, %mul3A_1861 : vector<512x128xf32>
    %get3A_1863 = arith.constant 2 : index
    %get3A_1864 = arith.constant 10 : index
    %get3A_1865 = memref.load %arg10[%get3A_1863, %get3A_1864] : memref<10x20xf32, #tpu.memory_space<smem>>
    %mul3A_1866 = vector.broadcast %get3A_1865 : f32 to vector<512x128xf32>
    %mul3A_1867 = arith.mulf %max3A_953, %mul3A_1866 : vector<512x128xf32>
    %add3A_1868 = arith.addf %add3A_1862, %mul3A_1867 : vector<512x128xf32>
    %get3A_1869 = arith.constant 2 : index
    %get3A_1870 = arith.constant 11 : index
    %get3A_1871 = memref.load %arg10[%get3A_1869, %get3A_1870] : memref<10x20xf32, #tpu.memory_space<smem>>
    %mul3A_1872 = vector.broadcast %get3A_1871 : f32 to vector<512x128xf32>
    %mul3A_1873 = arith.mulf %max3A_1019, %mul3A_1872 : vector<512x128xf32>
    %add3A_1874 = arith.addf %add3A_1868, %mul3A_1873 : vector<512x128xf32>
    %get3A_1875 = arith.constant 2 : index
    %get3A_1876 = arith.constant 12 : index
    %get3A_1877 = memref.load %arg10[%get3A_1875, %get3A_1876] : memref<10x20xf32, #tpu.memory_space<smem>>
    %mul3A_1878 = vector.broadcast %get3A_1877 : f32 to vector<512x128xf32>
    %mul3A_1879 = arith.mulf %max3A_1085, %mul3A_1878 : vector<512x128xf32>
    %add3A_1880 = arith.addf %add3A_1874, %mul3A_1879 : vector<512x128xf32>
    %get3A_1881 = arith.constant 2 : index
    %get3A_1882 = arith.constant 13 : index
    %get3A_1883 = memref.load %arg10[%get3A_1881, %get3A_1882] : memref<10x20xf32, #tpu.memory_space<smem>>
    %mul3A_1884 = vector.broadcast %get3A_1883 : f32 to vector<512x128xf32>
    %mul3A_1885 = arith.mulf %max3A_1151, %mul3A_1884 : vector<512x128xf32>
    %add3A_1886 = arith.addf %add3A_1880, %mul3A_1885 : vector<512x128xf32>
    %get3A_1887 = arith.constant 2 : index
    %get3A_1888 = arith.constant 14 : index
    %get3A_1889 = memref.load %arg10[%get3A_1887, %get3A_1888] : memref<10x20xf32, #tpu.memory_space<smem>>
    %mul3A_1890 = vector.broadcast %get3A_1889 : f32 to vector<512x128xf32>
    %mul3A_1891 = arith.mulf %max3A_1217, %mul3A_1890 : vector<512x128xf32>
    %add3A_1892 = arith.addf %add3A_1886, %mul3A_1891 : vector<512x128xf32>
    %get3A_1893 = arith.constant 2 : index
    %get3A_1894 = arith.constant 15 : index
    %get3A_1895 = memref.load %arg10[%get3A_1893, %get3A_1894] : memref<10x20xf32, #tpu.memory_space<smem>>
    %mul3A_1896 = vector.broadcast %get3A_1895 : f32 to vector<512x128xf32>
    %mul3A_1897 = arith.mulf %max3A_1283, %mul3A_1896 : vector<512x128xf32>
    %add3A_1898 = arith.addf %add3A_1892, %mul3A_1897 : vector<512x128xf32>
    %get3A_1899 = arith.constant 2 : index
    %get3A_1900 = arith.constant 16 : index
    %get3A_1901 = memref.load %arg10[%get3A_1899, %get3A_1900] : memref<10x20xf32, #tpu.memory_space<smem>>
    %mul3A_1902 = vector.broadcast %get3A_1901 : f32 to vector<512x128xf32>
    %mul3A_1903 = arith.mulf %max3A_1349, %mul3A_1902 : vector<512x128xf32>
    %add3A_1904 = arith.addf %add3A_1898, %mul3A_1903 : vector<512x128xf32>
    %get3A_1905 = arith.constant 2 : index
    %get3A_1906 = arith.constant 17 : index
    %get3A_1907 = memref.load %arg10[%get3A_1905, %get3A_1906] : memref<10x20xf32, #tpu.memory_space<smem>>
    %mul3A_1908 = vector.broadcast %get3A_1907 : f32 to vector<512x128xf32>
    %mul3A_1909 = arith.mulf %max3A_1415, %mul3A_1908 : vector<512x128xf32>
    %add3A_1910 = arith.addf %add3A_1904, %mul3A_1909 : vector<512x128xf32>
    %get3A_1911 = arith.constant 2 : index
    %get3A_1912 = arith.constant 18 : index
    %get3A_1913 = memref.load %arg10[%get3A_1911, %get3A_1912] : memref<10x20xf32, #tpu.memory_space<smem>>
    %mul3A_1914 = vector.broadcast %get3A_1913 : f32 to vector<512x128xf32>
    %mul3A_1915 = arith.mulf %max3A_1481, %mul3A_1914 : vector<512x128xf32>
    %add3A_1916 = arith.addf %add3A_1910, %mul3A_1915 : vector<512x128xf32>
    %get3A_1917 = arith.constant 2 : index
    %get3A_1918 = arith.constant 19 : index
    %get3A_1919 = memref.load %arg10[%get3A_1917, %get3A_1918] : memref<10x20xf32, #tpu.memory_space<smem>>
    %mul3A_1920 = vector.broadcast %get3A_1919 : f32 to vector<512x128xf32>
    %mul3A_1921 = arith.mulf %max3A_1547, %mul3A_1920 : vector<512x128xf32>
    %add3A_1922 = arith.addf %add3A_1916, %mul3A_1921 : vector<512x128xf32>
    %max3A_1923 = arith.constant 0.000000e+00 : f32
    %max3A_1924 = vector.broadcast %max3A_1923 : f32 to vector<512x128xf32>
    %max3A_1925 = arith.maximumf %add3A_1922, %max3A_1924 : vector<512x128xf32>
    %get3A_1926 = arith.constant 3 : index
    %get3A_1927 = arith.constant 0 : index
    %get3A_1928 = memref.load %arg10[%get3A_1926, %get3A_1927] : memref<10x20xf32, #tpu.memory_space<smem>>
    %mul3A_1929 = vector.broadcast %get3A_1928 : f32 to vector<512x128xf32>
    %mul3A_1930 = arith.mulf %max3A_293, %mul3A_1929 : vector<512x128xf32>
    %get3A_1931 = arith.constant 3 : index
    %get3A_1932 = memref.load %arg11[%get3A_1931] : memref<10xf32, #tpu.memory_space<smem>>
    %add3A_1933 = vector.broadcast %get3A_1932 : f32 to vector<512x128xf32>
    %add3A_1934 = arith.addf %mul3A_1930, %add3A_1933 : vector<512x128xf32>
    %get3A_1935 = arith.constant 3 : index
    %get3A_1936 = arith.constant 1 : index
    %get3A_1937 = memref.load %arg10[%get3A_1935, %get3A_1936] : memref<10x20xf32, #tpu.memory_space<smem>>
    %mul3A_1938 = vector.broadcast %get3A_1937 : f32 to vector<512x128xf32>
    %mul3A_1939 = arith.mulf %max3A_359, %mul3A_1938 : vector<512x128xf32>
    %add3A_1940 = arith.addf %add3A_1934, %mul3A_1939 : vector<512x128xf32>
    %get3A_1941 = arith.constant 3 : index
    %get3A_1942 = arith.constant 2 : index
    %get3A_1943 = memref.load %arg10[%get3A_1941, %get3A_1942] : memref<10x20xf32, #tpu.memory_space<smem>>
    %mul3A_1944 = vector.broadcast %get3A_1943 : f32 to vector<512x128xf32>
    %mul3A_1945 = arith.mulf %max3A_425, %mul3A_1944 : vector<512x128xf32>
    %add3A_1946 = arith.addf %add3A_1940, %mul3A_1945 : vector<512x128xf32>
    %get3A_1947 = arith.constant 3 : index
    %get3A_1948 = arith.constant 3 : index
    %get3A_1949 = memref.load %arg10[%get3A_1947, %get3A_1948] : memref<10x20xf32, #tpu.memory_space<smem>>
    %mul3A_1950 = vector.broadcast %get3A_1949 : f32 to vector<512x128xf32>
    %mul3A_1951 = arith.mulf %max3A_491, %mul3A_1950 : vector<512x128xf32>
    %add3A_1952 = arith.addf %add3A_1946, %mul3A_1951 : vector<512x128xf32>
    %get3A_1953 = arith.constant 3 : index
    %get3A_1954 = arith.constant 4 : index
    %get3A_1955 = memref.load %arg10[%get3A_1953, %get3A_1954] : memref<10x20xf32, #tpu.memory_space<smem>>
    %mul3A_1956 = vector.broadcast %get3A_1955 : f32 to vector<512x128xf32>
    %mul3A_1957 = arith.mulf %max3A_557, %mul3A_1956 : vector<512x128xf32>
    %add3A_1958 = arith.addf %add3A_1952, %mul3A_1957 : vector<512x128xf32>
    %get3A_1959 = arith.constant 3 : index
    %get3A_1960 = arith.constant 5 : index
    %get3A_1961 = memref.load %arg10[%get3A_1959, %get3A_1960] : memref<10x20xf32, #tpu.memory_space<smem>>
    %mul3A_1962 = vector.broadcast %get3A_1961 : f32 to vector<512x128xf32>
    %mul3A_1963 = arith.mulf %max3A_623, %mul3A_1962 : vector<512x128xf32>
    %add3A_1964 = arith.addf %add3A_1958, %mul3A_1963 : vector<512x128xf32>
    %get3A_1965 = arith.constant 3 : index
    %get3A_1966 = arith.constant 6 : index
    %get3A_1967 = memref.load %arg10[%get3A_1965, %get3A_1966] : memref<10x20xf32, #tpu.memory_space<smem>>
    %mul3A_1968 = vector.broadcast %get3A_1967 : f32 to vector<512x128xf32>
    %mul3A_1969 = arith.mulf %max3A_689, %mul3A_1968 : vector<512x128xf32>
    %add3A_1970 = arith.addf %add3A_1964, %mul3A_1969 : vector<512x128xf32>
    %get3A_1971 = arith.constant 3 : index
    %get3A_1972 = arith.constant 7 : index
    %get3A_1973 = memref.load %arg10[%get3A_1971, %get3A_1972] : memref<10x20xf32, #tpu.memory_space<smem>>
    %mul3A_1974 = vector.broadcast %get3A_1973 : f32 to vector<512x128xf32>
    %mul3A_1975 = arith.mulf %max3A_755, %mul3A_1974 : vector<512x128xf32>
    %add3A_1976 = arith.addf %add3A_1970, %mul3A_1975 : vector<512x128xf32>
    %get3A_1977 = arith.constant 3 : index
    %get3A_1978 = arith.constant 8 : index
    %get3A_1979 = memref.load %arg10[%get3A_1977, %get3A_1978] : memref<10x20xf32, #tpu.memory_space<smem>>
    %mul3A_1980 = vector.broadcast %get3A_1979 : f32 to vector<512x128xf32>
    %mul3A_1981 = arith.mulf %max3A_821, %mul3A_1980 : vector<512x128xf32>
    %add3A_1982 = arith.addf %add3A_1976, %mul3A_1981 : vector<512x128xf32>
    %get3A_1983 = arith.constant 3 : index
    %get3A_1984 = arith.constant 9 : index
    %get3A_1985 = memref.load %arg10[%get3A_1983, %get3A_1984] : memref<10x20xf32, #tpu.memory_space<smem>>
    %mul3A_1986 = vector.broadcast %get3A_1985 : f32 to vector<512x128xf32>
    %mul3A_1987 = arith.mulf %max3A_887, %mul3A_1986 : vector<512x128xf32>
    %add3A_1988 = arith.addf %add3A_1982, %mul3A_1987 : vector<512x128xf32>
    %get3A_1989 = arith.constant 3 : index
    %get3A_1990 = arith.constant 10 : index
    %get3A_1991 = memref.load %arg10[%get3A_1989, %get3A_1990] : memref<10x20xf32, #tpu.memory_space<smem>>
    %mul3A_1992 = vector.broadcast %get3A_1991 : f32 to vector<512x128xf32>
    %mul3A_1993 = arith.mulf %max3A_953, %mul3A_1992 : vector<512x128xf32>
    %add3A_1994 = arith.addf %add3A_1988, %mul3A_1993 : vector<512x128xf32>
    %get3A_1995 = arith.constant 3 : index
    %get3A_1996 = arith.constant 11 : index
    %get3A_1997 = memref.load %arg10[%get3A_1995, %get3A_1996] : memref<10x20xf32, #tpu.memory_space<smem>>
    %mul3A_1998 = vector.broadcast %get3A_1997 : f32 to vector<512x128xf32>
    %mul3A_1999 = arith.mulf %max3A_1019, %mul3A_1998 : vector<512x128xf32>
    %add3A_2000 = arith.addf %add3A_1994, %mul3A_1999 : vector<512x128xf32>
    %get3A_2001 = arith.constant 3 : index
    %get3A_2002 = arith.constant 12 : index
    %get3A_2003 = memref.load %arg10[%get3A_2001, %get3A_2002] : memref<10x20xf32, #tpu.memory_space<smem>>
    %mul3A_2004 = vector.broadcast %get3A_2003 : f32 to vector<512x128xf32>
    %mul3A_2005 = arith.mulf %max3A_1085, %mul3A_2004 : vector<512x128xf32>
    %add3A_2006 = arith.addf %add3A_2000, %mul3A_2005 : vector<512x128xf32>
    %get3A_2007 = arith.constant 3 : index
    %get3A_2008 = arith.constant 13 : index
    %get3A_2009 = memref.load %arg10[%get3A_2007, %get3A_2008] : memref<10x20xf32, #tpu.memory_space<smem>>
    %mul3A_2010 = vector.broadcast %get3A_2009 : f32 to vector<512x128xf32>
    %mul3A_2011 = arith.mulf %max3A_1151, %mul3A_2010 : vector<512x128xf32>
    %add3A_2012 = arith.addf %add3A_2006, %mul3A_2011 : vector<512x128xf32>
    %get3A_2013 = arith.constant 3 : index
    %get3A_2014 = arith.constant 14 : index
    %get3A_2015 = memref.load %arg10[%get3A_2013, %get3A_2014] : memref<10x20xf32, #tpu.memory_space<smem>>
    %mul3A_2016 = vector.broadcast %get3A_2015 : f32 to vector<512x128xf32>
    %mul3A_2017 = arith.mulf %max3A_1217, %mul3A_2016 : vector<512x128xf32>
    %add3A_2018 = arith.addf %add3A_2012, %mul3A_2017 : vector<512x128xf32>
    %get3A_2019 = arith.constant 3 : index
    %get3A_2020 = arith.constant 15 : index
    %get3A_2021 = memref.load %arg10[%get3A_2019, %get3A_2020] : memref<10x20xf32, #tpu.memory_space<smem>>
    %mul3A_2022 = vector.broadcast %get3A_2021 : f32 to vector<512x128xf32>
    %mul3A_2023 = arith.mulf %max3A_1283, %mul3A_2022 : vector<512x128xf32>
    %add3A_2024 = arith.addf %add3A_2018, %mul3A_2023 : vector<512x128xf32>
    %get3A_2025 = arith.constant 3 : index
    %get3A_2026 = arith.constant 16 : index
    %get3A_2027 = memref.load %arg10[%get3A_2025, %get3A_2026] : memref<10x20xf32, #tpu.memory_space<smem>>
    %mul3A_2028 = vector.broadcast %get3A_2027 : f32 to vector<512x128xf32>
    %mul3A_2029 = arith.mulf %max3A_1349, %mul3A_2028 : vector<512x128xf32>
    %add3A_2030 = arith.addf %add3A_2024, %mul3A_2029 : vector<512x128xf32>
    %get3A_2031 = arith.constant 3 : index
    %get3A_2032 = arith.constant 17 : index
    %get3A_2033 = memref.load %arg10[%get3A_2031, %get3A_2032] : memref<10x20xf32, #tpu.memory_space<smem>>
    %mul3A_2034 = vector.broadcast %get3A_2033 : f32 to vector<512x128xf32>
    %mul3A_2035 = arith.mulf %max3A_1415, %mul3A_2034 : vector<512x128xf32>
    %add3A_2036 = arith.addf %add3A_2030, %mul3A_2035 : vector<512x128xf32>
    %get3A_2037 = arith.constant 3 : index
    %get3A_2038 = arith.constant 18 : index
    %get3A_2039 = memref.load %arg10[%get3A_2037, %get3A_2038] : memref<10x20xf32, #tpu.memory_space<smem>>
    %mul3A_2040 = vector.broadcast %get3A_2039 : f32 to vector<512x128xf32>
    %mul3A_2041 = arith.mulf %max3A_1481, %mul3A_2040 : vector<512x128xf32>
    %add3A_2042 = arith.addf %add3A_2036, %mul3A_2041 : vector<512x128xf32>
    %get3A_2043 = arith.constant 3 : index
    %get3A_2044 = arith.constant 19 : index
    %get3A_2045 = memref.load %arg10[%get3A_2043, %get3A_2044] : memref<10x20xf32, #tpu.memory_space<smem>>
    %mul3A_2046 = vector.broadcast %get3A_2045 : f32 to vector<512x128xf32>
    %mul3A_2047 = arith.mulf %max3A_1547, %mul3A_2046 : vector<512x128xf32>
    %add3A_2048 = arith.addf %add3A_2042, %mul3A_2047 : vector<512x128xf32>
    %max3A_2049 = arith.constant 0.000000e+00 : f32
    %max3A_2050 = vector.broadcast %max3A_2049 : f32 to vector<512x128xf32>
    %max3A_2051 = arith.maximumf %add3A_2048, %max3A_2050 : vector<512x128xf32>
    %get3A_2052 = arith.constant 4 : index
    %get3A_2053 = arith.constant 0 : index
    %get3A_2054 = memref.load %arg10[%get3A_2052, %get3A_2053] : memref<10x20xf32, #tpu.memory_space<smem>>
    %mul3A_2055 = vector.broadcast %get3A_2054 : f32 to vector<512x128xf32>
    %mul3A_2056 = arith.mulf %max3A_293, %mul3A_2055 : vector<512x128xf32>
    %get3A_2057 = arith.constant 4 : index
    %get3A_2058 = memref.load %arg11[%get3A_2057] : memref<10xf32, #tpu.memory_space<smem>>
    %add3A_2059 = vector.broadcast %get3A_2058 : f32 to vector<512x128xf32>
    %add3A_2060 = arith.addf %mul3A_2056, %add3A_2059 : vector<512x128xf32>
    %get3A_2061 = arith.constant 4 : index
    %get3A_2062 = arith.constant 1 : index
    %get3A_2063 = memref.load %arg10[%get3A_2061, %get3A_2062] : memref<10x20xf32, #tpu.memory_space<smem>>
    %mul3A_2064 = vector.broadcast %get3A_2063 : f32 to vector<512x128xf32>
    %mul3A_2065 = arith.mulf %max3A_359, %mul3A_2064 : vector<512x128xf32>
    %add3A_2066 = arith.addf %add3A_2060, %mul3A_2065 : vector<512x128xf32>
    %get3A_2067 = arith.constant 4 : index
    %get3A_2068 = arith.constant 2 : index
    %get3A_2069 = memref.load %arg10[%get3A_2067, %get3A_2068] : memref<10x20xf32, #tpu.memory_space<smem>>
    %mul3A_2070 = vector.broadcast %get3A_2069 : f32 to vector<512x128xf32>
    %mul3A_2071 = arith.mulf %max3A_425, %mul3A_2070 : vector<512x128xf32>
    %add3A_2072 = arith.addf %add3A_2066, %mul3A_2071 : vector<512x128xf32>
    %get3A_2073 = arith.constant 4 : index
    %get3A_2074 = arith.constant 3 : index
    %get3A_2075 = memref.load %arg10[%get3A_2073, %get3A_2074] : memref<10x20xf32, #tpu.memory_space<smem>>
    %mul3A_2076 = vector.broadcast %get3A_2075 : f32 to vector<512x128xf32>
    %mul3A_2077 = arith.mulf %max3A_491, %mul3A_2076 : vector<512x128xf32>
    %add3A_2078 = arith.addf %add3A_2072, %mul3A_2077 : vector<512x128xf32>
    %get3A_2079 = arith.constant 4 : index
    %get3A_2080 = arith.constant 4 : index
    %get3A_2081 = memref.load %arg10[%get3A_2079, %get3A_2080] : memref<10x20xf32, #tpu.memory_space<smem>>
    %mul3A_2082 = vector.broadcast %get3A_2081 : f32 to vector<512x128xf32>
    %mul3A_2083 = arith.mulf %max3A_557, %mul3A_2082 : vector<512x128xf32>
    %add3A_2084 = arith.addf %add3A_2078, %mul3A_2083 : vector<512x128xf32>
    %get3A_2085 = arith.constant 4 : index
    %get3A_2086 = arith.constant 5 : index
    %get3A_2087 = memref.load %arg10[%get3A_2085, %get3A_2086] : memref<10x20xf32, #tpu.memory_space<smem>>
    %mul3A_2088 = vector.broadcast %get3A_2087 : f32 to vector<512x128xf32>
    %mul3A_2089 = arith.mulf %max3A_623, %mul3A_2088 : vector<512x128xf32>
    %add3A_2090 = arith.addf %add3A_2084, %mul3A_2089 : vector<512x128xf32>
    %get3A_2091 = arith.constant 4 : index
    %get3A_2092 = arith.constant 6 : index
    %get3A_2093 = memref.load %arg10[%get3A_2091, %get3A_2092] : memref<10x20xf32, #tpu.memory_space<smem>>
    %mul3A_2094 = vector.broadcast %get3A_2093 : f32 to vector<512x128xf32>
    %mul3A_2095 = arith.mulf %max3A_689, %mul3A_2094 : vector<512x128xf32>
    %add3A_2096 = arith.addf %add3A_2090, %mul3A_2095 : vector<512x128xf32>
    %get3A_2097 = arith.constant 4 : index
    %get3A_2098 = arith.constant 7 : index
    %get3A_2099 = memref.load %arg10[%get3A_2097, %get3A_2098] : memref<10x20xf32, #tpu.memory_space<smem>>
    %mul3A_2100 = vector.broadcast %get3A_2099 : f32 to vector<512x128xf32>
    %mul3A_2101 = arith.mulf %max3A_755, %mul3A_2100 : vector<512x128xf32>
    %add3A_2102 = arith.addf %add3A_2096, %mul3A_2101 : vector<512x128xf32>
    %get3A_2103 = arith.constant 4 : index
    %get3A_2104 = arith.constant 8 : index
    %get3A_2105 = memref.load %arg10[%get3A_2103, %get3A_2104] : memref<10x20xf32, #tpu.memory_space<smem>>
    %mul3A_2106 = vector.broadcast %get3A_2105 : f32 to vector<512x128xf32>
    %mul3A_2107 = arith.mulf %max3A_821, %mul3A_2106 : vector<512x128xf32>
    %add3A_2108 = arith.addf %add3A_2102, %mul3A_2107 : vector<512x128xf32>
    %get3A_2109 = arith.constant 4 : index
    %get3A_2110 = arith.constant 9 : index
    %get3A_2111 = memref.load %arg10[%get3A_2109, %get3A_2110] : memref<10x20xf32, #tpu.memory_space<smem>>
    %mul3A_2112 = vector.broadcast %get3A_2111 : f32 to vector<512x128xf32>
    %mul3A_2113 = arith.mulf %max3A_887, %mul3A_2112 : vector<512x128xf32>
    %add3A_2114 = arith.addf %add3A_2108, %mul3A_2113 : vector<512x128xf32>
    %get3A_2115 = arith.constant 4 : index
    %get3A_2116 = arith.constant 10 : index
    %get3A_2117 = memref.load %arg10[%get3A_2115, %get3A_2116] : memref<10x20xf32, #tpu.memory_space<smem>>
    %mul3A_2118 = vector.broadcast %get3A_2117 : f32 to vector<512x128xf32>
    %mul3A_2119 = arith.mulf %max3A_953, %mul3A_2118 : vector<512x128xf32>
    %add3A_2120 = arith.addf %add3A_2114, %mul3A_2119 : vector<512x128xf32>
    %get3A_2121 = arith.constant 4 : index
    %get3A_2122 = arith.constant 11 : index
    %get3A_2123 = memref.load %arg10[%get3A_2121, %get3A_2122] : memref<10x20xf32, #tpu.memory_space<smem>>
    %mul3A_2124 = vector.broadcast %get3A_2123 : f32 to vector<512x128xf32>
    %mul3A_2125 = arith.mulf %max3A_1019, %mul3A_2124 : vector<512x128xf32>
    %add3A_2126 = arith.addf %add3A_2120, %mul3A_2125 : vector<512x128xf32>
    %get3A_2127 = arith.constant 4 : index
    %get3A_2128 = arith.constant 12 : index
    %get3A_2129 = memref.load %arg10[%get3A_2127, %get3A_2128] : memref<10x20xf32, #tpu.memory_space<smem>>
    %mul3A_2130 = vector.broadcast %get3A_2129 : f32 to vector<512x128xf32>
    %mul3A_2131 = arith.mulf %max3A_1085, %mul3A_2130 : vector<512x128xf32>
    %add3A_2132 = arith.addf %add3A_2126, %mul3A_2131 : vector<512x128xf32>
    %get3A_2133 = arith.constant 4 : index
    %get3A_2134 = arith.constant 13 : index
    %get3A_2135 = memref.load %arg10[%get3A_2133, %get3A_2134] : memref<10x20xf32, #tpu.memory_space<smem>>
    %mul3A_2136 = vector.broadcast %get3A_2135 : f32 to vector<512x128xf32>
    %mul3A_2137 = arith.mulf %max3A_1151, %mul3A_2136 : vector<512x128xf32>
    %add3A_2138 = arith.addf %add3A_2132, %mul3A_2137 : vector<512x128xf32>
    %get3A_2139 = arith.constant 4 : index
    %get3A_2140 = arith.constant 14 : index
    %get3A_2141 = memref.load %arg10[%get3A_2139, %get3A_2140] : memref<10x20xf32, #tpu.memory_space<smem>>
    %mul3A_2142 = vector.broadcast %get3A_2141 : f32 to vector<512x128xf32>
    %mul3A_2143 = arith.mulf %max3A_1217, %mul3A_2142 : vector<512x128xf32>
    %add3A_2144 = arith.addf %add3A_2138, %mul3A_2143 : vector<512x128xf32>
    %get3A_2145 = arith.constant 4 : index
    %get3A_2146 = arith.constant 15 : index
    %get3A_2147 = memref.load %arg10[%get3A_2145, %get3A_2146] : memref<10x20xf32, #tpu.memory_space<smem>>
    %mul3A_2148 = vector.broadcast %get3A_2147 : f32 to vector<512x128xf32>
    %mul3A_2149 = arith.mulf %max3A_1283, %mul3A_2148 : vector<512x128xf32>
    %add3A_2150 = arith.addf %add3A_2144, %mul3A_2149 : vector<512x128xf32>
    %get3A_2151 = arith.constant 4 : index
    %get3A_2152 = arith.constant 16 : index
    %get3A_2153 = memref.load %arg10[%get3A_2151, %get3A_2152] : memref<10x20xf32, #tpu.memory_space<smem>>
    %mul3A_2154 = vector.broadcast %get3A_2153 : f32 to vector<512x128xf32>
    %mul3A_2155 = arith.mulf %max3A_1349, %mul3A_2154 : vector<512x128xf32>
    %add3A_2156 = arith.addf %add3A_2150, %mul3A_2155 : vector<512x128xf32>
    %get3A_2157 = arith.constant 4 : index
    %get3A_2158 = arith.constant 17 : index
    %get3A_2159 = memref.load %arg10[%get3A_2157, %get3A_2158] : memref<10x20xf32, #tpu.memory_space<smem>>
    %mul3A_2160 = vector.broadcast %get3A_2159 : f32 to vector<512x128xf32>
    %mul3A_2161 = arith.mulf %max3A_1415, %mul3A_2160 : vector<512x128xf32>
    %add3A_2162 = arith.addf %add3A_2156, %mul3A_2161 : vector<512x128xf32>
    %get3A_2163 = arith.constant 4 : index
    %get3A_2164 = arith.constant 18 : index
    %get3A_2165 = memref.load %arg10[%get3A_2163, %get3A_2164] : memref<10x20xf32, #tpu.memory_space<smem>>
    %mul3A_2166 = vector.broadcast %get3A_2165 : f32 to vector<512x128xf32>
    %mul3A_2167 = arith.mulf %max3A_1481, %mul3A_2166 : vector<512x128xf32>
    %add3A_2168 = arith.addf %add3A_2162, %mul3A_2167 : vector<512x128xf32>
    %get3A_2169 = arith.constant 4 : index
    %get3A_2170 = arith.constant 19 : index
    %get3A_2171 = memref.load %arg10[%get3A_2169, %get3A_2170] : memref<10x20xf32, #tpu.memory_space<smem>>
    %mul3A_2172 = vector.broadcast %get3A_2171 : f32 to vector<512x128xf32>
    %mul3A_2173 = arith.mulf %max3A_1547, %mul3A_2172 : vector<512x128xf32>
    %add3A_2174 = arith.addf %add3A_2168, %mul3A_2173 : vector<512x128xf32>
    %max3A_2175 = arith.constant 0.000000e+00 : f32
    %max3A_2176 = vector.broadcast %max3A_2175 : f32 to vector<512x128xf32>
    %max3A_2177 = arith.maximumf %add3A_2174, %max3A_2176 : vector<512x128xf32>
    %get3A_2178 = arith.constant 5 : index
    %get3A_2179 = arith.constant 0 : index
    %get3A_2180 = memref.load %arg10[%get3A_2178, %get3A_2179] : memref<10x20xf32, #tpu.memory_space<smem>>
    %mul3A_2181 = vector.broadcast %get3A_2180 : f32 to vector<512x128xf32>
    %mul3A_2182 = arith.mulf %max3A_293, %mul3A_2181 : vector<512x128xf32>
    %get3A_2183 = arith.constant 5 : index
    %get3A_2184 = memref.load %arg11[%get3A_2183] : memref<10xf32, #tpu.memory_space<smem>>
    %add3A_2185 = vector.broadcast %get3A_2184 : f32 to vector<512x128xf32>
    %add3A_2186 = arith.addf %mul3A_2182, %add3A_2185 : vector<512x128xf32>
    %get3A_2187 = arith.constant 5 : index
    %get3A_2188 = arith.constant 1 : index
    %get3A_2189 = memref.load %arg10[%get3A_2187, %get3A_2188] : memref<10x20xf32, #tpu.memory_space<smem>>
    %mul3A_2190 = vector.broadcast %get3A_2189 : f32 to vector<512x128xf32>
    %mul3A_2191 = arith.mulf %max3A_359, %mul3A_2190 : vector<512x128xf32>
    %add3A_2192 = arith.addf %add3A_2186, %mul3A_2191 : vector<512x128xf32>
    %get3A_2193 = arith.constant 5 : index
    %get3A_2194 = arith.constant 2 : index
    %get3A_2195 = memref.load %arg10[%get3A_2193, %get3A_2194] : memref<10x20xf32, #tpu.memory_space<smem>>
    %mul3A_2196 = vector.broadcast %get3A_2195 : f32 to vector<512x128xf32>
    %mul3A_2197 = arith.mulf %max3A_425, %mul3A_2196 : vector<512x128xf32>
    %add3A_2198 = arith.addf %add3A_2192, %mul3A_2197 : vector<512x128xf32>
    %get3A_2199 = arith.constant 5 : index
    %get3A_2200 = arith.constant 3 : index
    %get3A_2201 = memref.load %arg10[%get3A_2199, %get3A_2200] : memref<10x20xf32, #tpu.memory_space<smem>>
    %mul3A_2202 = vector.broadcast %get3A_2201 : f32 to vector<512x128xf32>
    %mul3A_2203 = arith.mulf %max3A_491, %mul3A_2202 : vector<512x128xf32>
    %add3A_2204 = arith.addf %add3A_2198, %mul3A_2203 : vector<512x128xf32>
    %get3A_2205 = arith.constant 5 : index
    %get3A_2206 = arith.constant 4 : index
    %get3A_2207 = memref.load %arg10[%get3A_2205, %get3A_2206] : memref<10x20xf32, #tpu.memory_space<smem>>
    %mul3A_2208 = vector.broadcast %get3A_2207 : f32 to vector<512x128xf32>
    %mul3A_2209 = arith.mulf %max3A_557, %mul3A_2208 : vector<512x128xf32>
    %add3A_2210 = arith.addf %add3A_2204, %mul3A_2209 : vector<512x128xf32>
    %get3A_2211 = arith.constant 5 : index
    %get3A_2212 = arith.constant 5 : index
    %get3A_2213 = memref.load %arg10[%get3A_2211, %get3A_2212] : memref<10x20xf32, #tpu.memory_space<smem>>
    %mul3A_2214 = vector.broadcast %get3A_2213 : f32 to vector<512x128xf32>
    %mul3A_2215 = arith.mulf %max3A_623, %mul3A_2214 : vector<512x128xf32>
    %add3A_2216 = arith.addf %add3A_2210, %mul3A_2215 : vector<512x128xf32>
    %get3A_2217 = arith.constant 5 : index
    %get3A_2218 = arith.constant 6 : index
    %get3A_2219 = memref.load %arg10[%get3A_2217, %get3A_2218] : memref<10x20xf32, #tpu.memory_space<smem>>
    %mul3A_2220 = vector.broadcast %get3A_2219 : f32 to vector<512x128xf32>
    %mul3A_2221 = arith.mulf %max3A_689, %mul3A_2220 : vector<512x128xf32>
    %add3A_2222 = arith.addf %add3A_2216, %mul3A_2221 : vector<512x128xf32>
    %get3A_2223 = arith.constant 5 : index
    %get3A_2224 = arith.constant 7 : index
    %get3A_2225 = memref.load %arg10[%get3A_2223, %get3A_2224] : memref<10x20xf32, #tpu.memory_space<smem>>
    %mul3A_2226 = vector.broadcast %get3A_2225 : f32 to vector<512x128xf32>
    %mul3A_2227 = arith.mulf %max3A_755, %mul3A_2226 : vector<512x128xf32>
    %add3A_2228 = arith.addf %add3A_2222, %mul3A_2227 : vector<512x128xf32>
    %get3A_2229 = arith.constant 5 : index
    %get3A_2230 = arith.constant 8 : index
    %get3A_2231 = memref.load %arg10[%get3A_2229, %get3A_2230] : memref<10x20xf32, #tpu.memory_space<smem>>
    %mul3A_2232 = vector.broadcast %get3A_2231 : f32 to vector<512x128xf32>
    %mul3A_2233 = arith.mulf %max3A_821, %mul3A_2232 : vector<512x128xf32>
    %add3A_2234 = arith.addf %add3A_2228, %mul3A_2233 : vector<512x128xf32>
    %get3A_2235 = arith.constant 5 : index
    %get3A_2236 = arith.constant 9 : index
    %get3A_2237 = memref.load %arg10[%get3A_2235, %get3A_2236] : memref<10x20xf32, #tpu.memory_space<smem>>
    %mul3A_2238 = vector.broadcast %get3A_2237 : f32 to vector<512x128xf32>
    %mul3A_2239 = arith.mulf %max3A_887, %mul3A_2238 : vector<512x128xf32>
    %add3A_2240 = arith.addf %add3A_2234, %mul3A_2239 : vector<512x128xf32>
    %get3A_2241 = arith.constant 5 : index
    %get3A_2242 = arith.constant 10 : index
    %get3A_2243 = memref.load %arg10[%get3A_2241, %get3A_2242] : memref<10x20xf32, #tpu.memory_space<smem>>
    %mul3A_2244 = vector.broadcast %get3A_2243 : f32 to vector<512x128xf32>
    %mul3A_2245 = arith.mulf %max3A_953, %mul3A_2244 : vector<512x128xf32>
    %add3A_2246 = arith.addf %add3A_2240, %mul3A_2245 : vector<512x128xf32>
    %get3A_2247 = arith.constant 5 : index
    %get3A_2248 = arith.constant 11 : index
    %get3A_2249 = memref.load %arg10[%get3A_2247, %get3A_2248] : memref<10x20xf32, #tpu.memory_space<smem>>
    %mul3A_2250 = vector.broadcast %get3A_2249 : f32 to vector<512x128xf32>
    %mul3A_2251 = arith.mulf %max3A_1019, %mul3A_2250 : vector<512x128xf32>
    %add3A_2252 = arith.addf %add3A_2246, %mul3A_2251 : vector<512x128xf32>
    %get3A_2253 = arith.constant 5 : index
    %get3A_2254 = arith.constant 12 : index
    %get3A_2255 = memref.load %arg10[%get3A_2253, %get3A_2254] : memref<10x20xf32, #tpu.memory_space<smem>>
    %mul3A_2256 = vector.broadcast %get3A_2255 : f32 to vector<512x128xf32>
    %mul3A_2257 = arith.mulf %max3A_1085, %mul3A_2256 : vector<512x128xf32>
    %add3A_2258 = arith.addf %add3A_2252, %mul3A_2257 : vector<512x128xf32>
    %get3A_2259 = arith.constant 5 : index
    %get3A_2260 = arith.constant 13 : index
    %get3A_2261 = memref.load %arg10[%get3A_2259, %get3A_2260] : memref<10x20xf32, #tpu.memory_space<smem>>
    %mul3A_2262 = vector.broadcast %get3A_2261 : f32 to vector<512x128xf32>
    %mul3A_2263 = arith.mulf %max3A_1151, %mul3A_2262 : vector<512x128xf32>
    %add3A_2264 = arith.addf %add3A_2258, %mul3A_2263 : vector<512x128xf32>
    %get3A_2265 = arith.constant 5 : index
    %get3A_2266 = arith.constant 14 : index
    %get3A_2267 = memref.load %arg10[%get3A_2265, %get3A_2266] : memref<10x20xf32, #tpu.memory_space<smem>>
    %mul3A_2268 = vector.broadcast %get3A_2267 : f32 to vector<512x128xf32>
    %mul3A_2269 = arith.mulf %max3A_1217, %mul3A_2268 : vector<512x128xf32>
    %add3A_2270 = arith.addf %add3A_2264, %mul3A_2269 : vector<512x128xf32>
    %get3A_2271 = arith.constant 5 : index
    %get3A_2272 = arith.constant 15 : index
    %get3A_2273 = memref.load %arg10[%get3A_2271, %get3A_2272] : memref<10x20xf32, #tpu.memory_space<smem>>
    %mul3A_2274 = vector.broadcast %get3A_2273 : f32 to vector<512x128xf32>
    %mul3A_2275 = arith.mulf %max3A_1283, %mul3A_2274 : vector<512x128xf32>
    %add3A_2276 = arith.addf %add3A_2270, %mul3A_2275 : vector<512x128xf32>
    %get3A_2277 = arith.constant 5 : index
    %get3A_2278 = arith.constant 16 : index
    %get3A_2279 = memref.load %arg10[%get3A_2277, %get3A_2278] : memref<10x20xf32, #tpu.memory_space<smem>>
    %mul3A_2280 = vector.broadcast %get3A_2279 : f32 to vector<512x128xf32>
    %mul3A_2281 = arith.mulf %max3A_1349, %mul3A_2280 : vector<512x128xf32>
    %add3A_2282 = arith.addf %add3A_2276, %mul3A_2281 : vector<512x128xf32>
    %get3A_2283 = arith.constant 5 : index
    %get3A_2284 = arith.constant 17 : index
    %get3A_2285 = memref.load %arg10[%get3A_2283, %get3A_2284] : memref<10x20xf32, #tpu.memory_space<smem>>
    %mul3A_2286 = vector.broadcast %get3A_2285 : f32 to vector<512x128xf32>
    %mul3A_2287 = arith.mulf %max3A_1415, %mul3A_2286 : vector<512x128xf32>
    %add3A_2288 = arith.addf %add3A_2282, %mul3A_2287 : vector<512x128xf32>
    %get3A_2289 = arith.constant 5 : index
    %get3A_2290 = arith.constant 18 : index
    %get3A_2291 = memref.load %arg10[%get3A_2289, %get3A_2290] : memref<10x20xf32, #tpu.memory_space<smem>>
    %mul3A_2292 = vector.broadcast %get3A_2291 : f32 to vector<512x128xf32>
    %mul3A_2293 = arith.mulf %max3A_1481, %mul3A_2292 : vector<512x128xf32>
    %add3A_2294 = arith.addf %add3A_2288, %mul3A_2293 : vector<512x128xf32>
    %get3A_2295 = arith.constant 5 : index
    %get3A_2296 = arith.constant 19 : index
    %get3A_2297 = memref.load %arg10[%get3A_2295, %get3A_2296] : memref<10x20xf32, #tpu.memory_space<smem>>
    %mul3A_2298 = vector.broadcast %get3A_2297 : f32 to vector<512x128xf32>
    %mul3A_2299 = arith.mulf %max3A_1547, %mul3A_2298 : vector<512x128xf32>
    %add3A_2300 = arith.addf %add3A_2294, %mul3A_2299 : vector<512x128xf32>
    %max3A_2301 = arith.constant 0.000000e+00 : f32
    %max3A_2302 = vector.broadcast %max3A_2301 : f32 to vector<512x128xf32>
    %max3A_2303 = arith.maximumf %add3A_2300, %max3A_2302 : vector<512x128xf32>
    %get3A_2304 = arith.constant 6 : index
    %get3A_2305 = arith.constant 0 : index
    %get3A_2306 = memref.load %arg10[%get3A_2304, %get3A_2305] : memref<10x20xf32, #tpu.memory_space<smem>>
    %mul3A_2307 = vector.broadcast %get3A_2306 : f32 to vector<512x128xf32>
    %mul3A_2308 = arith.mulf %max3A_293, %mul3A_2307 : vector<512x128xf32>
    %get3A_2309 = arith.constant 6 : index
    %get3A_2310 = memref.load %arg11[%get3A_2309] : memref<10xf32, #tpu.memory_space<smem>>
    %add3A_2311 = vector.broadcast %get3A_2310 : f32 to vector<512x128xf32>
    %add3A_2312 = arith.addf %mul3A_2308, %add3A_2311 : vector<512x128xf32>
    %get3A_2313 = arith.constant 6 : index
    %get3A_2314 = arith.constant 1 : index
    %get3A_2315 = memref.load %arg10[%get3A_2313, %get3A_2314] : memref<10x20xf32, #tpu.memory_space<smem>>
    %mul3A_2316 = vector.broadcast %get3A_2315 : f32 to vector<512x128xf32>
    %mul3A_2317 = arith.mulf %max3A_359, %mul3A_2316 : vector<512x128xf32>
    %add3A_2318 = arith.addf %add3A_2312, %mul3A_2317 : vector<512x128xf32>
    %get3A_2319 = arith.constant 6 : index
    %get3A_2320 = arith.constant 2 : index
    %get3A_2321 = memref.load %arg10[%get3A_2319, %get3A_2320] : memref<10x20xf32, #tpu.memory_space<smem>>
    %mul3A_2322 = vector.broadcast %get3A_2321 : f32 to vector<512x128xf32>
    %mul3A_2323 = arith.mulf %max3A_425, %mul3A_2322 : vector<512x128xf32>
    %add3A_2324 = arith.addf %add3A_2318, %mul3A_2323 : vector<512x128xf32>
    %get3A_2325 = arith.constant 6 : index
    %get3A_2326 = arith.constant 3 : index
    %get3A_2327 = memref.load %arg10[%get3A_2325, %get3A_2326] : memref<10x20xf32, #tpu.memory_space<smem>>
    %mul3A_2328 = vector.broadcast %get3A_2327 : f32 to vector<512x128xf32>
    %mul3A_2329 = arith.mulf %max3A_491, %mul3A_2328 : vector<512x128xf32>
    %add3A_2330 = arith.addf %add3A_2324, %mul3A_2329 : vector<512x128xf32>
    %get3A_2331 = arith.constant 6 : index
    %get3A_2332 = arith.constant 4 : index
    %get3A_2333 = memref.load %arg10[%get3A_2331, %get3A_2332] : memref<10x20xf32, #tpu.memory_space<smem>>
    %mul3A_2334 = vector.broadcast %get3A_2333 : f32 to vector<512x128xf32>
    %mul3A_2335 = arith.mulf %max3A_557, %mul3A_2334 : vector<512x128xf32>
    %add3A_2336 = arith.addf %add3A_2330, %mul3A_2335 : vector<512x128xf32>
    %get3A_2337 = arith.constant 6 : index
    %get3A_2338 = arith.constant 5 : index
    %get3A_2339 = memref.load %arg10[%get3A_2337, %get3A_2338] : memref<10x20xf32, #tpu.memory_space<smem>>
    %mul3A_2340 = vector.broadcast %get3A_2339 : f32 to vector<512x128xf32>
    %mul3A_2341 = arith.mulf %max3A_623, %mul3A_2340 : vector<512x128xf32>
    %add3A_2342 = arith.addf %add3A_2336, %mul3A_2341 : vector<512x128xf32>
    %get3A_2343 = arith.constant 6 : index
    %get3A_2344 = arith.constant 6 : index
    %get3A_2345 = memref.load %arg10[%get3A_2343, %get3A_2344] : memref<10x20xf32, #tpu.memory_space<smem>>
    %mul3A_2346 = vector.broadcast %get3A_2345 : f32 to vector<512x128xf32>
    %mul3A_2347 = arith.mulf %max3A_689, %mul3A_2346 : vector<512x128xf32>
    %add3A_2348 = arith.addf %add3A_2342, %mul3A_2347 : vector<512x128xf32>
    %get3A_2349 = arith.constant 6 : index
    %get3A_2350 = arith.constant 7 : index
    %get3A_2351 = memref.load %arg10[%get3A_2349, %get3A_2350] : memref<10x20xf32, #tpu.memory_space<smem>>
    %mul3A_2352 = vector.broadcast %get3A_2351 : f32 to vector<512x128xf32>
    %mul3A_2353 = arith.mulf %max3A_755, %mul3A_2352 : vector<512x128xf32>
    %add3A_2354 = arith.addf %add3A_2348, %mul3A_2353 : vector<512x128xf32>
    %get3A_2355 = arith.constant 6 : index
    %get3A_2356 = arith.constant 8 : index
    %get3A_2357 = memref.load %arg10[%get3A_2355, %get3A_2356] : memref<10x20xf32, #tpu.memory_space<smem>>
    %mul3A_2358 = vector.broadcast %get3A_2357 : f32 to vector<512x128xf32>
    %mul3A_2359 = arith.mulf %max3A_821, %mul3A_2358 : vector<512x128xf32>
    %add3A_2360 = arith.addf %add3A_2354, %mul3A_2359 : vector<512x128xf32>
    %get3A_2361 = arith.constant 6 : index
    %get3A_2362 = arith.constant 9 : index
    %get3A_2363 = memref.load %arg10[%get3A_2361, %get3A_2362] : memref<10x20xf32, #tpu.memory_space<smem>>
    %mul3A_2364 = vector.broadcast %get3A_2363 : f32 to vector<512x128xf32>
    %mul3A_2365 = arith.mulf %max3A_887, %mul3A_2364 : vector<512x128xf32>
    %add3A_2366 = arith.addf %add3A_2360, %mul3A_2365 : vector<512x128xf32>
    %get3A_2367 = arith.constant 6 : index
    %get3A_2368 = arith.constant 10 : index
    %get3A_2369 = memref.load %arg10[%get3A_2367, %get3A_2368] : memref<10x20xf32, #tpu.memory_space<smem>>
    %mul3A_2370 = vector.broadcast %get3A_2369 : f32 to vector<512x128xf32>
    %mul3A_2371 = arith.mulf %max3A_953, %mul3A_2370 : vector<512x128xf32>
    %add3A_2372 = arith.addf %add3A_2366, %mul3A_2371 : vector<512x128xf32>
    %get3A_2373 = arith.constant 6 : index
    %get3A_2374 = arith.constant 11 : index
    %get3A_2375 = memref.load %arg10[%get3A_2373, %get3A_2374] : memref<10x20xf32, #tpu.memory_space<smem>>
    %mul3A_2376 = vector.broadcast %get3A_2375 : f32 to vector<512x128xf32>
    %mul3A_2377 = arith.mulf %max3A_1019, %mul3A_2376 : vector<512x128xf32>
    %add3A_2378 = arith.addf %add3A_2372, %mul3A_2377 : vector<512x128xf32>
    %get3A_2379 = arith.constant 6 : index
    %get3A_2380 = arith.constant 12 : index
    %get3A_2381 = memref.load %arg10[%get3A_2379, %get3A_2380] : memref<10x20xf32, #tpu.memory_space<smem>>
    %mul3A_2382 = vector.broadcast %get3A_2381 : f32 to vector<512x128xf32>
    %mul3A_2383 = arith.mulf %max3A_1085, %mul3A_2382 : vector<512x128xf32>
    %add3A_2384 = arith.addf %add3A_2378, %mul3A_2383 : vector<512x128xf32>
    %get3A_2385 = arith.constant 6 : index
    %get3A_2386 = arith.constant 13 : index
    %get3A_2387 = memref.load %arg10[%get3A_2385, %get3A_2386] : memref<10x20xf32, #tpu.memory_space<smem>>
    %mul3A_2388 = vector.broadcast %get3A_2387 : f32 to vector<512x128xf32>
    %mul3A_2389 = arith.mulf %max3A_1151, %mul3A_2388 : vector<512x128xf32>
    %add3A_2390 = arith.addf %add3A_2384, %mul3A_2389 : vector<512x128xf32>
    %get3A_2391 = arith.constant 6 : index
    %get3A_2392 = arith.constant 14 : index
    %get3A_2393 = memref.load %arg10[%get3A_2391, %get3A_2392] : memref<10x20xf32, #tpu.memory_space<smem>>
    %mul3A_2394 = vector.broadcast %get3A_2393 : f32 to vector<512x128xf32>
    %mul3A_2395 = arith.mulf %max3A_1217, %mul3A_2394 : vector<512x128xf32>
    %add3A_2396 = arith.addf %add3A_2390, %mul3A_2395 : vector<512x128xf32>
    %get3A_2397 = arith.constant 6 : index
    %get3A_2398 = arith.constant 15 : index
    %get3A_2399 = memref.load %arg10[%get3A_2397, %get3A_2398] : memref<10x20xf32, #tpu.memory_space<smem>>
    %mul3A_2400 = vector.broadcast %get3A_2399 : f32 to vector<512x128xf32>
    %mul3A_2401 = arith.mulf %max3A_1283, %mul3A_2400 : vector<512x128xf32>
    %add3A_2402 = arith.addf %add3A_2396, %mul3A_2401 : vector<512x128xf32>
    %get3A_2403 = arith.constant 6 : index
    %get3A_2404 = arith.constant 16 : index
    %get3A_2405 = memref.load %arg10[%get3A_2403, %get3A_2404] : memref<10x20xf32, #tpu.memory_space<smem>>
    %mul3A_2406 = vector.broadcast %get3A_2405 : f32 to vector<512x128xf32>
    %mul3A_2407 = arith.mulf %max3A_1349, %mul3A_2406 : vector<512x128xf32>
    %add3A_2408 = arith.addf %add3A_2402, %mul3A_2407 : vector<512x128xf32>
    %get3A_2409 = arith.constant 6 : index
    %get3A_2410 = arith.constant 17 : index
    %get3A_2411 = memref.load %arg10[%get3A_2409, %get3A_2410] : memref<10x20xf32, #tpu.memory_space<smem>>
    %mul3A_2412 = vector.broadcast %get3A_2411 : f32 to vector<512x128xf32>
    %mul3A_2413 = arith.mulf %max3A_1415, %mul3A_2412 : vector<512x128xf32>
    %add3A_2414 = arith.addf %add3A_2408, %mul3A_2413 : vector<512x128xf32>
    %get3A_2415 = arith.constant 6 : index
    %get3A_2416 = arith.constant 18 : index
    %get3A_2417 = memref.load %arg10[%get3A_2415, %get3A_2416] : memref<10x20xf32, #tpu.memory_space<smem>>
    %mul3A_2418 = vector.broadcast %get3A_2417 : f32 to vector<512x128xf32>
    %mul3A_2419 = arith.mulf %max3A_1481, %mul3A_2418 : vector<512x128xf32>
    %add3A_2420 = arith.addf %add3A_2414, %mul3A_2419 : vector<512x128xf32>
    %get3A_2421 = arith.constant 6 : index
    %get3A_2422 = arith.constant 19 : index
    %get3A_2423 = memref.load %arg10[%get3A_2421, %get3A_2422] : memref<10x20xf32, #tpu.memory_space<smem>>
    %mul3A_2424 = vector.broadcast %get3A_2423 : f32 to vector<512x128xf32>
    %mul3A_2425 = arith.mulf %max3A_1547, %mul3A_2424 : vector<512x128xf32>
    %add3A_2426 = arith.addf %add3A_2420, %mul3A_2425 : vector<512x128xf32>
    %max3A_2427 = arith.constant 0.000000e+00 : f32
    %max3A_2428 = vector.broadcast %max3A_2427 : f32 to vector<512x128xf32>
    %max3A_2429 = arith.maximumf %add3A_2426, %max3A_2428 : vector<512x128xf32>
    %get3A_2430 = arith.constant 7 : index
    %get3A_2431 = arith.constant 0 : index
    %get3A_2432 = memref.load %arg10[%get3A_2430, %get3A_2431] : memref<10x20xf32, #tpu.memory_space<smem>>
    %mul3A_2433 = vector.broadcast %get3A_2432 : f32 to vector<512x128xf32>
    %mul3A_2434 = arith.mulf %max3A_293, %mul3A_2433 : vector<512x128xf32>
    %get3A_2435 = arith.constant 7 : index
    %get3A_2436 = memref.load %arg11[%get3A_2435] : memref<10xf32, #tpu.memory_space<smem>>
    %add3A_2437 = vector.broadcast %get3A_2436 : f32 to vector<512x128xf32>
    %add3A_2438 = arith.addf %mul3A_2434, %add3A_2437 : vector<512x128xf32>
    %get3A_2439 = arith.constant 7 : index
    %get3A_2440 = arith.constant 1 : index
    %get3A_2441 = memref.load %arg10[%get3A_2439, %get3A_2440] : memref<10x20xf32, #tpu.memory_space<smem>>
    %mul3A_2442 = vector.broadcast %get3A_2441 : f32 to vector<512x128xf32>
    %mul3A_2443 = arith.mulf %max3A_359, %mul3A_2442 : vector<512x128xf32>
    %add3A_2444 = arith.addf %add3A_2438, %mul3A_2443 : vector<512x128xf32>
    %get3A_2445 = arith.constant 7 : index
    %get3A_2446 = arith.constant 2 : index
    %get3A_2447 = memref.load %arg10[%get3A_2445, %get3A_2446] : memref<10x20xf32, #tpu.memory_space<smem>>
    %mul3A_2448 = vector.broadcast %get3A_2447 : f32 to vector<512x128xf32>
    %mul3A_2449 = arith.mulf %max3A_425, %mul3A_2448 : vector<512x128xf32>
    %add3A_2450 = arith.addf %add3A_2444, %mul3A_2449 : vector<512x128xf32>
    %get3A_2451 = arith.constant 7 : index
    %get3A_2452 = arith.constant 3 : index
    %get3A_2453 = memref.load %arg10[%get3A_2451, %get3A_2452] : memref<10x20xf32, #tpu.memory_space<smem>>
    %mul3A_2454 = vector.broadcast %get3A_2453 : f32 to vector<512x128xf32>
    %mul3A_2455 = arith.mulf %max3A_491, %mul3A_2454 : vector<512x128xf32>
    %add3A_2456 = arith.addf %add3A_2450, %mul3A_2455 : vector<512x128xf32>
    %get3A_2457 = arith.constant 7 : index
    %get3A_2458 = arith.constant 4 : index
    %get3A_2459 = memref.load %arg10[%get3A_2457, %get3A_2458] : memref<10x20xf32, #tpu.memory_space<smem>>
    %mul3A_2460 = vector.broadcast %get3A_2459 : f32 to vector<512x128xf32>
    %mul3A_2461 = arith.mulf %max3A_557, %mul3A_2460 : vector<512x128xf32>
    %add3A_2462 = arith.addf %add3A_2456, %mul3A_2461 : vector<512x128xf32>
    %get3A_2463 = arith.constant 7 : index
    %get3A_2464 = arith.constant 5 : index
    %get3A_2465 = memref.load %arg10[%get3A_2463, %get3A_2464] : memref<10x20xf32, #tpu.memory_space<smem>>
    %mul3A_2466 = vector.broadcast %get3A_2465 : f32 to vector<512x128xf32>
    %mul3A_2467 = arith.mulf %max3A_623, %mul3A_2466 : vector<512x128xf32>
    %add3A_2468 = arith.addf %add3A_2462, %mul3A_2467 : vector<512x128xf32>
    %get3A_2469 = arith.constant 7 : index
    %get3A_2470 = arith.constant 6 : index
    %get3A_2471 = memref.load %arg10[%get3A_2469, %get3A_2470] : memref<10x20xf32, #tpu.memory_space<smem>>
    %mul3A_2472 = vector.broadcast %get3A_2471 : f32 to vector<512x128xf32>
    %mul3A_2473 = arith.mulf %max3A_689, %mul3A_2472 : vector<512x128xf32>
    %add3A_2474 = arith.addf %add3A_2468, %mul3A_2473 : vector<512x128xf32>
    %get3A_2475 = arith.constant 7 : index
    %get3A_2476 = arith.constant 7 : index
    %get3A_2477 = memref.load %arg10[%get3A_2475, %get3A_2476] : memref<10x20xf32, #tpu.memory_space<smem>>
    %mul3A_2478 = vector.broadcast %get3A_2477 : f32 to vector<512x128xf32>
    %mul3A_2479 = arith.mulf %max3A_755, %mul3A_2478 : vector<512x128xf32>
    %add3A_2480 = arith.addf %add3A_2474, %mul3A_2479 : vector<512x128xf32>
    %get3A_2481 = arith.constant 7 : index
    %get3A_2482 = arith.constant 8 : index
    %get3A_2483 = memref.load %arg10[%get3A_2481, %get3A_2482] : memref<10x20xf32, #tpu.memory_space<smem>>
    %mul3A_2484 = vector.broadcast %get3A_2483 : f32 to vector<512x128xf32>
    %mul3A_2485 = arith.mulf %max3A_821, %mul3A_2484 : vector<512x128xf32>
    %add3A_2486 = arith.addf %add3A_2480, %mul3A_2485 : vector<512x128xf32>
    %get3A_2487 = arith.constant 7 : index
    %get3A_2488 = arith.constant 9 : index
    %get3A_2489 = memref.load %arg10[%get3A_2487, %get3A_2488] : memref<10x20xf32, #tpu.memory_space<smem>>
    %mul3A_2490 = vector.broadcast %get3A_2489 : f32 to vector<512x128xf32>
    %mul3A_2491 = arith.mulf %max3A_887, %mul3A_2490 : vector<512x128xf32>
    %add3A_2492 = arith.addf %add3A_2486, %mul3A_2491 : vector<512x128xf32>
    %get3A_2493 = arith.constant 7 : index
    %get3A_2494 = arith.constant 10 : index
    %get3A_2495 = memref.load %arg10[%get3A_2493, %get3A_2494] : memref<10x20xf32, #tpu.memory_space<smem>>
    %mul3A_2496 = vector.broadcast %get3A_2495 : f32 to vector<512x128xf32>
    %mul3A_2497 = arith.mulf %max3A_953, %mul3A_2496 : vector<512x128xf32>
    %add3A_2498 = arith.addf %add3A_2492, %mul3A_2497 : vector<512x128xf32>
    %get3A_2499 = arith.constant 7 : index
    %get3A_2500 = arith.constant 11 : index
    %get3A_2501 = memref.load %arg10[%get3A_2499, %get3A_2500] : memref<10x20xf32, #tpu.memory_space<smem>>
    %mul3A_2502 = vector.broadcast %get3A_2501 : f32 to vector<512x128xf32>
    %mul3A_2503 = arith.mulf %max3A_1019, %mul3A_2502 : vector<512x128xf32>
    %add3A_2504 = arith.addf %add3A_2498, %mul3A_2503 : vector<512x128xf32>
    %get3A_2505 = arith.constant 7 : index
    %get3A_2506 = arith.constant 12 : index
    %get3A_2507 = memref.load %arg10[%get3A_2505, %get3A_2506] : memref<10x20xf32, #tpu.memory_space<smem>>
    %mul3A_2508 = vector.broadcast %get3A_2507 : f32 to vector<512x128xf32>
    %mul3A_2509 = arith.mulf %max3A_1085, %mul3A_2508 : vector<512x128xf32>
    %add3A_2510 = arith.addf %add3A_2504, %mul3A_2509 : vector<512x128xf32>
    %get3A_2511 = arith.constant 7 : index
    %get3A_2512 = arith.constant 13 : index
    %get3A_2513 = memref.load %arg10[%get3A_2511, %get3A_2512] : memref<10x20xf32, #tpu.memory_space<smem>>
    %mul3A_2514 = vector.broadcast %get3A_2513 : f32 to vector<512x128xf32>
    %mul3A_2515 = arith.mulf %max3A_1151, %mul3A_2514 : vector<512x128xf32>
    %add3A_2516 = arith.addf %add3A_2510, %mul3A_2515 : vector<512x128xf32>
    %get3A_2517 = arith.constant 7 : index
    %get3A_2518 = arith.constant 14 : index
    %get3A_2519 = memref.load %arg10[%get3A_2517, %get3A_2518] : memref<10x20xf32, #tpu.memory_space<smem>>
    %mul3A_2520 = vector.broadcast %get3A_2519 : f32 to vector<512x128xf32>
    %mul3A_2521 = arith.mulf %max3A_1217, %mul3A_2520 : vector<512x128xf32>
    %add3A_2522 = arith.addf %add3A_2516, %mul3A_2521 : vector<512x128xf32>
    %get3A_2523 = arith.constant 7 : index
    %get3A_2524 = arith.constant 15 : index
    %get3A_2525 = memref.load %arg10[%get3A_2523, %get3A_2524] : memref<10x20xf32, #tpu.memory_space<smem>>
    %mul3A_2526 = vector.broadcast %get3A_2525 : f32 to vector<512x128xf32>
    %mul3A_2527 = arith.mulf %max3A_1283, %mul3A_2526 : vector<512x128xf32>
    %add3A_2528 = arith.addf %add3A_2522, %mul3A_2527 : vector<512x128xf32>
    %get3A_2529 = arith.constant 7 : index
    %get3A_2530 = arith.constant 16 : index
    %get3A_2531 = memref.load %arg10[%get3A_2529, %get3A_2530] : memref<10x20xf32, #tpu.memory_space<smem>>
    %mul3A_2532 = vector.broadcast %get3A_2531 : f32 to vector<512x128xf32>
    %mul3A_2533 = arith.mulf %max3A_1349, %mul3A_2532 : vector<512x128xf32>
    %add3A_2534 = arith.addf %add3A_2528, %mul3A_2533 : vector<512x128xf32>
    %get3A_2535 = arith.constant 7 : index
    %get3A_2536 = arith.constant 17 : index
    %get3A_2537 = memref.load %arg10[%get3A_2535, %get3A_2536] : memref<10x20xf32, #tpu.memory_space<smem>>
    %mul3A_2538 = vector.broadcast %get3A_2537 : f32 to vector<512x128xf32>
    %mul3A_2539 = arith.mulf %max3A_1415, %mul3A_2538 : vector<512x128xf32>
    %add3A_2540 = arith.addf %add3A_2534, %mul3A_2539 : vector<512x128xf32>
    %get3A_2541 = arith.constant 7 : index
    %get3A_2542 = arith.constant 18 : index
    %get3A_2543 = memref.load %arg10[%get3A_2541, %get3A_2542] : memref<10x20xf32, #tpu.memory_space<smem>>
    %mul3A_2544 = vector.broadcast %get3A_2543 : f32 to vector<512x128xf32>
    %mul3A_2545 = arith.mulf %max3A_1481, %mul3A_2544 : vector<512x128xf32>
    %add3A_2546 = arith.addf %add3A_2540, %mul3A_2545 : vector<512x128xf32>
    %get3A_2547 = arith.constant 7 : index
    %get3A_2548 = arith.constant 19 : index
    %get3A_2549 = memref.load %arg10[%get3A_2547, %get3A_2548] : memref<10x20xf32, #tpu.memory_space<smem>>
    %mul3A_2550 = vector.broadcast %get3A_2549 : f32 to vector<512x128xf32>
    %mul3A_2551 = arith.mulf %max3A_1547, %mul3A_2550 : vector<512x128xf32>
    %add3A_2552 = arith.addf %add3A_2546, %mul3A_2551 : vector<512x128xf32>
    %max3A_2553 = arith.constant 0.000000e+00 : f32
    %max3A_2554 = vector.broadcast %max3A_2553 : f32 to vector<512x128xf32>
    %max3A_2555 = arith.maximumf %add3A_2552, %max3A_2554 : vector<512x128xf32>
    %get3A_2556 = arith.constant 8 : index
    %get3A_2557 = arith.constant 0 : index
    %get3A_2558 = memref.load %arg10[%get3A_2556, %get3A_2557] : memref<10x20xf32, #tpu.memory_space<smem>>
    %mul3A_2559 = vector.broadcast %get3A_2558 : f32 to vector<512x128xf32>
    %mul3A_2560 = arith.mulf %max3A_293, %mul3A_2559 : vector<512x128xf32>
    %get3A_2561 = arith.constant 8 : index
    %get3A_2562 = memref.load %arg11[%get3A_2561] : memref<10xf32, #tpu.memory_space<smem>>
    %add3A_2563 = vector.broadcast %get3A_2562 : f32 to vector<512x128xf32>
    %add3A_2564 = arith.addf %mul3A_2560, %add3A_2563 : vector<512x128xf32>
    %get3A_2565 = arith.constant 8 : index
    %get3A_2566 = arith.constant 1 : index
    %get3A_2567 = memref.load %arg10[%get3A_2565, %get3A_2566] : memref<10x20xf32, #tpu.memory_space<smem>>
    %mul3A_2568 = vector.broadcast %get3A_2567 : f32 to vector<512x128xf32>
    %mul3A_2569 = arith.mulf %max3A_359, %mul3A_2568 : vector<512x128xf32>
    %add3A_2570 = arith.addf %add3A_2564, %mul3A_2569 : vector<512x128xf32>
    %get3A_2571 = arith.constant 8 : index
    %get3A_2572 = arith.constant 2 : index
    %get3A_2573 = memref.load %arg10[%get3A_2571, %get3A_2572] : memref<10x20xf32, #tpu.memory_space<smem>>
    %mul3A_2574 = vector.broadcast %get3A_2573 : f32 to vector<512x128xf32>
    %mul3A_2575 = arith.mulf %max3A_425, %mul3A_2574 : vector<512x128xf32>
    %add3A_2576 = arith.addf %add3A_2570, %mul3A_2575 : vector<512x128xf32>
    %get3A_2577 = arith.constant 8 : index
    %get3A_2578 = arith.constant 3 : index
    %get3A_2579 = memref.load %arg10[%get3A_2577, %get3A_2578] : memref<10x20xf32, #tpu.memory_space<smem>>
    %mul3A_2580 = vector.broadcast %get3A_2579 : f32 to vector<512x128xf32>
    %mul3A_2581 = arith.mulf %max3A_491, %mul3A_2580 : vector<512x128xf32>
    %add3A_2582 = arith.addf %add3A_2576, %mul3A_2581 : vector<512x128xf32>
    %get3A_2583 = arith.constant 8 : index
    %get3A_2584 = arith.constant 4 : index
    %get3A_2585 = memref.load %arg10[%get3A_2583, %get3A_2584] : memref<10x20xf32, #tpu.memory_space<smem>>
    %mul3A_2586 = vector.broadcast %get3A_2585 : f32 to vector<512x128xf32>
    %mul3A_2587 = arith.mulf %max3A_557, %mul3A_2586 : vector<512x128xf32>
    %add3A_2588 = arith.addf %add3A_2582, %mul3A_2587 : vector<512x128xf32>
    %get3A_2589 = arith.constant 8 : index
    %get3A_2590 = arith.constant 5 : index
    %get3A_2591 = memref.load %arg10[%get3A_2589, %get3A_2590] : memref<10x20xf32, #tpu.memory_space<smem>>
    %mul3A_2592 = vector.broadcast %get3A_2591 : f32 to vector<512x128xf32>
    %mul3A_2593 = arith.mulf %max3A_623, %mul3A_2592 : vector<512x128xf32>
    %add3A_2594 = arith.addf %add3A_2588, %mul3A_2593 : vector<512x128xf32>
    %get3A_2595 = arith.constant 8 : index
    %get3A_2596 = arith.constant 6 : index
    %get3A_2597 = memref.load %arg10[%get3A_2595, %get3A_2596] : memref<10x20xf32, #tpu.memory_space<smem>>
    %mul3A_2598 = vector.broadcast %get3A_2597 : f32 to vector<512x128xf32>
    %mul3A_2599 = arith.mulf %max3A_689, %mul3A_2598 : vector<512x128xf32>
    %add3A_2600 = arith.addf %add3A_2594, %mul3A_2599 : vector<512x128xf32>
    %get3A_2601 = arith.constant 8 : index
    %get3A_2602 = arith.constant 7 : index
    %get3A_2603 = memref.load %arg10[%get3A_2601, %get3A_2602] : memref<10x20xf32, #tpu.memory_space<smem>>
    %mul3A_2604 = vector.broadcast %get3A_2603 : f32 to vector<512x128xf32>
    %mul3A_2605 = arith.mulf %max3A_755, %mul3A_2604 : vector<512x128xf32>
    %add3A_2606 = arith.addf %add3A_2600, %mul3A_2605 : vector<512x128xf32>
    %get3A_2607 = arith.constant 8 : index
    %get3A_2608 = arith.constant 8 : index
    %get3A_2609 = memref.load %arg10[%get3A_2607, %get3A_2608] : memref<10x20xf32, #tpu.memory_space<smem>>
    %mul3A_2610 = vector.broadcast %get3A_2609 : f32 to vector<512x128xf32>
    %mul3A_2611 = arith.mulf %max3A_821, %mul3A_2610 : vector<512x128xf32>
    %add3A_2612 = arith.addf %add3A_2606, %mul3A_2611 : vector<512x128xf32>
    %get3A_2613 = arith.constant 8 : index
    %get3A_2614 = arith.constant 9 : index
    %get3A_2615 = memref.load %arg10[%get3A_2613, %get3A_2614] : memref<10x20xf32, #tpu.memory_space<smem>>
    %mul3A_2616 = vector.broadcast %get3A_2615 : f32 to vector<512x128xf32>
    %mul3A_2617 = arith.mulf %max3A_887, %mul3A_2616 : vector<512x128xf32>
    %add3A_2618 = arith.addf %add3A_2612, %mul3A_2617 : vector<512x128xf32>
    %get3A_2619 = arith.constant 8 : index
    %get3A_2620 = arith.constant 10 : index
    %get3A_2621 = memref.load %arg10[%get3A_2619, %get3A_2620] : memref<10x20xf32, #tpu.memory_space<smem>>
    %mul3A_2622 = vector.broadcast %get3A_2621 : f32 to vector<512x128xf32>
    %mul3A_2623 = arith.mulf %max3A_953, %mul3A_2622 : vector<512x128xf32>
    %add3A_2624 = arith.addf %add3A_2618, %mul3A_2623 : vector<512x128xf32>
    %get3A_2625 = arith.constant 8 : index
    %get3A_2626 = arith.constant 11 : index
    %get3A_2627 = memref.load %arg10[%get3A_2625, %get3A_2626] : memref<10x20xf32, #tpu.memory_space<smem>>
    %mul3A_2628 = vector.broadcast %get3A_2627 : f32 to vector<512x128xf32>
    %mul3A_2629 = arith.mulf %max3A_1019, %mul3A_2628 : vector<512x128xf32>
    %add3A_2630 = arith.addf %add3A_2624, %mul3A_2629 : vector<512x128xf32>
    %get3A_2631 = arith.constant 8 : index
    %get3A_2632 = arith.constant 12 : index
    %get3A_2633 = memref.load %arg10[%get3A_2631, %get3A_2632] : memref<10x20xf32, #tpu.memory_space<smem>>
    %mul3A_2634 = vector.broadcast %get3A_2633 : f32 to vector<512x128xf32>
    %mul3A_2635 = arith.mulf %max3A_1085, %mul3A_2634 : vector<512x128xf32>
    %add3A_2636 = arith.addf %add3A_2630, %mul3A_2635 : vector<512x128xf32>
    %get3A_2637 = arith.constant 8 : index
    %get3A_2638 = arith.constant 13 : index
    %get3A_2639 = memref.load %arg10[%get3A_2637, %get3A_2638] : memref<10x20xf32, #tpu.memory_space<smem>>
    %mul3A_2640 = vector.broadcast %get3A_2639 : f32 to vector<512x128xf32>
    %mul3A_2641 = arith.mulf %max3A_1151, %mul3A_2640 : vector<512x128xf32>
    %add3A_2642 = arith.addf %add3A_2636, %mul3A_2641 : vector<512x128xf32>
    %get3A_2643 = arith.constant 8 : index
    %get3A_2644 = arith.constant 14 : index
    %get3A_2645 = memref.load %arg10[%get3A_2643, %get3A_2644] : memref<10x20xf32, #tpu.memory_space<smem>>
    %mul3A_2646 = vector.broadcast %get3A_2645 : f32 to vector<512x128xf32>
    %mul3A_2647 = arith.mulf %max3A_1217, %mul3A_2646 : vector<512x128xf32>
    %add3A_2648 = arith.addf %add3A_2642, %mul3A_2647 : vector<512x128xf32>
    %get3A_2649 = arith.constant 8 : index
    %get3A_2650 = arith.constant 15 : index
    %get3A_2651 = memref.load %arg10[%get3A_2649, %get3A_2650] : memref<10x20xf32, #tpu.memory_space<smem>>
    %mul3A_2652 = vector.broadcast %get3A_2651 : f32 to vector<512x128xf32>
    %mul3A_2653 = arith.mulf %max3A_1283, %mul3A_2652 : vector<512x128xf32>
    %add3A_2654 = arith.addf %add3A_2648, %mul3A_2653 : vector<512x128xf32>
    %get3A_2655 = arith.constant 8 : index
    %get3A_2656 = arith.constant 16 : index
    %get3A_2657 = memref.load %arg10[%get3A_2655, %get3A_2656] : memref<10x20xf32, #tpu.memory_space<smem>>
    %mul3A_2658 = vector.broadcast %get3A_2657 : f32 to vector<512x128xf32>
    %mul3A_2659 = arith.mulf %max3A_1349, %mul3A_2658 : vector<512x128xf32>
    %add3A_2660 = arith.addf %add3A_2654, %mul3A_2659 : vector<512x128xf32>
    %get3A_2661 = arith.constant 8 : index
    %get3A_2662 = arith.constant 17 : index
    %get3A_2663 = memref.load %arg10[%get3A_2661, %get3A_2662] : memref<10x20xf32, #tpu.memory_space<smem>>
    %mul3A_2664 = vector.broadcast %get3A_2663 : f32 to vector<512x128xf32>
    %mul3A_2665 = arith.mulf %max3A_1415, %mul3A_2664 : vector<512x128xf32>
    %add3A_2666 = arith.addf %add3A_2660, %mul3A_2665 : vector<512x128xf32>
    %get3A_2667 = arith.constant 8 : index
    %get3A_2668 = arith.constant 18 : index
    %get3A_2669 = memref.load %arg10[%get3A_2667, %get3A_2668] : memref<10x20xf32, #tpu.memory_space<smem>>
    %mul3A_2670 = vector.broadcast %get3A_2669 : f32 to vector<512x128xf32>
    %mul3A_2671 = arith.mulf %max3A_1481, %mul3A_2670 : vector<512x128xf32>
    %add3A_2672 = arith.addf %add3A_2666, %mul3A_2671 : vector<512x128xf32>
    %get3A_2673 = arith.constant 8 : index
    %get3A_2674 = arith.constant 19 : index
    %get3A_2675 = memref.load %arg10[%get3A_2673, %get3A_2674] : memref<10x20xf32, #tpu.memory_space<smem>>
    %mul3A_2676 = vector.broadcast %get3A_2675 : f32 to vector<512x128xf32>
    %mul3A_2677 = arith.mulf %max3A_1547, %mul3A_2676 : vector<512x128xf32>
    %add3A_2678 = arith.addf %add3A_2672, %mul3A_2677 : vector<512x128xf32>
    %max3A_2679 = arith.constant 0.000000e+00 : f32
    %max3A_2680 = vector.broadcast %max3A_2679 : f32 to vector<512x128xf32>
    %max3A_2681 = arith.maximumf %add3A_2678, %max3A_2680 : vector<512x128xf32>
    %get3A_2682 = arith.constant 9 : index
    %get3A_2683 = arith.constant 0 : index
    %get3A_2684 = memref.load %arg10[%get3A_2682, %get3A_2683] : memref<10x20xf32, #tpu.memory_space<smem>>
    %mul3A_2685 = vector.broadcast %get3A_2684 : f32 to vector<512x128xf32>
    %mul3A_2686 = arith.mulf %max3A_293, %mul3A_2685 : vector<512x128xf32>
    %get3A_2687 = arith.constant 9 : index
    %get3A_2688 = memref.load %arg11[%get3A_2687] : memref<10xf32, #tpu.memory_space<smem>>
    %add3A_2689 = vector.broadcast %get3A_2688 : f32 to vector<512x128xf32>
    %add3A_2690 = arith.addf %mul3A_2686, %add3A_2689 : vector<512x128xf32>
    %get3A_2691 = arith.constant 9 : index
    %get3A_2692 = arith.constant 1 : index
    %get3A_2693 = memref.load %arg10[%get3A_2691, %get3A_2692] : memref<10x20xf32, #tpu.memory_space<smem>>
    %mul3A_2694 = vector.broadcast %get3A_2693 : f32 to vector<512x128xf32>
    %mul3A_2695 = arith.mulf %max3A_359, %mul3A_2694 : vector<512x128xf32>
    %add3A_2696 = arith.addf %add3A_2690, %mul3A_2695 : vector<512x128xf32>
    %get3A_2697 = arith.constant 9 : index
    %get3A_2698 = arith.constant 2 : index
    %get3A_2699 = memref.load %arg10[%get3A_2697, %get3A_2698] : memref<10x20xf32, #tpu.memory_space<smem>>
    %mul3A_2700 = vector.broadcast %get3A_2699 : f32 to vector<512x128xf32>
    %mul3A_2701 = arith.mulf %max3A_425, %mul3A_2700 : vector<512x128xf32>
    %add3A_2702 = arith.addf %add3A_2696, %mul3A_2701 : vector<512x128xf32>
    %get3A_2703 = arith.constant 9 : index
    %get3A_2704 = arith.constant 3 : index
    %get3A_2705 = memref.load %arg10[%get3A_2703, %get3A_2704] : memref<10x20xf32, #tpu.memory_space<smem>>
    %mul3A_2706 = vector.broadcast %get3A_2705 : f32 to vector<512x128xf32>
    %mul3A_2707 = arith.mulf %max3A_491, %mul3A_2706 : vector<512x128xf32>
    %add3A_2708 = arith.addf %add3A_2702, %mul3A_2707 : vector<512x128xf32>
    %get3A_2709 = arith.constant 9 : index
    %get3A_2710 = arith.constant 4 : index
    %get3A_2711 = memref.load %arg10[%get3A_2709, %get3A_2710] : memref<10x20xf32, #tpu.memory_space<smem>>
    %mul3A_2712 = vector.broadcast %get3A_2711 : f32 to vector<512x128xf32>
    %mul3A_2713 = arith.mulf %max3A_557, %mul3A_2712 : vector<512x128xf32>
    %add3A_2714 = arith.addf %add3A_2708, %mul3A_2713 : vector<512x128xf32>
    %get3A_2715 = arith.constant 9 : index
    %get3A_2716 = arith.constant 5 : index
    %get3A_2717 = memref.load %arg10[%get3A_2715, %get3A_2716] : memref<10x20xf32, #tpu.memory_space<smem>>
    %mul3A_2718 = vector.broadcast %get3A_2717 : f32 to vector<512x128xf32>
    %mul3A_2719 = arith.mulf %max3A_623, %mul3A_2718 : vector<512x128xf32>
    %add3A_2720 = arith.addf %add3A_2714, %mul3A_2719 : vector<512x128xf32>
    %get3A_2721 = arith.constant 9 : index
    %get3A_2722 = arith.constant 6 : index
    %get3A_2723 = memref.load %arg10[%get3A_2721, %get3A_2722] : memref<10x20xf32, #tpu.memory_space<smem>>
    %mul3A_2724 = vector.broadcast %get3A_2723 : f32 to vector<512x128xf32>
    %mul3A_2725 = arith.mulf %max3A_689, %mul3A_2724 : vector<512x128xf32>
    %add3A_2726 = arith.addf %add3A_2720, %mul3A_2725 : vector<512x128xf32>
    %get3A_2727 = arith.constant 9 : index
    %get3A_2728 = arith.constant 7 : index
    %get3A_2729 = memref.load %arg10[%get3A_2727, %get3A_2728] : memref<10x20xf32, #tpu.memory_space<smem>>
    %mul3A_2730 = vector.broadcast %get3A_2729 : f32 to vector<512x128xf32>
    %mul3A_2731 = arith.mulf %max3A_755, %mul3A_2730 : vector<512x128xf32>
    %add3A_2732 = arith.addf %add3A_2726, %mul3A_2731 : vector<512x128xf32>
    %get3A_2733 = arith.constant 9 : index
    %get3A_2734 = arith.constant 8 : index
    %get3A_2735 = memref.load %arg10[%get3A_2733, %get3A_2734] : memref<10x20xf32, #tpu.memory_space<smem>>
    %mul3A_2736 = vector.broadcast %get3A_2735 : f32 to vector<512x128xf32>
    %mul3A_2737 = arith.mulf %max3A_821, %mul3A_2736 : vector<512x128xf32>
    %add3A_2738 = arith.addf %add3A_2732, %mul3A_2737 : vector<512x128xf32>
    %get3A_2739 = arith.constant 9 : index
    %get3A_2740 = arith.constant 9 : index
    %get3A_2741 = memref.load %arg10[%get3A_2739, %get3A_2740] : memref<10x20xf32, #tpu.memory_space<smem>>
    %mul3A_2742 = vector.broadcast %get3A_2741 : f32 to vector<512x128xf32>
    %mul3A_2743 = arith.mulf %max3A_887, %mul3A_2742 : vector<512x128xf32>
    %add3A_2744 = arith.addf %add3A_2738, %mul3A_2743 : vector<512x128xf32>
    %get3A_2745 = arith.constant 9 : index
    %get3A_2746 = arith.constant 10 : index
    %get3A_2747 = memref.load %arg10[%get3A_2745, %get3A_2746] : memref<10x20xf32, #tpu.memory_space<smem>>
    %mul3A_2748 = vector.broadcast %get3A_2747 : f32 to vector<512x128xf32>
    %mul3A_2749 = arith.mulf %max3A_953, %mul3A_2748 : vector<512x128xf32>
    %add3A_2750 = arith.addf %add3A_2744, %mul3A_2749 : vector<512x128xf32>
    %get3A_2751 = arith.constant 9 : index
    %get3A_2752 = arith.constant 11 : index
    %get3A_2753 = memref.load %arg10[%get3A_2751, %get3A_2752] : memref<10x20xf32, #tpu.memory_space<smem>>
    %mul3A_2754 = vector.broadcast %get3A_2753 : f32 to vector<512x128xf32>
    %mul3A_2755 = arith.mulf %max3A_1019, %mul3A_2754 : vector<512x128xf32>
    %add3A_2756 = arith.addf %add3A_2750, %mul3A_2755 : vector<512x128xf32>
    %get3A_2757 = arith.constant 9 : index
    %get3A_2758 = arith.constant 12 : index
    %get3A_2759 = memref.load %arg10[%get3A_2757, %get3A_2758] : memref<10x20xf32, #tpu.memory_space<smem>>
    %mul3A_2760 = vector.broadcast %get3A_2759 : f32 to vector<512x128xf32>
    %mul3A_2761 = arith.mulf %max3A_1085, %mul3A_2760 : vector<512x128xf32>
    %add3A_2762 = arith.addf %add3A_2756, %mul3A_2761 : vector<512x128xf32>
    %get3A_2763 = arith.constant 9 : index
    %get3A_2764 = arith.constant 13 : index
    %get3A_2765 = memref.load %arg10[%get3A_2763, %get3A_2764] : memref<10x20xf32, #tpu.memory_space<smem>>
    %mul3A_2766 = vector.broadcast %get3A_2765 : f32 to vector<512x128xf32>
    %mul3A_2767 = arith.mulf %max3A_1151, %mul3A_2766 : vector<512x128xf32>
    %add3A_2768 = arith.addf %add3A_2762, %mul3A_2767 : vector<512x128xf32>
    %get3A_2769 = arith.constant 9 : index
    %get3A_2770 = arith.constant 14 : index
    %get3A_2771 = memref.load %arg10[%get3A_2769, %get3A_2770] : memref<10x20xf32, #tpu.memory_space<smem>>
    %mul3A_2772 = vector.broadcast %get3A_2771 : f32 to vector<512x128xf32>
    %mul3A_2773 = arith.mulf %max3A_1217, %mul3A_2772 : vector<512x128xf32>
    %add3A_2774 = arith.addf %add3A_2768, %mul3A_2773 : vector<512x128xf32>
    %get3A_2775 = arith.constant 9 : index
    %get3A_2776 = arith.constant 15 : index
    %get3A_2777 = memref.load %arg10[%get3A_2775, %get3A_2776] : memref<10x20xf32, #tpu.memory_space<smem>>
    %mul3A_2778 = vector.broadcast %get3A_2777 : f32 to vector<512x128xf32>
    %mul3A_2779 = arith.mulf %max3A_1283, %mul3A_2778 : vector<512x128xf32>
    %add3A_2780 = arith.addf %add3A_2774, %mul3A_2779 : vector<512x128xf32>
    %get3A_2781 = arith.constant 9 : index
    %get3A_2782 = arith.constant 16 : index
    %get3A_2783 = memref.load %arg10[%get3A_2781, %get3A_2782] : memref<10x20xf32, #tpu.memory_space<smem>>
    %mul3A_2784 = vector.broadcast %get3A_2783 : f32 to vector<512x128xf32>
    %mul3A_2785 = arith.mulf %max3A_1349, %mul3A_2784 : vector<512x128xf32>
    %add3A_2786 = arith.addf %add3A_2780, %mul3A_2785 : vector<512x128xf32>
    %get3A_2787 = arith.constant 9 : index
    %get3A_2788 = arith.constant 17 : index
    %get3A_2789 = memref.load %arg10[%get3A_2787, %get3A_2788] : memref<10x20xf32, #tpu.memory_space<smem>>
    %mul3A_2790 = vector.broadcast %get3A_2789 : f32 to vector<512x128xf32>
    %mul3A_2791 = arith.mulf %max3A_1415, %mul3A_2790 : vector<512x128xf32>
    %add3A_2792 = arith.addf %add3A_2786, %mul3A_2791 : vector<512x128xf32>
    %get3A_2793 = arith.constant 9 : index
    %get3A_2794 = arith.constant 18 : index
    %get3A_2795 = memref.load %arg10[%get3A_2793, %get3A_2794] : memref<10x20xf32, #tpu.memory_space<smem>>
    %mul3A_2796 = vector.broadcast %get3A_2795 : f32 to vector<512x128xf32>
    %mul3A_2797 = arith.mulf %max3A_1481, %mul3A_2796 : vector<512x128xf32>
    %add3A_2798 = arith.addf %add3A_2792, %mul3A_2797 : vector<512x128xf32>
    %get3A_2799 = arith.constant 9 : index
    %get3A_2800 = arith.constant 19 : index
    %get3A_2801 = memref.load %arg10[%get3A_2799, %get3A_2800] : memref<10x20xf32, #tpu.memory_space<smem>>
    %mul3A_2802 = vector.broadcast %get3A_2801 : f32 to vector<512x128xf32>
    %mul3A_2803 = arith.mulf %max3A_1547, %mul3A_2802 : vector<512x128xf32>
    %add3A_2804 = arith.addf %add3A_2798, %mul3A_2803 : vector<512x128xf32>
    %max3A_2805 = arith.constant 0.000000e+00 : f32
    %max3A_2806 = vector.broadcast %max3A_2805 : f32 to vector<512x128xf32>
    %max3A_2807 = arith.maximumf %add3A_2804, %max3A_2806 : vector<512x128xf32>
    %get3A_2808 = arith.constant 0 : index
    %get3A_2809 = arith.constant 0 : index
    %get3A_2810 = memref.load %arg12[%get3A_2808, %get3A_2809] : memref<5x10xf32, #tpu.memory_space<smem>>
    %mul3A_2811 = vector.broadcast %get3A_2810 : f32 to vector<512x128xf32>
    %mul3A_2812 = arith.mulf %max3A_1673, %mul3A_2811 : vector<512x128xf32>
    %get3A_2813 = arith.constant 0 : index
    %get3A_2814 = memref.load %arg13[%get3A_2813] : memref<5xf32, #tpu.memory_space<smem>>
    %add3A_2815 = vector.broadcast %get3A_2814 : f32 to vector<512x128xf32>
    %add3A_2816 = arith.addf %mul3A_2812, %add3A_2815 : vector<512x128xf32>
    %get3A_2817 = arith.constant 0 : index
    %get3A_2818 = arith.constant 1 : index
    %get3A_2819 = memref.load %arg12[%get3A_2817, %get3A_2818] : memref<5x10xf32, #tpu.memory_space<smem>>
    %mul3A_2820 = vector.broadcast %get3A_2819 : f32 to vector<512x128xf32>
    %mul3A_2821 = arith.mulf %max3A_1799, %mul3A_2820 : vector<512x128xf32>
    %add3A_2822 = arith.addf %add3A_2816, %mul3A_2821 : vector<512x128xf32>
    %get3A_2823 = arith.constant 0 : index
    %get3A_2824 = arith.constant 2 : index
    %get3A_2825 = memref.load %arg12[%get3A_2823, %get3A_2824] : memref<5x10xf32, #tpu.memory_space<smem>>
    %mul3A_2826 = vector.broadcast %get3A_2825 : f32 to vector<512x128xf32>
    %mul3A_2827 = arith.mulf %max3A_1925, %mul3A_2826 : vector<512x128xf32>
    %add3A_2828 = arith.addf %add3A_2822, %mul3A_2827 : vector<512x128xf32>
    %get3A_2829 = arith.constant 0 : index
    %get3A_2830 = arith.constant 3 : index
    %get3A_2831 = memref.load %arg12[%get3A_2829, %get3A_2830] : memref<5x10xf32, #tpu.memory_space<smem>>
    %mul3A_2832 = vector.broadcast %get3A_2831 : f32 to vector<512x128xf32>
    %mul3A_2833 = arith.mulf %max3A_2051, %mul3A_2832 : vector<512x128xf32>
    %add3A_2834 = arith.addf %add3A_2828, %mul3A_2833 : vector<512x128xf32>
    %get3A_2835 = arith.constant 0 : index
    %get3A_2836 = arith.constant 4 : index
    %get3A_2837 = memref.load %arg12[%get3A_2835, %get3A_2836] : memref<5x10xf32, #tpu.memory_space<smem>>
    %mul3A_2838 = vector.broadcast %get3A_2837 : f32 to vector<512x128xf32>
    %mul3A_2839 = arith.mulf %max3A_2177, %mul3A_2838 : vector<512x128xf32>
    %add3A_2840 = arith.addf %add3A_2834, %mul3A_2839 : vector<512x128xf32>
    %get3A_2841 = arith.constant 0 : index
    %get3A_2842 = arith.constant 5 : index
    %get3A_2843 = memref.load %arg12[%get3A_2841, %get3A_2842] : memref<5x10xf32, #tpu.memory_space<smem>>
    %mul3A_2844 = vector.broadcast %get3A_2843 : f32 to vector<512x128xf32>
    %mul3A_2845 = arith.mulf %max3A_2303, %mul3A_2844 : vector<512x128xf32>
    %add3A_2846 = arith.addf %add3A_2840, %mul3A_2845 : vector<512x128xf32>
    %get3A_2847 = arith.constant 0 : index
    %get3A_2848 = arith.constant 6 : index
    %get3A_2849 = memref.load %arg12[%get3A_2847, %get3A_2848] : memref<5x10xf32, #tpu.memory_space<smem>>
    %mul3A_2850 = vector.broadcast %get3A_2849 : f32 to vector<512x128xf32>
    %mul3A_2851 = arith.mulf %max3A_2429, %mul3A_2850 : vector<512x128xf32>
    %add3A_2852 = arith.addf %add3A_2846, %mul3A_2851 : vector<512x128xf32>
    %get3A_2853 = arith.constant 0 : index
    %get3A_2854 = arith.constant 7 : index
    %get3A_2855 = memref.load %arg12[%get3A_2853, %get3A_2854] : memref<5x10xf32, #tpu.memory_space<smem>>
    %mul3A_2856 = vector.broadcast %get3A_2855 : f32 to vector<512x128xf32>
    %mul3A_2857 = arith.mulf %max3A_2555, %mul3A_2856 : vector<512x128xf32>
    %add3A_2858 = arith.addf %add3A_2852, %mul3A_2857 : vector<512x128xf32>
    %get3A_2859 = arith.constant 0 : index
    %get3A_2860 = arith.constant 8 : index
    %get3A_2861 = memref.load %arg12[%get3A_2859, %get3A_2860] : memref<5x10xf32, #tpu.memory_space<smem>>
    %mul3A_2862 = vector.broadcast %get3A_2861 : f32 to vector<512x128xf32>
    %mul3A_2863 = arith.mulf %max3A_2681, %mul3A_2862 : vector<512x128xf32>
    %add3A_2864 = arith.addf %add3A_2858, %mul3A_2863 : vector<512x128xf32>
    %get3A_2865 = arith.constant 0 : index
    %get3A_2866 = arith.constant 9 : index
    %get3A_2867 = memref.load %arg12[%get3A_2865, %get3A_2866] : memref<5x10xf32, #tpu.memory_space<smem>>
    %mul3A_2868 = vector.broadcast %get3A_2867 : f32 to vector<512x128xf32>
    %mul3A_2869 = arith.mulf %max3A_2807, %mul3A_2868 : vector<512x128xf32>
    %add3A_2870 = arith.addf %add3A_2864, %mul3A_2869 : vector<512x128xf32>
    %max3A_2871 = arith.constant 0.000000e+00 : f32
    %max3A_2872 = vector.broadcast %max3A_2871 : f32 to vector<512x128xf32>
    %max3A_2873 = arith.maximumf %add3A_2870, %max3A_2872 : vector<512x128xf32>
    %get3A_2874 = arith.constant 1 : index
    %get3A_2875 = arith.constant 0 : index
    %get3A_2876 = memref.load %arg12[%get3A_2874, %get3A_2875] : memref<5x10xf32, #tpu.memory_space<smem>>
    %mul3A_2877 = vector.broadcast %get3A_2876 : f32 to vector<512x128xf32>
    %mul3A_2878 = arith.mulf %max3A_1673, %mul3A_2877 : vector<512x128xf32>
    %get3A_2879 = arith.constant 1 : index
    %get3A_2880 = memref.load %arg13[%get3A_2879] : memref<5xf32, #tpu.memory_space<smem>>
    %add3A_2881 = vector.broadcast %get3A_2880 : f32 to vector<512x128xf32>
    %add3A_2882 = arith.addf %mul3A_2878, %add3A_2881 : vector<512x128xf32>
    %get3A_2883 = arith.constant 1 : index
    %get3A_2884 = arith.constant 1 : index
    %get3A_2885 = memref.load %arg12[%get3A_2883, %get3A_2884] : memref<5x10xf32, #tpu.memory_space<smem>>
    %mul3A_2886 = vector.broadcast %get3A_2885 : f32 to vector<512x128xf32>
    %mul3A_2887 = arith.mulf %max3A_1799, %mul3A_2886 : vector<512x128xf32>
    %add3A_2888 = arith.addf %add3A_2882, %mul3A_2887 : vector<512x128xf32>
    %get3A_2889 = arith.constant 1 : index
    %get3A_2890 = arith.constant 2 : index
    %get3A_2891 = memref.load %arg12[%get3A_2889, %get3A_2890] : memref<5x10xf32, #tpu.memory_space<smem>>
    %mul3A_2892 = vector.broadcast %get3A_2891 : f32 to vector<512x128xf32>
    %mul3A_2893 = arith.mulf %max3A_1925, %mul3A_2892 : vector<512x128xf32>
    %add3A_2894 = arith.addf %add3A_2888, %mul3A_2893 : vector<512x128xf32>
    %get3A_2895 = arith.constant 1 : index
    %get3A_2896 = arith.constant 3 : index
    %get3A_2897 = memref.load %arg12[%get3A_2895, %get3A_2896] : memref<5x10xf32, #tpu.memory_space<smem>>
    %mul3A_2898 = vector.broadcast %get3A_2897 : f32 to vector<512x128xf32>
    %mul3A_2899 = arith.mulf %max3A_2051, %mul3A_2898 : vector<512x128xf32>
    %add3A_2900 = arith.addf %add3A_2894, %mul3A_2899 : vector<512x128xf32>
    %get3A_2901 = arith.constant 1 : index
    %get3A_2902 = arith.constant 4 : index
    %get3A_2903 = memref.load %arg12[%get3A_2901, %get3A_2902] : memref<5x10xf32, #tpu.memory_space<smem>>
    %mul3A_2904 = vector.broadcast %get3A_2903 : f32 to vector<512x128xf32>
    %mul3A_2905 = arith.mulf %max3A_2177, %mul3A_2904 : vector<512x128xf32>
    %add3A_2906 = arith.addf %add3A_2900, %mul3A_2905 : vector<512x128xf32>
    %get3A_2907 = arith.constant 1 : index
    %get3A_2908 = arith.constant 5 : index
    %get3A_2909 = memref.load %arg12[%get3A_2907, %get3A_2908] : memref<5x10xf32, #tpu.memory_space<smem>>
    %mul3A_2910 = vector.broadcast %get3A_2909 : f32 to vector<512x128xf32>
    %mul3A_2911 = arith.mulf %max3A_2303, %mul3A_2910 : vector<512x128xf32>
    %add3A_2912 = arith.addf %add3A_2906, %mul3A_2911 : vector<512x128xf32>
    %get3A_2913 = arith.constant 1 : index
    %get3A_2914 = arith.constant 6 : index
    %get3A_2915 = memref.load %arg12[%get3A_2913, %get3A_2914] : memref<5x10xf32, #tpu.memory_space<smem>>
    %mul3A_2916 = vector.broadcast %get3A_2915 : f32 to vector<512x128xf32>
    %mul3A_2917 = arith.mulf %max3A_2429, %mul3A_2916 : vector<512x128xf32>
    %add3A_2918 = arith.addf %add3A_2912, %mul3A_2917 : vector<512x128xf32>
    %get3A_2919 = arith.constant 1 : index
    %get3A_2920 = arith.constant 7 : index
    %get3A_2921 = memref.load %arg12[%get3A_2919, %get3A_2920] : memref<5x10xf32, #tpu.memory_space<smem>>
    %mul3A_2922 = vector.broadcast %get3A_2921 : f32 to vector<512x128xf32>
    %mul3A_2923 = arith.mulf %max3A_2555, %mul3A_2922 : vector<512x128xf32>
    %add3A_2924 = arith.addf %add3A_2918, %mul3A_2923 : vector<512x128xf32>
    %get3A_2925 = arith.constant 1 : index
    %get3A_2926 = arith.constant 8 : index
    %get3A_2927 = memref.load %arg12[%get3A_2925, %get3A_2926] : memref<5x10xf32, #tpu.memory_space<smem>>
    %mul3A_2928 = vector.broadcast %get3A_2927 : f32 to vector<512x128xf32>
    %mul3A_2929 = arith.mulf %max3A_2681, %mul3A_2928 : vector<512x128xf32>
    %add3A_2930 = arith.addf %add3A_2924, %mul3A_2929 : vector<512x128xf32>
    %get3A_2931 = arith.constant 1 : index
    %get3A_2932 = arith.constant 9 : index
    %get3A_2933 = memref.load %arg12[%get3A_2931, %get3A_2932] : memref<5x10xf32, #tpu.memory_space<smem>>
    %mul3A_2934 = vector.broadcast %get3A_2933 : f32 to vector<512x128xf32>
    %mul3A_2935 = arith.mulf %max3A_2807, %mul3A_2934 : vector<512x128xf32>
    %add3A_2936 = arith.addf %add3A_2930, %mul3A_2935 : vector<512x128xf32>
    %max3A_2937 = arith.constant 0.000000e+00 : f32
    %max3A_2938 = vector.broadcast %max3A_2937 : f32 to vector<512x128xf32>
    %max3A_2939 = arith.maximumf %add3A_2936, %max3A_2938 : vector<512x128xf32>
    %get3A_2940 = arith.constant 2 : index
    %get3A_2941 = arith.constant 0 : index
    %get3A_2942 = memref.load %arg12[%get3A_2940, %get3A_2941] : memref<5x10xf32, #tpu.memory_space<smem>>
    %mul3A_2943 = vector.broadcast %get3A_2942 : f32 to vector<512x128xf32>
    %mul3A_2944 = arith.mulf %max3A_1673, %mul3A_2943 : vector<512x128xf32>
    %get3A_2945 = arith.constant 2 : index
    %get3A_2946 = memref.load %arg13[%get3A_2945] : memref<5xf32, #tpu.memory_space<smem>>
    %add3A_2947 = vector.broadcast %get3A_2946 : f32 to vector<512x128xf32>
    %add3A_2948 = arith.addf %mul3A_2944, %add3A_2947 : vector<512x128xf32>
    %get3A_2949 = arith.constant 2 : index
    %get3A_2950 = arith.constant 1 : index
    %get3A_2951 = memref.load %arg12[%get3A_2949, %get3A_2950] : memref<5x10xf32, #tpu.memory_space<smem>>
    %mul3A_2952 = vector.broadcast %get3A_2951 : f32 to vector<512x128xf32>
    %mul3A_2953 = arith.mulf %max3A_1799, %mul3A_2952 : vector<512x128xf32>
    %add3A_2954 = arith.addf %add3A_2948, %mul3A_2953 : vector<512x128xf32>
    %get3A_2955 = arith.constant 2 : index
    %get3A_2956 = arith.constant 2 : index
    %get3A_2957 = memref.load %arg12[%get3A_2955, %get3A_2956] : memref<5x10xf32, #tpu.memory_space<smem>>
    %mul3A_2958 = vector.broadcast %get3A_2957 : f32 to vector<512x128xf32>
    %mul3A_2959 = arith.mulf %max3A_1925, %mul3A_2958 : vector<512x128xf32>
    %add3A_2960 = arith.addf %add3A_2954, %mul3A_2959 : vector<512x128xf32>
    %get3A_2961 = arith.constant 2 : index
    %get3A_2962 = arith.constant 3 : index
    %get3A_2963 = memref.load %arg12[%get3A_2961, %get3A_2962] : memref<5x10xf32, #tpu.memory_space<smem>>
    %mul3A_2964 = vector.broadcast %get3A_2963 : f32 to vector<512x128xf32>
    %mul3A_2965 = arith.mulf %max3A_2051, %mul3A_2964 : vector<512x128xf32>
    %add3A_2966 = arith.addf %add3A_2960, %mul3A_2965 : vector<512x128xf32>
    %get3A_2967 = arith.constant 2 : index
    %get3A_2968 = arith.constant 4 : index
    %get3A_2969 = memref.load %arg12[%get3A_2967, %get3A_2968] : memref<5x10xf32, #tpu.memory_space<smem>>
    %mul3A_2970 = vector.broadcast %get3A_2969 : f32 to vector<512x128xf32>
    %mul3A_2971 = arith.mulf %max3A_2177, %mul3A_2970 : vector<512x128xf32>
    %add3A_2972 = arith.addf %add3A_2966, %mul3A_2971 : vector<512x128xf32>
    %get3A_2973 = arith.constant 2 : index
    %get3A_2974 = arith.constant 5 : index
    %get3A_2975 = memref.load %arg12[%get3A_2973, %get3A_2974] : memref<5x10xf32, #tpu.memory_space<smem>>
    %mul3A_2976 = vector.broadcast %get3A_2975 : f32 to vector<512x128xf32>
    %mul3A_2977 = arith.mulf %max3A_2303, %mul3A_2976 : vector<512x128xf32>
    %add3A_2978 = arith.addf %add3A_2972, %mul3A_2977 : vector<512x128xf32>
    %get3A_2979 = arith.constant 2 : index
    %get3A_2980 = arith.constant 6 : index
    %get3A_2981 = memref.load %arg12[%get3A_2979, %get3A_2980] : memref<5x10xf32, #tpu.memory_space<smem>>
    %mul3A_2982 = vector.broadcast %get3A_2981 : f32 to vector<512x128xf32>
    %mul3A_2983 = arith.mulf %max3A_2429, %mul3A_2982 : vector<512x128xf32>
    %add3A_2984 = arith.addf %add3A_2978, %mul3A_2983 : vector<512x128xf32>
    %get3A_2985 = arith.constant 2 : index
    %get3A_2986 = arith.constant 7 : index
    %get3A_2987 = memref.load %arg12[%get3A_2985, %get3A_2986] : memref<5x10xf32, #tpu.memory_space<smem>>
    %mul3A_2988 = vector.broadcast %get3A_2987 : f32 to vector<512x128xf32>
    %mul3A_2989 = arith.mulf %max3A_2555, %mul3A_2988 : vector<512x128xf32>
    %add3A_2990 = arith.addf %add3A_2984, %mul3A_2989 : vector<512x128xf32>
    %get3A_2991 = arith.constant 2 : index
    %get3A_2992 = arith.constant 8 : index
    %get3A_2993 = memref.load %arg12[%get3A_2991, %get3A_2992] : memref<5x10xf32, #tpu.memory_space<smem>>
    %mul3A_2994 = vector.broadcast %get3A_2993 : f32 to vector<512x128xf32>
    %mul3A_2995 = arith.mulf %max3A_2681, %mul3A_2994 : vector<512x128xf32>
    %add3A_2996 = arith.addf %add3A_2990, %mul3A_2995 : vector<512x128xf32>
    %get3A_2997 = arith.constant 2 : index
    %get3A_2998 = arith.constant 9 : index
    %get3A_2999 = memref.load %arg12[%get3A_2997, %get3A_2998] : memref<5x10xf32, #tpu.memory_space<smem>>
    %mul3A_3000 = vector.broadcast %get3A_2999 : f32 to vector<512x128xf32>
    %mul3A_3001 = arith.mulf %max3A_2807, %mul3A_3000 : vector<512x128xf32>
    %add3A_3002 = arith.addf %add3A_2996, %mul3A_3001 : vector<512x128xf32>
    %max3A_3003 = arith.constant 0.000000e+00 : f32
    %max3A_3004 = vector.broadcast %max3A_3003 : f32 to vector<512x128xf32>
    %max3A_3005 = arith.maximumf %add3A_3002, %max3A_3004 : vector<512x128xf32>
    %get3A_3006 = arith.constant 3 : index
    %get3A_3007 = arith.constant 0 : index
    %get3A_3008 = memref.load %arg12[%get3A_3006, %get3A_3007] : memref<5x10xf32, #tpu.memory_space<smem>>
    %mul3A_3009 = vector.broadcast %get3A_3008 : f32 to vector<512x128xf32>
    %mul3A_3010 = arith.mulf %max3A_1673, %mul3A_3009 : vector<512x128xf32>
    %get3A_3011 = arith.constant 3 : index
    %get3A_3012 = memref.load %arg13[%get3A_3011] : memref<5xf32, #tpu.memory_space<smem>>
    %add3A_3013 = vector.broadcast %get3A_3012 : f32 to vector<512x128xf32>
    %add3A_3014 = arith.addf %mul3A_3010, %add3A_3013 : vector<512x128xf32>
    %get3A_3015 = arith.constant 3 : index
    %get3A_3016 = arith.constant 1 : index
    %get3A_3017 = memref.load %arg12[%get3A_3015, %get3A_3016] : memref<5x10xf32, #tpu.memory_space<smem>>
    %mul3A_3018 = vector.broadcast %get3A_3017 : f32 to vector<512x128xf32>
    %mul3A_3019 = arith.mulf %max3A_1799, %mul3A_3018 : vector<512x128xf32>
    %add3A_3020 = arith.addf %add3A_3014, %mul3A_3019 : vector<512x128xf32>
    %get3A_3021 = arith.constant 3 : index
    %get3A_3022 = arith.constant 2 : index
    %get3A_3023 = memref.load %arg12[%get3A_3021, %get3A_3022] : memref<5x10xf32, #tpu.memory_space<smem>>
    %mul3A_3024 = vector.broadcast %get3A_3023 : f32 to vector<512x128xf32>
    %mul3A_3025 = arith.mulf %max3A_1925, %mul3A_3024 : vector<512x128xf32>
    %add3A_3026 = arith.addf %add3A_3020, %mul3A_3025 : vector<512x128xf32>
    %get3A_3027 = arith.constant 3 : index
    %get3A_3028 = arith.constant 3 : index
    %get3A_3029 = memref.load %arg12[%get3A_3027, %get3A_3028] : memref<5x10xf32, #tpu.memory_space<smem>>
    %mul3A_3030 = vector.broadcast %get3A_3029 : f32 to vector<512x128xf32>
    %mul3A_3031 = arith.mulf %max3A_2051, %mul3A_3030 : vector<512x128xf32>
    %add3A_3032 = arith.addf %add3A_3026, %mul3A_3031 : vector<512x128xf32>
    %get3A_3033 = arith.constant 3 : index
    %get3A_3034 = arith.constant 4 : index
    %get3A_3035 = memref.load %arg12[%get3A_3033, %get3A_3034] : memref<5x10xf32, #tpu.memory_space<smem>>
    %mul3A_3036 = vector.broadcast %get3A_3035 : f32 to vector<512x128xf32>
    %mul3A_3037 = arith.mulf %max3A_2177, %mul3A_3036 : vector<512x128xf32>
    %add3A_3038 = arith.addf %add3A_3032, %mul3A_3037 : vector<512x128xf32>
    %get3A_3039 = arith.constant 3 : index
    %get3A_3040 = arith.constant 5 : index
    %get3A_3041 = memref.load %arg12[%get3A_3039, %get3A_3040] : memref<5x10xf32, #tpu.memory_space<smem>>
    %mul3A_3042 = vector.broadcast %get3A_3041 : f32 to vector<512x128xf32>
    %mul3A_3043 = arith.mulf %max3A_2303, %mul3A_3042 : vector<512x128xf32>
    %add3A_3044 = arith.addf %add3A_3038, %mul3A_3043 : vector<512x128xf32>
    %get3A_3045 = arith.constant 3 : index
    %get3A_3046 = arith.constant 6 : index
    %get3A_3047 = memref.load %arg12[%get3A_3045, %get3A_3046] : memref<5x10xf32, #tpu.memory_space<smem>>
    %mul3A_3048 = vector.broadcast %get3A_3047 : f32 to vector<512x128xf32>
    %mul3A_3049 = arith.mulf %max3A_2429, %mul3A_3048 : vector<512x128xf32>
    %add3A_3050 = arith.addf %add3A_3044, %mul3A_3049 : vector<512x128xf32>
    %get3A_3051 = arith.constant 3 : index
    %get3A_3052 = arith.constant 7 : index
    %get3A_3053 = memref.load %arg12[%get3A_3051, %get3A_3052] : memref<5x10xf32, #tpu.memory_space<smem>>
    %mul3A_3054 = vector.broadcast %get3A_3053 : f32 to vector<512x128xf32>
    %mul3A_3055 = arith.mulf %max3A_2555, %mul3A_3054 : vector<512x128xf32>
    %add3A_3056 = arith.addf %add3A_3050, %mul3A_3055 : vector<512x128xf32>
    %get3A_3057 = arith.constant 3 : index
    %get3A_3058 = arith.constant 8 : index
    %get3A_3059 = memref.load %arg12[%get3A_3057, %get3A_3058] : memref<5x10xf32, #tpu.memory_space<smem>>
    %mul3A_3060 = vector.broadcast %get3A_3059 : f32 to vector<512x128xf32>
    %mul3A_3061 = arith.mulf %max3A_2681, %mul3A_3060 : vector<512x128xf32>
    %add3A_3062 = arith.addf %add3A_3056, %mul3A_3061 : vector<512x128xf32>
    %get3A_3063 = arith.constant 3 : index
    %get3A_3064 = arith.constant 9 : index
    %get3A_3065 = memref.load %arg12[%get3A_3063, %get3A_3064] : memref<5x10xf32, #tpu.memory_space<smem>>
    %mul3A_3066 = vector.broadcast %get3A_3065 : f32 to vector<512x128xf32>
    %mul3A_3067 = arith.mulf %max3A_2807, %mul3A_3066 : vector<512x128xf32>
    %add3A_3068 = arith.addf %add3A_3062, %mul3A_3067 : vector<512x128xf32>
    %max3A_3069 = arith.constant 0.000000e+00 : f32
    %max3A_3070 = vector.broadcast %max3A_3069 : f32 to vector<512x128xf32>
    %max3A_3071 = arith.maximumf %add3A_3068, %max3A_3070 : vector<512x128xf32>
    %get3A_3072 = arith.constant 4 : index
    %get3A_3073 = arith.constant 0 : index
    %get3A_3074 = memref.load %arg12[%get3A_3072, %get3A_3073] : memref<5x10xf32, #tpu.memory_space<smem>>
    %mul3A_3075 = vector.broadcast %get3A_3074 : f32 to vector<512x128xf32>
    %mul3A_3076 = arith.mulf %max3A_1673, %mul3A_3075 : vector<512x128xf32>
    %get3A_3077 = arith.constant 4 : index
    %get3A_3078 = memref.load %arg13[%get3A_3077] : memref<5xf32, #tpu.memory_space<smem>>
    %add3A_3079 = vector.broadcast %get3A_3078 : f32 to vector<512x128xf32>
    %add3A_3080 = arith.addf %mul3A_3076, %add3A_3079 : vector<512x128xf32>
    %get3A_3081 = arith.constant 4 : index
    %get3A_3082 = arith.constant 1 : index
    %get3A_3083 = memref.load %arg12[%get3A_3081, %get3A_3082] : memref<5x10xf32, #tpu.memory_space<smem>>
    %mul3A_3084 = vector.broadcast %get3A_3083 : f32 to vector<512x128xf32>
    %mul3A_3085 = arith.mulf %max3A_1799, %mul3A_3084 : vector<512x128xf32>
    %add3A_3086 = arith.addf %add3A_3080, %mul3A_3085 : vector<512x128xf32>
    %get3A_3087 = arith.constant 4 : index
    %get3A_3088 = arith.constant 2 : index
    %get3A_3089 = memref.load %arg12[%get3A_3087, %get3A_3088] : memref<5x10xf32, #tpu.memory_space<smem>>
    %mul3A_3090 = vector.broadcast %get3A_3089 : f32 to vector<512x128xf32>
    %mul3A_3091 = arith.mulf %max3A_1925, %mul3A_3090 : vector<512x128xf32>
    %add3A_3092 = arith.addf %add3A_3086, %mul3A_3091 : vector<512x128xf32>
    %get3A_3093 = arith.constant 4 : index
    %get3A_3094 = arith.constant 3 : index
    %get3A_3095 = memref.load %arg12[%get3A_3093, %get3A_3094] : memref<5x10xf32, #tpu.memory_space<smem>>
    %mul3A_3096 = vector.broadcast %get3A_3095 : f32 to vector<512x128xf32>
    %mul3A_3097 = arith.mulf %max3A_2051, %mul3A_3096 : vector<512x128xf32>
    %add3A_3098 = arith.addf %add3A_3092, %mul3A_3097 : vector<512x128xf32>
    %get3A_3099 = arith.constant 4 : index
    %get3A_3100 = arith.constant 4 : index
    %get3A_3101 = memref.load %arg12[%get3A_3099, %get3A_3100] : memref<5x10xf32, #tpu.memory_space<smem>>
    %mul3A_3102 = vector.broadcast %get3A_3101 : f32 to vector<512x128xf32>
    %mul3A_3103 = arith.mulf %max3A_2177, %mul3A_3102 : vector<512x128xf32>
    %add3A_3104 = arith.addf %add3A_3098, %mul3A_3103 : vector<512x128xf32>
    %get3A_3105 = arith.constant 4 : index
    %get3A_3106 = arith.constant 5 : index
    %get3A_3107 = memref.load %arg12[%get3A_3105, %get3A_3106] : memref<5x10xf32, #tpu.memory_space<smem>>
    %mul3A_3108 = vector.broadcast %get3A_3107 : f32 to vector<512x128xf32>
    %mul3A_3109 = arith.mulf %max3A_2303, %mul3A_3108 : vector<512x128xf32>
    %add3A_3110 = arith.addf %add3A_3104, %mul3A_3109 : vector<512x128xf32>
    %get3A_3111 = arith.constant 4 : index
    %get3A_3112 = arith.constant 6 : index
    %get3A_3113 = memref.load %arg12[%get3A_3111, %get3A_3112] : memref<5x10xf32, #tpu.memory_space<smem>>
    %mul3A_3114 = vector.broadcast %get3A_3113 : f32 to vector<512x128xf32>
    %mul3A_3115 = arith.mulf %max3A_2429, %mul3A_3114 : vector<512x128xf32>
    %add3A_3116 = arith.addf %add3A_3110, %mul3A_3115 : vector<512x128xf32>
    %get3A_3117 = arith.constant 4 : index
    %get3A_3118 = arith.constant 7 : index
    %get3A_3119 = memref.load %arg12[%get3A_3117, %get3A_3118] : memref<5x10xf32, #tpu.memory_space<smem>>
    %mul3A_3120 = vector.broadcast %get3A_3119 : f32 to vector<512x128xf32>
    %mul3A_3121 = arith.mulf %max3A_2555, %mul3A_3120 : vector<512x128xf32>
    %add3A_3122 = arith.addf %add3A_3116, %mul3A_3121 : vector<512x128xf32>
    %get3A_3123 = arith.constant 4 : index
    %get3A_3124 = arith.constant 8 : index
    %get3A_3125 = memref.load %arg12[%get3A_3123, %get3A_3124] : memref<5x10xf32, #tpu.memory_space<smem>>
    %mul3A_3126 = vector.broadcast %get3A_3125 : f32 to vector<512x128xf32>
    %mul3A_3127 = arith.mulf %max3A_2681, %mul3A_3126 : vector<512x128xf32>
    %add3A_3128 = arith.addf %add3A_3122, %mul3A_3127 : vector<512x128xf32>
    %get3A_3129 = arith.constant 4 : index
    %get3A_3130 = arith.constant 9 : index
    %get3A_3131 = memref.load %arg12[%get3A_3129, %get3A_3130] : memref<5x10xf32, #tpu.memory_space<smem>>
    %mul3A_3132 = vector.broadcast %get3A_3131 : f32 to vector<512x128xf32>
    %mul3A_3133 = arith.mulf %max3A_2807, %mul3A_3132 : vector<512x128xf32>
    %add3A_3134 = arith.addf %add3A_3128, %mul3A_3133 : vector<512x128xf32>
    %max3A_3135 = arith.constant 0.000000e+00 : f32
    %max3A_3136 = vector.broadcast %max3A_3135 : f32 to vector<512x128xf32>
    %max3A_3137 = arith.maximumf %add3A_3134, %max3A_3136 : vector<512x128xf32>
    %get3A_3138 = arith.constant 0 : index
    %get3A_3139 = arith.constant 0 : index
    %get3A_3140 = memref.load %arg14[%get3A_3138, %get3A_3139] : memref<1x5xf32, #tpu.memory_space<smem>>
    %mul3A_3141 = vector.broadcast %get3A_3140 : f32 to vector<512x128xf32>
    %mul3A_3142 = arith.mulf %max3A_2873, %mul3A_3141 : vector<512x128xf32>
    %get3A_3143 = arith.constant 0 : index
    %get3A_3144 = memref.load %arg15[%get3A_3143] : memref<1xf32, #tpu.memory_space<smem>>
    %add3A_3145 = vector.broadcast %get3A_3144 : f32 to vector<512x128xf32>
    %add3A_3146 = arith.addf %mul3A_3142, %add3A_3145 : vector<512x128xf32>
    %get3A_3147 = arith.constant 0 : index
    %get3A_3148 = arith.constant 1 : index
    %get3A_3149 = memref.load %arg14[%get3A_3147, %get3A_3148] : memref<1x5xf32, #tpu.memory_space<smem>>
    %mul3A_3150 = vector.broadcast %get3A_3149 : f32 to vector<512x128xf32>
    %mul3A_3151 = arith.mulf %max3A_2939, %mul3A_3150 : vector<512x128xf32>
    %add3A_3152 = arith.addf %add3A_3146, %mul3A_3151 : vector<512x128xf32>
    %get3A_3153 = arith.constant 0 : index
    %get3A_3154 = arith.constant 2 : index
    %get3A_3155 = memref.load %arg14[%get3A_3153, %get3A_3154] : memref<1x5xf32, #tpu.memory_space<smem>>
    %mul3A_3156 = vector.broadcast %get3A_3155 : f32 to vector<512x128xf32>
    %mul3A_3157 = arith.mulf %max3A_3005, %mul3A_3156 : vector<512x128xf32>
    %add3A_3158 = arith.addf %add3A_3152, %mul3A_3157 : vector<512x128xf32>
    %get3A_3159 = arith.constant 0 : index
    %get3A_3160 = arith.constant 3 : index
    %get3A_3161 = memref.load %arg14[%get3A_3159, %get3A_3160] : memref<1x5xf32, #tpu.memory_space<smem>>
    %mul3A_3162 = vector.broadcast %get3A_3161 : f32 to vector<512x128xf32>
    %mul3A_3163 = arith.mulf %max3A_3071, %mul3A_3162 : vector<512x128xf32>
    %add3A_3164 = arith.addf %add3A_3158, %mul3A_3163 : vector<512x128xf32>
    %get3A_3165 = arith.constant 0 : index
    %get3A_3166 = arith.constant 4 : index
    %get3A_3167 = memref.load %arg14[%get3A_3165, %get3A_3166] : memref<1x5xf32, #tpu.memory_space<smem>>
    %mul3A_3168 = vector.broadcast %get3A_3167 : f32 to vector<512x128xf32>
    %mul3A_3169 = arith.mulf %max3A_3137, %mul3A_3168 : vector<512x128xf32>
    %add3A_3170 = arith.addf %add3A_3164, %mul3A_3169 : vector<512x128xf32>
    %max3A_3171 = arith.constant 1.000000e-24 : f32
    %max3A_3172 = vector.broadcast %max3A_3171 : f32 to vector<512x128xf32>
    %max3A_3173 = arith.maximumf %add3A_48, %max3A_3172 : vector<512x128xf32>
    %rsqrt3A = math.rsqrt %max3A_3173 : vector<512x128xf32>
    %mul3A_3174 = arith.mulf %add3A_3170, %rsqrt3A : vector<512x128xf32>
    %mul3A_3175 = arith.mulf %mul3A_3174, %sub3A_43 : vector<512x128xf32>
    %swap3A = arith.constant 0 : index
    %swap3A_3176 = arith.constant 0 : index
    %swap3A_3177 = vector.load %arg16[%swap3A, %swap3A_3176] : memref<512x128xf32, #tpu.memory_space<vmem>>, vector<512x128xf32>
    tpu.vector_store %arg16[%swap3A, %swap3A_3176], %mul3A_3175 {strides = array<i32>} : memref<512x128xf32, #tpu.memory_space<vmem>>, vector<512x128xf32>,
    %mul3A_3178 = arith.mulf %mul3A_3174, %sub3A_44 : vector<512x128xf32>
    %swap3A_3179 = arith.constant 0 : index
    %swap3A_3180 = arith.constant 0 : index
    %swap3A_3181 = vector.load %arg17[%swap3A_3179, %swap3A_3180] : memref<512x128xf32, #tpu.memory_space<vmem>>, vector<512x128xf32>
    tpu.vector_store %arg17[%swap3A_3179, %swap3A_3180], %mul3A_3178 {strides = array<i32>} : memref<512x128xf32, #tpu.memory_space<vmem>>, vector<512x128xf32>,
    %mul3A_3182 = arith.mulf %mul3A_3174, %sub3A_45 : vector<512x128xf32>
    %swap3A_3183 = arith.constant 0 : index
    %swap3A_3184 = arith.constant 0 : index
    %swap3A_3185 = vector.load %arg18[%swap3A_3183, %swap3A_3184] : memref<512x128xf32, #tpu.memory_space<vmem>>, vector<512x128xf32>
    tpu.vector_store %arg18[%swap3A_3183, %swap3A_3184], %mul3A_3182 {strides = array<i32>} : memref<512x128xf32, #tpu.memory_space<vmem>>, vector<512x128xf32>,
    return
  }
  func.func @transform_0(%arg0: i32) -> (i32, i32) {
    %c0_i32 = arith.constant 0 : i32
    %c0_i32_0 = arith.constant 0 : i32
    return %arg0, %c0_i32 : i32, i32
  }
  func.func @transform_1(%arg0: i32) -> (i32, i32, i32) {
    %c0_i32 = arith.constant 0 : i32
    %c0_i32_0 = arith.constant 0 : i32
    %c0_i32_1 = arith.constant 0 : i32
    return %c0_i32, %arg0, %c0_i32_0 : i32, i32, i32
  }
  func.func @transform_2(%arg0: i32) -> (i32, i32) {
    %c0_i32 = arith.constant 0 : i32
    %c0_i32_0 = arith.constant 0 : i32
    return %arg0, %c0_i32 : i32, i32
  }
  func.func @transform_3(%arg0: i32) -> (i32, i32) {
    %c0_i32 = arith.constant 0 : i32
    %c0_i32_0 = arith.constant 0 : i32
    return %arg0, %c0_i32 : i32, i32
  }
  func.func @transform_4(%arg0: i32) -> (i32, i32) {
    %c0_i32 = arith.constant 0 : i32
    %c0_i32_0 = arith.constant 0 : i32
    return %arg0, %c0_i32 : i32, i32
  }
  func.func @transform_5(%arg0: i32) -> (i32, i32) {
    %c0_i32 = arith.constant 0 : i32
    %c0_i32_0 = arith.constant 0 : i32
    %c0_i32_1 = arith.constant 0 : i32
    return %c0_i32, %c0_i32_0 : i32, i32
  }
  func.func @transform_6(%arg0: i32) -> i32 {
    %c0_i32 = arith.constant 0 : i32
    %c0_i32_0 = arith.constant 0 : i32
    return %c0_i32 : i32
  }
  func.func @transform_7(%arg0: i32) -> (i32, i32) {
    %c0_i32 = arith.constant 0 : i32
    %c0_i32_0 = arith.constant 0 : i32
    %c0_i32_1 = arith.constant 0 : i32
    return %c0_i32, %c0_i32_0 : i32, i32
  }
  func.func @transform_8(%arg0: i32) -> i32 {
    %c0_i32 = arith.constant 0 : i32
    %c0_i32_0 = arith.constant 0 : i32
    return %c0_i32 : i32
  }
  func.func @transform_9(%arg0: i32) -> (i32, i32) {
    %c0_i32 = arith.constant 0 : i32
    %c0_i32_0 = arith.constant 0 : i32
    %c0_i32_1 = arith.constant 0 : i32
    return %c0_i32, %c0_i32_0 : i32, i32
  }
  func.func @transform_10(%arg0: i32) -> i32 {
    %c0_i32 = arith.constant 0 : i32
    %c0_i32_0 = arith.constant 0 : i32
    return %c0_i32 : i32
  }
  func.func @transform_11(%arg0: i32) -> (i32, i32) {
    %c0_i32 = arith.constant 0 : i32
    %c0_i32_0 = arith.constant 0 : i32
    %c0_i32_1 = arith.constant 0 : i32
    return %c0_i32, %c0_i32_0 : i32, i32
  }
  func.func @transform_12(%arg0: i32) -> i32 {
    %c0_i32 = arith.constant 0 : i32
    %c0_i32_0 = arith.constant 0 : i32
    return %c0_i32 : i32
  }
  func.func @transform_13(%arg0: i32) -> (i32, i32) {
    %c0_i32 = arith.constant 0 : i32
    %c0_i32_0 = arith.constant 0 : i32
    %c0_i32_1 = arith.constant 0 : i32
    return %c0_i32, %c0_i32_0 : i32, i32
  }
  func.func @transform_14(%arg0: i32) -> i32 {
    %c0_i32 = arith.constant 0 : i32
    %c0_i32_0 = arith.constant 0 : i32
    return %c0_i32 : i32
  }
  func.func @transform_15(%arg0: i32) -> (i32, i32) {
    %c0_i32 = arith.constant 0 : i32
    %c0_i32_0 = arith.constant 0 : i32
    return %arg0, %c0_i32 : i32, i32
  }
  func.func @transform_16(%arg0: i32) -> (i32, i32) {
    %c0_i32 = arith.constant 0 : i32
    %c0_i32_0 = arith.constant 0 : i32
    return %arg0, %c0_i32 : i32, i32
  }
  func.func @transform_17(%arg0: i32) -> (i32, i32) {
    %c0_i32 = arith.constant 0 : i32
    %c0_i32_0 = arith.constant 0 : i32
    return %arg0, %c0_i32 : i32, i32
  }
}

module attributes {stable_mosaic.version = 14 : i64} {
  func.func @_norm_body(%arg0: i32, %arg1: memref<400x128xf32, #tpu.memory_space<vmem>>, %arg2: memref<400x128xf32, #tpu.memory_space<vmem>>) attributes {dimension_semantics = [#tpu.dimension_semantics<arbitrary>], iteration_bounds = array<i64: 8>, scalar_prefetch = 0 : i64, scratch_operands = 0 : i64, tpu.core_type = #tpu.core_type<tc>, window_params = [{transform_indices = @transform_0, window_bounds = array<i64: 400, 128>}, {transform_indices = @transform_1, window_bounds = array<i64: 400, 128>}]} {
    %get3A = arith.constant 0 : index
    %get3A_0 = arith.constant 0 : index
    %get3A_1 = vector.load %arg1[%get3A, %get3A_0] : memref<400x128xf32, #tpu.memory_space<vmem>>, vector<400x128xf32>
    %mul3A = arith.mulf %get3A_1, %get3A_1 : vector<400x128xf32>
    %iota3A = tpu.iota {dimensions = array<i32: 0>} : vector<128x128xi32>
    %iota3A_2 = tpu.iota {dimensions = array<i32: 1>} : vector<128x128xi32>
    %jit3A = arith.constant 4 : i32
    %div3A = vector.broadcast %jit3A : i32 to vector<128x128xi32>
    %div3A_3 = arith.divsi %iota3A, %div3A : vector<128x128xi32>
    %sign3A = arith.constant 0 : i32
    %sign3A_4 = vector.broadcast %sign3A : i32 to vector<128x128xi32>
    %sign3A_5 = arith.cmpi sgt, %iota3A, %sign3A_4 : vector<128x128xi32>
    %sign3A_6 = arith.extui %sign3A_5 : vector<128x128xi1> to vector<128x128xi32>
    %sign3A_7 = arith.constant 0 : i32
    %sign3A_8 = vector.broadcast %sign3A_7 : i32 to vector<128x128xi32>
    %sign3A_9 = arith.cmpi slt, %iota3A, %sign3A_8 : vector<128x128xi32>
    %sign3A_10 = arith.extui %sign3A_9 : vector<128x128xi1> to vector<128x128xi32>
    %sign3A_11 = arith.subi %sign3A_6, %sign3A_10 : vector<128x128xi32>
    %sign3A_12 = arith.constant 0 : i32
    %sign3A_13 = arith.cmpi sgt, %jit3A, %sign3A_12 : i32
    %sign3A_14 = arith.extui %sign3A_13 : i1 to i32
    %sign3A_15 = arith.constant 0 : i32
    %sign3A_16 = arith.cmpi slt, %jit3A, %sign3A_15 : i32
    %sign3A_17 = arith.extui %sign3A_16 : i1 to i32
    %sign3A_18 = arith.subi %sign3A_14, %sign3A_17 : i32
    %ne3A = vector.broadcast %sign3A_18 : i32 to vector<128x128xi32>
    %ne3A_19 = arith.cmpi ne, %sign3A_11, %ne3A : vector<128x128xi32>
    %rem3A = vector.broadcast %jit3A : i32 to vector<128x128xi32>
    %rem3A_20 = arith.remsi %iota3A, %rem3A : vector<128x128xi32>
    %ne3A_21 = arith.constant 0 : i32
    %ne3A_22 = vector.broadcast %ne3A_21 : i32 to vector<128x128xi32>
    %ne3A_23 = arith.cmpi ne, %rem3A_20, %ne3A_22 : vector<128x128xi32>
    %and3A = arith.andi %ne3A_19, %ne3A_23 : vector<128x128xi1>
    %sub3A = arith.constant 1 : i32
    %sub3A_24 = vector.broadcast %sub3A : i32 to vector<128x128xi32>
    %sub3A_25 = arith.subi %div3A_3, %sub3A_24 : vector<128x128xi32>
    %select_n3A = arith.select %and3A, %sub3A_25, %div3A_3 : vector<128x128xi1>, vector<128x128xi32>
    %jit3A_26 = arith.constant 4 : i32
    %div3A_27 = vector.broadcast %jit3A_26 : i32 to vector<128x128xi32>
    %div3A_28 = arith.divsi %iota3A_2, %div3A_27 : vector<128x128xi32>
    %sign3A_29 = arith.constant 0 : i32
    %sign3A_30 = vector.broadcast %sign3A_29 : i32 to vector<128x128xi32>
    %sign3A_31 = arith.cmpi sgt, %iota3A_2, %sign3A_30 : vector<128x128xi32>
    %sign3A_32 = arith.extui %sign3A_31 : vector<128x128xi1> to vector<128x128xi32>
    %sign3A_33 = arith.constant 0 : i32
    %sign3A_34 = vector.broadcast %sign3A_33 : i32 to vector<128x128xi32>
    %sign3A_35 = arith.cmpi slt, %iota3A_2, %sign3A_34 : vector<128x128xi32>
    %sign3A_36 = arith.extui %sign3A_35 : vector<128x128xi1> to vector<128x128xi32>
    %sign3A_37 = arith.subi %sign3A_32, %sign3A_36 : vector<128x128xi32>
    %sign3A_38 = arith.constant 0 : i32
    %sign3A_39 = arith.cmpi sgt, %jit3A_26, %sign3A_38 : i32
    %sign3A_40 = arith.extui %sign3A_39 : i1 to i32
    %sign3A_41 = arith.constant 0 : i32
    %sign3A_42 = arith.cmpi slt, %jit3A_26, %sign3A_41 : i32
    %sign3A_43 = arith.extui %sign3A_42 : i1 to i32
    %sign3A_44 = arith.subi %sign3A_40, %sign3A_43 : i32
    %ne3A_45 = vector.broadcast %sign3A_44 : i32 to vector<128x128xi32>
    %ne3A_46 = arith.cmpi ne, %sign3A_37, %ne3A_45 : vector<128x128xi32>
    %rem3A_47 = vector.broadcast %jit3A_26 : i32 to vector<128x128xi32>
    %rem3A_48 = arith.remsi %iota3A_2, %rem3A_47 : vector<128x128xi32>
    %ne3A_49 = arith.constant 0 : i32
    %ne3A_50 = vector.broadcast %ne3A_49 : i32 to vector<128x128xi32>
    %ne3A_51 = arith.cmpi ne, %rem3A_48, %ne3A_50 : vector<128x128xi32>
    %and3A_52 = arith.andi %ne3A_46, %ne3A_51 : vector<128x128xi1>
    %sub3A_53 = arith.constant 1 : i32
    %sub3A_54 = vector.broadcast %sub3A_53 : i32 to vector<128x128xi32>
    %sub3A_55 = arith.subi %div3A_28, %sub3A_54 : vector<128x128xi32>
    %select_n3A_56 = arith.select %and3A_52, %sub3A_55, %div3A_28 : vector<128x128xi1>, vector<128x128xi32>
    %eq3A = arith.cmpi eq, %select_n3A, %select_n3A_56 : vector<128x128xi32>
    %convert_element_type3A = arith.extui %eq3A : vector<128x128xi1> to vector<128x128xi32>
    %convert_element_type3A_57 = arith.sitofp %convert_element_type3A : vector<128x128xi32> to vector<128x128xf32>
    %dot_general3A = arith.constant dense<0.000000e+00> : vector<400x128xf32>
    %dot_general3A_58 = tpu.matmul %mul3A, %convert_element_type3A_57, %dot_general3A {dimension_numbers = #tpu.dot_dimension_numbers<[1], [0], [0], [1], [0, 0, 1, 1], [], []>, transpose_lhs_hint = false} : vector<400x128xf32>, vector<128x128xf32>, vector<400x128xf32> -> vector<400x128xf32>
    %max3A = arith.constant 1.000000e-24 : f32
    %max3A_59 = vector.broadcast %max3A : f32 to vector<400x128xf32>
    %max3A_60 = arith.maximumf %dot_general3A_58, %max3A_59 : vector<400x128xf32>
    %sqrt3A = math.sqrt %max3A_60 : vector<400x128xf32>
    %div3A_61 = arith.divf %get3A_1, %sqrt3A : vector<400x128xf32>
    %swap3A = arith.constant 0 : index
    %swap3A_62 = arith.constant 0 : index
    %swap3A_63 = vector.load %arg2[%swap3A, %swap3A_62] : memref<400x128xf32, #tpu.memory_space<vmem>>, vector<400x128xf32>
    tpu.vector_store %arg2[%swap3A, %swap3A_62], %div3A_61 {strides = array<i32>} : memref<400x128xf32, #tpu.memory_space<vmem>>, vector<400x128xf32>,
    return
  }
  func.func @transform_0(%arg0: i32) -> (i32, i32) {
    %c0_i32 = arith.constant 0 : i32
    %c0_i32_0 = arith.constant 0 : i32
    return %arg0, %c0_i32 : i32, i32
  }
  func.func @transform_1(%arg0: i32) -> (i32, i32) {
    %c0_i32 = arith.constant 0 : i32
    %c0_i32_0 = arith.constant 0 : i32
    return %arg0, %c0_i32 : i32, i32
  }
}

</mosaic_0001>

<sc_bundles>
// kernel: kernel.6.cloned.1.call-start
scs
__scs_entry_jumppad:
0x0: {  	(pc) =	sbr.rel $0x88, $3  }
0x1: {  	(tag) =	ssettag $0x0;
	lr =	simm.s32 $0x1  }
0x2: {  	[smem:$0x3F92] =	sst lr;
	_ =	strace $0xD0000000  }
0x3: {  	_ = 	snop  }
0x4: {  	_ = 	snop  }
0x5: {  	_ = 	snop  }
0x6: {  	_ = 	snop  }
0x7: {  	_ = 	snop  }
__scs_overlays_trampoline_lowered:
0x8: {  	[smem:$0x3FA1] =	sst s0  }
0x9: {  	[smem:$0x3FA2] =	sst s1  }
0xa: {  	[smem:$0x3FA3] =	sst s2  }
0xb: {  	[smem:$0x3FA4] =	sst s3  }
0xc: {  	[smem:$0x3FA5] =	sst s4  }
0xd: {  	[smem:$0x3FA6] =	sst s5  }
0xe: {  	[smem:$0x3FA7] =	sst s6  }
0xf: {  	[smem:$0x3FA8] =	sst s7  }
0x10: {  	[smem:$0x3FA9] =	sst s8  }
0x11: {  	[smem:$0x3FAA] =	sst s9;
	s0 =	simm.s32 @!p0 $0x0  }
0x12: {  	s1 =	sld [smem:$0x3F90];
	s0 =	simm.s32 @p0 $0x1  }
0x13: {  	[smem:$0x3FAB] =	sst s0;
	s0 =	simm.s32 @!p1 $0x0  }
0x14: {  	s2 =	sld [smem:$0x3F8F];
	s0 =	simm.s32 @p1 $0x1  }
0x15: {  	[smem:$0x3FAC] =	sst s0;
	s0 =	simm.s32 @!p2 $0x0  }
0x16: {  	s3 =	sld [smem:$0x3FDB];
	s0 =	simm.s32 @p2 $0x1  }
0x17: {  	s4 =	simm.s32 $0x1BF5;
	[smem:$0x3FAE] =	sst s0  }
0x18: {  	s0 =	sld [smem:$0x3F91];
	_ =	swait.ge [sflag:s4], $0x0  }
0x19: {  	s7 =	sld [smem:$0x3F92]  }
0x1a: {  	s8 =	sadd.s32 $0xFFFFE003, lr  }
0x1b: {  	s9 =	sadd.s32 $0xFFFFFEF7, lr;
	s5 =	simm.s32 $0xFFFFFFFF;
	p2 =	slt.u32 s8, $0xFFFFF086  }
0x1c: {  	p1 =	slt.u32 s9, $0xF7A;
	s5 =	simm.s32 @!p2 $0x0  }
0x1d: {  	s5 =	simm.s32 @p1 $0x1;
	p0 =	seq.s32 s7, s2  }
0x1e: {  	s7 =	smul.u32 @!p0 $0xF7A, s2;
	p2 =	seq.s32 @!p0 s5, $0x0  }
0x1f: {  	s9 =	smul.u32 $0xF7A, s1;
	s8 =	simm.s32 @!p0 $0x1BF5;
	p2 =	por !p2, p0  }
0x20: {  	[sflag:s8] =	ssyncset.s32 @!p0 $0xFFFFF086;
	s6 =	sadd.s32 @!p0 s3, s7;
	s7 =	simm.s32 @!p0 $0x108  }
0x21: {  	s3 =	sadd.s32 s3, s9;
	s6 =	sadd.s32 @!p0 $0x88, s6;
	s7 =	simm.s32 @p2 $0x1082  }
0x22: {  	[simem:s7], [sflag:s8] =	dma.local @!p0 [hbm:s6], $0xF7A  }
0x23: {  	s9 =	sor.u32 $0xD0000000, s2;
	s6 =	simm.s32 $0x108;
	_ =	swait.ge @!p0 [sflag:s8], $0x0  }
0x24: {  	s3 =	sadd.s32 $0x88, s3;
	s6 =	simm.s32 @!p1 $0x1082;
	[sflag:s4] =	ssyncset.s32 $0xFFFFF086  }
0x25: {  	[simem:s6], [sflag:s4] =	dma.local [hbm:s3], $0xF7A  }
0x26: {  	[smem:$0x3F92] =	sst s1;
	(tag) =	ssettag s2;
	_ =	strace s9  }
0x27: {  	s1 =	sld [smem:$0x3FA2]  }
0x28: {  	s2 =	sld [smem:$0x3FA3]  }
0x29: {  	s4 =	sld [smem:$0x3FA5]  }
0x2a: {  	p0 =	seq.s32 s5, $0x0;
	s5 =	sld [smem:$0x3FA6]  }
0x2b: {  	s6 =	sld [smem:$0x3FA7]  }
0x2c: {  	s7 =	sld [smem:$0x3FA8]  }
0x2d: {  	s3 =	simm.s32 $0x108;
	s8 =	sld [smem:$0x3FA9]  }
0x2e: {  	s3 =	simm.s32 @!p0 $0x1082;
	s9 =	sld [smem:$0x3FAA]  }
0x2f: {  	lr =	sadd.s32 s0, s3;
	s0 =	sld [smem:$0x3FA1]  }
0x30: {  	s3 =	sld [smem:$0x3FA4]  }
0x31: {  	[smem:$0x3FAD] =	sst s10  }
0x32: {  	s10 =	sld [smem:$0x3FAB];
	_ =	sdelay $0x3  }
0x33: {  	p0 =	seq.s32 s10, $0x1;
	s10 =	sld [smem:$0x3FAD];
	_ =	sdelay $0x3  }
0x34: {  	[smem:$0x3FAD] =	sst s10  }
0x35: {  	s10 =	sld [smem:$0x3FAC];
	_ =	sdelay $0x3  }
0x36: {  	p1 =	seq.s32 s10, $0x1;
	s10 =	sld [smem:$0x3FAD];
	_ =	sdelay $0x3  }
0x37: {  	[smem:$0x3FAD] =	sst s10  }
0x38: {  	s10 =	sld [smem:$0x3FAE]  }
0x39: {  	_ = 	snop;
	(pc) =	sbr.ind lr, $3  }
0x3a: {  	_ = 	snop  }
0x3b: {  	_ = 	snop  }
0x3c: {  	p2 =	seq.s32 s10, $0x1;
	s10 =	sld [smem:$0x3FAD]  }
0x3d: {  	_ =	shalt  }
0x3e: {  	_ =	shalt  }
0x3f: {  	_ =	shalt  }
0x40: {  	_ =	shalt  }
0x41: {  	_ =	shalt  }
0x42: {  	_ =	shalt  }
0x43: {  	_ =	shalt  }
0x44: {  	_ =	shalt  }
0x45: {  	_ =	shalt  }
0x46: {  	_ =	shalt  }
0x47: {  	_ =	shalt  }
0x48: {  	_ =	shalt  }
0x49: {  	_ =	shalt  }
0x4a: {  	_ =	shalt  }
0x4b: {  	_ =	shalt  }
0x4c: {  	_ =	shalt  }
0x4d: {  	_ =	shalt  }
0x4e: {  	_ =	shalt  }
0x4f: {  	_ =	shalt  }
0x50: {  	_ =	shalt  }
0x51: {  	_ =	shalt  }
0x52: {  	_ =	shalt  }
0x53: {  	_ =	shalt  }
0x54: {  	_ =	shalt  }
0x55: {  	_ =	shalt  }
0x56: {  	_ =	shalt  }
0x57: {  	_ =	shalt  }
0x58: {  	_ =	shalt  }
0x59: {  	_ =	shalt  }
0x5a: {  	_ =	shalt  }
0x5b: {  	_ =	shalt  }
0x5c: {  	_ =	shalt  }
0x5d: {  	_ =	shalt  }
0x5e: {  	_ =	shalt  }
0x5f: {  	_ =	shalt  }
0x60: {  	_ =	shalt  }
0x61: {  	_ =	shalt  }
0x62: {  	_ =	shalt  }
0x63: {  	_ =	shalt  }
0x64: {  	_ =	shalt  }
0x65: {  	_ =	shalt  }
0x66: {  	_ =	shalt  }
0x67: {  	_ =	shalt  }
0x68: {  	_ =	shalt  }
0x69: {  	_ =	shalt  }
0x6a: {  	_ =	shalt  }
0x6b: {  	_ =	shalt  }
0x6c: {  	_ =	shalt  }
0x6d: {  	_ =	shalt  }
0x6e: {  	_ =	shalt  }
0x6f: {  	_ =	shalt  }
0x70: {  	_ =	shalt  }
0x71: {  	_ =	shalt  }
0x72: {  	_ =	shalt  }
0x73: {  	_ =	shalt  }
0x74: {  	_ =	shalt  }
0x75: {  	_ =	shalt  }
0x76: {  	_ =	shalt  }
0x77: {  	_ =	shalt  }
0x78: {  	_ =	shalt  }
0x79: {  	_ =	shalt  }
0x7a: {  	_ =	shalt  }
0x7b: {  	_ =	shalt  }
0x7c: {  	_ =	shalt  }
0x7d: {  	_ =	shalt  }
0x7e: {  	_ =	shalt  }
0x7f: {  	_ =	shalt  }
0x80: {  	_ =	shalt  }
0x81: {  	_ =	shalt  }
0x82: {  	_ =	shalt  }
0x83: {  	_ =	shalt  }
0x84: {  	_ =	shalt  }
0x85: {  	_ =	shalt  }
0x86: {  	_ =	shalt  }
0x87: {  	_ =	shalt  }
.Lfunc_end0:
.L_simem_size_0:
called_computation_lowered:
.L_overlay_start_0:
0x88: {  	s2 =	sld [smem:$0x3FD9]  }
0x89: {  	s3 =	sld [smem:$0x3FFE];
	_ =	sdelay $0x1  }
0x8a: {  	s1 =	srdreg.scid  }
0x8b: {  	s0 =	sand.u32 $0x1, s1  }
0x8c: {  	s16 =	sshll.u32 s0, $0xA;
	s2 =	sadd.s32 s3, s2  }
0x8d: {  	s2 =	sadd.s32 s2, s16  }
0x8e: {  	[smem:$0x3FB9] =	sst s2  }
0x8f: {  	_ = 	snop  }
0x90: {  	(tm) =	ssettm $0x1  }
0x91: {  	s17 =	sld [smem:$0x3FFB];
	_ =	sdelay $0x3  }
0x92: {  	_ =	strace s17  }
0x93: {  	s2 =	sld [smem:$0x3FFC];
	_ =	sdelay $0x3  }
0x94: {  	_ =	strace s2  }
0x95: {  	s2 =	sld [smem:$0x3FFD];
	_ =	sdelay $0x3  }
0x96: {  	_ =	strace s2  }
0x97: {  	_ =	strace $0x8FFFFFFF  }
0x98: {  	s18 =	sld [smem:$0x3FDB];
	_ =	sdelay $0x1  }
0x99: {  	s19 =	simm.s32 $_scs_section_size  }
0x9a: {  	s4 =	simm.s32 $_size__tile_overlayer_lowered;
	s5 =	simm.s32 $_tile_overlayer_lowered  }
0x9b: {  	s22 =	simm.s32 $0x1BFF;
	s21 =	sshll.u32 s5, $0x1;
	s2 =	sadd.s32 s19, s18  }
0x9c: {  	s6 =	simm.s32 $0x0;
	s20 =	sshll.u32 s4, $0x1;
	s4 =	sadd.s32 s21, s2  }
0x9d: {  	[timem:s6], [sflag:s22] =	dma.local [hbm:s4], s20  }
0x9e: {  	_ =	swait.ge [sflag:s22], s20  }
0x9f: {  	s3 =	ssub.s32 $0x0, s20;
	[sflag:s22] =	ssyncset.done $0x0  }
0xa0: {  	[sflag:s22] =	ssyncadd.s32 s3;
	_ =	sdelay $0x1  }
0xa1: {  	s23 =	simm.s32 $0x1B8B  }
0xa2: {  	_ =	swait.ge [sflag:s23], $0x1  }
0xa3: {  	[sflag:s23] =	ssyncset.done $0x0  }
0xa4: {  	s25 =	simm.s32 $0x1B8E;
	s24 =	sld [smem:$0x3FFE];
	[sflag:s23] =	ssyncadd.s32 $0xFFFFFFFF  }
0xa5: {  	s26 =	simm.s32 $execute0_lowered;
	[smem:$0x3FD2] =	sst s25  }
0xa6: {  	s4 =	sshll.u32 s26, $0x1;
	_ =	strace $0x80000046;
	[dreg:$0x1] =	wrdreg $0xFFFFFFFF  }
0xa7: {  	s28 =	simm.s32 $_size_execute0_lowered;
	s2 =	sadd.s32 s2, s4;
	[dreg:$0x0] =	wrdreg $0x0  }
0xa8: {  	s4 =	sshll.u32 s28, $0x1;
	[dreg:$0x2] =	wrdreg s2  }
0xa9: {  	[dreg:$0x3] =	wrdreg s4  }
0xaa: {  	[dreg:$0x4] =	wrdreg $0xC0  }
0xab: {  	_ =	task [dreg:s6], $0x5FFFF  }
0xac: {  	[dreg:$0x1] =	wrdreg $0xFFFFFFFF  }
0xad: {  	[dreg:$0x0] =	wrdreg $0x60  }
0xae: {  	[dreg:$0x2] =	wrdreg s24  }
0xaf: {  	[dreg:$0x3] =	wrdreg $0x9  }
0xb0: {  	_ =	task.clear_ibuf [dreg:s6], $0x4FFFF;
	_ =	strace $0x90000046  }
0xb1: {  	s29 =	simm.s32 $0x9;
	_ =	strace $0x80000048  }
0xb2: {  	_ =	swait.ge [sflag:s29], $0x1  }
0xb3: {  	[sflag:s29] =	ssyncadd.s32 $0xFFFFFFFF  }
0xb4: {  	_ =	strace $0x90000048  }
0xb5: {  	_ =	sfence  }
0xb6: {  	s30 =	sld [smem:$0x0];
	_ =	sdelay $0x2  }
0xb7: {  	s31 =	sshll.u32 s1, $0xD;
	s1 =	sshrl.u32 s1, $0x2  }
0xb8: {  	s3 =	sand.u32 $0x4000, s31;
	s1 =	sadd.s32 s1, s30  }
0xb9: {  	s0 =	sor.u32 s3, s0;
	s1 =	sshll.u32 s1, $0x11  }
0xba: {  	s0 =	sor.u32 s1, s0  }
0xbb: {  	s0 =	sadd.s32 $0x8F2B, s0  }
0xbc: {  	[sflag:s0] =	ssyncadd.remote.s32 $0x1  }
0xbd: {  	_ =	sfence.sel $0xFFFF  }
0xbe: {  	[dreg:$0x0] =	wrdreg $0xFFFFFFFF;
	(pc) =	sbr.abs _section_cstart, $3  }
0xbf: {  	[dreg:$0x1] =	wrdreg $0xFFFFFFFF  }
0xc0: {  	_ =	task.clear_ibuf [dreg:s6], $0x2FFFF;
	_ =	strace $0x9FFFFFFF  }
0xc1: {  	(tm) =	ssettm $0x7FFFFFFF  }
tec
execute0_lowered:
.L_overlay_start_1:
0x0: {  	(tag) =	ssettag $0x1  }
0x1: {  	s0 =	rddreg [dreg:$0x0]  }
0x2: {  	s1 =	srdreg.scid;
	s3 =	stileid.u32  }
0x3: {  	s2 =	simm.s32 $0x0;
	s1 =	sand.u32 $0x1, s1;
	s3 =	sshll.u32 s3, $0x1  }
0x4: {  	[smem:$0x7FF] =	sst s2;
	s3 =	sor.u32 s1, s3;
	s1 =	ssub.s32 $0x2, s1  }
0x5: {  	s6 =	sadd.s32 $0x1B000, s0;
	s4 =	smul.u32 $0xC800, s3;
	s5 =	sshrl.u32 s1, $0x1  }
0x6: {  	_ =	strace $0x80000047;
	s3 =	sadd.s32 $0x2000, s0;
	s1 =	ssub.s32 s1, s5  }
0x7: {  	s0 =	sadd.s32 $0x4D000, s0;
	s4 =	sshrl.u32 s4, $0x3;
	s25 =	smax.u32 s1, $0x1  }
0x8: {  	s8 =	sadd.s32 s6, s4;
	s5 =	sadd.s32 s0, s4;
	[dreg:$0x16] =	wrdreg s25  }
0x9: {  	s10 =	sadd.s32 $0x320, s4;
	[dreg:$0x2] =	wrdreg s8;
	s7 =	sadd.s32 $0x32000, s5  }
0xa: {  	s13 =	sadd.s32 $0x640, s4;
	s9 =	sadd.s32 $0x64000, s5;
	[dreg:$0x3] =	wrdreg s7  }
0xb: {  	s14 =	sadd.s32 $0x960, s4;
	s8 =	sadd.s32 $0x96000, s5;
	[dreg:$0x4] =	wrdreg s9  }
0xc: {  	s17 =	sadd.s32 $0xC80, s4;
	s11 =	sadd.s32 s6, s10;
	[dreg:$0x5] =	wrdreg s8  }
0xd: {  	s18 =	sadd.s32 $0xFA0, s4;
	s12 =	sadd.s32 $0x32320, s5;
	[dreg:$0x6] =	wrdreg s11  }
0xe: {  	s22 =	sadd.s32 $0x12C0, s4;
	s15 =	sadd.s32 s6, s14;
	[dreg:$0x8] =	wrdreg s12  }
0xf: {  	s4 =	sadd.s32 $0x15E0, s4;
	s16 =	sadd.s32 s0, s14;
	[dreg:$0xb] =	wrdreg s15  }
0x10: {  	s19 =	sadd.s32 s6, s17;
	s20 =	sadd.s32 s6, s18;
	[dreg:$0xc] =	wrdreg s16  }
0x11: {  	s21 =	sadd.s32 s0, s18;
	s23 =	sadd.s32 s6, s22;
	[dreg:$0xd] =	wrdreg s19  }
0x12: {  	s24 =	sadd.s32 $0x64320, s5;
	s26 =	sadd.s32 $0x96320, s5;
	[dreg:$0xf] =	wrdreg s20  }
0x13: {  	s28 =	sadd.s32 $0x32640, s5;
	s29 =	sadd.s32 $0x64640, s5;
	[dreg:$0x10] =	wrdreg s21  }
0x14: {  	s30 =	sadd.s32 $0x96640, s5;
	s31 =	sadd.s32 $0x32960, s5;
	[dreg:$0x11] =	wrdreg s23  }
0x15: {  	s1 =	sadd.s32 $0x96960, s5;
	s14 =	sadd.s32 $0x335E0, s5;
	[dreg:$0x15] =	wrdreg s24  }
0x16: {  	s18 =	simm.s32 $0x1900;
	s7 =	sadd.s32 s0, s10;
	[dreg:$0x17] =	wrdreg s26  }
0x17: {  	s9 =	sadd.s32 s6, s13;
	s6 =	sadd.s32 s6, s4;
	[dreg:$0x18] =	wrdreg s28  }
0x18: {  	s8 =	sadd.s32 $0x32FA0, s5;
	s10 =	sadd.s32 $0x96FA0, s5;
	s11 =	sadd.s32 $0x332C0, s5  }
0x19: {  	s12 =	sadd.s32 $0x652C0, s5;
	s15 =	sadd.s32 $0x655E0, s5;
	s16 =	sadd.s32 $0x975E0, s5  }
0x1a: {  	s19 =	simm.s32 $0x1;
	s20 =	simm.s32 $0xE100;
	[dreg:$0x7] =	wrdreg s7  }
0x1b: {  	s21 =	simm.s32 $0xFA00;
	s23 =	simm.s32 $0x12C00;
	[dreg:$0x9] =	wrdreg s9  }
0x1c: {  	s24 =	simm.s32 $0x0;
	s7 =	sadd.s32 s0, s13;
	[dreg:$0x13] =	wrdreg s6  }
0x1d: {  	s6 =	sadd.s32 $0x64C80, s5;
	s9 =	sadd.s32 $0x64FA0, s5;
	s13 =	sadd.s32 $0x972C0, s5  }
0x1e: {  	[dreg:$0xa] =	wrdreg s7;
	s7 =	sadd.s32 s0, s17;
	s17 =	simm.s32 $0x2  }
0x1f: {  	[dreg:$0xe] =	wrdreg s7;
	s7 =	sadd.s32 s0, s22;
	s0 =	sadd.s32 s0, s4  }
0x20: {  	v0 =	vlaneseq.u32;
	s4 =	sadd.s32 $0x32C80, s5;
	s22 =	simm.s32 $0x11300;
	[dreg:$0x12] =	wrdreg s7  }
0x21: {  	v0 =	vmul.u32 $0x8, v0;
	[dreg:$0x14] =	wrdreg s0;
	s0 =	sadd.s32 $0x64960, s5;
	s7 =	sadd.s32 $0x96C80, s5  }
.LBB2_1:
0x22: {  	s25 =	rddreg [dreg:$0x2]  }
0x23: {  	[tilespmem:s2], [sflag:$0x2] =	stream.linear.gather [hbm4b:s25+s2], $0x1900, $0x38;
	[tilespmem:$0x14500] =	vst v63  }
0x24: {  	v1 =	vmov s2;
	_ =	swait.ge [sflag:s17], $0x1900  }
0x25: {  	v1 =	vshll.u32 v1, $0x3;
	[sflag:s17] =	ssyncset.done $0x0  }
0x26: {  	v1 =	vor.u32 v0, v1;
	[sflag:s17] =	ssyncadd.s32 $0xFFFFE700  }
0x27: {  	[tilespmem:s18], [sflag:$0x1] =	stream.indirect.gather [hbm4b:s3+s18], $0x8, s2, s18, $0xb8;
	[tilespmem:$0x14500] =	vst v63  }
0x28: {  	_ =	swait.ge [sflag:s19], $0xC800  }
0x29: {  	[sflag:s19] =	ssyncset.done $0x0  }
0x2a: {  	[sflag:s19] =	ssyncadd.s32 $0xFFFF3800  }
0x2b: {  	v2 =	vld.idx.msk [tilespmem:v1+s18+$0x0], $0xffff  }
0x2c: {  	v3 =	vor.u32 $0x1, v1;
	_ =	sdelay $0x3  }
0x2d: {  	[tilespmem:s23+$0xFFFFB500] =	vst v2  }
0x2e: {  	v2 =	vld.idx.msk [tilespmem:v3+s18+$0x0], $0xffff  }
0x2f: {  	v3 =	vor.u32 $0x2, v1;
	_ =	sdelay $0x3  }
0x30: {  	[tilespmem:s23+$0xFFFFCE00] =	vst v2  }
0x31: {  	v2 =	vld.idx.msk [tilespmem:v3+s18+$0x0], $0xffff  }
0x32: {  	v1 =	vor.u32 $0x3, v1;
	_ =	sdelay $0x3  }
0x33: {  	s28 =	simm.s32 $0x10;
	[tilespmem:s23+$0xFFFFE700] =	vst v2  }
0x34: {  	s26 =	simm.s32 $0x20;
	s25 =	simm.s32 $0x12C00;
	v2 =	vmov s28;
	v1 =	vld.idx.msk [tilespmem:v1+s18+$0x0], $0xffff  }
.LBB2_2:
0x35: {  	p0 =	sne.s32 s26, $0x18F0;
	v2 =	vshll.u32 v2, $0x3  }
0x36: {  	v2 =	vor.u32 v0, v2;
	_ =	sdelay $0x3  }
0x37: {  	[tilespmem:s25+$0x0] =	vst v1  }
0x38: {  	v1 =	vld.idx.msk [tilespmem:v2+s18+$0x0], $0xffff;
	_ =	sdelay $0x1  }
0x39: {  	v3 =	vor.u32 $0x1, v2;
	_ =	sdelay $0x2  }
0x3a: {  	s25 =	sadd.s32 $0x10, s25  }
0x3b: {  	[tilespmem:s25+$0xFFFFB500] =	vst v1  }
0x3c: {  	v1 =	vld.idx.msk [tilespmem:v3+s18+$0x0], $0xffff;
	_ =	sdelay $0x1  }
0x3d: {  	v3 =	vor.u32 $0x2, v2;
	_ =	sdelay $0x3  }
0x3e: {  	[tilespmem:s25+$0xFFFFCE00] =	vst v1  }
0x3f: {  	v1 =	vld.idx.msk [tilespmem:v3+s18+$0x0], $0xffff;
	_ =	sdelay $0x1  }
0x40: {  	v3 =	vor.u32 $0x3, v2  }
.Ltmp0:
0x41: {  	(pc) =	sbr.rel @p0 .LBB2_2-.Ltmp0, $3  }
0x42: {  	_ =	sdelay $0x1  }
0x43: {  	[tilespmem:s25+$0xFFFFE700] =	vst v1  }
0x44: {  	v2 =	vmov s26;
	s26 =	sadd.s32 $0x10, s26;
	v1 =	vld.idx.msk [tilespmem:v3+s18+$0x0], $0xffff  }
0x45: {  	v2 =	vshll.u32 v2, $0x3  }
0x46: {  	v2 =	vor.u32 v0, v2;
	_ =	sdelay $0x3  }
0x47: {  	[tilespmem:s25+$0x0] =	vst v1  }
0x48: {  	v1 =	vld.idx.msk [tilespmem:v2+s18+$0x0], $0xffff  }
0x49: {  	v3 =	vor.u32 $0x1, v2;
	_ =	sdelay $0x2  }
0x4a: {  	s26 =	sadd.s32 $0x10, s25  }
0x4b: {  	[tilespmem:s26+$0xFFFFB500] =	vst v1  }
0x4c: {  	v1 =	vld.idx.msk [tilespmem:v3+s18+$0x0], $0xffff  }
0x4d: {  	v3 =	vor.u32 $0x2, v2;
	_ =	sdelay $0x3  }
0x4e: {  	[tilespmem:s26+$0xFFFFCE00] =	vst v1  }
0x4f: {  	v1 =	vld.idx.msk [tilespmem:v3+s18+$0x0], $0xffff  }
0x50: {  	v2 =	vor.u32 $0x3, v2;
	_ =	sdelay $0x3  }
0x51: {  	[tilespmem:s26+$0xFFFFE700] =	vst v1  }
0x52: {  	v1 =	vld.idx.msk [tilespmem:v2+s18+$0x0], $0xffff;
	_ =	sdelay $0x4  }
0x53: {  	[tilespmem:s26+$0x0] =	vst v1;
	s26 =	simm.s32 $0x0  }
0x54: {  	[hbm4b:s5+s26] =	stream.linear.scatter [tilespmem:s20], [sflag:$0x2], $0x1900, $0x38;
	[tilespmem:$0x14500] =	vst v63  }
0x55: {  	_ =	swait.ge [sflag:s17], $0x1900  }
0x56: {  	[sflag:s17] =	ssyncset.done $0x0  }
0x57: {  	s28 =	rddreg [dreg:$0x3];
	[sflag:s17] =	ssyncadd.s32 $0xFFFFE700  }
0x58: {  	[hbm4b:s28+s26] =	stream.linear.scatter [tilespmem:s21], [sflag:$0x2], $0x1900, $0x38;
	[tilespmem:$0x14500] =	vst v63  }
0x59: {  	_ =	swait.ge [sflag:s17], $0x1900  }
0x5a: {  	[sflag:s17] =	ssyncset.done $0x0  }
0x5b: {  	s28 =	rddreg [dreg:$0x4];
	[sflag:s17] =	ssyncadd.s32 $0xFFFFE700  }
0x5c: {  	[hbm4b:s28+s26] =	stream.linear.scatter [tilespmem:s22], [sflag:$0x2], $0x1900, $0x38;
	[tilespmem:$0x14500] =	vst v63  }
0x5d: {  	_ =	swait.ge [sflag:s17], $0x1900  }
0x5e: {  	[sflag:s17] =	ssyncset.done $0x0  }
0x5f: {  	s25 =	simm.s32 $0x12C00;
	s28 =	rddreg [dreg:$0x5];
	[sflag:s17] =	ssyncadd.s32 $0xFFFFE700  }
0x60: {  	[hbm4b:s28+s26] =	stream.linear.scatter [tilespmem:s25], [sflag:$0x2], $0x1900, $0x38;
	[tilespmem:$0x14500] =	vst v63  }
0x61: {  	_ =	swait.ge [sflag:s17], $0x1900  }
0x62: {  	[sflag:s17] =	ssyncset.done $0x0  }
0x63: {  	s28 =	rddreg [dreg:$0x6];
	[sflag:s17] =	ssyncadd.s32 $0xFFFFE700  }
0x64: {  	[tilespmem:s26], [sflag:$0x2] =	stream.linear.gather [hbm4b:s28+s26], $0x1900, $0x38;
	[tilespmem:$0x14500] =	vst v63  }
0x65: {  	v1 =	vmov s26;
	_ =	swait.ge [sflag:s17], $0x1900  }
0x66: {  	v1 =	vshll.u32 v1, $0x3;
	[sflag:s17] =	ssyncset.done $0x0  }
0x67: {  	v1 =	vor.u32 v0, v1;
	[sflag:s17] =	ssyncadd.s32 $0xFFFFE700  }
0x68: {  	[tilespmem:s18], [sflag:$0x1] =	stream.indirect.gather [hbm4b:s3+s18], $0x8, s26, s18, $0xb8;
	[tilespmem:$0x14500] =	vst v63  }
0x69: {  	_ =	swait.ge [sflag:s19], $0xC800  }
0x6a: {  	[sflag:s19] =	ssyncset.done $0x0  }
0x6b: {  	[sflag:s19] =	ssyncadd.s32 $0xFFFF3800  }
0x6c: {  	v2 =	vld.idx.msk [tilespmem:v1+s18+$0x0], $0xffff  }
0x6d: {  	v3 =	vor.u32 $0x1, v1;
	_ =	sdelay $0x3  }
0x6e: {  	[tilespmem:s25+$0xFFFFB500] =	vst v2  }
0x6f: {  	v2 =	vld.idx.msk [tilespmem:v3+s18+$0x0], $0xffff  }
0x70: {  	v3 =	vor.u32 $0x2, v1;
	_ =	sdelay $0x3  }
0x71: {  	[tilespmem:s25+$0xFFFFCE00] =	vst v2  }
0x72: {  	v2 =	vld.idx.msk [tilespmem:v3+s18+$0x0], $0xffff  }
0x73: {  	v1 =	vor.u32 $0x3, v1;
	_ =	sdelay $0x3  }
0x74: {  	s28 =	simm.s32 $0x10;
	[tilespmem:s25+$0xFFFFE700] =	vst v2  }
0x75: {  	s26 =	simm.s32 $0x20;
	v2 =	vmov s28;
	v1 =	vld.idx.msk [tilespmem:v1+s18+$0x0], $0xffff  }
.LBB2_4:
0x76: {  	p0 =	sne.s32 s26, $0x18F0;
	v2 =	vshll.u32 v2, $0x3  }
0x77: {  	v2 =	vor.u32 v0, v2;
	_ =	sdelay $0x3  }
0x78: {  	[tilespmem:s25+$0x0] =	vst v1  }
0x79: {  	v1 =	vld.idx.msk [tilespmem:v2+s18+$0x0], $0xffff;
	_ =	sdelay $0x1  }
0x7a: {  	v3 =	vor.u32 $0x1, v2;
	_ =	sdelay $0x2  }
0x7b: {  	s25 =	sadd.s32 $0x10, s25  }
0x7c: {  	[tilespmem:s25+$0xFFFFB500] =	vst v1  }
0x7d: {  	v1 =	vld.idx.msk [tilespmem:v3+s18+$0x0], $0xffff;
	_ =	sdelay $0x1  }
0x7e: {  	v3 =	vor.u32 $0x2, v2;
	_ =	sdelay $0x3  }
0x7f: {  	[tilespmem:s25+$0xFFFFCE00] =	vst v1  }
0x80: {  	v1 =	vld.idx.msk [tilespmem:v3+s18+$0x0], $0xffff;
	_ =	sdelay $0x1  }
0x81: {  	v3 =	vor.u32 $0x3, v2  }
.Ltmp1:
0x82: {  	(pc) =	sbr.rel @p0 .LBB2_4-.Ltmp1, $3  }
0x83: {  	_ =	sdelay $0x1  }
0x84: {  	[tilespmem:s25+$0xFFFFE700] =	vst v1  }
0x85: {  	v2 =	vmov s26;
	s26 =	sadd.s32 $0x10, s26;
	v1 =	vld.idx.msk [tilespmem:v3+s18+$0x0], $0xffff  }
0x86: {  	v2 =	vshll.u32 v2, $0x3  }
0x87: {  	v2 =	vor.u32 v0, v2;
	_ =	sdelay $0x3  }
0x88: {  	[tilespmem:s25+$0x0] =	vst v1  }
0x89: {  	v1 =	vld.idx.msk [tilespmem:v2+s18+$0x0], $0xffff  }
0x8a: {  	v3 =	vor.u32 $0x1, v2;
	_ =	sdelay $0x2  }
0x8b: {  	s26 =	sadd.s32 $0x10, s25  }
0x8c: {  	[tilespmem:s26+$0xFFFFB500] =	vst v1  }
0x8d: {  	v1 =	vld.idx.msk [tilespmem:v3+s18+$0x0], $0xffff  }
0x8e: {  	v3 =	vor.u32 $0x2, v2;
	_ =	sdelay $0x3  }
0x8f: {  	[tilespmem:s26+$0xFFFFCE00] =	vst v1  }
0x90: {  	v1 =	vld.idx.msk [tilespmem:v3+s18+$0x0], $0xffff  }
0x91: {  	v2 =	vor.u32 $0x3, v2;
	_ =	sdelay $0x3  }
0x92: {  	[tilespmem:s26+$0xFFFFE700] =	vst v1  }
0x93: {  	v1 =	vld.idx.msk [tilespmem:v2+s18+$0x0], $0xffff;
	_ =	sdelay $0x4  }
0x94: {  	s28 =	rddreg [dreg:$0x7];
	[tilespmem:s26+$0x0] =	vst v1;
	s26 =	simm.s32 $0x0  }
0x95: {  	[hbm4b:s28+s26] =	stream.linear.scatter [tilespmem:s20], [sflag:$0x2], $0x1900, $0x38;
	[tilespmem:$0x14500] =	vst v63  }
0x96: {  	_ =	swait.ge [sflag:s17], $0x1900  }
0x97: {  	[sflag:s17] =	ssyncset.done $0x0  }
0x98: {  	s28 =	rddreg [dreg:$0x8];
	[sflag:s17] =	ssyncadd.s32 $0xFFFFE700  }
0x99: {  	[hbm4b:s28+s26] =	stream.linear.scatter [tilespmem:s21], [sflag:$0x2], $0x1900, $0x38;
	[tilespmem:$0x14500] =	vst v63  }
0x9a: {  	_ =	swait.ge [sflag:s17], $0x1900  }
0x9b: {  	[sflag:s17] =	ssyncset.done $0x0  }
0x9c: {  	s28 =	rddreg [dreg:$0x15];
	[sflag:s17] =	ssyncadd.s32 $0xFFFFE700  }
0x9d: {  	[hbm4b:s28+s26] =	stream.linear.scatter [tilespmem:s22], [sflag:$0x2], $0x1900, $0x38;
	[tilespmem:$0x14500] =	vst v63  }
0x9e: {  	_ =	swait.ge [sflag:s17], $0x1900  }
0x9f: {  	[sflag:s17] =	ssyncset.done $0x0  }
0xa0: {  	s25 =	simm.s32 $0x12C00;
	s28 =	rddreg [dreg:$0x17];
	[sflag:s17] =	ssyncadd.s32 $0xFFFFE700  }
0xa1: {  	[hbm4b:s28+s26] =	stream.linear.scatter [tilespmem:s25], [sflag:$0x2], $0x1900, $0x38;
	[tilespmem:$0x14500] =	vst v63  }
0xa2: {  	_ =	swait.ge [sflag:s17], $0x1900  }
0xa3: {  	[sflag:s17] =	ssyncset.done $0x0  }
0xa4: {  	s28 =	rddreg [dreg:$0x9];
	[sflag:s17] =	ssyncadd.s32 $0xFFFFE700  }
0xa5: {  	[tilespmem:s26], [sflag:$0x2] =	stream.linear.gather [hbm4b:s28+s26], $0x1900, $0x38;
	[tilespmem:$0x14500] =	vst v63  }
0xa6: {  	v1 =	vmov s26;
	_ =	swait.ge [sflag:s17], $0x1900  }
0xa7: {  	v1 =	vshll.u32 v1, $0x3;
	[sflag:s17] =	ssyncset.done $0x0  }
0xa8: {  	v1 =	vor.u32 v0, v1;
	[sflag:s17] =	ssyncadd.s32 $0xFFFFE700  }
0xa9: {  	[tilespmem:s18], [sflag:$0x1] =	stream.indirect.gather [hbm4b:s3+s18], $0x8, s26, s18, $0xb8;
	[tilespmem:$0x14500] =	vst v63  }
0xaa: {  	_ =	swait.ge [sflag:s19], $0xC800  }
0xab: {  	[sflag:s19] =	ssyncset.done $0x0  }
0xac: {  	[sflag:s19] =	ssyncadd.s32 $0xFFFF3800  }
0xad: {  	v2 =	vld.idx.msk [tilespmem:v1+s18+$0x0], $0xffff  }
0xae: {  	v3 =	vor.u32 $0x1, v1;
	_ =	sdelay $0x3  }
0xaf: {  	[tilespmem:s25+$0xFFFFB500] =	vst v2  }
0xb0: {  	v2 =	vld.idx.msk [tilespmem:v3+s18+$0x0], $0xffff  }
0xb1: {  	v3 =	vor.u32 $0x2, v1;
	_ =	sdelay $0x3  }
0xb2: {  	[tilespmem:s25+$0xFFFFCE00] =	vst v2  }
0xb3: {  	v2 =	vld.idx.msk [tilespmem:v3+s18+$0x0], $0xffff  }
0xb4: {  	v1 =	vor.u32 $0x3, v1;
	_ =	sdelay $0x3  }
0xb5: {  	s28 =	simm.s32 $0x10;
	[tilespmem:s25+$0xFFFFE700] =	vst v2  }
0xb6: {  	s26 =	simm.s32 $0x20;
	v2 =	vmov s28;
	v1 =	vld.idx.msk [tilespmem:v1+s18+$0x0], $0xffff  }
.LBB2_6:
0xb7: {  	p0 =	sne.s32 s26, $0x18F0;
	v2 =	vshll.u32 v2, $0x3  }
0xb8: {  	v2 =	vor.u32 v0, v2;
	_ =	sdelay $0x3  }
0xb9: {  	[tilespmem:s25+$0x0] =	vst v1  }
0xba: {  	v1 =	vld.idx.msk [tilespmem:v2+s18+$0x0], $0xffff;
	_ =	sdelay $0x1  }
0xbb: {  	v3 =	vor.u32 $0x1, v2;
	_ =	sdelay $0x2  }
0xbc: {  	s25 =	sadd.s32 $0x10, s25  }
0xbd: {  	[tilespmem:s25+$0xFFFFB500] =	vst v1  }
0xbe: {  	v1 =	vld.idx.msk [tilespmem:v3+s18+$0x0], $0xffff;
	_ =	sdelay $0x1  }
0xbf: {  	v3 =	vor.u32 $0x2, v2;
	_ =	sdelay $0x3  }
0xc0: {  	[tilespmem:s25+$0xFFFFCE00] =	vst v1  }
0xc1: {  	v1 =	vld.idx.msk [tilespmem:v3+s18+$0x0], $0xffff;
	_ =	sdelay $0x1  }
0xc2: {  	v3 =	vor.u32 $0x3, v2  }
.Ltmp2:
0xc3: {  	(pc) =	sbr.rel @p0 .LBB2_6-.Ltmp2, $3  }
0xc4: {  	_ =	sdelay $0x1  }
0xc5: {  	[tilespmem:s25+$0xFFFFE700] =	vst v1  }
0xc6: {  	v2 =	vmov s26;
	s26 =	sadd.s32 $0x10, s26;
	v1 =	vld.idx.msk [tilespmem:v3+s18+$0x0], $0xffff  }
0xc7: {  	v2 =	vshll.u32 v2, $0x3  }
0xc8: {  	v2 =	vor.u32 v0, v2;
	_ =	sdelay $0x3  }
0xc9: {  	[tilespmem:s25+$0x0] =	vst v1  }
0xca: {  	v1 =	vld.idx.msk [tilespmem:v2+s18+$0x0], $0xffff  }
0xcb: {  	v3 =	vor.u32 $0x1, v2;
	_ =	sdelay $0x2  }
0xcc: {  	s26 =	sadd.s32 $0x10, s25  }
0xcd: {  	[tilespmem:s26+$0xFFFFB500] =	vst v1  }
0xce: {  	v1 =	vld.idx.msk [tilespmem:v3+s18+$0x0], $0xffff  }
0xcf: {  	v3 =	vor.u32 $0x2, v2;
	_ =	sdelay $0x3  }
0xd0: {  	[tilespmem:s26+$0xFFFFCE00] =	vst v1  }
0xd1: {  	v1 =	vld.idx.msk [tilespmem:v3+s18+$0x0], $0xffff  }
0xd2: {  	v2 =	vor.u32 $0x3, v2;
	_ =	sdelay $0x3  }
0xd3: {  	[tilespmem:s26+$0xFFFFE700] =	vst v1  }
0xd4: {  	v1 =	vld.idx.msk [tilespmem:v2+s18+$0x0], $0xffff;
	_ =	sdelay $0x4  }
0xd5: {  	s28 =	rddreg [dreg:$0xa];
	[tilespmem:s26+$0x0] =	vst v1;
	s26 =	simm.s32 $0x0  }
0xd6: {  	[hbm4b:s28+s26] =	stream.linear.scatter [tilespmem:s20], [sflag:$0x2], $0x1900, $0x38;
	[tilespmem:$0x14500] =	vst v63  }
0xd7: {  	_ =	swait.ge [sflag:s17], $0x1900  }
0xd8: {  	[sflag:s17] =	ssyncset.done $0x0  }
0xd9: {  	s28 =	rddreg [dreg:$0x18];
	[sflag:s17] =	ssyncadd.s32 $0xFFFFE700  }
0xda: {  	[hbm4b:s28+s26] =	stream.linear.scatter [tilespmem:s21], [sflag:$0x2], $0x1900, $0x38;
	[tilespmem:$0x14500] =	vst v63  }
0xdb: {  	_ =	swait.ge [sflag:s17], $0x1900  }
0xdc: {  	[sflag:s17] =	ssyncset.done $0x0  }
0xdd: {  	[sflag:s17] =	ssyncadd.s32 $0xFFFFE700  }
0xde: {  	[hbm4b:s29+s26] =	stream.linear.scatter [tilespmem:s22], [sflag:$0x2], $0x1900, $0x38;
	[tilespmem:$0x14500] =	vst v63  }
0xdf: {  	_ =	swait.ge [sflag:s17], $0x1900  }
0xe0: {  	[sflag:s17] =	ssyncset.done $0x0  }
0xe1: {  	s25 =	simm.s32 $0x12C00;
	[sflag:s17] =	ssyncadd.s32 $0xFFFFE700  }
0xe2: {  	[hbm4b:s30+s26] =	stream.linear.scatter [tilespmem:s25], [sflag:$0x2], $0x1900, $0x38;
	[tilespmem:$0x14500] =	vst v63  }
0xe3: {  	_ =	swait.ge [sflag:s17], $0x1900  }
0xe4: {  	[sflag:s17] =	ssyncset.done $0x0  }
0xe5: {  	s28 =	rddreg [dreg:$0xb];
	[sflag:s17] =	ssyncadd.s32 $0xFFFFE700  }
0xe6: {  	[tilespmem:s26], [sflag:$0x2] =	stream.linear.gather [hbm4b:s28+s26], $0x1900, $0x38;
	[tilespmem:$0x14500] =	vst v63  }
0xe7: {  	v1 =	vmov s26;
	_ =	swait.ge [sflag:s17], $0x1900  }
0xe8: {  	v1 =	vshll.u32 v1, $0x3;
	[sflag:s17] =	ssyncset.done $0x0  }
0xe9: {  	v1 =	vor.u32 v0, v1;
	[sflag:s17] =	ssyncadd.s32 $0xFFFFE700  }
0xea: {  	[tilespmem:s18], [sflag:$0x1] =	stream.indirect.gather [hbm4b:s3+s18], $0x8, s26, s18, $0xb8;
	[tilespmem:$0x14500] =	vst v63  }
0xeb: {  	_ =	swait.ge [sflag:s19], $0xC800  }
0xec: {  	[sflag:s19] =	ssyncset.done $0x0  }
0xed: {  	[sflag:s19] =	ssyncadd.s32 $0xFFFF3800  }
0xee: {  	v2 =	vld.idx.msk [tilespmem:v1+s18+$0x0], $0xffff  }
0xef: {  	v3 =	vor.u32 $0x1, v1;
	_ =	sdelay $0x3  }
0xf0: {  	[tilespmem:s25+$0xFFFFB500] =	vst v2  }
0xf1: {  	v2 =	vld.idx.msk [tilespmem:v3+s18+$0x0], $0xffff  }
0xf2: {  	v3 =	vor.u32 $0x2, v1;
	_ =	sdelay $0x3  }
0xf3: {  	[tilespmem:s25+$0xFFFFCE00] =	vst v2  }
0xf4: {  	v2 =	vld.idx.msk [tilespmem:v3+s18+$0x0], $0xffff  }
0xf5: {  	v1 =	vor.u32 $0x3, v1;
	_ =	sdelay $0x3  }
0xf6: {  	s28 =	simm.s32 $0x10;
	[tilespmem:s25+$0xFFFFE700] =	vst v2  }
0xf7: {  	s26 =	simm.s32 $0x20;
	v2 =	vmov s28;
	v1 =	vld.idx.msk [tilespmem:v1+s18+$0x0], $0xffff  }
.LBB2_8:
0xf8: {  	p0 =	sne.s32 s26, $0x18F0;
	v2 =	vshll.u32 v2, $0x3  }
0xf9: {  	v2 =	vor.u32 v0, v2;
	_ =	sdelay $0x3  }
0xfa: {  	[tilespmem:s25+$0x0] =	vst v1  }
0xfb: {  	v1 =	vld.idx.msk [tilespmem:v2+s18+$0x0], $0xffff;
	_ =	sdelay $0x1  }
0xfc: {  	v3 =	vor.u32 $0x1, v2;
	_ =	sdelay $0x2  }
0xfd: {  	s25 =	sadd.s32 $0x10, s25  }
0xfe: {  	[tilespmem:s25+$0xFFFFB500] =	vst v1  }
0xff: {  	v1 =	vld.idx.msk [tilespmem:v3+s18+$0x0], $0xffff;
	_ =	sdelay $0x1  }
0x100: {  	v3 =	vor.u32 $0x2, v2;
	_ =	sdelay $0x3  }
0x101: {  	[tilespmem:s25+$0xFFFFCE00] =	vst v1  }
0x102: {  	v1 =	vld.idx.msk [tilespmem:v3+s18+$0x0], $0xffff;
	_ =	sdelay $0x1  }
0x103: {  	v3 =	vor.u32 $0x3, v2  }
.Ltmp3:
0x104: {  	(pc) =	sbr.rel @p0 .LBB2_8-.Ltmp3, $3  }
0x105: {  	_ =	sdelay $0x1  }
0x106: {  	[tilespmem:s25+$0xFFFFE700] =	vst v1  }
0x107: {  	v2 =	vmov s26;
	s26 =	sadd.s32 $0x10, s26;
	v1 =	vld.idx.msk [tilespmem:v3+s18+$0x0], $0xffff  }
0x108: {  	v2 =	vshll.u32 v2, $0x3  }
0x109: {  	v2 =	vor.u32 v0, v2;
	_ =	sdelay $0x3  }
0x10a: {  	[tilespmem:s25+$0x0] =	vst v1  }
0x10b: {  	v1 =	vld.idx.msk [tilespmem:v2+s18+$0x0], $0xffff  }
0x10c: {  	v3 =	vor.u32 $0x1, v2;
	_ =	sdelay $0x2  }
0x10d: {  	s26 =	sadd.s32 $0x10, s25  }
0x10e: {  	[tilespmem:s26+$0xFFFFB500] =	vst v1  }
0x10f: {  	v1 =	vld.idx.msk [tilespmem:v3+s18+$0x0], $0xffff  }
0x110: {  	v3 =	vor.u32 $0x2, v2;
	_ =	sdelay $0x3  }
0x111: {  	[tilespmem:s26+$0xFFFFCE00] =	vst v1  }
0x112: {  	v1 =	vld.idx.msk [tilespmem:v3+s18+$0x0], $0xffff  }
0x113: {  	v2 =	vor.u32 $0x3, v2;
	_ =	sdelay $0x3  }
0x114: {  	[tilespmem:s26+$0xFFFFE700] =	vst v1  }
0x115: {  	v1 =	vld.idx.msk [tilespmem:v2+s18+$0x0], $0xffff;
	_ =	sdelay $0x4  }
0x116: {  	s28 =	rddreg [dreg:$0xc];
	[tilespmem:s26+$0x0] =	vst v1;
	s26 =	simm.s32 $0x0  }
0x117: {  	[hbm4b:s28+s26] =	stream.linear.scatter [tilespmem:s20], [sflag:$0x2], $0x1900, $0x38;
	[tilespmem:$0x14500] =	vst v63  }
0x118: {  	_ =	swait.ge [sflag:s17], $0x1900  }
0x119: {  	[sflag:s17] =	ssyncset.done $0x0  }
0x11a: {  	[sflag:s17] =	ssyncadd.s32 $0xFFFFE700  }
0x11b: {  	[hbm4b:s31+s26] =	stream.linear.scatter [tilespmem:s21], [sflag:$0x2], $0x1900, $0x38;
	[tilespmem:$0x14500] =	vst v63  }
0x11c: {  	_ =	swait.ge [sflag:s17], $0x1900  }
0x11d: {  	[sflag:s17] =	ssyncset.done $0x0  }
0x11e: {  	[sflag:s17] =	ssyncadd.s32 $0xFFFFE700  }
0x11f: {  	[hbm4b:s0+s26] =	stream.linear.scatter [tilespmem:s22], [sflag:$0x2], $0x1900, $0x38;
	[tilespmem:$0x14500] =	vst v63  }
0x120: {  	_ =	swait.ge [sflag:s17], $0x1900  }
0x121: {  	[sflag:s17] =	ssyncset.done $0x0  }
0x122: {  	s25 =	simm.s32 $0x12C00;
	[sflag:s17] =	ssyncadd.s32 $0xFFFFE700  }
0x123: {  	[hbm4b:s1+s26] =	stream.linear.scatter [tilespmem:s25], [sflag:$0x2], $0x1900, $0x38;
	[tilespmem:$0x14500] =	vst v63  }
0x124: {  	_ =	swait.ge [sflag:s17], $0x1900  }
0x125: {  	[sflag:s17] =	ssyncset.done $0x0  }
0x126: {  	s28 =	rddreg [dreg:$0xd];
	[sflag:s17] =	ssyncadd.s32 $0xFFFFE700  }
0x127: {  	[tilespmem:s26], [sflag:$0x2] =	stream.linear.gather [hbm4b:s28+s26], $0x1900, $0x38;
	[tilespmem:$0x14500] =	vst v63  }
0x128: {  	v1 =	vmov s26;
	_ =	swait.ge [sflag:s17], $0x1900  }
0x129: {  	v1 =	vshll.u32 v1, $0x3;
	[sflag:s17] =	ssyncset.done $0x0  }
0x12a: {  	v1 =	vor.u32 v0, v1;
	[sflag:s17] =	ssyncadd.s32 $0xFFFFE700  }
0x12b: {  	[tilespmem:s18], [sflag:$0x1] =	stream.indirect.gather [hbm4b:s3+s18], $0x8, s26, s18, $0xb8;
	[tilespmem:$0x14500] =	vst v63  }
0x12c: {  	_ =	swait.ge [sflag:s19], $0xC800  }
0x12d: {  	[sflag:s19] =	ssyncset.done $0x0  }
0x12e: {  	[sflag:s19] =	ssyncadd.s32 $0xFFFF3800  }
0x12f: {  	v2 =	vld.idx.msk [tilespmem:v1+s18+$0x0], $0xffff  }
0x130: {  	v3 =	vor.u32 $0x1, v1;
	_ =	sdelay $0x3  }
0x131: {  	[tilespmem:s25+$0xFFFFB500] =	vst v2  }
0x132: {  	v2 =	vld.idx.msk [tilespmem:v3+s18+$0x0], $0xffff  }
0x133: {  	v3 =	vor.u32 $0x2, v1;
	_ =	sdelay $0x3  }
0x134: {  	[tilespmem:s25+$0xFFFFCE00] =	vst v2  }
0x135: {  	v2 =	vld.idx.msk [tilespmem:v3+s18+$0x0], $0xffff  }
0x136: {  	v1 =	vor.u32 $0x3, v1;
	_ =	sdelay $0x3  }
0x137: {  	s28 =	simm.s32 $0x10;
	[tilespmem:s25+$0xFFFFE700] =	vst v2  }
0x138: {  	s26 =	simm.s32 $0x20;
	v2 =	vmov s28;
	v1 =	vld.idx.msk [tilespmem:v1+s18+$0x0], $0xffff  }
.LBB2_10:
0x139: {  	p0 =	sne.s32 s26, $0x18F0;
	v2 =	vshll.u32 v2, $0x3  }
0x13a: {  	v2 =	vor.u32 v0, v2;
	_ =	sdelay $0x3  }
0x13b: {  	[tilespmem:s25+$0x0] =	vst v1  }
0x13c: {  	v1 =	vld.idx.msk [tilespmem:v2+s18+$0x0], $0xffff;
	_ =	sdelay $0x1  }
0x13d: {  	v3 =	vor.u32 $0x1, v2;
	_ =	sdelay $0x2  }
0x13e: {  	s25 =	sadd.s32 $0x10, s25  }
0x13f: {  	[tilespmem:s25+$0xFFFFB500] =	vst v1  }
0x140: {  	v1 =	vld.idx.msk [tilespmem:v3+s18+$0x0], $0xffff;
	_ =	sdelay $0x1  }
0x141: {  	v3 =	vor.u32 $0x2, v2;
	_ =	sdelay $0x3  }
0x142: {  	[tilespmem:s25+$0xFFFFCE00] =	vst v1  }
0x143: {  	v1 =	vld.idx.msk [tilespmem:v3+s18+$0x0], $0xffff;
	_ =	sdelay $0x1  }
0x144: {  	v3 =	vor.u32 $0x3, v2  }
.Ltmp4:
0x145: {  	(pc) =	sbr.rel @p0 .LBB2_10-.Ltmp4, $3  }
0x146: {  	_ =	sdelay $0x1  }
0x147: {  	[tilespmem:s25+$0xFFFFE700] =	vst v1  }
0x148: {  	v2 =	vmov s26;
	s26 =	sadd.s32 $0x10, s26;
	v1 =	vld.idx.msk [tilespmem:v3+s18+$0x0], $0xffff  }
0x149: {  	v2 =	vshll.u32 v2, $0x3  }
0x14a: {  	v2 =	vor.u32 v0, v2;
	_ =	sdelay $0x3  }
0x14b: {  	[tilespmem:s25+$0x0] =	vst v1  }
0x14c: {  	v1 =	vld.idx.msk [tilespmem:v2+s18+$0x0], $0xffff  }
0x14d: {  	v3 =	vor.u32 $0x1, v2;
	_ =	sdelay $0x2  }
0x14e: {  	s26 =	sadd.s32 $0x10, s25  }
0x14f: {  	[tilespmem:s26+$0xFFFFB500] =	vst v1  }
0x150: {  	v1 =	vld.idx.msk [tilespmem:v3+s18+$0x0], $0xffff  }
0x151: {  	v3 =	vor.u32 $0x2, v2;
	_ =	sdelay $0x3  }
0x152: {  	[tilespmem:s26+$0xFFFFCE00] =	vst v1  }
0x153: {  	v1 =	vld.idx.msk [tilespmem:v3+s18+$0x0], $0xffff  }
0x154: {  	v2 =	vor.u32 $0x3, v2;
	_ =	sdelay $0x3  }
0x155: {  	[tilespmem:s26+$0xFFFFE700] =	vst v1  }
0x156: {  	v1 =	vld.idx.msk [tilespmem:v2+s18+$0x0], $0xffff;
	_ =	sdelay $0x4  }
0x157: {  	s28 =	rddreg [dreg:$0xe];
	[tilespmem:s26+$0x0] =	vst v1;
	s26 =	simm.s32 $0x0  }
0x158: {  	[hbm4b:s28+s26] =	stream.linear.scatter [tilespmem:s20], [sflag:$0x2], $0x1900, $0x38;
	[tilespmem:$0x14500] =	vst v63  }
0x159: {  	_ =	swait.ge [sflag:s17], $0x1900  }
0x15a: {  	[sflag:s17] =	ssyncset.done $0x0  }
0x15b: {  	[sflag:s17] =	ssyncadd.s32 $0xFFFFE700  }
0x15c: {  	[hbm4b:s4+s26] =	stream.linear.scatter [tilespmem:s21], [sflag:$0x2], $0x1900, $0x38;
	[tilespmem:$0x14500] =	vst v63  }
0x15d: {  	_ =	swait.ge [sflag:s17], $0x1900  }
0x15e: {  	[sflag:s17] =	ssyncset.done $0x0  }
0x15f: {  	[sflag:s17] =	ssyncadd.s32 $0xFFFFE700  }
0x160: {  	[hbm4b:s6+s26] =	stream.linear.scatter [tilespmem:s22], [sflag:$0x2], $0x1900, $0x38;
	[tilespmem:$0x14500] =	vst v63  }
0x161: {  	_ =	swait.ge [sflag:s17], $0x1900  }
0x162: {  	[sflag:s17] =	ssyncset.done $0x0  }
0x163: {  	s25 =	simm.s32 $0x12C00;
	[sflag:s17] =	ssyncadd.s32 $0xFFFFE700  }
0x164: {  	[hbm4b:s7+s26] =	stream.linear.scatter [tilespmem:s25], [sflag:$0x2], $0x1900, $0x38;
	[tilespmem:$0x14500] =	vst v63  }
0x165: {  	_ =	swait.ge [sflag:s17], $0x1900  }
0x166: {  	[sflag:s17] =	ssyncset.done $0x0  }
0x167: {  	s28 =	rddreg [dreg:$0xf];
	[sflag:s17] =	ssyncadd.s32 $0xFFFFE700  }
0x168: {  	[tilespmem:s26], [sflag:$0x2] =	stream.linear.gather [hbm4b:s28+s26], $0x1900, $0x38;
	[tilespmem:$0x14500] =	vst v63  }
0x169: {  	v1 =	vmov s26;
	_ =	swait.ge [sflag:s17], $0x1900  }
0x16a: {  	v1 =	vshll.u32 v1, $0x3;
	[sflag:s17] =	ssyncset.done $0x0  }
0x16b: {  	v1 =	vor.u32 v0, v1;
	[sflag:s17] =	ssyncadd.s32 $0xFFFFE700  }
0x16c: {  	[tilespmem:s18], [sflag:$0x1] =	stream.indirect.gather [hbm4b:s3+s18], $0x8, s26, s18, $0xb8;
	[tilespmem:$0x14500] =	vst v63  }
0x16d: {  	_ =	swait.ge [sflag:s19], $0xC800  }
0x16e: {  	[sflag:s19] =	ssyncset.done $0x0  }
0x16f: {  	[sflag:s19] =	ssyncadd.s32 $0xFFFF3800  }
0x170: {  	v2 =	vld.idx.msk [tilespmem:v1+s18+$0x0], $0xffff  }
0x171: {  	v3 =	vor.u32 $0x1, v1;
	_ =	sdelay $0x3  }
0x172: {  	[tilespmem:s25+$0xFFFFB500] =	vst v2  }
0x173: {  	v2 =	vld.idx.msk [tilespmem:v3+s18+$0x0], $0xffff  }
0x174: {  	v3 =	vor.u32 $0x2, v1;
	_ =	sdelay $0x3  }
0x175: {  	[tilespmem:s25+$0xFFFFCE00] =	vst v2  }
0x176: {  	v2 =	vld.idx.msk [tilespmem:v3+s18+$0x0], $0xffff  }
0x177: {  	v1 =	vor.u32 $0x3, v1;
	_ =	sdelay $0x3  }
0x178: {  	s28 =	simm.s32 $0x10;
	[tilespmem:s25+$0xFFFFE700] =	vst v2  }
0x179: {  	s26 =	simm.s32 $0x20;
	v2 =	vmov s28;
	v1 =	vld.idx.msk [tilespmem:v1+s18+$0x0], $0xffff  }
.LBB2_12:
0x17a: {  	p0 =	sne.s32 s26, $0x18F0;
	v2 =	vshll.u32 v2, $0x3  }
0x17b: {  	v2 =	vor.u32 v0, v2;
	_ =	sdelay $0x3  }
0x17c: {  	[tilespmem:s25+$0x0] =	vst v1  }
0x17d: {  	v1 =	vld.idx.msk [tilespmem:v2+s18+$0x0], $0xffff;
	_ =	sdelay $0x1  }
0x17e: {  	v3 =	vor.u32 $0x1, v2;
	_ =	sdelay $0x2  }
0x17f: {  	s25 =	sadd.s32 $0x10, s25  }
0x180: {  	[tilespmem:s25+$0xFFFFB500] =	vst v1  }
0x181: {  	v1 =	vld.idx.msk [tilespmem:v3+s18+$0x0], $0xffff;
	_ =	sdelay $0x1  }
0x182: {  	v3 =	vor.u32 $0x2, v2;
	_ =	sdelay $0x3  }
0x183: {  	[tilespmem:s25+$0xFFFFCE00] =	vst v1  }
0x184: {  	v1 =	vld.idx.msk [tilespmem:v3+s18+$0x0], $0xffff;
	_ =	sdelay $0x1  }
0x185: {  	v3 =	vor.u32 $0x3, v2  }
.Ltmp5:
0x186: {  	(pc) =	sbr.rel @p0 .LBB2_12-.Ltmp5, $3  }
0x187: {  	_ =	sdelay $0x1  }
0x188: {  	[tilespmem:s25+$0xFFFFE700] =	vst v1  }
0x189: {  	v2 =	vmov s26;
	s26 =	sadd.s32 $0x10, s26;
	v1 =	vld.idx.msk [tilespmem:v3+s18+$0x0], $0xffff  }
0x18a: {  	v2 =	vshll.u32 v2, $0x3  }
0x18b: {  	v2 =	vor.u32 v0, v2;
	_ =	sdelay $0x3  }
0x18c: {  	[tilespmem:s25+$0x0] =	vst v1  }
0x18d: {  	v1 =	vld.idx.msk [tilespmem:v2+s18+$0x0], $0xffff  }
0x18e: {  	v3 =	vor.u32 $0x1, v2;
	_ =	sdelay $0x2  }
0x18f: {  	s26 =	sadd.s32 $0x10, s25  }
0x190: {  	[tilespmem:s26+$0xFFFFB500] =	vst v1  }
0x191: {  	v1 =	vld.idx.msk [tilespmem:v3+s18+$0x0], $0xffff  }
0x192: {  	v3 =	vor.u32 $0x2, v2;
	_ =	sdelay $0x3  }
0x193: {  	[tilespmem:s26+$0xFFFFCE00] =	vst v1  }
0x194: {  	v1 =	vld.idx.msk [tilespmem:v3+s18+$0x0], $0xffff  }
0x195: {  	v2 =	vor.u32 $0x3, v2;
	_ =	sdelay $0x3  }
0x196: {  	[tilespmem:s26+$0xFFFFE700] =	vst v1  }
0x197: {  	v1 =	vld.idx.msk [tilespmem:v2+s18+$0x0], $0xffff;
	_ =	sdelay $0x4  }
0x198: {  	s28 =	rddreg [dreg:$0x10];
	[tilespmem:s26+$0x0] =	vst v1;
	s26 =	simm.s32 $0x0  }
0x199: {  	[hbm4b:s28+s26] =	stream.linear.scatter [tilespmem:s20], [sflag:$0x2], $0x1900, $0x38;
	[tilespmem:$0x14500] =	vst v63  }
0x19a: {  	_ =	swait.ge [sflag:s17], $0x1900  }
0x19b: {  	[sflag:s17] =	ssyncset.done $0x0  }
0x19c: {  	[sflag:s17] =	ssyncadd.s32 $0xFFFFE700  }
0x19d: {  	[hbm4b:s8+s26] =	stream.linear.scatter [tilespmem:s21], [sflag:$0x2], $0x1900, $0x38;
	[tilespmem:$0x14500] =	vst v63  }
0x19e: {  	_ =	swait.ge [sflag:s17], $0x1900  }
0x19f: {  	[sflag:s17] =	ssyncset.done $0x0  }
0x1a0: {  	[sflag:s17] =	ssyncadd.s32 $0xFFFFE700  }
0x1a1: {  	[hbm4b:s9+s26] =	stream.linear.scatter [tilespmem:s22], [sflag:$0x2], $0x1900, $0x38;
	[tilespmem:$0x14500] =	vst v63  }
0x1a2: {  	_ =	swait.ge [sflag:s17], $0x1900  }
0x1a3: {  	[sflag:s17] =	ssyncset.done $0x0  }
0x1a4: {  	s25 =	simm.s32 $0x12C00;
	[sflag:s17] =	ssyncadd.s32 $0xFFFFE700  }
0x1a5: {  	[hbm4b:s10+s26] =	stream.linear.scatter [tilespmem:s25], [sflag:$0x2], $0x1900, $0x38;
	[tilespmem:$0x14500] =	vst v63  }
0x1a6: {  	_ =	swait.ge [sflag:s17], $0x1900  }
0x1a7: {  	[sflag:s17] =	ssyncset.done $0x0  }
0x1a8: {  	s28 =	rddreg [dreg:$0x11];
	[sflag:s17] =	ssyncadd.s32 $0xFFFFE700  }
0x1a9: {  	[tilespmem:s26], [sflag:$0x2] =	stream.linear.gather [hbm4b:s28+s26], $0x1900, $0x38;
	[tilespmem:$0x14500] =	vst v63  }
0x1aa: {  	v1 =	vmov s26;
	_ =	swait.ge [sflag:s17], $0x1900  }
0x1ab: {  	v1 =	vshll.u32 v1, $0x3;
	[sflag:s17] =	ssyncset.done $0x0  }
0x1ac: {  	v1 =	vor.u32 v0, v1;
	[sflag:s17] =	ssyncadd.s32 $0xFFFFE700  }
0x1ad: {  	[tilespmem:s18], [sflag:$0x1] =	stream.indirect.gather [hbm4b:s3+s18], $0x8, s26, s18, $0xb8;
	[tilespmem:$0x14500] =	vst v63  }
0x1ae: {  	_ =	swait.ge [sflag:s19], $0xC800  }
0x1af: {  	[sflag:s19] =	ssyncset.done $0x0  }
0x1b0: {  	[sflag:s19] =	ssyncadd.s32 $0xFFFF3800  }
0x1b1: {  	v2 =	vld.idx.msk [tilespmem:v1+s18+$0x0], $0xffff  }
0x1b2: {  	v3 =	vor.u32 $0x1, v1;
	_ =	sdelay $0x3  }
0x1b3: {  	[tilespmem:s25+$0xFFFFB500] =	vst v2  }
0x1b4: {  	v2 =	vld.idx.msk [tilespmem:v3+s18+$0x0], $0xffff  }
0x1b5: {  	v3 =	vor.u32 $0x2, v1;
	_ =	sdelay $0x3  }
0x1b6: {  	[tilespmem:s25+$0xFFFFCE00] =	vst v2  }
0x1b7: {  	v2 =	vld.idx.msk [tilespmem:v3+s18+$0x0], $0xffff  }
0x1b8: {  	v1 =	vor.u32 $0x3, v1;
	_ =	sdelay $0x3  }
0x1b9: {  	s28 =	simm.s32 $0x10;
	[tilespmem:s25+$0xFFFFE700] =	vst v2  }
0x1ba: {  	s26 =	simm.s32 $0x20;
	v2 =	vmov s28;
	v1 =	vld.idx.msk [tilespmem:v1+s18+$0x0], $0xffff  }
.LBB2_14:
0x1bb: {  	p0 =	sne.s32 s26, $0x18F0;
	v2 =	vshll.u32 v2, $0x3  }
0x1bc: {  	v2 =	vor.u32 v0, v2;
	_ =	sdelay $0x3  }
0x1bd: {  	[tilespmem:s25+$0x0] =	vst v1  }
0x1be: {  	v1 =	vld.idx.msk [tilespmem:v2+s18+$0x0], $0xffff;
	_ =	sdelay $0x1  }
0x1bf: {  	v3 =	vor.u32 $0x1, v2;
	_ =	sdelay $0x2  }
0x1c0: {  	s25 =	sadd.s32 $0x10, s25  }
0x1c1: {  	[tilespmem:s25+$0xFFFFB500] =	vst v1  }
0x1c2: {  	v1 =	vld.idx.msk [tilespmem:v3+s18+$0x0], $0xffff;
	_ =	sdelay $0x1  }
0x1c3: {  	v3 =	vor.u32 $0x2, v2;
	_ =	sdelay $0x3  }
0x1c4: {  	[tilespmem:s25+$0xFFFFCE00] =	vst v1  }
0x1c5: {  	v1 =	vld.idx.msk [tilespmem:v3+s18+$0x0], $0xffff;
	_ =	sdelay $0x1  }
0x1c6: {  	v3 =	vor.u32 $0x3, v2  }
.Ltmp6:
0x1c7: {  	(pc) =	sbr.rel @p0 .LBB2_14-.Ltmp6, $3  }
0x1c8: {  	_ =	sdelay $0x1  }
0x1c9: {  	[tilespmem:s25+$0xFFFFE700] =	vst v1  }
0x1ca: {  	v2 =	vmov s26;
	s26 =	sadd.s32 $0x10, s26;
	v1 =	vld.idx.msk [tilespmem:v3+s18+$0x0], $0xffff  }
0x1cb: {  	v2 =	vshll.u32 v2, $0x3  }
0x1cc: {  	v2 =	vor.u32 v0, v2;
	_ =	sdelay $0x3  }
0x1cd: {  	[tilespmem:s25+$0x0] =	vst v1  }
0x1ce: {  	v1 =	vld.idx.msk [tilespmem:v2+s18+$0x0], $0xffff  }
0x1cf: {  	v3 =	vor.u32 $0x1, v2;
	_ =	sdelay $0x2  }
0x1d0: {  	s26 =	sadd.s32 $0x10, s25  }
0x1d1: {  	[tilespmem:s26+$0xFFFFB500] =	vst v1  }
0x1d2: {  	v1 =	vld.idx.msk [tilespmem:v3+s18+$0x0], $0xffff  }
0x1d3: {  	v3 =	vor.u32 $0x2, v2;
	_ =	sdelay $0x3  }
0x1d4: {  	[tilespmem:s26+$0xFFFFCE00] =	vst v1  }
0x1d5: {  	v1 =	vld.idx.msk [tilespmem:v3+s18+$0x0], $0xffff  }
0x1d6: {  	v2 =	vor.u32 $0x3, v2;
	_ =	sdelay $0x3  }
0x1d7: {  	[tilespmem:s26+$0xFFFFE700] =	vst v1  }
0x1d8: {  	v1 =	vld.idx.msk [tilespmem:v2+s18+$0x0], $0xffff;
	_ =	sdelay $0x4  }
0x1d9: {  	s28 =	rddreg [dreg:$0x12];
	[tilespmem:s26+$0x0] =	vst v1;
	s26 =	simm.s32 $0x0  }
0x1da: {  	[hbm4b:s28+s26] =	stream.linear.scatter [tilespmem:s20], [sflag:$0x2], $0x1900, $0x38;
	[tilespmem:$0x14500] =	vst v63  }
0x1db: {  	_ =	swait.ge [sflag:s17], $0x1900  }
0x1dc: {  	[sflag:s17] =	ssyncset.done $0x0  }
0x1dd: {  	[sflag:s17] =	ssyncadd.s32 $0xFFFFE700  }
0x1de: {  	[hbm4b:s11+s26] =	stream.linear.scatter [tilespmem:s21], [sflag:$0x2], $0x1900, $0x38;
	[tilespmem:$0x14500] =	vst v63  }
0x1df: {  	_ =	swait.ge [sflag:s17], $0x1900  }
0x1e0: {  	[sflag:s17] =	ssyncset.done $0x0  }
0x1e1: {  	[sflag:s17] =	ssyncadd.s32 $0xFFFFE700  }
0x1e2: {  	[hbm4b:s12+s26] =	stream.linear.scatter [tilespmem:s22], [sflag:$0x2], $0x1900, $0x38;
	[tilespmem:$0x14500] =	vst v63  }
0x1e3: {  	_ =	swait.ge [sflag:s17], $0x1900  }
0x1e4: {  	[sflag:s17] =	ssyncset.done $0x0  }
0x1e5: {  	s25 =	simm.s32 $0x12C00;
	[sflag:s17] =	ssyncadd.s32 $0xFFFFE700  }
0x1e6: {  	[hbm4b:s13+s26] =	stream.linear.scatter [tilespmem:s25], [sflag:$0x2], $0x1900, $0x38;
	[tilespmem:$0x14500] =	vst v63  }
0x1e7: {  	_ =	swait.ge [sflag:s17], $0x1900  }
0x1e8: {  	[sflag:s17] =	ssyncset.done $0x0  }
0x1e9: {  	s28 =	rddreg [dreg:$0x13];
	[sflag:s17] =	ssyncadd.s32 $0xFFFFE700  }
0x1ea: {  	[tilespmem:s26], [sflag:$0x2] =	stream.linear.gather [hbm4b:s28+s26], $0x1900, $0x38;
	[tilespmem:$0x14500] =	vst v63  }
0x1eb: {  	v1 =	vmov s26;
	_ =	swait.ge [sflag:s17], $0x1900  }
0x1ec: {  	v1 =	vshll.u32 v1, $0x3;
	[sflag:s17] =	ssyncset.done $0x0  }
0x1ed: {  	v1 =	vor.u32 v0, v1;
	[sflag:s17] =	ssyncadd.s32 $0xFFFFE700  }
0x1ee: {  	[tilespmem:s18], [sflag:$0x1] =	stream.indirect.gather [hbm4b:s3+s18], $0x8, s26, s18, $0xb8;
	[tilespmem:$0x14500] =	vst v63  }
0x1ef: {  	_ =	swait.ge [sflag:s19], $0xC800  }
0x1f0: {  	[sflag:s19] =	ssyncset.done $0x0  }
0x1f1: {  	[sflag:s19] =	ssyncadd.s32 $0xFFFF3800  }
0x1f2: {  	v2 =	vld.idx.msk [tilespmem:v1+s18+$0x0], $0xffff  }
0x1f3: {  	v3 =	vor.u32 $0x1, v1;
	_ =	sdelay $0x3  }
0x1f4: {  	[tilespmem:s25+$0xFFFFB500] =	vst v2  }
0x1f5: {  	v2 =	vld.idx.msk [tilespmem:v3+s18+$0x0], $0xffff  }
0x1f6: {  	v3 =	vor.u32 $0x2, v1;
	_ =	sdelay $0x3  }
0x1f7: {  	[tilespmem:s25+$0xFFFFCE00] =	vst v2  }
0x1f8: {  	v2 =	vld.idx.msk [tilespmem:v3+s18+$0x0], $0xffff  }
0x1f9: {  	v1 =	vor.u32 $0x3, v1;
	_ =	sdelay $0x3  }
0x1fa: {  	s28 =	simm.s32 $0x10;
	[tilespmem:s25+$0xFFFFE700] =	vst v2  }
0x1fb: {  	s26 =	simm.s32 $0x20;
	v2 =	vmov s28;
	v1 =	vld.idx.msk [tilespmem:v1+s18+$0x0], $0xffff  }
.LBB2_16:
0x1fc: {  	p0 =	sne.s32 s26, $0x18F0;
	v2 =	vshll.u32 v2, $0x3  }
0x1fd: {  	v2 =	vor.u32 v0, v2;
	_ =	sdelay $0x3  }
0x1fe: {  	[tilespmem:s25+$0x0] =	vst v1  }
0x1ff: {  	v1 =	vld.idx.msk [tilespmem:v2+s18+$0x0], $0xffff;
	_ =	sdelay $0x1  }
0x200: {  	v3 =	vor.u32 $0x1, v2;
	_ =	sdelay $0x2  }
0x201: {  	s25 =	sadd.s32 $0x10, s25  }
0x202: {  	[tilespmem:s25+$0xFFFFB500] =	vst v1  }
0x203: {  	v1 =	vld.idx.msk [tilespmem:v3+s18+$0x0], $0xffff;
	_ =	sdelay $0x1  }
0x204: {  	v3 =	vor.u32 $0x2, v2;
	_ =	sdelay $0x3  }
0x205: {  	[tilespmem:s25+$0xFFFFCE00] =	vst v1  }
0x206: {  	v1 =	vld.idx.msk [tilespmem:v3+s18+$0x0], $0xffff;
	_ =	sdelay $0x1  }
0x207: {  	v3 =	vor.u32 $0x3, v2  }
.Ltmp7:
0x208: {  	(pc) =	sbr.rel @p0 .LBB2_16-.Ltmp7, $3  }
0x209: {  	_ =	sdelay $0x1  }
0x20a: {  	[tilespmem:s25+$0xFFFFE700] =	vst v1  }
0x20b: {  	v2 =	vmov s26;
	s26 =	sadd.s32 $0x10, s26;
	v1 =	vld.idx.msk [tilespmem:v3+s18+$0x0], $0xffff  }
0x20c: {  	v2 =	vshll.u32 v2, $0x3  }
0x20d: {  	v2 =	vor.u32 v0, v2;
	_ =	sdelay $0x3  }
0x20e: {  	[tilespmem:s25+$0x0] =	vst v1  }
0x20f: {  	v1 =	vld.idx.msk [tilespmem:v2+s18+$0x0], $0xffff  }
0x210: {  	v3 =	vor.u32 $0x1, v2;
	_ =	sdelay $0x2  }
0x211: {  	s28 =	sadd.s32 $0x10, s25  }
0x212: {  	[tilespmem:s28+$0xFFFFB500] =	vst v1  }
0x213: {  	v1 =	vld.idx.msk [tilespmem:v3+s18+$0x0], $0xffff  }
0x214: {  	v3 =	vor.u32 $0x2, v2;
	_ =	sdelay $0x3  }
0x215: {  	[tilespmem:s28+$0xFFFFCE00] =	vst v1  }
0x216: {  	v1 =	vld.idx.msk [tilespmem:v3+s18+$0x0], $0xffff  }
0x217: {  	v2 =	vor.u32 $0x3, v2;
	_ =	sdelay $0x3  }
0x218: {  	[tilespmem:s28+$0xFFFFE700] =	vst v1  }
0x219: {  	v1 =	vld.idx.msk [tilespmem:v2+s18+$0x0], $0xffff;
	_ =	sdelay $0x4  }
0x21a: {  	s26 =	rddreg [dreg:$0x14];
	[tilespmem:s28+$0x0] =	vst v1  }
0x21b: {  	[hbm4b:s26+s2] =	stream.linear.scatter [tilespmem:s20], [sflag:$0x2], $0x1900, $0x38;
	[tilespmem:$0x14500] =	vst v63  }
0x21c: {  	_ =	swait.ge [sflag:s17], $0x1900  }
0x21d: {  	[sflag:s17] =	ssyncset.done $0x0  }
0x21e: {  	[sflag:s17] =	ssyncadd.s32 $0xFFFFE700  }
0x21f: {  	[hbm4b:s14+s2] =	stream.linear.scatter [tilespmem:s21], [sflag:$0x2], $0x1900, $0x38;
	[tilespmem:$0x14500] =	vst v63  }
0x220: {  	_ =	swait.ge [sflag:s17], $0x1900  }
0x221: {  	[sflag:s17] =	ssyncset.done $0x0  }
0x222: {  	[sflag:s17] =	ssyncadd.s32 $0xFFFFE700  }
0x223: {  	[hbm4b:s15+s2] =	stream.linear.scatter [tilespmem:s22], [sflag:$0x2], $0x1900, $0x38;
	[tilespmem:$0x14500] =	vst v63  }
0x224: {  	_ =	swait.ge [sflag:s17], $0x1900  }
0x225: {  	[sflag:s17] =	ssyncset.done $0x0  }
0x226: {  	[sflag:s17] =	ssyncadd.s32 $0xFFFFE700  }
0x227: {  	[hbm4b:s16+s2] =	stream.linear.scatter [tilespmem:s23], [sflag:$0x2], $0x1900, $0x38;
	[tilespmem:$0x14500] =	vst v63  }
0x228: {  	_ =	swait.ge [sflag:s17], $0x1900  }
0x229: {  	s24 =	sadd.s32 $0x1, s24;
	s28 =	rddreg [dreg:$0x16]  }
0x22a: {  	p0 =	sne.s32 s24, s28  }
.Ltmp8:
0x22b: {  	_ = 	snop;
	(pc) =	sbr.rel @p0 .LBB2_1-.Ltmp8, $3  }
0x22c: {  	_ =	sdelay $0x1  }
0x22d: {  	[sflag:s17] =	ssyncset.done $0x0  }
0x22e: {  	[sflag:s17] =	ssyncadd.s32 $0xFFFFE700  }
0x22f: {  	_ =	sfence.sel $0x180000  }
0x230: {  	[bflag:$0x0] =	sbarrier.arrive $0xFFFF  }
0x231: {  	_ =	strace $0x90000047  }
0x232: {  	s0 =	stileid.u32;
	[bflag:$0x2] =	sbarrier.arrive $0xFFFF  }
0x233: {  	p0 =	sne.s32 s0, $0x0;
	s0 =	rddreg [dreg:$0x1]  }
0x234: {  	s0 =	sadd.s32 @!p0 $0x100000, s0  }
0x235: {  	[sflag:s0] =	ssyncadd.tile.s32 @!p0 $0x1;
	_ =	shalt  }
.Lfunc_end2:
_tile_overlayer_lowered:
.L_overlay_start_2:
0x236: {  	(tag) =	ssettag $0x2  }
0x237: {  	s0 =	rddreg [dreg:$0x0];
	s2 =	stileid.u32  }
0x238: {  	s1 =	rddreg [dreg:$0x1];
	p0 =	sne.s32 s2, $0x0  }
0x239: {  	s3 =	rddreg [dreg:$0x2];
	[bflag:$0x3] =	sbarrier.arrive $0xFFFF;
	s2 =	simm.s32 @!p0 $0x1C02  }
0x23a: {  	[timem:s3], [sflag:s2] =	dma.local @!p0 [hbm:s0], s1  }
0x23b: {  	s0 =	simm.s32 @!p0 $0x2  }
0x23c: {  	_ =	swait.ge @!p0 [sflag:s0], s1  }
0x23d: {  	s1 =	ssub.s32 @!p0 $0x0, s1;
	[sflag:s0] =	ssyncset.done @!p0 $0x0  }
0x23e: {  	[sflag:s0] =	ssyncadd.s32 @!p0 s1  }
0x23f: {  	[bflag:$0x3] =	sbarrier.arrive $0xFFFF  }
0x240: {  	_ =	shalt  }

// kernel: kernel.9.cloned.1.call-start
scs
__scs_entry_jumppad:
0x0: {  	(pc) =	sbr.rel $0x88, $3  }
0x1: {  	(tag) =	ssettag $0x0;
	lr =	simm.s32 $0x1  }
0x2: {  	[smem:$0x3F92] =	sst lr;
	_ =	strace $0xD0000000  }
0x3: {  	_ = 	snop  }
0x4: {  	_ = 	snop  }
0x5: {  	_ = 	snop  }
0x6: {  	_ = 	snop  }
0x7: {  	_ = 	snop  }
__scs_overlays_trampoline_lowered:
0x8: {  	[smem:$0x3FA1] =	sst s0  }
0x9: {  	[smem:$0x3FA2] =	sst s1  }
0xa: {  	[smem:$0x3FA3] =	sst s2  }
0xb: {  	[smem:$0x3FA4] =	sst s3  }
0xc: {  	[smem:$0x3FA5] =	sst s4  }
0xd: {  	[smem:$0x3FA6] =	sst s5  }
0xe: {  	[smem:$0x3FA7] =	sst s6  }
0xf: {  	[smem:$0x3FA8] =	sst s7  }
0x10: {  	[smem:$0x3FA9] =	sst s8  }
0x11: {  	[smem:$0x3FAA] =	sst s9;
	s0 =	simm.s32 @!p0 $0x0  }
0x12: {  	s1 =	sld [smem:$0x3F90];
	s0 =	simm.s32 @p0 $0x1  }
0x13: {  	[smem:$0x3FAB] =	sst s0;
	s0 =	simm.s32 @!p1 $0x0  }
0x14: {  	s2 =	sld [smem:$0x3F8F];
	s0 =	simm.s32 @p1 $0x1  }
0x15: {  	[smem:$0x3FAC] =	sst s0;
	s0 =	simm.s32 @!p2 $0x0  }
0x16: {  	s3 =	sld [smem:$0x3FDB];
	s0 =	simm.s32 @p2 $0x1  }
0x17: {  	s4 =	simm.s32 $0x1BF5;
	[smem:$0x3FAE] =	sst s0  }
0x18: {  	s0 =	sld [smem:$0x3F91];
	_ =	swait.ge [sflag:s4], $0x0  }
0x19: {  	s7 =	sld [smem:$0x3F92]  }
0x1a: {  	s8 =	sadd.s32 $0xFFFFE003, lr  }
0x1b: {  	s9 =	sadd.s32 $0xFFFFFEF7, lr;
	s5 =	simm.s32 $0xFFFFFFFF;
	p2 =	slt.u32 s8, $0xFFFFF086  }
0x1c: {  	p1 =	slt.u32 s9, $0xF7A;
	s5 =	simm.s32 @!p2 $0x0  }
0x1d: {  	s5 =	simm.s32 @p1 $0x1;
	p0 =	seq.s32 s7, s2  }
0x1e: {  	s7 =	smul.u32 @!p0 $0xF7A, s2;
	p2 =	seq.s32 @!p0 s5, $0x0  }
0x1f: {  	s9 =	smul.u32 $0xF7A, s1;
	s8 =	simm.s32 @!p0 $0x1BF5;
	p2 =	por !p2, p0  }
0x20: {  	[sflag:s8] =	ssyncset.s32 @!p0 $0xFFFFF086;
	s6 =	sadd.s32 @!p0 s3, s7;
	s7 =	simm.s32 @!p0 $0x108  }
0x21: {  	s3 =	sadd.s32 s3, s9;
	s6 =	sadd.s32 @!p0 $0x88, s6;
	s7 =	simm.s32 @p2 $0x1082  }
0x22: {  	[simem:s7], [sflag:s8] =	dma.local @!p0 [hbm:s6], $0xF7A  }
0x23: {  	s9 =	sor.u32 $0xD0000000, s2;
	s6 =	simm.s32 $0x108;
	_ =	swait.ge @!p0 [sflag:s8], $0x0  }
0x24: {  	s3 =	sadd.s32 $0x88, s3;
	s6 =	simm.s32 @!p1 $0x1082;
	[sflag:s4] =	ssyncset.s32 $0xFFFFF086  }
0x25: {  	[simem:s6], [sflag:s4] =	dma.local [hbm:s3], $0xF7A  }
0x26: {  	[smem:$0x3F92] =	sst s1;
	(tag) =	ssettag s2;
	_ =	strace s9  }
0x27: {  	s1 =	sld [smem:$0x3FA2]  }
0x28: {  	s2 =	sld [smem:$0x3FA3]  }
0x29: {  	s4 =	sld [smem:$0x3FA5]  }
0x2a: {  	p0 =	seq.s32 s5, $0x0;
	s5 =	sld [smem:$0x3FA6]  }
0x2b: {  	s6 =	sld [smem:$0x3FA7]  }
0x2c: {  	s7 =	sld [smem:$0x3FA8]  }
0x2d: {  	s3 =	simm.s32 $0x108;
	s8 =	sld [smem:$0x3FA9]  }
0x2e: {  	s3 =	simm.s32 @!p0 $0x1082;
	s9 =	sld [smem:$0x3FAA]  }
0x2f: {  	lr =	sadd.s32 s0, s3;
	s0 =	sld [smem:$0x3FA1]  }
0x30: {  	s3 =	sld [smem:$0x3FA4]  }
0x31: {  	[smem:$0x3FAD] =	sst s10  }
0x32: {  	s10 =	sld [smem:$0x3FAB];
	_ =	sdelay $0x3  }
0x33: {  	p0 =	seq.s32 s10, $0x1;
	s10 =	sld [smem:$0x3FAD];
	_ =	sdelay $0x3  }
0x34: {  	[smem:$0x3FAD] =	sst s10  }
0x35: {  	s10 =	sld [smem:$0x3FAC];
	_ =	sdelay $0x3  }
0x36: {  	p1 =	seq.s32 s10, $0x1;
	s10 =	sld [smem:$0x3FAD];
	_ =	sdelay $0x3  }
0x37: {  	[smem:$0x3FAD] =	sst s10  }
0x38: {  	s10 =	sld [smem:$0x3FAE]  }
0x39: {  	_ = 	snop;
	(pc) =	sbr.ind lr, $3  }
0x3a: {  	_ = 	snop  }
0x3b: {  	_ = 	snop  }
0x3c: {  	p2 =	seq.s32 s10, $0x1;
	s10 =	sld [smem:$0x3FAD]  }
0x3d: {  	_ =	shalt  }
0x3e: {  	_ =	shalt  }
0x3f: {  	_ =	shalt  }
0x40: {  	_ =	shalt  }
0x41: {  	_ =	shalt  }
0x42: {  	_ =	shalt  }
0x43: {  	_ =	shalt  }
0x44: {  	_ =	shalt  }
0x45: {  	_ =	shalt  }
0x46: {  	_ =	shalt  }
0x47: {  	_ =	shalt  }
0x48: {  	_ =	shalt  }
0x49: {  	_ =	shalt  }
0x4a: {  	_ =	shalt  }
0x4b: {  	_ =	shalt  }
0x4c: {  	_ =	shalt  }
0x4d: {  	_ =	shalt  }
0x4e: {  	_ =	shalt  }
0x4f: {  	_ =	shalt  }
0x50: {  	_ =	shalt  }
0x51: {  	_ =	shalt  }
0x52: {  	_ =	shalt  }
0x53: {  	_ =	shalt  }
0x54: {  	_ =	shalt  }
0x55: {  	_ =	shalt  }
0x56: {  	_ =	shalt  }
0x57: {  	_ =	shalt  }
0x58: {  	_ =	shalt  }
0x59: {  	_ =	shalt  }
0x5a: {  	_ =	shalt  }
0x5b: {  	_ =	shalt  }
0x5c: {  	_ =	shalt  }
0x5d: {  	_ =	shalt  }
0x5e: {  	_ =	shalt  }
0x5f: {  	_ =	shalt  }
0x60: {  	_ =	shalt  }
0x61: {  	_ =	shalt  }
0x62: {  	_ =	shalt  }
0x63: {  	_ =	shalt  }
0x64: {  	_ =	shalt  }
0x65: {  	_ =	shalt  }
0x66: {  	_ =	shalt  }
0x67: {  	_ =	shalt  }
0x68: {  	_ =	shalt  }
0x69: {  	_ =	shalt  }
0x6a: {  	_ =	shalt  }
0x6b: {  	_ =	shalt  }
0x6c: {  	_ =	shalt  }
0x6d: {  	_ =	shalt  }
0x6e: {  	_ =	shalt  }
0x6f: {  	_ =	shalt  }
0x70: {  	_ =	shalt  }
0x71: {  	_ =	shalt  }
0x72: {  	_ =	shalt  }
0x73: {  	_ =	shalt  }
0x74: {  	_ =	shalt  }
0x75: {  	_ =	shalt  }
0x76: {  	_ =	shalt  }
0x77: {  	_ =	shalt  }
0x78: {  	_ =	shalt  }
0x79: {  	_ =	shalt  }
0x7a: {  	_ =	shalt  }
0x7b: {  	_ =	shalt  }
0x7c: {  	_ =	shalt  }
0x7d: {  	_ =	shalt  }
0x7e: {  	_ =	shalt  }
0x7f: {  	_ =	shalt  }
0x80: {  	_ =	shalt  }
0x81: {  	_ =	shalt  }
0x82: {  	_ =	shalt  }
0x83: {  	_ =	shalt  }
0x84: {  	_ =	shalt  }
0x85: {  	_ =	shalt  }
0x86: {  	_ =	shalt  }
0x87: {  	_ =	shalt  }
.Lfunc_end0:
.L_simem_size_0:
called_computation.1_lowered:
.L_overlay_start_0:
0x88: {  	s2 =	sld [smem:$0x3FD9]  }
0x89: {  	s3 =	sld [smem:$0x3FFE];
	_ =	sdelay $0x1  }
0x8a: {  	s1 =	srdreg.scid  }
0x8b: {  	s0 =	sand.u32 $0x1, s1  }
0x8c: {  	s17 =	sshll.u32 s0, $0xA;
	s2 =	sadd.s32 s3, s2  }
0x8d: {  	s2 =	sadd.s32 s2, s17  }
0x8e: {  	[smem:$0x3FB9] =	sst s2  }
0x8f: {  	_ = 	snop  }
0x90: {  	s2 =	sld [smem:$0x3FD0];
	(tm) =	ssettm $0x1  }
0x91: {  	s18 =	sld [smem:$0x3FFB];
	_ =	sdelay $0x3  }
0x92: {  	_ =	strace s18  }
0x93: {  	s3 =	sld [smem:$0x3FFC];
	_ =	sdelay $0x3  }
0x94: {  	_ =	strace s3  }
0x95: {  	s3 =	sld [smem:$0x3FFD];
	_ =	sdelay $0x3  }
0x96: {  	_ =	strace s3  }
0x97: {  	_ =	strace $0x8FFFFFFF  }
0x98: {  	s19 =	sld [smem:$0x3FDB];
	_ =	sdelay $0x1  }
0x99: {  	s4 =	simm.s32 $_scs_section_size  }
0x9a: {  	s5 =	simm.s32 $_size__tile_overlayer_lowered;
	s6 =	simm.s32 $_tile_overlayer_lowered  }
0x9b: {  	s22 =	simm.s32 $0x1BFF;
	s21 =	sshll.u32 s6, $0x1;
	s3 =	sadd.s32 s4, s19  }
0x9c: {  	s7 =	simm.s32 $0x0;
	s20 =	sshll.u32 s5, $0x1;
	s5 =	sadd.s32 s21, s3  }
0x9d: {  	[timem:s7], [sflag:s22] =	dma.local [hbm:s5], s20  }
0x9e: {  	_ =	swait.ge [sflag:s22], s20  }
0x9f: {  	s4 =	ssub.s32 $0x0, s20;
	[sflag:s22] =	ssyncset.done $0x0  }
0xa0: {  	[sflag:s22] =	ssyncadd.s32 s4;
	_ =	sdelay $0x1  }
0xa1: {  	s23 =	simm.s32 $0x1B8B  }
0xa2: {  	_ =	swait.ge [sflag:s23], $0x1  }
0xa3: {  	[sflag:s23] =	ssyncset.done $0x0  }
0xa4: {  	s25 =	simm.s32 $0x1B8E;
	s24 =	sld [smem:$0x3FFE];
	[sflag:s23] =	ssyncadd.s32 $0xFFFFFFFF  }
0xa5: {  	s26 =	simm.s32 $execute0_lowered;
	[smem:$0x3FD2] =	sst s25  }
0xa6: {  	s5 =	sshll.u32 s26, $0x1;
	_ =	strace $0x80000049;
	[dreg:$0x1] =	wrdreg $0xFFFFFFFF  }
0xa7: {  	s28 =	simm.s32 $_size_execute0_lowered;
	s3 =	sadd.s32 s3, s5;
	[dreg:$0x0] =	wrdreg $0x0  }
0xa8: {  	s5 =	sshll.u32 s28, $0x1;
	[dreg:$0x2] =	wrdreg s3  }
0xa9: {  	[dreg:$0x3] =	wrdreg s5  }
0xaa: {  	[dreg:$0x4] =	wrdreg $0xC0  }
0xab: {  	_ =	task [dreg:s7], $0x5FFFF  }
0xac: {  	[dreg:$0x1] =	wrdreg $0xFFFFFFFF  }
0xad: {  	[dreg:$0x0] =	wrdreg $0x60  }
0xae: {  	[dreg:$0x2] =	wrdreg s24  }
0xaf: {  	[dreg:$0x3] =	wrdreg s2  }
0xb0: {  	[dreg:$0x4] =	wrdreg $0x9  }
0xb1: {  	_ =	task.clear_ibuf [dreg:s7], $0x5FFFF;
	_ =	strace $0x90000049  }
0xb2: {  	s29 =	simm.s32 $0x9;
	_ =	strace $0x8000004B  }
0xb3: {  	_ =	swait.ge [sflag:s29], $0x1  }
0xb4: {  	[sflag:s29] =	ssyncadd.s32 $0xFFFFFFFF  }
0xb5: {  	_ =	strace $0x9000004B  }
0xb6: {  	_ =	sfence  }
0xb7: {  	s30 =	sld [smem:$0x0];
	_ =	sdelay $0x2  }
0xb8: {  	s31 =	sshll.u32 s1, $0xD;
	s1 =	sshrl.u32 s1, $0x2  }
0xb9: {  	s3 =	sand.u32 $0x4000, s31;
	s1 =	sadd.s32 s1, s30  }
0xba: {  	s0 =	sor.u32 s3, s0;
	s1 =	sshll.u32 s1, $0x11  }
0xbb: {  	s0 =	sor.u32 s1, s0  }
0xbc: {  	s0 =	sadd.s32 $0x8F2B, s0  }
0xbd: {  	[sflag:s0] =	ssyncadd.remote.s32 $0x1  }
0xbe: {  	_ =	sfence.sel $0xFFFF  }
0xbf: {  	[dreg:$0x0] =	wrdreg $0xFFFFFFFF;
	(pc) =	sbr.abs _section_cstart, $3  }
0xc0: {  	[dreg:$0x1] =	wrdreg $0xFFFFFFFF  }
0xc1: {  	_ =	task.clear_ibuf [dreg:s7], $0x2FFFF;
	_ =	strace $0x9FFFFFFF  }
0xc2: {  	(tm) =	ssettm $0x7FFFFFFF  }
0xc3: {  	_ =	shalt  }
tec
execute0_lowered:
.L_overlay_start_1:
0x0: {  	(tag) =	ssettag $0x1  }
0x1: {  	s9 =	rddreg [dreg:$0x0]  }
0x2: {  	s2 =	rddreg [dreg:$0x1]  }
0x3: {  	s0 =	rddreg [dreg:$0x2];
	s3 =	simm.s32 $0x0  }
0x4: {  	s4 =	srdreg.scid;
	s1 =	stileid.u32;
	s13 =	simm.s32 $0x1930  }
0x5: {  	s14 =	simm.s32 $0x3230;
	s16 =	simm.s32 $0x6430;
	s17 =	simm.s32 $0x0  }
0x6: {  	[smem:$0x7FF] =	sst s3;
	s7 =	sand.u32 $0x1, s4;
	s5 =	sshll.u32 s1, $0x1  }
0x7: {  	s4 =	sadd.s32 $0x2000, s9;
	s6 =	sadd.s32 $0x179400, s9;
	s8 =	sadd.s32 $0x115000, s9  }
.Ltmp0:
0x8: {  	s5 =	sor.u32 s7, s5;
	s11 =	ssub.s32 $0x2, s7;
	(pc) =	sbr.rel .LBB2_1-.Ltmp0, $4  }
0x9: {  	_ =	strace $0x8000004A;
	s10 =	smul.u32 $0x640, s5;
	s12 =	sshrl.u32 s11, $0x1  }
0xa: {  	s7 =	sadd.s32 $0x1AB800, s9;
	s15 =	smul.u32 $0xFFFFF380, s5;
	s31 =	ssub.s32 s11, s12  }
0xb: {  	s11 =	simm.s32 $0x1;
	s12 =	simm.s32 $0x30;
	s9 =	sadd.s32 s10, s9  }
0xc: {  	v1 =	vimm.f32 $0.0e+00;
	v2 =	vlaneseq.u32;
	s10 =	smax.u32 s31, $0x1;
	v0 =	vmov s15;
	s15 =	simm.s32 $0x4B30;
	s9 =	sadd.s32 $0x147400, s9  }
.LBB2_8:
0xd: {  	s17 =	sadd.s32 $0x1, s17  }
0xe: {  	p0 =	sne.s32 s17, s10  }
.Ltmp1:
0xf: {  	_ = 	snop;
	(pc) =	sbr.rel @!p0 .LBB2_9-.Ltmp1, $4  }
0x10: {  	[hbm4b:s9+s3] =	stream.linear.scatter [tilespmem:s16], [sflag:$0x1], $0x3200, $0x38;
	[tilespmem:$0x9630] =	vst v63  }
0x11: {  	_ =	swait.ge [sflag:s11], $0x3200  }
0x12: {  	[sflag:s11] =	ssyncset.done $0x0  }
0x13: {  	[sflag:s11] =	ssyncadd.s32 $0xFFFFCE00  }
.LBB2_1:
0x14: {  	[tilespmem:s3], [sflag:$0x1] =	stream.linear.gather [hbm4b:s2+s3], $0x30, $0x38;
	[tilespmem:$0x9630] =	vst v63  }
0x15: {  	_ =	swait.ge [sflag:s11], $0x30  }
0x16: {  	[sflag:s11] =	ssyncset.done $0x0  }
0x17: {  	[sflag:s11] =	ssyncadd.s32 $0xFFFFFFD0  }
0x18: {  	s18 =	simm.s32 $0x40;
	s19 =	simm.s32 $0x0;
	v4 =	vld [tilespmem:s5+$0x0]  }
.LBB2_2:
0x19: {  	p0 =	seq.s32 s18, $0xC7C0;
	[tilespmem:s19+$0x6430] =	vst v1;
	s19 =	smov.u32 s18;
	s18 =	sadd.s32 $0x40, s18  }
.Ltmp2:
0x1a: {  	(pc) =	sbr.rel @!p0 .LBB2_2-.Ltmp2, $2  }
0x1b: {  	_ =	sdelay $0x2  }
0x1c: {  	s19 =	sshra.s32 s19, $0x2  }
0x1d: {  	(v2sf) =	vpush v4, $0x0;
	_ =	sdelay $0x6  }
0x1e: {  	(v2sf) =	vpush v4, $0x1;
	_ =	sdelay $0x7  }
0x1f: {  	s18 =	spop (v2sf)  }
0x20: {  	s28 =	sand.u32 $0x7, s18  }
0x21: {  	s20 =	sshra.s32 s18, $0x1F;
	p0 =	slt.s32 s18, $0x1;
	p1 =	sne.s32 s28, $0x0  }
0x22: {  	s29 =	sshrl.u32 s20, $0x1D;
	p0 =	por !p0, !p1  }
0x23: {  	[tilespmem:s19+$0x6430] =	vst v1;
	s19 =	simm.s32 $0x1;
	s18 =	sadd.s32 s29, s18;
	p0 =	por !p0, !p0  }
0x24: {  	s18 =	sshrl.u32 s18, $0x3;
	s19 =	simm.s32 @!p0 $0x0  }
0x25: {  	s18 =	ssub.s32 s18, s19  }
0x26: {  	s30 =	spop (v2sf);
	s18 =	sshll.u32 s18, $0x3  }
0x27: {  	s19 =	ssub.s32 s30, s18  }
0x28: {  	s31 =	sadd.s32 $0x18FF, s19  }
0x29: {  	s21 =	smulhi.u32 $0x51EB851F, s31;
	s22 =	sshra.s32 s31, $0x1F  }
0x2a: {  	s22 =	smul.u32 $0x51EB851F, s22;
	_ =	sdelay $0x1  }
0x2b: {  	s21 =	sadd.s32 s22, s21  }
0x2c: {  	s22 =	sshrl.u32 s21, $0x1F;
	s21 =	sshra.s32 s21, $0xB  }
0x2d: {  	s21 =	sadd.s32 s22, s21  }
0x2e: {  	s22 =	smul.u32 $0xFFFFE700, s21  }
0x2f: {  	s19 =	ssub.s32 $0xFFFFE701, s19  }
0x30: {  	p5 =	slt.s32 s31, $0x1;
	p6 =	sne.s32 s22, s19  }
0x31: {  	p0 =	por !p5, !p6  }
0x32: {  	s19 =	simm.s32 $0x1;
	p0 =	por !p0, !p0  }
0x33: {  	s19 =	simm.s32 @!p0 $0x0  }
0x34: {  	s19 =	ssub.s32 s21, s19  }
0x35: {  	p0 =	slt.s32 s19, $0x1  }
.Ltmp3:
0x36: {  	_ = 	snop;
	(pc) =	sbr.rel @p0 .LBB2_8-.Ltmp3, $1  }
0x37: {  	_ =	sdelay $0x3  }
0x38: {  	v3 =	vbroadcast v4, $0x0;
	v4 =	vbroadcast v4, $0x1;
	s20 =	simm.s32 $0x0;
	s21 =	smov.u32 s18;
	s22 =	simm.s32 $0x0  }
.LBB2_5:
0x39: {  	s23 =	smul.u32 $0x1900, s22;
	_ =	sdelay $0x1  }
0x3a: {  	s23 =	sadd.s32 s18, s23  }
0x3b: {  	s23 =	sshrl.u32 s23, $0x3  }
0x3c: {  	s24 =	sadd.s32 s8, s23  }
0x3d: {  	[tilespmem:s12], [sflag:$0x1] =	stream.linear.gather [hbm4b:s24+s20], $0x1900, $0x38;
	[tilespmem:$0x9630] =	vst v63  }
0x3e: {  	_ =	swait.ge [sflag:s11], $0x1900  }
0x3f: {  	[sflag:s11] =	ssyncset.done $0x0  }
0x40: {  	s29 =	sadd.s32 s4, s23;
	[sflag:s11] =	ssyncadd.s32 $0xFFFFE700  }
0x41: {  	[tilespmem:s13], [sflag:$0x1] =	stream.linear.gather [hbm4b:s29+s20], $0x1900, $0x38;
	[tilespmem:$0x9630] =	vst v63  }
0x42: {  	_ =	swait.ge [sflag:s11], $0x1900  }
0x43: {  	[sflag:s11] =	ssyncset.done $0x0  }
0x44: {  	s30 =	sadd.s32 s6, s23;
	[sflag:s11] =	ssyncadd.s32 $0xFFFFE700  }
0x45: {  	[tilespmem:s14], [sflag:$0x1] =	stream.linear.gather [hbm4b:s30+s20], $0x1900, $0x38;
	[tilespmem:$0x9630] =	vst v63  }
0x46: {  	_ =	swait.ge [sflag:s11], $0x1900  }
0x47: {  	[sflag:s11] =	ssyncset.done $0x0  }
0x48: {  	s23 =	sadd.s32 s7, s23;
	[sflag:s11] =	ssyncadd.s32 $0xFFFFE700  }
0x49: {  	[tilespmem:s15], [sflag:$0x1] =	stream.linear.gather [hbm4b:s23+s20], $0x1900, $0x38;
	[tilespmem:$0x9630] =	vst v63  }
0x4a: {  	_ =	swait.ge [sflag:s11], $0x1900  }
0x4b: {  	[sflag:s11] =	ssyncset.done $0x0  }
0x4c: {  	s31 =	simm.s32 $0x0;
	[sflag:s11] =	ssyncadd.s32 $0xFFFFE700  }
0x4d: {  	v5 =	vld [tilespmem:s31+$0x30];
	_ =	sdelay $0x3  }
0x4e: {  	v6 =	vadd.s32 s21, v2  }
0x4f: {  	vm0 =	vge.s32 v6, v3;
	vm1 =	vlt.s32 v6, v4;
	v5 =	vadd.s32 v0, v5  }
0x50: {  	vm0 =	vmand vm0, vm1;
	v5 =	vshll.u32 v5, $0x2  }
0x51: {  	v6 =	vnsel vm0, $0x0, v5;
	v5 =	vld [tilespmem:s31+$0x1930];
	_ =	sdelay $0x4  }
0x52: {  	[tilespmem:v6+s16+$0x0] =	vst.idx.add.f32.msk vm0, v5  }
0x53: {  	v7 =	vor.u32 $0x1, v6;
	v5 =	vld [tilespmem:s31+$0x3230];
	_ =	sdelay $0x4  }
0x54: {  	[tilespmem:v7+s16+$0x0] =	vst.idx.add.f32.msk vm0, v5  }
0x55: {  	s25 =	simm.s32 $0x80;
	s24 =	simm.s32 $0x40;
	s23 =	smov.u32 s21;
	v6 =	vor.u32 $0x2, v6;
	v5 =	vld [tilespmem:s31+$0x4B30]  }
.LBB2_6:
0x56: {  	_ =	sdelay $0x2  }
0x57: {  	s26 =	sshra.s32 s24, $0x2  }
0x58: {  	s23 =	sadd.s32 $0x10, s23;
	s24 =	smov.u32 s25;
	s28 =	sadd.s32 $0x40, s25;
	[tilespmem:v6+s16+$0x0] =	vst.idx.add.f32.msk vm0, v5  }
0x59: {  	p0 =	sne.s32 s25, $0x63C0;
	v5 =	vld [tilespmem:s26+$0x30];
	_ =	sdelay $0x3  }
0x5a: {  	v6 =	vadd.s32 s23, v2  }
0x5b: {  	vm0 =	vge.s32 v6, v3;
	vm1 =	vlt.s32 v6, v4;
	v5 =	vadd.s32 v0, v5  }
0x5c: {  	vm0 =	vmand vm0, vm1;
	v5 =	vshll.u32 v5, $0x2  }
0x5d: {  	v6 =	vnsel vm0, $0x0, v5;
	v5 =	vld [tilespmem:s26+$0x1930];
	_ =	sdelay $0x4  }
0x5e: {  	[tilespmem:v6+s16+$0x0] =	vst.idx.add.f32.msk vm0, v5  }
0x5f: {  	v7 =	vor.u32 $0x1, v6;
	v5 =	vld [tilespmem:s26+$0x3230];
	_ =	sdelay $0x1  }
.Ltmp4:
0x60: {  	(pc) =	sbr.rel @p0 .LBB2_6-.Ltmp4, $3  }
0x61: {  	_ =	sdelay $0x1  }
0x62: {  	[tilespmem:v7+s16+$0x0] =	vst.idx.add.f32.msk vm0, v5  }
0x63: {  	s25 =	smov.u32 s28;
	v6 =	vor.u32 $0x2, v6;
	v5 =	vld [tilespmem:s26+$0x4B30]  }
0x64: {  	_ =	sdelay $0x4  }
0x65: {  	s24 =	sshra.s32 s24, $0x2;
	[tilespmem:v6+s16+$0x0] =	vst.idx.add.f32.msk vm0, v5  }
0x66: {  	v5 =	vld [tilespmem:s24+$0x30];
	_ =	sdelay $0x2  }
0x67: {  	s23 =	sadd.s32 $0x10, s23  }
0x68: {  	v6 =	vadd.s32 s23, v2  }
0x69: {  	vm15 =	vge.s32 v6, v3;
	vm1 =	vlt.s32 v6, v4;
	v5 =	vadd.s32 v0, v5  }
0x6a: {  	vm0 =	vmand vm15, vm1;
	v5 =	vshll.u32 v5, $0x2  }
0x6b: {  	v6 =	vld [tilespmem:s24+$0x1930];
	v5 =	vnsel vm0, $0x0, v5;
	_ =	sdelay $0x4  }
0x6c: {  	[tilespmem:v5+s16+$0x0] =	vst.idx.add.f32.msk vm0, v6  }
0x6d: {  	v7 =	vor.u32 $0x1, v5;
	v6 =	vld [tilespmem:s24+$0x3230];
	_ =	sdelay $0x4  }
0x6e: {  	s22 =	sadd.s32 $0x1, s22;
	[tilespmem:v7+s16+$0x0] =	vst.idx.add.f32.msk vm0, v6  }
0x6f: {  	p0 =	sne.s32 s22, s19;
	v5 =	vor.u32 $0x2, v5;
	v6 =	vld [tilespmem:s24+$0x4B30]  }
.Ltmp5:
0x70: {  	_ = 	snop;
	(pc) =	sbr.rel @p0 .LBB2_5-.Ltmp5, $4  }
.Ltmp6:
0x71: {  	_ = 	snop;
	(pc) =	sbr.rel @!p0 .LBB2_8-.Ltmp6, $4  }
0x72: {  	_ = 	snop  }
0x73: {  	_ = 	snop  }
0x74: {  	s21 =	sadd.s32 $0x1900, s21;
	[tilespmem:v5+s16+$0x0] =	vst.idx.add.f32.msk vm0, v6  }
0x75: {  	_ = 	snop  }
.LBB2_9:
0x76: {  	_ =	sfence.sel $0x180000  }
0x77: {  	[bflag:$0x0] =	sbarrier.arrive $0xFFFF  }
0x78: {  	p0 =	sne.s32 s1, $0x0;
	_ =	strace $0x9000004A  }
0x79: {  	s0 =	sadd.s32 @!p0 $0x100000, s0;
	[bflag:$0x2] =	sbarrier.arrive $0xFFFF  }
0x7a: {  	[sflag:s0] =	ssyncadd.tile.s32 @!p0 $0x1;
	_ =	shalt  }
.Lfunc_end2:
_tile_overlayer_lowered:
.L_overlay_start_2:
0x7b: {  	(tag) =	ssettag $0x2  }
0x7c: {  	s0 =	rddreg [dreg:$0x0];
	s2 =	stileid.u32  }
0x7d: {  	s1 =	rddreg [dreg:$0x1];
	p0 =	sne.s32 s2, $0x0  }
0x7e: {  	s3 =	rddreg [dreg:$0x2];
	[bflag:$0x3] =	sbarrier.arrive $0xFFFF;
	s2 =	simm.s32 @!p0 $0x1C01  }
0x7f: {  	[timem:s3], [sflag:s2] =	dma.local @!p0 [hbm:s0], s1  }
0x80: {  	s0 =	simm.s32 @!p0 $0x1  }
0x81: {  	_ =	swait.ge @!p0 [sflag:s0], s1  }
0x82: {  	s1 =	ssub.s32 @!p0 $0x0, s1;
	[sflag:s0] =	ssyncset.done @!p0 $0x0  }
0x83: {  	[sflag:s0] =	ssyncadd.s32 @!p0 s1  }
0x84: {  	[bflag:$0x3] =	sbarrier.arrive $0xFFFF  }
0x85: {  	_ =	shalt  }

</sc_bundles>
